<compile_context>
chip_gen: v7x
topology: tpu7x:2x2x1
jax: 0.10.2.dev20260603
libtpu: 0.0.44.dev20260713+nightly
codegen_flags: <defaults>
</compile_context>

<pallas_src>
import functools

import jax
import jax.numpy as jnp
from jax import lax
from jax.experimental import pallas as pl
from jax.experimental.pallas import tpu as pltpu
from jax.experimental.pallas import tpu_sc as plsc

_NUM_WORKERS = 32
_LANES = 16
_RING = 5
_UNROLL = 4


def kernel(tokens, token_embedding, position_embedding):
    B, T = tokens.shape
    V, D = token_embedding.shape
    assert B % _NUM_WORKERS == 0 and T % _RING == 0
    n_rows = B // _NUM_WORKERS
    n_seg = n_rows // _LANES
    d_seg = D // _LANES

    tokens_t = tokens.T

    mesh = plsc.VectorSubcoreMesh(core_axis_name="c", subcore_axis_name="s")

    scratch = []
    for _ in range(_RING):
        scratch.append(pltpu.VMEM((n_rows,), jnp.int32))
        scratch.append(pltpu.VMEM((n_rows,), jnp.float32))
        scratch.append(pltpu.VMEM((n_rows,), jnp.int32))
        scratch.append(pltpu.VMEM((n_rows, D), jnp.float32))
        scratch.append(pltpu.SemaphoreType.DMA)
        scratch.append(pltpu.SemaphoreType.DMA)
        scratch.append(pltpu.SemaphoreType.DMA)
    scratch.append(pltpu.VMEM((n_rows,), jnp.int32))

    @functools.partial(
        pl.kernel,
        mesh=mesh,
        out_type=jax.ShapeDtypeStruct((B * T, D), jnp.float32),
        scratch_types=scratch,
    )
    def emb_kernel(tok_hbm, tab_hbm, pos_hbm, out_hbm, *scr):
        idx_b = [scr[7 * s + 0] for s in range(_RING)]
        pos_b = [scr[7 * s + 1] for s in range(_RING)]
        oix_b = [scr[7 * s + 2] for s in range(_RING)]
        row_b = [scr[7 * s + 3] for s in range(_RING)]
        sem_l = [scr[7 * s + 4] for s in range(_RING)]
        sem_g = [scr[7 * s + 5] for s in range(_RING)]
        sem_o = [scr[7 * s + 6] for s in range(_RING)]
        ob = scr[7 * _RING]

        wid = lax.axis_index("s") * 2 + lax.axis_index("c")
        b0 = wid * n_rows

        for sg in range(n_seg):
            lane = lax.iota(jnp.int32, _LANES) + (sg * _LANES)
            ob[pl.ds(sg * _LANES, _LANES)] = (lane + b0) * T

        def fire_loads(t, s):
            pltpu.async_copy(tok_hbm.at[t, pl.ds(b0, n_rows)], idx_b[s], sem_l[s])
            pltpu.async_copy(pos_hbm.at[t], pos_b[s], sem_l[s])

        def wait_loads(t, s):
            pltpu.make_async_copy(
                tok_hbm.at[t, pl.ds(b0, n_rows)], idx_b[s], sem_l[s]).wait()
            pltpu.make_async_copy(pos_hbm.at[t], pos_b[s], sem_l[s]).wait()

        def fire_gather(s):
            pltpu.async_copy(tab_hbm.at[idx_b[s]], row_b[s], sem_g[s])

        def wait_gather(s):
            pltpu.make_async_copy(tab_hbm.at[idx_b[s]], row_b[s], sem_g[s]).wait()

        def fire_scatter(s):
            pltpu.async_copy(row_b[s], out_hbm.at[oix_b[s]], sem_o[s])

        def wait_scatter(s):
            pltpu.make_async_copy(row_b[s], out_hbm.at[oix_b[s]], sem_o[s]).wait()

        def compute(t, s):
            prow = [pos_b[s][pl.ds(k * _LANES, _LANES)] for k in range(d_seg)]
            for sg in range(n_seg):
                sl = pl.ds(sg * _LANES, _LANES)
                oix_b[s][sl] = ob[sl] + t

            def add_rows(r4, c):
                for u in range(_UNROLL):
                    r = r4 * _UNROLL + u
                    for k in range(d_seg):
                        sl = pl.ds(k * _LANES, _LANES)
                        row_b[s][r, sl] = row_b[s][r, sl] + prow[k]
                return c

            lax.fori_loop(0, n_rows // _UNROLL, add_rows, 0)

        fire_loads(0, 0)
        fire_loads(1, 1)
        fire_loads(2, 2)
        wait_loads(0, 0)
        fire_gather(0)
        wait_loads(1, 1)
        fire_gather(1)

        def body(jo, carry):
            for k in range(_RING):
                t = jo * _RING + k
                s3 = (k + 3) % _RING

                @pl.when(jnp.logical_and(t >= 2, t + 3 < T))
                def _():
                    wait_scatter(s3)

                @pl.when(t + 3 < T)
                def _():
                    fire_loads(t + 3, s3)

                s2 = (k + 2) % _RING

                @pl.when(t + 2 < T)
                def _():
                    wait_loads(t + 2, s2)
                    fire_gather(s2)

                wait_gather(k)
                compute(t, k)
                fire_scatter(k)
            return carry

        lax.fori_loop(0, T // _RING, body, 0)
        for k in range(_RING):
            wait_scatter(k)

    out = emb_kernel(tokens_t, token_embedding, position_embedding)
    return out.reshape(B, T, D)

# --- scband reference (transcript-rebuilt; emitter-appended) ---
"""Pipeline reference for scband-clipembedding-63093069578905 (READ-ONLY COPY).

The authoritative reference and input builder live on the scoring server;
editing this copy changes nothing except your own understanding.
"""

import jax, jax.numpy as jnp
import numpy as np

N_VOCAB = 1000000
N_EMBED = 128
N_TOKENS = 200
BATCH = 4096

def setup_inputs(seed: int = 0) -> dict:
    key = jax.random.key(seed)
    k_tok, k_tab, k_pos = jax.random.split(key, 3)
    tokens = jax.random.randint(k_tok, (BATCH, N_TOKENS), 0, N_VOCAB, dtype=jnp.int64 if jax.config.jax_enable_x64 else jnp.int32)
    token_embedding = jax.random.normal(k_tab, (N_VOCAB, N_EMBED), dtype=jnp.float32) * 0.02
    position_embedding = jax.random.normal(k_pos, (N_TOKENS, N_EMBED), dtype=jnp.float32) * 0.02
    return {"tokens": tokens, "token_embedding": token_embedding, "position_embedding": position_embedding}

def reference(tokens, token_embedding, position_embedding):
    # x = self.token_embedding(tokens)
    x = jnp.take(token_embedding, tokens, axis=0)  # [B, T, D]
    # return x + pe (broadcast over batch)
    return x + position_embedding[None, :, :]

if __name__ == "__main__":
    import jax
    _d = setup_inputs()
    print(jax.jit(kernel)(*tuple(_d.values())))

</pallas_src>

<mosaic_0001>
#map = affine_map<(d0, d1) -> (0, 0)>
module attributes {stable_mosaic.version = 14 : i64} {
  func.func @emb_kernel(%arg0: i32, %arg1: i32, %arg2: memref<200x4096xi32, #tpu.memory_space<hbm>>, %arg3: memref<1000000x128xf32, #tpu.memory_space<hbm>>, %arg4: memref<200x128xf32, #tpu.memory_space<hbm>>, %arg5: memref<819200x128xf32, #tpu.memory_space<hbm>>, %arg6: memref<128xi32, #tpu.memory_space<vmem>>, %arg7: memref<128xf32, #tpu.memory_space<vmem>>, %arg8: memref<128xi32, #tpu.memory_space<vmem>>, %arg9: memref<128x128xf32, #tpu.memory_space<vmem>>, %arg10: memref<!tpu.dma_semaphore, #tpu.memory_space<semaphore_mem>>, %arg11: memref<!tpu.dma_semaphore, #tpu.memory_space<semaphore_mem>>, %arg12: memref<!tpu.dma_semaphore, #tpu.memory_space<semaphore_mem>>, %arg13: memref<128xi32, #tpu.memory_space<vmem>>, %arg14: memref<128xf32, #tpu.memory_space<vmem>>, %arg15: memref<128xi32, #tpu.memory_space<vmem>>, %arg16: memref<128x128xf32, #tpu.memory_space<vmem>>, %arg17: memref<!tpu.dma_semaphore, #tpu.memory_space<semaphore_mem>>, %arg18: memref<!tpu.dma_semaphore, #tpu.memory_space<semaphore_mem>>, %arg19: memref<!tpu.dma_semaphore, #tpu.memory_space<semaphore_mem>>, %arg20: memref<128xi32, #tpu.memory_space<vmem>>, %arg21: memref<128xf32, #tpu.memory_space<vmem>>, %arg22: memref<128xi32, #tpu.memory_space<vmem>>, %arg23: memref<128x128xf32, #tpu.memory_space<vmem>>, %arg24: memref<!tpu.dma_semaphore, #tpu.memory_space<semaphore_mem>>, %arg25: memref<!tpu.dma_semaphore, #tpu.memory_space<semaphore_mem>>, %arg26: memref<!tpu.dma_semaphore, #tpu.memory_space<semaphore_mem>>, %arg27: memref<128xi32, #tpu.memory_space<vmem>>, %arg28: memref<128xf32, #tpu.memory_space<vmem>>, %arg29: memref<128xi32, #tpu.memory_space<vmem>>, %arg30: memref<128x128xf32, #tpu.memory_space<vmem>>, %arg31: memref<!tpu.dma_semaphore, #tpu.memory_space<semaphore_mem>>, %arg32: memref<!tpu.dma_semaphore, #tpu.memory_space<semaphore_mem>>, %arg33: memref<!tpu.dma_semaphore, #tpu.memory_space<semaphore_mem>>, %arg34: memref<128xi32, #tpu.memory_space<vmem>>, %arg35: memref<128xf32, #tpu.memory_space<vmem>>, %arg36: memref<128xi32, #tpu.memory_space<vmem>>, %arg37: memref<128x128xf32, #tpu.memory_space<vmem>>, %arg38: memref<!tpu.dma_semaphore, #tpu.memory_space<semaphore_mem>>, %arg39: memref<!tpu.dma_semaphore, #tpu.memory_space<semaphore_mem>>, %arg40: memref<!tpu.dma_semaphore, #tpu.memory_space<semaphore_mem>>, %arg41: memref<128xi32, #tpu.memory_space<vmem>>) attributes {dimension_semantics = [#tpu.dimension_semantics<core_parallel>, #tpu.dimension_semantics<subcore_parallel>], iteration_bounds = array<i64: 2, 16>, scalar_prefetch = 0 : i64, scratch_operands = 36 : i64, tpu.core_type = #tpu.core_type<sc_vector_subcore>, window_params = [{transform_indices = #map}, {transform_indices = #map}, {transform_indices = #map}, {transform_indices = #map}]} {
    %mul3A = arith.constant 2 : i32
    %mul3A_0 = arith.muli %arg1, %mul3A : i32
    %add3A = arith.addi %mul3A_0, %arg0 : i32
    %mul3A_1 = arith.constant 128 : i32
    %mul3A_2 = arith.muli %add3A, %mul3A_1 : i32
    %iota3A = tpu.iota {dimensions = array<i32: 0>} : vector<16xi32>
    %add3A_3 = arith.constant 0 : i32
    %add3A_4 = vector.broadcast %add3A_3 : i32 to vector<16xi32>
    %add3A_5 = arith.addi %iota3A, %add3A_4 : vector<16xi32>
    %add3A_6 = vector.broadcast %mul3A_2 : i32 to vector<16xi32>
    %add3A_7 = arith.addi %add3A_5, %add3A_6 : vector<16xi32>
    %mul3A_8 = arith.constant 200 : i32
    %mul3A_9 = vector.broadcast %mul3A_8 : i32 to vector<16xi32>
    %mul3A_10 = arith.muli %add3A_7, %mul3A_9 : vector<16xi32>
    %swap3A = arith.constant 0 : index
    %swap3A_11 = tpu.vector_load %arg41[%swap3A] {strides = array<i32>} : memref<128xi32, #tpu.memory_space<vmem>>, vector<16xi32>,
    %swap3A_12 = vector.shape_cast %swap3A_11 : vector<16xi32> to vector<16xi32>
    %swap3A_13 = vector.shape_cast %mul3A_10 : vector<16xi32> to vector<16xi32>
    tpu.vector_store %arg41[%swap3A], %swap3A_13 {strides = array<i32>} : memref<128xi32, #tpu.memory_space<vmem>>, vector<16xi32>,
    %iota3A_14 = tpu.iota {dimensions = array<i32: 0>} : vector<16xi32>
    %add3A_15 = arith.constant 16 : i32
    %add3A_16 = vector.broadcast %add3A_15 : i32 to vector<16xi32>
    %add3A_17 = arith.addi %iota3A_14, %add3A_16 : vector<16xi32>
    %add3A_18 = vector.broadcast %mul3A_2 : i32 to vector<16xi32>
    %add3A_19 = arith.addi %add3A_17, %add3A_18 : vector<16xi32>
    %mul3A_20 = arith.constant 200 : i32
    %mul3A_21 = vector.broadcast %mul3A_20 : i32 to vector<16xi32>
    %mul3A_22 = arith.muli %add3A_19, %mul3A_21 : vector<16xi32>
    %swap3A_23 = arith.constant 16 : index
    %swap3A_24 = tpu.vector_load %arg41[%swap3A_23] {strides = array<i32>} : memref<128xi32, #tpu.memory_space<vmem>>, vector<16xi32>,
    %swap3A_25 = vector.shape_cast %swap3A_24 : vector<16xi32> to vector<16xi32>
    %swap3A_26 = vector.shape_cast %mul3A_22 : vector<16xi32> to vector<16xi32>
    tpu.vector_store %arg41[%swap3A_23], %swap3A_26 {strides = array<i32>} : memref<128xi32, #tpu.memory_space<vmem>>, vector<16xi32>,
    %iota3A_27 = tpu.iota {dimensions = array<i32: 0>} : vector<16xi32>
    %add3A_28 = arith.constant 32 : i32
    %add3A_29 = vector.broadcast %add3A_28 : i32 to vector<16xi32>
    %add3A_30 = arith.addi %iota3A_27, %add3A_29 : vector<16xi32>
    %add3A_31 = vector.broadcast %mul3A_2 : i32 to vector<16xi32>
    %add3A_32 = arith.addi %add3A_30, %add3A_31 : vector<16xi32>
    %mul3A_33 = arith.constant 200 : i32
    %mul3A_34 = vector.broadcast %mul3A_33 : i32 to vector<16xi32>
    %mul3A_35 = arith.muli %add3A_32, %mul3A_34 : vector<16xi32>
    %swap3A_36 = arith.constant 32 : index
    %swap3A_37 = tpu.vector_load %arg41[%swap3A_36] {strides = array<i32>} : memref<128xi32, #tpu.memory_space<vmem>>, vector<16xi32>,
    %swap3A_38 = vector.shape_cast %swap3A_37 : vector<16xi32> to vector<16xi32>
    %swap3A_39 = vector.shape_cast %mul3A_35 : vector<16xi32> to vector<16xi32>
    tpu.vector_store %arg41[%swap3A_36], %swap3A_39 {strides = array<i32>} : memref<128xi32, #tpu.memory_space<vmem>>, vector<16xi32>,
    %iota3A_40 = tpu.iota {dimensions = array<i32: 0>} : vector<16xi32>
    %add3A_41 = arith.constant 48 : i32
    %add3A_42 = vector.broadcast %add3A_41 : i32 to vector<16xi32>
    %add3A_43 = arith.addi %iota3A_40, %add3A_42 : vector<16xi32>
    %add3A_44 = vector.broadcast %mul3A_2 : i32 to vector<16xi32>
    %add3A_45 = arith.addi %add3A_43, %add3A_44 : vector<16xi32>
    %mul3A_46 = arith.constant 200 : i32
    %mul3A_47 = vector.broadcast %mul3A_46 : i32 to vector<16xi32>
    %mul3A_48 = arith.muli %add3A_45, %mul3A_47 : vector<16xi32>
    %swap3A_49 = arith.constant 48 : index
    %swap3A_50 = tpu.vector_load %arg41[%swap3A_49] {strides = array<i32>} : memref<128xi32, #tpu.memory_space<vmem>>, vector<16xi32>,
    %swap3A_51 = vector.shape_cast %swap3A_50 : vector<16xi32> to vector<16xi32>
    %swap3A_52 = vector.shape_cast %mul3A_48 : vector<16xi32> to vector<16xi32>
    tpu.vector_store %arg41[%swap3A_49], %swap3A_52 {strides = array<i32>} : memref<128xi32, #tpu.memory_space<vmem>>, vector<16xi32>,
    %iota3A_53 = tpu.iota {dimensions = array<i32: 0>} : vector<16xi32>
    %add3A_54 = arith.constant 64 : i32
    %add3A_55 = vector.broadcast %add3A_54 : i32 to vector<16xi32>
    %add3A_56 = arith.addi %iota3A_53, %add3A_55 : vector<16xi32>
    %add3A_57 = vector.broadcast %mul3A_2 : i32 to vector<16xi32>
    %add3A_58 = arith.addi %add3A_56, %add3A_57 : vector<16xi32>
    %mul3A_59 = arith.constant 200 : i32
    %mul3A_60 = vector.broadcast %mul3A_59 : i32 to vector<16xi32>
    %mul3A_61 = arith.muli %add3A_58, %mul3A_60 : vector<16xi32>
    %swap3A_62 = arith.constant 64 : index
    %swap3A_63 = tpu.vector_load %arg41[%swap3A_62] {strides = array<i32>} : memref<128xi32, #tpu.memory_space<vmem>>, vector<16xi32>,
    %swap3A_64 = vector.shape_cast %swap3A_63 : vector<16xi32> to vector<16xi32>
    %swap3A_65 = vector.shape_cast %mul3A_61 : vector<16xi32> to vector<16xi32>
    tpu.vector_store %arg41[%swap3A_62], %swap3A_65 {strides = array<i32>} : memref<128xi32, #tpu.memory_space<vmem>>, vector<16xi32>,
    %iota3A_66 = tpu.iota {dimensions = array<i32: 0>} : vector<16xi32>
    %add3A_67 = arith.constant 80 : i32
    %add3A_68 = vector.broadcast %add3A_67 : i32 to vector<16xi32>
    %add3A_69 = arith.addi %iota3A_66, %add3A_68 : vector<16xi32>
    %add3A_70 = vector.broadcast %mul3A_2 : i32 to vector<16xi32>
    %add3A_71 = arith.addi %add3A_69, %add3A_70 : vector<16xi32>
    %mul3A_72 = arith.constant 200 : i32
    %mul3A_73 = vector.broadcast %mul3A_72 : i32 to vector<16xi32>
    %mul3A_74 = arith.muli %add3A_71, %mul3A_73 : vector<16xi32>
    %swap3A_75 = arith.constant 80 : index
    %swap3A_76 = tpu.vector_load %arg41[%swap3A_75] {strides = array<i32>} : memref<128xi32, #tpu.memory_space<vmem>>, vector<16xi32>,
    %swap3A_77 = vector.shape_cast %swap3A_76 : vector<16xi32> to vector<16xi32>
    %swap3A_78 = vector.shape_cast %mul3A_74 : vector<16xi32> to vector<16xi32>
    tpu.vector_store %arg41[%swap3A_75], %swap3A_78 {strides = array<i32>} : memref<128xi32, #tpu.memory_space<vmem>>, vector<16xi32>,
    %iota3A_79 = tpu.iota {dimensions = array<i32: 0>} : vector<16xi32>
    %add3A_80 = arith.constant 96 : i32
    %add3A_81 = vector.broadcast %add3A_80 : i32 to vector<16xi32>
    %add3A_82 = arith.addi %iota3A_79, %add3A_81 : vector<16xi32>
    %add3A_83 = vector.broadcast %mul3A_2 : i32 to vector<16xi32>
    %add3A_84 = arith.addi %add3A_82, %add3A_83 : vector<16xi32>
    %mul3A_85 = arith.constant 200 : i32
    %mul3A_86 = vector.broadcast %mul3A_85 : i32 to vector<16xi32>
    %mul3A_87 = arith.muli %add3A_84, %mul3A_86 : vector<16xi32>
    %swap3A_88 = arith.constant 96 : index
    %swap3A_89 = tpu.vector_load %arg41[%swap3A_88] {strides = array<i32>} : memref<128xi32, #tpu.memory_space<vmem>>, vector<16xi32>,
    %swap3A_90 = vector.shape_cast %swap3A_89 : vector<16xi32> to vector<16xi32>
    %swap3A_91 = vector.shape_cast %mul3A_87 : vector<16xi32> to vector<16xi32>
    tpu.vector_store %arg41[%swap3A_88], %swap3A_91 {strides = array<i32>} : memref<128xi32, #tpu.memory_space<vmem>>, vector<16xi32>,
    %iota3A_92 = tpu.iota {dimensions = array<i32: 0>} : vector<16xi32>
    %add3A_93 = arith.constant 112 : i32
    %add3A_94 = vector.broadcast %add3A_93 : i32 to vector<16xi32>
    %add3A_95 = arith.addi %iota3A_92, %add3A_94 : vector<16xi32>
    %add3A_96 = vector.broadcast %mul3A_2 : i32 to vector<16xi32>
    %add3A_97 = arith.addi %add3A_95, %add3A_96 : vector<16xi32>
    %mul3A_98 = arith.constant 200 : i32
    %mul3A_99 = vector.broadcast %mul3A_98 : i32 to vector<16xi32>
    %mul3A_100 = arith.muli %add3A_97, %mul3A_99 : vector<16xi32>
    %swap3A_101 = arith.constant 112 : index
    %swap3A_102 = tpu.vector_load %arg41[%swap3A_101] {strides = array<i32>} : memref<128xi32, #tpu.memory_space<vmem>>, vector<16xi32>,
    %swap3A_103 = vector.shape_cast %swap3A_102 : vector<16xi32> to vector<16xi32>
    %swap3A_104 = vector.shape_cast %mul3A_100 : vector<16xi32> to vector<16xi32>
    tpu.vector_store %arg41[%swap3A_101], %swap3A_104 {strides = array<i32>} : memref<128xi32, #tpu.memory_space<vmem>>, vector<16xi32>,
    %dma_start3A = arith.constant 0 : i32
    %dma_start3A_105 = tpu.memref_slice %arg2[%dma_start3A, %mul3A_2] : memref<200x4096xi32, #tpu.memory_space<hbm>> -> memref<1x128xi32, #tpu.memory_space<hbm>>
    %dma_start3A_106 = tpu.memref_squeeze %dma_start3A_105 : memref<1x128xi32, #tpu.memory_space<hbm>> -> memref<128xi32, #tpu.memory_space<hbm>>
    %dma_start3A_107 = tpu.memref_slice %arg2[%dma_start3A, %mul3A_2] : memref<200x4096xi32, #tpu.memory_space<hbm>> -> memref<1x128xi32, #tpu.memory_space<hbm>>
    %dma_start3A_108 = tpu.memref_squeeze %dma_start3A_107 : memref<1x128xi32, #tpu.memory_space<hbm>> -> memref<128xi32, #tpu.memory_space<hbm>>
    tpu.enqueue_dma source(%dma_start3A_108 : memref<128xi32, #tpu.memory_space<hbm>>) target(%arg6 : memref<128xi32, #tpu.memory_space<vmem>>) target_semaphore(%arg10 : memref<!tpu.dma_semaphore, #tpu.memory_space<semaphore_mem>>)
    %dma_start3A_109 = arith.constant 0 : i32
    %dma_start3A_110 = arith.constant 0 : i32
    %dma_start3A_111 = tpu.memref_slice %arg4[%dma_start3A_109, %dma_start3A_110] : memref<200x128xf32, #tpu.memory_space<hbm>> -> memref<1x128xf32, #tpu.memory_space<hbm>>
    %dma_start3A_112 = tpu.memref_squeeze %dma_start3A_111 : memref<1x128xf32, #tpu.memory_space<hbm>> -> memref<128xf32, #tpu.memory_space<hbm>>
    %dma_start3A_113 = arith.constant 0 : i32
    %dma_start3A_114 = tpu.memref_slice %arg4[%dma_start3A_109, %dma_start3A_113] : memref<200x128xf32, #tpu.memory_space<hbm>> -> memref<1x128xf32, #tpu.memory_space<hbm>>
    %dma_start3A_115 = tpu.memref_squeeze %dma_start3A_114 : memref<1x128xf32, #tpu.memory_space<hbm>> -> memref<128xf32, #tpu.memory_space<hbm>>
    tpu.enqueue_dma source(%dma_start3A_115 : memref<128xf32, #tpu.memory_space<hbm>>) target(%arg7 : memref<128xf32, #tpu.memory_space<vmem>>) target_semaphore(%arg10 : memref<!tpu.dma_semaphore, #tpu.memory_space<semaphore_mem>>)
    %dma_start3A_116 = arith.constant 1 : i32
    %dma_start3A_117 = tpu.memref_slice %arg2[%dma_start3A_116, %mul3A_2] : memref<200x4096xi32, #tpu.memory_space<hbm>> -> memref<1x128xi32, #tpu.memory_space<hbm>>
    %dma_start3A_118 = tpu.memref_squeeze %dma_start3A_117 : memref<1x128xi32, #tpu.memory_space<hbm>> -> memref<128xi32, #tpu.memory_space<hbm>>
    %dma_start3A_119 = tpu.memref_slice %arg2[%dma_start3A_116, %mul3A_2] : memref<200x4096xi32, #tpu.memory_space<hbm>> -> memref<1x128xi32, #tpu.memory_space<hbm>>
    %dma_start3A_120 = tpu.memref_squeeze %dma_start3A_119 : memref<1x128xi32, #tpu.memory_space<hbm>> -> memref<128xi32, #tpu.memory_space<hbm>>
    tpu.enqueue_dma source(%dma_start3A_120 : memref<128xi32, #tpu.memory_space<hbm>>) target(%arg13 : memref<128xi32, #tpu.memory_space<vmem>>) target_semaphore(%arg17 : memref<!tpu.dma_semaphore, #tpu.memory_space<semaphore_mem>>)
    %dma_start3A_121 = arith.constant 1 : i32
    %dma_start3A_122 = arith.constant 0 : i32
    %dma_start3A_123 = tpu.memref_slice %arg4[%dma_start3A_121, %dma_start3A_122] : memref<200x128xf32, #tpu.memory_space<hbm>> -> memref<1x128xf32, #tpu.memory_space<hbm>>
    %dma_start3A_124 = tpu.memref_squeeze %dma_start3A_123 : memref<1x128xf32, #tpu.memory_space<hbm>> -> memref<128xf32, #tpu.memory_space<hbm>>
    %dma_start3A_125 = arith.constant 0 : i32
    %dma_start3A_126 = tpu.memref_slice %arg4[%dma_start3A_121, %dma_start3A_125] : memref<200x128xf32, #tpu.memory_space<hbm>> -> memref<1x128xf32, #tpu.memory_space<hbm>>
    %dma_start3A_127 = tpu.memref_squeeze %dma_start3A_126 : memref<1x128xf32, #tpu.memory_space<hbm>> -> memref<128xf32, #tpu.memory_space<hbm>>
    tpu.enqueue_dma source(%dma_start3A_127 : memref<128xf32, #tpu.memory_space<hbm>>) target(%arg14 : memref<128xf32, #tpu.memory_space<vmem>>) target_semaphore(%arg17 : memref<!tpu.dma_semaphore, #tpu.memory_space<semaphore_mem>>)
    %dma_start3A_128 = arith.constant 2 : i32
    %dma_start3A_129 = tpu.memref_slice %arg2[%dma_start3A_128, %mul3A_2] : memref<200x4096xi32, #tpu.memory_space<hbm>> -> memref<1x128xi32, #tpu.memory_space<hbm>>
    %dma_start3A_130 = tpu.memref_squeeze %dma_start3A_129 : memref<1x128xi32, #tpu.memory_space<hbm>> -> memref<128xi32, #tpu.memory_space<hbm>>
    %dma_start3A_131 = tpu.memref_slice %arg2[%dma_start3A_128, %mul3A_2] : memref<200x4096xi32, #tpu.memory_space<hbm>> -> memref<1x128xi32, #tpu.memory_space<hbm>>
    %dma_start3A_132 = tpu.memref_squeeze %dma_start3A_131 : memref<1x128xi32, #tpu.memory_space<hbm>> -> memref<128xi32, #tpu.memory_space<hbm>>
    tpu.enqueue_dma source(%dma_start3A_132 : memref<128xi32, #tpu.memory_space<hbm>>) target(%arg20 : memref<128xi32, #tpu.memory_space<vmem>>) target_semaphore(%arg24 : memref<!tpu.dma_semaphore, #tpu.memory_space<semaphore_mem>>)
    %dma_start3A_133 = arith.constant 2 : i32
    %dma_start3A_134 = arith.constant 0 : i32
    %dma_start3A_135 = tpu.memref_slice %arg4[%dma_start3A_133, %dma_start3A_134] : memref<200x128xf32, #tpu.memory_space<hbm>> -> memref<1x128xf32, #tpu.memory_space<hbm>>
    %dma_start3A_136 = tpu.memref_squeeze %dma_start3A_135 : memref<1x128xf32, #tpu.memory_space<hbm>> -> memref<128xf32, #tpu.memory_space<hbm>>
    %dma_start3A_137 = arith.constant 0 : i32
    %dma_start3A_138 = tpu.memref_slice %arg4[%dma_start3A_133, %dma_start3A_137] : memref<200x128xf32, #tpu.memory_space<hbm>> -> memref<1x128xf32, #tpu.memory_space<hbm>>
    %dma_start3A_139 = tpu.memref_squeeze %dma_start3A_138 : memref<1x128xf32, #tpu.memory_space<hbm>> -> memref<128xf32, #tpu.memory_space<hbm>>
    tpu.enqueue_dma source(%dma_start3A_139 : memref<128xf32, #tpu.memory_space<hbm>>) target(%arg21 : memref<128xf32, #tpu.memory_space<vmem>>) target_semaphore(%arg24 : memref<!tpu.dma_semaphore, #tpu.memory_space<semaphore_mem>>)
    %dma_wait3A = arith.constant 0 : i32
    %dma_wait3A_140 = tpu.memref_slice %arg2[%dma_wait3A, %mul3A_2] : memref<200x4096xi32, #tpu.memory_space<hbm>> -> memref<1x128xi32, #tpu.memory_space<hbm>>
    %dma_wait3A_141 = tpu.memref_squeeze %dma_wait3A_140 : memref<1x128xi32, #tpu.memory_space<hbm>> -> memref<128xi32, #tpu.memory_space<hbm>>
    %dma_wait3A_142 = tpu.memref_slice %arg2[%dma_wait3A, %mul3A_2] : memref<200x4096xi32, #tpu.memory_space<hbm>> -> memref<1x128xi32, #tpu.memory_space<hbm>>
    %dma_wait3A_143 = tpu.memref_squeeze %dma_wait3A_142 : memref<1x128xi32, #tpu.memory_space<hbm>> -> memref<128xi32, #tpu.memory_space<hbm>>
    tpu.wait_dma2 semaphore(%arg10 : memref<!tpu.dma_semaphore, #tpu.memory_space<semaphore_mem>>) src(%dma_wait3A_143 : memref<128xi32, #tpu.memory_space<hbm>>) dst(%arg6 : memref<128xi32, #tpu.memory_space<vmem>>)
    %dma_wait3A_144 = arith.constant 0 : i32
    %dma_wait3A_145 = arith.constant 0 : i32
    %dma_wait3A_146 = tpu.memref_slice %arg4[%dma_wait3A_144, %dma_wait3A_145] : memref<200x128xf32, #tpu.memory_space<hbm>> -> memref<1x128xf32, #tpu.memory_space<hbm>>
    %dma_wait3A_147 = tpu.memref_squeeze %dma_wait3A_146 : memref<1x128xf32, #tpu.memory_space<hbm>> -> memref<128xf32, #tpu.memory_space<hbm>>
    %dma_wait3A_148 = arith.constant 0 : i32
    %dma_wait3A_149 = tpu.memref_slice %arg4[%dma_wait3A_144, %dma_wait3A_148] : memref<200x128xf32, #tpu.memory_space<hbm>> -> memref<1x128xf32, #tpu.memory_space<hbm>>
    %dma_wait3A_150 = tpu.memref_squeeze %dma_wait3A_149 : memref<1x128xf32, #tpu.memory_space<hbm>> -> memref<128xf32, #tpu.memory_space<hbm>>
    tpu.wait_dma2 semaphore(%arg10 : memref<!tpu.dma_semaphore, #tpu.memory_space<semaphore_mem>>) src(%dma_wait3A_150 : memref<128xf32, #tpu.memory_space<hbm>>) dst(%arg7 : memref<128xf32, #tpu.memory_space<vmem>>)
    %dma_start3A_151 = arith.constant 0 : i32
    %dma_start3A_152 = arith.constant 0 : i32
    %dma_start3A_153 = tpu.memref_slice %arg3[%dma_start3A_151, %dma_start3A_152] : memref<1000000x128xf32, #tpu.memory_space<hbm>> -> memref<1000000x128xf32, #tpu.memory_space<hbm>>
    tpu.enqueue_indirect_dma source(%dma_start3A_153 : memref<1000000x128xf32, #tpu.memory_space<hbm>>) target(%arg9 : memref<128x128xf32, #tpu.memory_space<vmem>>) offsets(%arg6 : memref<128xi32, #tpu.memory_space<vmem>>) semaphore(%arg11 : memref<!tpu.dma_semaphore, #tpu.memory_space<semaphore_mem>>)
    %dma_wait3A_154 = arith.constant 1 : i32
    %dma_wait3A_155 = tpu.memref_slice %arg2[%dma_wait3A_154, %mul3A_2] : memref<200x4096xi32, #tpu.memory_space<hbm>> -> memref<1x128xi32, #tpu.memory_space<hbm>>
    %dma_wait3A_156 = tpu.memref_squeeze %dma_wait3A_155 : memref<1x128xi32, #tpu.memory_space<hbm>> -> memref<128xi32, #tpu.memory_space<hbm>>
    %dma_wait3A_157 = tpu.memref_slice %arg2[%dma_wait3A_154, %mul3A_2] : memref<200x4096xi32, #tpu.memory_space<hbm>> -> memref<1x128xi32, #tpu.memory_space<hbm>>
    %dma_wait3A_158 = tpu.memref_squeeze %dma_wait3A_157 : memref<1x128xi32, #tpu.memory_space<hbm>> -> memref<128xi32, #tpu.memory_space<hbm>>
    tpu.wait_dma2 semaphore(%arg17 : memref<!tpu.dma_semaphore, #tpu.memory_space<semaphore_mem>>) src(%dma_wait3A_158 : memref<128xi32, #tpu.memory_space<hbm>>) dst(%arg13 : memref<128xi32, #tpu.memory_space<vmem>>)
    %dma_wait3A_159 = arith.constant 1 : i32
    %dma_wait3A_160 = arith.constant 0 : i32
    %dma_wait3A_161 = tpu.memref_slice %arg4[%dma_wait3A_159, %dma_wait3A_160] : memref<200x128xf32, #tpu.memory_space<hbm>> -> memref<1x128xf32, #tpu.memory_space<hbm>>
    %dma_wait3A_162 = tpu.memref_squeeze %dma_wait3A_161 : memref<1x128xf32, #tpu.memory_space<hbm>> -> memref<128xf32, #tpu.memory_space<hbm>>
    %dma_wait3A_163 = arith.constant 0 : i32
    %dma_wait3A_164 = tpu.memref_slice %arg4[%dma_wait3A_159, %dma_wait3A_163] : memref<200x128xf32, #tpu.memory_space<hbm>> -> memref<1x128xf32, #tpu.memory_space<hbm>>
    %dma_wait3A_165 = tpu.memref_squeeze %dma_wait3A_164 : memref<1x128xf32, #tpu.memory_space<hbm>> -> memref<128xf32, #tpu.memory_space<hbm>>
    tpu.wait_dma2 semaphore(%arg17 : memref<!tpu.dma_semaphore, #tpu.memory_space<semaphore_mem>>) src(%dma_wait3A_165 : memref<128xf32, #tpu.memory_space<hbm>>) dst(%arg14 : memref<128xf32, #tpu.memory_space<vmem>>)
    %dma_start3A_166 = arith.constant 0 : i32
    %dma_start3A_167 = arith.constant 0 : i32
    %dma_start3A_168 = tpu.memref_slice %arg3[%dma_start3A_166, %dma_start3A_167] : memref<1000000x128xf32, #tpu.memory_space<hbm>> -> memref<1000000x128xf32, #tpu.memory_space<hbm>>
    tpu.enqueue_indirect_dma source(%dma_start3A_168 : memref<1000000x128xf32, #tpu.memory_space<hbm>>) target(%arg16 : memref<128x128xf32, #tpu.memory_space<vmem>>) offsets(%arg13 : memref<128xi32, #tpu.memory_space<vmem>>) semaphore(%arg18 : memref<!tpu.dma_semaphore, #tpu.memory_space<semaphore_mem>>)
    %scan3A = arith.constant 0 : i32
    %scan3A_169 = arith.constant 0 : i32
    %scan3A_170 = arith.constant 40 : i32
    %scan3A_171 = arith.addi %scan3A_169, %scan3A_170 : i32
    %scan3A_172 = arith.constant 1 : i32
    scf.for %scan3A_189 = %scan3A_169 to %scan3A_171 step %scan3A_172  : i32 {
      %mul3A_190 = arith.constant 5 : i32
      %mul3A_191 = arith.muli %scan3A_189, %mul3A_190 : i32
      %add3A_192 = arith.constant 0 : i32
      %add3A_193 = arith.addi %mul3A_191, %add3A_192 : i32
      %ge3A = arith.constant 2 : i32
      %ge3A_194 = arith.cmpi sge, %add3A_193, %ge3A : i32
      %add3A_195 = arith.constant 3 : i32
      %add3A_196 = arith.addi %add3A_193, %add3A_195 : i32
      %lt3A = arith.constant 200 : i32
      %lt3A_197 = arith.cmpi slt, %add3A_196, %lt3A : i32
      %and3A = arith.andi %ge3A_194, %lt3A_197 : i1
      %convert_element_type3A = arith.extui %and3A : i1 to i32
      %cond3A = arith.constant 0 : i32
      %cond3A_198 = arith.cmpi ne, %convert_element_type3A, %cond3A : i32
      scf.if %cond3A_198 {
        %dma_wait3A_864 = arith.constant 0 : i32
        %dma_wait3A_865 = arith.constant 0 : i32
        %dma_wait3A_866 = tpu.memref_slice %arg5[%dma_wait3A_864, %dma_wait3A_865] : memref<819200x128xf32, #tpu.memory_space<hbm>> -> memref<819200x128xf32, #tpu.memory_space<hbm>>
        tpu.wait_indirect_dma semaphore(%arg33 : memref<!tpu.dma_semaphore, #tpu.memory_space<semaphore_mem>>) src(%arg30 : memref<128x128xf32, #tpu.memory_space<vmem>>) dst(%dma_wait3A_866 : memref<819200x128xf32, #tpu.memory_space<hbm>>)
      } else {
      }
      %add3A_199 = arith.constant 3 : i32
      %add3A_200 = arith.addi %add3A_193, %add3A_199 : i32
      %lt3A_201 = arith.constant 200 : i32
      %lt3A_202 = arith.cmpi slt, %add3A_200, %lt3A_201 : i32
      %convert_element_type3A_203 = arith.extui %lt3A_202 : i1 to i32
      %cond3A_204 = arith.constant 0 : i32
      %cond3A_205 = arith.cmpi ne, %convert_element_type3A_203, %cond3A_204 : i32
      scf.if %cond3A_205 {
        %add3A_864 = arith.constant 3 : i32
        %add3A_865 = arith.addi %add3A_193, %add3A_864 : i32
        %dma_start3A_866 = tpu.memref_slice %arg2[%add3A_865, %mul3A_2] : memref<200x4096xi32, #tpu.memory_space<hbm>> -> memref<1x128xi32, #tpu.memory_space<hbm>>
        %dma_start3A_867 = tpu.memref_squeeze %dma_start3A_866 : memref<1x128xi32, #tpu.memory_space<hbm>> -> memref<128xi32, #tpu.memory_space<hbm>>
        %dma_start3A_868 = tpu.memref_slice %arg2[%add3A_865, %mul3A_2] : memref<200x4096xi32, #tpu.memory_space<hbm>> -> memref<1x128xi32, #tpu.memory_space<hbm>>
        %dma_start3A_869 = tpu.memref_squeeze %dma_start3A_868 : memref<1x128xi32, #tpu.memory_space<hbm>> -> memref<128xi32, #tpu.memory_space<hbm>>
        tpu.enqueue_dma source(%dma_start3A_869 : memref<128xi32, #tpu.memory_space<hbm>>) target(%arg27 : memref<128xi32, #tpu.memory_space<vmem>>) target_semaphore(%arg31 : memref<!tpu.dma_semaphore, #tpu.memory_space<semaphore_mem>>)
        %dma_start3A_870 = arith.constant 0 : i32
        %dma_start3A_871 = tpu.memref_slice %arg4[%add3A_865, %dma_start3A_870] : memref<200x128xf32, #tpu.memory_space<hbm>> -> memref<1x128xf32, #tpu.memory_space<hbm>>
        %dma_start3A_872 = tpu.memref_squeeze %dma_start3A_871 : memref<1x128xf32, #tpu.memory_space<hbm>> -> memref<128xf32, #tpu.memory_space<hbm>>
        %dma_start3A_873 = arith.constant 0 : i32
        %dma_start3A_874 = tpu.memref_slice %arg4[%add3A_865, %dma_start3A_873] : memref<200x128xf32, #tpu.memory_space<hbm>> -> memref<1x128xf32, #tpu.memory_space<hbm>>
        %dma_start3A_875 = tpu.memref_squeeze %dma_start3A_874 : memref<1x128xf32, #tpu.memory_space<hbm>> -> memref<128xf32, #tpu.memory_space<hbm>>
        tpu.enqueue_dma source(%dma_start3A_875 : memref<128xf32, #tpu.memory_space<hbm>>) target(%arg28 : memref<128xf32, #tpu.memory_space<vmem>>) target_semaphore(%arg31 : memref<!tpu.dma_semaphore, #tpu.memory_space<semaphore_mem>>)
      } else {
      }
      %add3A_206 = arith.constant 2 : i32
      %add3A_207 = arith.addi %add3A_193, %add3A_206 : i32
      %lt3A_208 = arith.constant 200 : i32
      %lt3A_209 = arith.cmpi slt, %add3A_207, %lt3A_208 : i32
      %convert_element_type3A_210 = arith.extui %lt3A_209 : i1 to i32
      %cond3A_211 = arith.constant 0 : i32
      %cond3A_212 = arith.cmpi ne, %convert_element_type3A_210, %cond3A_211 : i32
      scf.if %cond3A_212 {
        %add3A_864 = arith.constant 2 : i32
        %add3A_865 = arith.addi %add3A_193, %add3A_864 : i32
        %dma_wait3A_866 = tpu.memref_slice %arg2[%add3A_865, %mul3A_2] : memref<200x4096xi32, #tpu.memory_space<hbm>> -> memref<1x128xi32, #tpu.memory_space<hbm>>
        %dma_wait3A_867 = tpu.memref_squeeze %dma_wait3A_866 : memref<1x128xi32, #tpu.memory_space<hbm>> -> memref<128xi32, #tpu.memory_space<hbm>>
        %dma_wait3A_868 = tpu.memref_slice %arg2[%add3A_865, %mul3A_2] : memref<200x4096xi32, #tpu.memory_space<hbm>> -> memref<1x128xi32, #tpu.memory_space<hbm>>
        %dma_wait3A_869 = tpu.memref_squeeze %dma_wait3A_868 : memref<1x128xi32, #tpu.memory_space<hbm>> -> memref<128xi32, #tpu.memory_space<hbm>>
        tpu.wait_dma2 semaphore(%arg24 : memref<!tpu.dma_semaphore, #tpu.memory_space<semaphore_mem>>) src(%dma_wait3A_869 : memref<128xi32, #tpu.memory_space<hbm>>) dst(%arg20 : memref<128xi32, #tpu.memory_space<vmem>>)
        %dma_wait3A_870 = arith.constant 0 : i32
        %dma_wait3A_871 = tpu.memref_slice %arg4[%add3A_865, %dma_wait3A_870] : memref<200x128xf32, #tpu.memory_space<hbm>> -> memref<1x128xf32, #tpu.memory_space<hbm>>
        %dma_wait3A_872 = tpu.memref_squeeze %dma_wait3A_871 : memref<1x128xf32, #tpu.memory_space<hbm>> -> memref<128xf32, #tpu.memory_space<hbm>>
        %dma_wait3A_873 = arith.constant 0 : i32
        %dma_wait3A_874 = tpu.memref_slice %arg4[%add3A_865, %dma_wait3A_873] : memref<200x128xf32, #tpu.memory_space<hbm>> -> memref<1x128xf32, #tpu.memory_space<hbm>>
        %dma_wait3A_875 = tpu.memref_squeeze %dma_wait3A_874 : memref<1x128xf32, #tpu.memory_space<hbm>> -> memref<128xf32, #tpu.memory_space<hbm>>
        tpu.wait_dma2 semaphore(%arg24 : memref<!tpu.dma_semaphore, #tpu.memory_space<semaphore_mem>>) src(%dma_wait3A_875 : memref<128xf32, #tpu.memory_space<hbm>>) dst(%arg21 : memref<128xf32, #tpu.memory_space<vmem>>)
        %dma_start3A_876 = arith.constant 0 : i32
        %dma_start3A_877 = arith.constant 0 : i32
        %dma_start3A_878 = tpu.memref_slice %arg3[%dma_start3A_876, %dma_start3A_877] : memref<1000000x128xf32, #tpu.memory_space<hbm>> -> memref<1000000x128xf32, #tpu.memory_space<hbm>>
        tpu.enqueue_indirect_dma source(%dma_start3A_878 : memref<1000000x128xf32, #tpu.memory_space<hbm>>) target(%arg23 : memref<128x128xf32, #tpu.memory_space<vmem>>) offsets(%arg20 : memref<128xi32, #tpu.memory_space<vmem>>) semaphore(%arg25 : memref<!tpu.dma_semaphore, #tpu.memory_space<semaphore_mem>>)
      } else {
      }
      %dma_wait3A_213 = arith.constant 0 : i32
      %dma_wait3A_214 = arith.constant 0 : i32
      %dma_wait3A_215 = tpu.memref_slice %arg3[%dma_wait3A_213, %dma_wait3A_214] : memref<1000000x128xf32, #tpu.memory_space<hbm>> -> memref<1000000x128xf32, #tpu.memory_space<hbm>>
      tpu.wait_indirect_dma semaphore(%arg11 : memref<!tpu.dma_semaphore, #tpu.memory_space<semaphore_mem>>) src(%dma_wait3A_215 : memref<1000000x128xf32, #tpu.memory_space<hbm>>) dst(%arg9 : memref<128x128xf32, #tpu.memory_space<vmem>>)
      %get3A = arith.constant 0 : index
      %get3A_216 = tpu.vector_load %arg7[%get3A] {strides = array<i32>} : memref<128xf32, #tpu.memory_space<vmem>>, vector<16xf32>,
      %get3A_217 = vector.shape_cast %get3A_216 : vector<16xf32> to vector<16xf32>
      %get3A_218 = arith.constant 16 : index
      %get3A_219 = tpu.vector_load %arg7[%get3A_218] {strides = array<i32>} : memref<128xf32, #tpu.memory_space<vmem>>, vector<16xf32>,
      %get3A_220 = vector.shape_cast %get3A_219 : vector<16xf32> to vector<16xf32>
      %get3A_221 = arith.constant 32 : index
      %get3A_222 = tpu.vector_load %arg7[%get3A_221] {strides = array<i32>} : memref<128xf32, #tpu.memory_space<vmem>>, vector<16xf32>,
      %get3A_223 = vector.shape_cast %get3A_222 : vector<16xf32> to vector<16xf32>
      %get3A_224 = arith.constant 48 : index
      %get3A_225 = tpu.vector_load %arg7[%get3A_224] {strides = array<i32>} : memref<128xf32, #tpu.memory_space<vmem>>, vector<16xf32>,
      %get3A_226 = vector.shape_cast %get3A_225 : vector<16xf32> to vector<16xf32>
      %get3A_227 = arith.constant 64 : index
      %get3A_228 = tpu.vector_load %arg7[%get3A_227] {strides = array<i32>} : memref<128xf32, #tpu.memory_space<vmem>>, vector<16xf32>,
      %get3A_229 = vector.shape_cast %get3A_228 : vector<16xf32> to vector<16xf32>
      %get3A_230 = arith.constant 80 : index
      %get3A_231 = tpu.vector_load %arg7[%get3A_230] {strides = array<i32>} : memref<128xf32, #tpu.memory_space<vmem>>, vector<16xf32>,
      %get3A_232 = vector.shape_cast %get3A_231 : vector<16xf32> to vector<16xf32>
      %get3A_233 = arith.constant 96 : index
      %get3A_234 = tpu.vector_load %arg7[%get3A_233] {strides = array<i32>} : memref<128xf32, #tpu.memory_space<vmem>>, vector<16xf32>,
      %get3A_235 = vector.shape_cast %get3A_234 : vector<16xf32> to vector<16xf32>
      %get3A_236 = arith.constant 112 : index
      %get3A_237 = tpu.vector_load %arg7[%get3A_236] {strides = array<i32>} : memref<128xf32, #tpu.memory_space<vmem>>, vector<16xf32>,
      %get3A_238 = vector.shape_cast %get3A_237 : vector<16xf32> to vector<16xf32>
      %get3A_239 = arith.constant 0 : index
      %get3A_240 = tpu.vector_load %arg41[%get3A_239] {strides = array<i32>} : memref<128xi32, #tpu.memory_space<vmem>>, vector<16xi32>,
      %get3A_241 = vector.shape_cast %get3A_240 : vector<16xi32> to vector<16xi32>
      %add3A_242 = vector.broadcast %add3A_193 : i32 to vector<16xi32>
      %add3A_243 = arith.addi %get3A_241, %add3A_242 : vector<16xi32>
      %swap3A_244 = arith.constant 0 : index
      %swap3A_245 = tpu.vector_load %arg8[%swap3A_244] {strides = array<i32>} : memref<128xi32, #tpu.memory_space<vmem>>, vector<16xi32>,
      %swap3A_246 = vector.shape_cast %swap3A_245 : vector<16xi32> to vector<16xi32>
      %swap3A_247 = vector.shape_cast %add3A_243 : vector<16xi32> to vector<16xi32>
      tpu.vector_store %arg8[%swap3A_244], %swap3A_247 {strides = array<i32>} : memref<128xi32, #tpu.memory_space<vmem>>, vector<16xi32>,
      %get3A_248 = arith.constant 16 : index
      %get3A_249 = tpu.vector_load %arg41[%get3A_248] {strides = array<i32>} : memref<128xi32, #tpu.memory_space<vmem>>, vector<16xi32>,
      %get3A_250 = vector.shape_cast %get3A_249 : vector<16xi32> to vector<16xi32>
      %add3A_251 = vector.broadcast %add3A_193 : i32 to vector<16xi32>
      %add3A_252 = arith.addi %get3A_250, %add3A_251 : vector<16xi32>
      %swap3A_253 = arith.constant 16 : index
      %swap3A_254 = tpu.vector_load %arg8[%swap3A_253] {strides = array<i32>} : memref<128xi32, #tpu.memory_space<vmem>>, vector<16xi32>,
      %swap3A_255 = vector.shape_cast %swap3A_254 : vector<16xi32> to vector<16xi32>
      %swap3A_256 = vector.shape_cast %add3A_252 : vector<16xi32> to vector<16xi32>
      tpu.vector_store %arg8[%swap3A_253], %swap3A_256 {strides = array<i32>} : memref<128xi32, #tpu.memory_space<vmem>>, vector<16xi32>,
      %get3A_257 = arith.constant 32 : index
      %get3A_258 = tpu.vector_load %arg41[%get3A_257] {strides = array<i32>} : memref<128xi32, #tpu.memory_space<vmem>>, vector<16xi32>,
      %get3A_259 = vector.shape_cast %get3A_258 : vector<16xi32> to vector<16xi32>
      %add3A_260 = vector.broadcast %add3A_193 : i32 to vector<16xi32>
      %add3A_261 = arith.addi %get3A_259, %add3A_260 : vector<16xi32>
      %swap3A_262 = arith.constant 32 : index
      %swap3A_263 = tpu.vector_load %arg8[%swap3A_262] {strides = array<i32>} : memref<128xi32, #tpu.memory_space<vmem>>, vector<16xi32>,
      %swap3A_264 = vector.shape_cast %swap3A_263 : vector<16xi32> to vector<16xi32>
      %swap3A_265 = vector.shape_cast %add3A_261 : vector<16xi32> to vector<16xi32>
      tpu.vector_store %arg8[%swap3A_262], %swap3A_265 {strides = array<i32>} : memref<128xi32, #tpu.memory_space<vmem>>, vector<16xi32>,
      %get3A_266 = arith.constant 48 : index
      %get3A_267 = tpu.vector_load %arg41[%get3A_266] {strides = array<i32>} : memref<128xi32, #tpu.memory_space<vmem>>, vector<16xi32>,
      %get3A_268 = vector.shape_cast %get3A_267 : vector<16xi32> to vector<16xi32>
      %add3A_269 = vector.broadcast %add3A_193 : i32 to vector<16xi32>
      %add3A_270 = arith.addi %get3A_268, %add3A_269 : vector<16xi32>
      %swap3A_271 = arith.constant 48 : index
      %swap3A_272 = tpu.vector_load %arg8[%swap3A_271] {strides = array<i32>} : memref<128xi32, #tpu.memory_space<vmem>>, vector<16xi32>,
      %swap3A_273 = vector.shape_cast %swap3A_272 : vector<16xi32> to vector<16xi32>
      %swap3A_274 = vector.shape_cast %add3A_270 : vector<16xi32> to vector<16xi32>
      tpu.vector_store %arg8[%swap3A_271], %swap3A_274 {strides = array<i32>} : memref<128xi32, #tpu.memory_space<vmem>>, vector<16xi32>,
      %get3A_275 = arith.constant 64 : index
      %get3A_276 = tpu.vector_load %arg41[%get3A_275] {strides = array<i32>} : memref<128xi32, #tpu.memory_space<vmem>>, vector<16xi32>,
      %get3A_277 = vector.shape_cast %get3A_276 : vector<16xi32> to vector<16xi32>
      %add3A_278 = vector.broadcast %add3A_193 : i32 to vector<16xi32>
      %add3A_279 = arith.addi %get3A_277, %add3A_278 : vector<16xi32>
      %swap3A_280 = arith.constant 64 : index
      %swap3A_281 = tpu.vector_load %arg8[%swap3A_280] {strides = array<i32>} : memref<128xi32, #tpu.memory_space<vmem>>, vector<16xi32>,
      %swap3A_282 = vector.shape_cast %swap3A_281 : vector<16xi32> to vector<16xi32>
      %swap3A_283 = vector.shape_cast %add3A_279 : vector<16xi32> to vector<16xi32>
      tpu.vector_store %arg8[%swap3A_280], %swap3A_283 {strides = array<i32>} : memref<128xi32, #tpu.memory_space<vmem>>, vector<16xi32>,
      %get3A_284 = arith.constant 80 : index
      %get3A_285 = tpu.vector_load %arg41[%get3A_284] {strides = array<i32>} : memref<128xi32, #tpu.memory_space<vmem>>, vector<16xi32>,
      %get3A_286 = vector.shape_cast %get3A_285 : vector<16xi32> to vector<16xi32>
      %add3A_287 = vector.broadcast %add3A_193 : i32 to vector<16xi32>
      %add3A_288 = arith.addi %get3A_286, %add3A_287 : vector<16xi32>
      %swap3A_289 = arith.constant 80 : index
      %swap3A_290 = tpu.vector_load %arg8[%swap3A_289] {strides = array<i32>} : memref<128xi32, #tpu.memory_space<vmem>>, vector<16xi32>,
      %swap3A_291 = vector.shape_cast %swap3A_290 : vector<16xi32> to vector<16xi32>
      %swap3A_292 = vector.shape_cast %add3A_288 : vector<16xi32> to vector<16xi32>
      tpu.vector_store %arg8[%swap3A_289], %swap3A_292 {strides = array<i32>} : memref<128xi32, #tpu.memory_space<vmem>>, vector<16xi32>,
      %get3A_293 = arith.constant 96 : index
      %get3A_294 = tpu.vector_load %arg41[%get3A_293] {strides = array<i32>} : memref<128xi32, #tpu.memory_space<vmem>>, vector<16xi32>,
      %get3A_295 = vector.shape_cast %get3A_294 : vector<16xi32> to vector<16xi32>
      %add3A_296 = vector.broadcast %add3A_193 : i32 to vector<16xi32>
      %add3A_297 = arith.addi %get3A_295, %add3A_296 : vector<16xi32>
      %swap3A_298 = arith.constant 96 : index
      %swap3A_299 = tpu.vector_load %arg8[%swap3A_298] {strides = array<i32>} : memref<128xi32, #tpu.memory_space<vmem>>, vector<16xi32>,
      %swap3A_300 = vector.shape_cast %swap3A_299 : vector<16xi32> to vector<16xi32>
      %swap3A_301 = vector.shape_cast %add3A_297 : vector<16xi32> to vector<16xi32>
      tpu.vector_store %arg8[%swap3A_298], %swap3A_301 {strides = array<i32>} : memref<128xi32, #tpu.memory_space<vmem>>, vector<16xi32>,
      %get3A_302 = arith.constant 112 : index
      %get3A_303 = tpu.vector_load %arg41[%get3A_302] {strides = array<i32>} : memref<128xi32, #tpu.memory_space<vmem>>, vector<16xi32>,
      %get3A_304 = vector.shape_cast %get3A_303 : vector<16xi32> to vector<16xi32>
      %add3A_305 = vector.broadcast %add3A_193 : i32 to vector<16xi32>
      %add3A_306 = arith.addi %get3A_304, %add3A_305 : vector<16xi32>
      %swap3A_307 = arith.constant 112 : index
      %swap3A_308 = tpu.vector_load %arg8[%swap3A_307] {strides = array<i32>} : memref<128xi32, #tpu.memory_space<vmem>>, vector<16xi32>,
      %swap3A_309 = vector.shape_cast %swap3A_308 : vector<16xi32> to vector<16xi32>
      %swap3A_310 = vector.shape_cast %add3A_306 : vector<16xi32> to vector<16xi32>
      tpu.vector_store %arg8[%swap3A_307], %swap3A_310 {strides = array<i32>} : memref<128xi32, #tpu.memory_space<vmem>>, vector<16xi32>,
      %scan3A_311 = arith.constant 0 : i32
      %scan3A_312 = arith.constant 0 : i32
      %scan3A_313 = arith.constant 32 : i32
      %scan3A_314 = arith.addi %scan3A_312, %scan3A_313 : i32
      %scan3A_315 = arith.constant 1 : i32
      scf.for %scan3A_864 = %scan3A_312 to %scan3A_314 step %scan3A_315  : i32 {
        %mul3A_865 = arith.constant 4 : i32
        %mul3A_866 = arith.muli %scan3A_864, %mul3A_865 : i32
        %add3A_867 = arith.constant 0 : i32
        %add3A_868 = arith.addi %mul3A_866, %add3A_867 : i32
        %get3A_869 = arith.index_cast %add3A_868 : i32 to index
        %get3A_870 = arith.constant 0 : index
        %get3A_871 = tpu.vector_load %arg9[%get3A_869, %get3A_870] {strides = array<i32>} : memref<128x128xf32, #tpu.memory_space<vmem>>, vector<1x16xf32>,
        %get3A_872 = vector.shape_cast %get3A_871 : vector<1x16xf32> to vector<16xf32>
        %add3A_873 = arith.addf %get3A_872, %get3A_217 : vector<16xf32>
        %swap3A_874 = arith.index_cast %add3A_868 : i32 to index
        %swap3A_875 = arith.constant 0 : index
        %swap3A_876 = tpu.vector_load %arg9[%swap3A_874, %swap3A_875] {strides = array<i32>} : memref<128x128xf32, #tpu.memory_space<vmem>>, vector<1x16xf32>,
        %swap3A_877 = vector.shape_cast %swap3A_876 : vector<1x16xf32> to vector<16xf32>
        %swap3A_878 = vector.shape_cast %add3A_873 : vector<16xf32> to vector<1x16xf32>
        tpu.vector_store %arg9[%swap3A_874, %swap3A_875], %swap3A_878 {strides = array<i32>} : memref<128x128xf32, #tpu.memory_space<vmem>>, vector<1x16xf32>,
        %get3A_879 = arith.index_cast %add3A_868 : i32 to index
        %get3A_880 = arith.constant 16 : index
        %get3A_881 = tpu.vector_load %arg9[%get3A_879, %get3A_880] {strides = array<i32>} : memref<128x128xf32, #tpu.memory_space<vmem>>, vector<1x16xf32>,
        %get3A_882 = vector.shape_cast %get3A_881 : vector<1x16xf32> to vector<16xf32>
        %add3A_883 = arith.addf %get3A_882, %get3A_220 : vector<16xf32>
        %swap3A_884 = arith.index_cast %add3A_868 : i32 to index
        %swap3A_885 = arith.constant 16 : index
        %swap3A_886 = tpu.vector_load %arg9[%swap3A_884, %swap3A_885] {strides = array<i32>} : memref<128x128xf32, #tpu.memory_space<vmem>>, vector<1x16xf32>,
        %swap3A_887 = vector.shape_cast %swap3A_886 : vector<1x16xf32> to vector<16xf32>
        %swap3A_888 = vector.shape_cast %add3A_883 : vector<16xf32> to vector<1x16xf32>
        tpu.vector_store %arg9[%swap3A_884, %swap3A_885], %swap3A_888 {strides = array<i32>} : memref<128x128xf32, #tpu.memory_space<vmem>>, vector<1x16xf32>,
        %get3A_889 = arith.index_cast %add3A_868 : i32 to index
        %get3A_890 = arith.constant 32 : index
        %get3A_891 = tpu.vector_load %arg9[%get3A_889, %get3A_890] {strides = array<i32>} : memref<128x128xf32, #tpu.memory_space<vmem>>, vector<1x16xf32>,
        %get3A_892 = vector.shape_cast %get3A_891 : vector<1x16xf32> to vector<16xf32>
        %add3A_893 = arith.addf %get3A_892, %get3A_223 : vector<16xf32>
        %swap3A_894 = arith.index_cast %add3A_868 : i32 to index
        %swap3A_895 = arith.constant 32 : index
        %swap3A_896 = tpu.vector_load %arg9[%swap3A_894, %swap3A_895] {strides = array<i32>} : memref<128x128xf32, #tpu.memory_space<vmem>>, vector<1x16xf32>,
        %swap3A_897 = vector.shape_cast %swap3A_896 : vector<1x16xf32> to vector<16xf32>
        %swap3A_898 = vector.shape_cast %add3A_893 : vector<16xf32> to vector<1x16xf32>
        tpu.vector_store %arg9[%swap3A_894, %swap3A_895], %swap3A_898 {strides = array<i32>} : memref<128x128xf32, #tpu.memory_space<vmem>>, vector<1x16xf32>,
        %get3A_899 = arith.index_cast %add3A_868 : i32 to index
        %get3A_900 = arith.constant 48 : index
        %get3A_901 = tpu.vector_load %arg9[%get3A_899, %get3A_900] {strides = array<i32>} : memref<128x128xf32, #tpu.memory_space<vmem>>, vector<1x16xf32>,
        %get3A_902 = vector.shape_cast %get3A_901 : vector<1x16xf32> to vector<16xf32>
        %add3A_903 = arith.addf %get3A_902, %get3A_226 : vector<16xf32>
        %swap3A_904 = arith.index_cast %add3A_868 : i32 to index
        %swap3A_905 = arith.constant 48 : index
        %swap3A_906 = tpu.vector_load %arg9[%swap3A_904, %swap3A_905] {strides = array<i32>} : memref<128x128xf32, #tpu.memory_space<vmem>>, vector<1x16xf32>,
        %swap3A_907 = vector.shape_cast %swap3A_906 : vector<1x16xf32> to vector<16xf32>
        %swap3A_908 = vector.shape_cast %add3A_903 : vector<16xf32> to vector<1x16xf32>
        tpu.vector_store %arg9[%swap3A_904, %swap3A_905], %swap3A_908 {strides = array<i32>} : memref<128x128xf32, #tpu.memory_space<vmem>>, vector<1x16xf32>,
        %get3A_909 = arith.index_cast %add3A_868 : i32 to index
        %get3A_910 = arith.constant 64 : index
        %get3A_911 = tpu.vector_load %arg9[%get3A_909, %get3A_910] {strides = array<i32>} : memref<128x128xf32, #tpu.memory_space<vmem>>, vector<1x16xf32>,
        %get3A_912 = vector.shape_cast %get3A_911 : vector<1x16xf32> to vector<16xf32>
        %add3A_913 = arith.addf %get3A_912, %get3A_229 : vector<16xf32>
        %swap3A_914 = arith.index_cast %add3A_868 : i32 to index
        %swap3A_915 = arith.constant 64 : index
        %swap3A_916 = tpu.vector_load %arg9[%swap3A_914, %swap3A_915] {strides = array<i32>} : memref<128x128xf32, #tpu.memory_space<vmem>>, vector<1x16xf32>,
        %swap3A_917 = vector.shape_cast %swap3A_916 : vector<1x16xf32> to vector<16xf32>
        %swap3A_918 = vector.shape_cast %add3A_913 : vector<16xf32> to vector<1x16xf32>
        tpu.vector_store %arg9[%swap3A_914, %swap3A_915], %swap3A_918 {strides = array<i32>} : memref<128x128xf32, #tpu.memory_space<vmem>>, vector<1x16xf32>,
        %get3A_919 = arith.index_cast %add3A_868 : i32 to index
        %get3A_920 = arith.constant 80 : index
        %get3A_921 = tpu.vector_load %arg9[%get3A_919, %get3A_920] {strides = array<i32>} : memref<128x128xf32, #tpu.memory_space<vmem>>, vector<1x16xf32>,
        %get3A_922 = vector.shape_cast %get3A_921 : vector<1x16xf32> to vector<16xf32>
        %add3A_923 = arith.addf %get3A_922, %get3A_232 : vector<16xf32>
        %swap3A_924 = arith.index_cast %add3A_868 : i32 to index
        %swap3A_925 = arith.constant 80 : index
        %swap3A_926 = tpu.vector_load %arg9[%swap3A_924, %swap3A_925] {strides = array<i32>} : memref<128x128xf32, #tpu.memory_space<vmem>>, vector<1x16xf32>,
        %swap3A_927 = vector.shape_cast %swap3A_926 : vector<1x16xf32> to vector<16xf32>
        %swap3A_928 = vector.shape_cast %add3A_923 : vector<16xf32> to vector<1x16xf32>
        tpu.vector_store %arg9[%swap3A_924, %swap3A_925], %swap3A_928 {strides = array<i32>} : memref<128x128xf32, #tpu.memory_space<vmem>>, vector<1x16xf32>,
        %get3A_929 = arith.index_cast %add3A_868 : i32 to index
        %get3A_930 = arith.constant 96 : index
        %get3A_931 = tpu.vector_load %arg9[%get3A_929, %get3A_930] {strides = array<i32>} : memref<128x128xf32, #tpu.memory_space<vmem>>, vector<1x16xf32>,
        %get3A_932 = vector.shape_cast %get3A_931 : vector<1x16xf32> to vector<16xf32>
        %add3A_933 = arith.addf %get3A_932, %get3A_235 : vector<16xf32>
        %swap3A_934 = arith.index_cast %add3A_868 : i32 to index
        %swap3A_935 = arith.constant 96 : index
        %swap3A_936 = tpu.vector_load %arg9[%swap3A_934, %swap3A_935] {strides = array<i32>} : memref<128x128xf32, #tpu.memory_space<vmem>>, vector<1x16xf32>,
        %swap3A_937 = vector.shape_cast %swap3A_936 : vector<1x16xf32> to vector<16xf32>
        %swap3A_938 = vector.shape_cast %add3A_933 : vector<16xf32> to vector<1x16xf32>
        tpu.vector_store %arg9[%swap3A_934, %swap3A_935], %swap3A_938 {strides = array<i32>} : memref<128x128xf32, #tpu.memory_space<vmem>>, vector<1x16xf32>,
        %get3A_939 = arith.index_cast %add3A_868 : i32 to index
        %get3A_940 = arith.constant 112 : index
        %get3A_941 = tpu.vector_load %arg9[%get3A_939, %get3A_940] {strides = array<i32>} : memref<128x128xf32, #tpu.memory_space<vmem>>, vector<1x16xf32>,
        %get3A_942 = vector.shape_cast %get3A_941 : vector<1x16xf32> to vector<16xf32>
        %add3A_943 = arith.addf %get3A_942, %get3A_238 : vector<16xf32>
        %swap3A_944 = arith.index_cast %add3A_868 : i32 to index
        %swap3A_945 = arith.constant 112 : index
        %swap3A_946 = tpu.vector_load %arg9[%swap3A_944, %swap3A_945] {strides = array<i32>} : memref<128x128xf32, #tpu.memory_space<vmem>>, vector<1x16xf32>,
        %swap3A_947 = vector.shape_cast %swap3A_946 : vector<1x16xf32> to vector<16xf32>
        %swap3A_948 = vector.shape_cast %add3A_943 : vector<16xf32> to vector<1x16xf32>
        tpu.vector_store %arg9[%swap3A_944, %swap3A_945], %swap3A_948 {strides = array<i32>} : memref<128x128xf32, #tpu.memory_space<vmem>>, vector<1x16xf32>,
        %mul3A_949 = arith.constant 4 : i32
        %mul3A_950 = arith.muli %scan3A_864, %mul3A_949 : i32
        %add3A_951 = arith.constant 1 : i32
        %add3A_952 = arith.addi %mul3A_950, %add3A_951 : i32
        %get3A_953 = arith.index_cast %add3A_952 : i32 to index
        %get3A_954 = arith.constant 0 : index
        %get3A_955 = tpu.vector_load %arg9[%get3A_953, %get3A_954] {strides = array<i32>} : memref<128x128xf32, #tpu.memory_space<vmem>>, vector<1x16xf32>,
        %get3A_956 = vector.shape_cast %get3A_955 : vector<1x16xf32> to vector<16xf32>
        %add3A_957 = arith.addf %get3A_956, %get3A_217 : vector<16xf32>
        %swap3A_958 = arith.index_cast %add3A_952 : i32 to index
        %swap3A_959 = arith.constant 0 : index
        %swap3A_960 = tpu.vector_load %arg9[%swap3A_958, %swap3A_959] {strides = array<i32>} : memref<128x128xf32, #tpu.memory_space<vmem>>, vector<1x16xf32>,
        %swap3A_961 = vector.shape_cast %swap3A_960 : vector<1x16xf32> to vector<16xf32>
        %swap3A_962 = vector.shape_cast %add3A_957 : vector<16xf32> to vector<1x16xf32>
        tpu.vector_store %arg9[%swap3A_958, %swap3A_959], %swap3A_962 {strides = array<i32>} : memref<128x128xf32, #tpu.memory_space<vmem>>, vector<1x16xf32>,
        %get3A_963 = arith.index_cast %add3A_952 : i32 to index
        %get3A_964 = arith.constant 16 : index
        %get3A_965 = tpu.vector_load %arg9[%get3A_963, %get3A_964] {strides = array<i32>} : memref<128x128xf32, #tpu.memory_space<vmem>>, vector<1x16xf32>,
        %get3A_966 = vector.shape_cast %get3A_965 : vector<1x16xf32> to vector<16xf32>
        %add3A_967 = arith.addf %get3A_966, %get3A_220 : vector<16xf32>
        %swap3A_968 = arith.index_cast %add3A_952 : i32 to index
        %swap3A_969 = arith.constant 16 : index
        %swap3A_970 = tpu.vector_load %arg9[%swap3A_968, %swap3A_969] {strides = array<i32>} : memref<128x128xf32, #tpu.memory_space<vmem>>, vector<1x16xf32>,
        %swap3A_971 = vector.shape_cast %swap3A_970 : vector<1x16xf32> to vector<16xf32>
        %swap3A_972 = vector.shape_cast %add3A_967 : vector<16xf32> to vector<1x16xf32>
        tpu.vector_store %arg9[%swap3A_968, %swap3A_969], %swap3A_972 {strides = array<i32>} : memref<128x128xf32, #tpu.memory_space<vmem>>, vector<1x16xf32>,
        %get3A_973 = arith.index_cast %add3A_952 : i32 to index
        %get3A_974 = arith.constant 32 : index
        %get3A_975 = tpu.vector_load %arg9[%get3A_973, %get3A_974] {strides = array<i32>} : memref<128x128xf32, #tpu.memory_space<vmem>>, vector<1x16xf32>,
        %get3A_976 = vector.shape_cast %get3A_975 : vector<1x16xf32> to vector<16xf32>
        %add3A_977 = arith.addf %get3A_976, %get3A_223 : vector<16xf32>
        %swap3A_978 = arith.index_cast %add3A_952 : i32 to index
        %swap3A_979 = arith.constant 32 : index
        %swap3A_980 = tpu.vector_load %arg9[%swap3A_978, %swap3A_979] {strides = array<i32>} : memref<128x128xf32, #tpu.memory_space<vmem>>, vector<1x16xf32>,
        %swap3A_981 = vector.shape_cast %swap3A_980 : vector<1x16xf32> to vector<16xf32>
        %swap3A_982 = vector.shape_cast %add3A_977 : vector<16xf32> to vector<1x16xf32>
        tpu.vector_store %arg9[%swap3A_978, %swap3A_979], %swap3A_982 {strides = array<i32>} : memref<128x128xf32, #tpu.memory_space<vmem>>, vector<1x16xf32>,
        %get3A_983 = arith.index_cast %add3A_952 : i32 to index
        %get3A_984 = arith.constant 48 : index
        %get3A_985 = tpu.vector_load %arg9[%get3A_983, %get3A_984] {strides = array<i32>} : memref<128x128xf32, #tpu.memory_space<vmem>>, vector<1x16xf32>,
        %get3A_986 = vector.shape_cast %get3A_985 : vector<1x16xf32> to vector<16xf32>
        %add3A_987 = arith.addf %get3A_986, %get3A_226 : vector<16xf32>
        %swap3A_988 = arith.index_cast %add3A_952 : i32 to index
        %swap3A_989 = arith.constant 48 : index
        %swap3A_990 = tpu.vector_load %arg9[%swap3A_988, %swap3A_989] {strides = array<i32>} : memref<128x128xf32, #tpu.memory_space<vmem>>, vector<1x16xf32>,
        %swap3A_991 = vector.shape_cast %swap3A_990 : vector<1x16xf32> to vector<16xf32>
        %swap3A_992 = vector.shape_cast %add3A_987 : vector<16xf32> to vector<1x16xf32>
        tpu.vector_store %arg9[%swap3A_988, %swap3A_989], %swap3A_992 {strides = array<i32>} : memref<128x128xf32, #tpu.memory_space<vmem>>, vector<1x16xf32>,
        %get3A_993 = arith.index_cast %add3A_952 : i32 to index
        %get3A_994 = arith.constant 64 : index
        %get3A_995 = tpu.vector_load %arg9[%get3A_993, %get3A_994] {strides = array<i32>} : memref<128x128xf32, #tpu.memory_space<vmem>>, vector<1x16xf32>,
        %get3A_996 = vector.shape_cast %get3A_995 : vector<1x16xf32> to vector<16xf32>
        %add3A_997 = arith.addf %get3A_996, %get3A_229 : vector<16xf32>
        %swap3A_998 = arith.index_cast %add3A_952 : i32 to index
        %swap3A_999 = arith.constant 64 : index
        %swap3A_1000 = tpu.vector_load %arg9[%swap3A_998, %swap3A_999] {strides = array<i32>} : memref<128x128xf32, #tpu.memory_space<vmem>>, vector<1x16xf32>,
        %swap3A_1001 = vector.shape_cast %swap3A_1000 : vector<1x16xf32> to vector<16xf32>
        %swap3A_1002 = vector.shape_cast %add3A_997 : vector<16xf32> to vector<1x16xf32>
        tpu.vector_store %arg9[%swap3A_998, %swap3A_999], %swap3A_1002 {strides = array<i32>} : memref<128x128xf32, #tpu.memory_space<vmem>>, vector<1x16xf32>,
        %get3A_1003 = arith.index_cast %add3A_952 : i32 to index
        %get3A_1004 = arith.constant 80 : index
        %get3A_1005 = tpu.vector_load %arg9[%get3A_1003, %get3A_1004] {strides = array<i32>} : memref<128x128xf32, #tpu.memory_space<vmem>>, vector<1x16xf32>,
        %get3A_1006 = vector.shape_cast %get3A_1005 : vector<1x16xf32> to vector<16xf32>
        %add3A_1007 = arith.addf %get3A_1006, %get3A_232 : vector<16xf32>
        %swap3A_1008 = arith.index_cast %add3A_952 : i32 to index
        %swap3A_1009 = arith.constant 80 : index
        %swap3A_1010 = tpu.vector_load %arg9[%swap3A_1008, %swap3A_1009] {strides = array<i32>} : memref<128x128xf32, #tpu.memory_space<vmem>>, vector<1x16xf32>,
        %swap3A_1011 = vector.shape_cast %swap3A_1010 : vector<1x16xf32> to vector<16xf32>
        %swap3A_1012 = vector.shape_cast %add3A_1007 : vector<16xf32> to vector<1x16xf32>
        tpu.vector_store %arg9[%swap3A_1008, %swap3A_1009], %swap3A_1012 {strides = array<i32>} : memref<128x128xf32, #tpu.memory_space<vmem>>, vector<1x16xf32>,
        %get3A_1013 = arith.index_cast %add3A_952 : i32 to index
        %get3A_1014 = arith.constant 96 : index
        %get3A_1015 = tpu.vector_load %arg9[%get3A_1013, %get3A_1014] {strides = array<i32>} : memref<128x128xf32, #tpu.memory_space<vmem>>, vector<1x16xf32>,
        %get3A_1016 = vector.shape_cast %get3A_1015 : vector<1x16xf32> to vector<16xf32>
        %add3A_1017 = arith.addf %get3A_1016, %get3A_235 : vector<16xf32>
        %swap3A_1018 = arith.index_cast %add3A_952 : i32 to index
        %swap3A_1019 = arith.constant 96 : index
        %swap3A_1020 = tpu.vector_load %arg9[%swap3A_1018, %swap3A_1019] {strides = array<i32>} : memref<128x128xf32, #tpu.memory_space<vmem>>, vector<1x16xf32>,
        %swap3A_1021 = vector.shape_cast %swap3A_1020 : vector<1x16xf32> to vector<16xf32>
        %swap3A_1022 = vector.shape_cast %add3A_1017 : vector<16xf32> to vector<1x16xf32>
        tpu.vector_store %arg9[%swap3A_1018, %swap3A_1019], %swap3A_1022 {strides = array<i32>} : memref<128x128xf32, #tpu.memory_space<vmem>>, vector<1x16xf32>,
        %get3A_1023 = arith.index_cast %add3A_952 : i32 to index
        %get3A_1024 = arith.constant 112 : index
        %get3A_1025 = tpu.vector_load %arg9[%get3A_1023, %get3A_1024] {strides = array<i32>} : memref<128x128xf32, #tpu.memory_space<vmem>>, vector<1x16xf32>,
        %get3A_1026 = vector.shape_cast %get3A_1025 : vector<1x16xf32> to vector<16xf32>
        %add3A_1027 = arith.addf %get3A_1026, %get3A_238 : vector<16xf32>
        %swap3A_1028 = arith.index_cast %add3A_952 : i32 to index
        %swap3A_1029 = arith.constant 112 : index
        %swap3A_1030 = tpu.vector_load %arg9[%swap3A_1028, %swap3A_1029] {strides = array<i32>} : memref<128x128xf32, #tpu.memory_space<vmem>>, vector<1x16xf32>,
        %swap3A_1031 = vector.shape_cast %swap3A_1030 : vector<1x16xf32> to vector<16xf32>
        %swap3A_1032 = vector.shape_cast %add3A_1027 : vector<16xf32> to vector<1x16xf32>
        tpu.vector_store %arg9[%swap3A_1028, %swap3A_1029], %swap3A_1032 {strides = array<i32>} : memref<128x128xf32, #tpu.memory_space<vmem>>, vector<1x16xf32>,
        %mul3A_1033 = arith.constant 4 : i32
        %mul3A_1034 = arith.muli %scan3A_864, %mul3A_1033 : i32
        %add3A_1035 = arith.constant 2 : i32
        %add3A_1036 = arith.addi %mul3A_1034, %add3A_1035 : i32
        %get3A_1037 = arith.index_cast %add3A_1036 : i32 to index
        %get3A_1038 = arith.constant 0 : index
        %get3A_1039 = tpu.vector_load %arg9[%get3A_1037, %get3A_1038] {strides = array<i32>} : memref<128x128xf32, #tpu.memory_space<vmem>>, vector<1x16xf32>,
        %get3A_1040 = vector.shape_cast %get3A_1039 : vector<1x16xf32> to vector<16xf32>
        %add3A_1041 = arith.addf %get3A_1040, %get3A_217 : vector<16xf32>
        %swap3A_1042 = arith.index_cast %add3A_1036 : i32 to index
        %swap3A_1043 = arith.constant 0 : index
        %swap3A_1044 = tpu.vector_load %arg9[%swap3A_1042, %swap3A_1043] {strides = array<i32>} : memref<128x128xf32, #tpu.memory_space<vmem>>, vector<1x16xf32>,
        %swap3A_1045 = vector.shape_cast %swap3A_1044 : vector<1x16xf32> to vector<16xf32>
        %swap3A_1046 = vector.shape_cast %add3A_1041 : vector<16xf32> to vector<1x16xf32>
        tpu.vector_store %arg9[%swap3A_1042, %swap3A_1043], %swap3A_1046 {strides = array<i32>} : memref<128x128xf32, #tpu.memory_space<vmem>>, vector<1x16xf32>,
        %get3A_1047 = arith.index_cast %add3A_1036 : i32 to index
        %get3A_1048 = arith.constant 16 : index
        %get3A_1049 = tpu.vector_load %arg9[%get3A_1047, %get3A_1048] {strides = array<i32>} : memref<128x128xf32, #tpu.memory_space<vmem>>, vector<1x16xf32>,
        %get3A_1050 = vector.shape_cast %get3A_1049 : vector<1x16xf32> to vector<16xf32>
        %add3A_1051 = arith.addf %get3A_1050, %get3A_220 : vector<16xf32>
        %swap3A_1052 = arith.index_cast %add3A_1036 : i32 to index
        %swap3A_1053 = arith.constant 16 : index
        %swap3A_1054 = tpu.vector_load %arg9[%swap3A_1052, %swap3A_1053] {strides = array<i32>} : memref<128x128xf32, #tpu.memory_space<vmem>>, vector<1x16xf32>,
        %swap3A_1055 = vector.shape_cast %swap3A_1054 : vector<1x16xf32> to vector<16xf32>
        %swap3A_1056 = vector.shape_cast %add3A_1051 : vector<16xf32> to vector<1x16xf32>
        tpu.vector_store %arg9[%swap3A_1052, %swap3A_1053], %swap3A_1056 {strides = array<i32>} : memref<128x128xf32, #tpu.memory_space<vmem>>, vector<1x16xf32>,
        %get3A_1057 = arith.index_cast %add3A_1036 : i32 to index
        %get3A_1058 = arith.constant 32 : index
        %get3A_1059 = tpu.vector_load %arg9[%get3A_1057, %get3A_1058] {strides = array<i32>} : memref<128x128xf32, #tpu.memory_space<vmem>>, vector<1x16xf32>,
        %get3A_1060 = vector.shape_cast %get3A_1059 : vector<1x16xf32> to vector<16xf32>
        %add3A_1061 = arith.addf %get3A_1060, %get3A_223 : vector<16xf32>
        %swap3A_1062 = arith.index_cast %add3A_1036 : i32 to index
        %swap3A_1063 = arith.constant 32 : index
        %swap3A_1064 = tpu.vector_load %arg9[%swap3A_1062, %swap3A_1063] {strides = array<i32>} : memref<128x128xf32, #tpu.memory_space<vmem>>, vector<1x16xf32>,
        %swap3A_1065 = vector.shape_cast %swap3A_1064 : vector<1x16xf32> to vector<16xf32>
        %swap3A_1066 = vector.shape_cast %add3A_1061 : vector<16xf32> to vector<1x16xf32>
        tpu.vector_store %arg9[%swap3A_1062, %swap3A_1063], %swap3A_1066 {strides = array<i32>} : memref<128x128xf32, #tpu.memory_space<vmem>>, vector<1x16xf32>,
        %get3A_1067 = arith.index_cast %add3A_1036 : i32 to index
        %get3A_1068 = arith.constant 48 : index
        %get3A_1069 = tpu.vector_load %arg9[%get3A_1067, %get3A_1068] {strides = array<i32>} : memref<128x128xf32, #tpu.memory_space<vmem>>, vector<1x16xf32>,
        %get3A_1070 = vector.shape_cast %get3A_1069 : vector<1x16xf32> to vector<16xf32>
        %add3A_1071 = arith.addf %get3A_1070, %get3A_226 : vector<16xf32>
        %swap3A_1072 = arith.index_cast %add3A_1036 : i32 to index
        %swap3A_1073 = arith.constant 48 : index
        %swap3A_1074 = tpu.vector_load %arg9[%swap3A_1072, %swap3A_1073] {strides = array<i32>} : memref<128x128xf32, #tpu.memory_space<vmem>>, vector<1x16xf32>,
        %swap3A_1075 = vector.shape_cast %swap3A_1074 : vector<1x16xf32> to vector<16xf32>
        %swap3A_1076 = vector.shape_cast %add3A_1071 : vector<16xf32> to vector<1x16xf32>
        tpu.vector_store %arg9[%swap3A_1072, %swap3A_1073], %swap3A_1076 {strides = array<i32>} : memref<128x128xf32, #tpu.memory_space<vmem>>, vector<1x16xf32>,
        %get3A_1077 = arith.index_cast %add3A_1036 : i32 to index
        %get3A_1078 = arith.constant 64 : index
        %get3A_1079 = tpu.vector_load %arg9[%get3A_1077, %get3A_1078] {strides = array<i32>} : memref<128x128xf32, #tpu.memory_space<vmem>>, vector<1x16xf32>,
        %get3A_1080 = vector.shape_cast %get3A_1079 : vector<1x16xf32> to vector<16xf32>
        %add3A_1081 = arith.addf %get3A_1080, %get3A_229 : vector<16xf32>
        %swap3A_1082 = arith.index_cast %add3A_1036 : i32 to index
        %swap3A_1083 = arith.constant 64 : index
        %swap3A_1084 = tpu.vector_load %arg9[%swap3A_1082, %swap3A_1083] {strides = array<i32>} : memref<128x128xf32, #tpu.memory_space<vmem>>, vector<1x16xf32>,
        %swap3A_1085 = vector.shape_cast %swap3A_1084 : vector<1x16xf32> to vector<16xf32>
        %swap3A_1086 = vector.shape_cast %add3A_1081 : vector<16xf32> to vector<1x16xf32>
        tpu.vector_store %arg9[%swap3A_1082, %swap3A_1083], %swap3A_1086 {strides = array<i32>} : memref<128x128xf32, #tpu.memory_space<vmem>>, vector<1x16xf32>,
        %get3A_1087 = arith.index_cast %add3A_1036 : i32 to index
        %get3A_1088 = arith.constant 80 : index
        %get3A_1089 = tpu.vector_load %arg9[%get3A_1087, %get3A_1088] {strides = array<i32>} : memref<128x128xf32, #tpu.memory_space<vmem>>, vector<1x16xf32>,
        %get3A_1090 = vector.shape_cast %get3A_1089 : vector<1x16xf32> to vector<16xf32>
        %add3A_1091 = arith.addf %get3A_1090, %get3A_232 : vector<16xf32>
        %swap3A_1092 = arith.index_cast %add3A_1036 : i32 to index
        %swap3A_1093 = arith.constant 80 : index
        %swap3A_1094 = tpu.vector_load %arg9[%swap3A_1092, %swap3A_1093] {strides = array<i32>} : memref<128x128xf32, #tpu.memory_space<vmem>>, vector<1x16xf32>,
        %swap3A_1095 = vector.shape_cast %swap3A_1094 : vector<1x16xf32> to vector<16xf32>
        %swap3A_1096 = vector.shape_cast %add3A_1091 : vector<16xf32> to vector<1x16xf32>
        tpu.vector_store %arg9[%swap3A_1092, %swap3A_1093], %swap3A_1096 {strides = array<i32>} : memref<128x128xf32, #tpu.memory_space<vmem>>, vector<1x16xf32>,
        %get3A_1097 = arith.index_cast %add3A_1036 : i32 to index
        %get3A_1098 = arith.constant 96 : index
        %get3A_1099 = tpu.vector_load %arg9[%get3A_1097, %get3A_1098] {strides = array<i32>} : memref<128x128xf32, #tpu.memory_space<vmem>>, vector<1x16xf32>,
        %get3A_1100 = vector.shape_cast %get3A_1099 : vector<1x16xf32> to vector<16xf32>
        %add3A_1101 = arith.addf %get3A_1100, %get3A_235 : vector<16xf32>
        %swap3A_1102 = arith.index_cast %add3A_1036 : i32 to index
        %swap3A_1103 = arith.constant 96 : index
        %swap3A_1104 = tpu.vector_load %arg9[%swap3A_1102, %swap3A_1103] {strides = array<i32>} : memref<128x128xf32, #tpu.memory_space<vmem>>, vector<1x16xf32>,
        %swap3A_1105 = vector.shape_cast %swap3A_1104 : vector<1x16xf32> to vector<16xf32>
        %swap3A_1106 = vector.shape_cast %add3A_1101 : vector<16xf32> to vector<1x16xf32>
        tpu.vector_store %arg9[%swap3A_1102, %swap3A_1103], %swap3A_1106 {strides = array<i32>} : memref<128x128xf32, #tpu.memory_space<vmem>>, vector<1x16xf32>,
        %get3A_1107 = arith.index_cast %add3A_1036 : i32 to index
        %get3A_1108 = arith.constant 112 : index
        %get3A_1109 = tpu.vector_load %arg9[%get3A_1107, %get3A_1108] {strides = array<i32>} : memref<128x128xf32, #tpu.memory_space<vmem>>, vector<1x16xf32>,
        %get3A_1110 = vector.shape_cast %get3A_1109 : vector<1x16xf32> to vector<16xf32>
        %add3A_1111 = arith.addf %get3A_1110, %get3A_238 : vector<16xf32>
        %swap3A_1112 = arith.index_cast %add3A_1036 : i32 to index
        %swap3A_1113 = arith.constant 112 : index
        %swap3A_1114 = tpu.vector_load %arg9[%swap3A_1112, %swap3A_1113] {strides = array<i32>} : memref<128x128xf32, #tpu.memory_space<vmem>>, vector<1x16xf32>,
        %swap3A_1115 = vector.shape_cast %swap3A_1114 : vector<1x16xf32> to vector<16xf32>
        %swap3A_1116 = vector.shape_cast %add3A_1111 : vector<16xf32> to vector<1x16xf32>
        tpu.vector_store %arg9[%swap3A_1112, %swap3A_1113], %swap3A_1116 {strides = array<i32>} : memref<128x128xf32, #tpu.memory_space<vmem>>, vector<1x16xf32>,
        %mul3A_1117 = arith.constant 4 : i32
        %mul3A_1118 = arith.muli %scan3A_864, %mul3A_1117 : i32
        %add3A_1119 = arith.constant 3 : i32
        %add3A_1120 = arith.addi %mul3A_1118, %add3A_1119 : i32
        %get3A_1121 = arith.index_cast %add3A_1120 : i32 to index
        %get3A_1122 = arith.constant 0 : index
        %get3A_1123 = tpu.vector_load %arg9[%get3A_1121, %get3A_1122] {strides = array<i32>} : memref<128x128xf32, #tpu.memory_space<vmem>>, vector<1x16xf32>,
        %get3A_1124 = vector.shape_cast %get3A_1123 : vector<1x16xf32> to vector<16xf32>
        %add3A_1125 = arith.addf %get3A_1124, %get3A_217 : vector<16xf32>
        %swap3A_1126 = arith.index_cast %add3A_1120 : i32 to index
        %swap3A_1127 = arith.constant 0 : index
        %swap3A_1128 = tpu.vector_load %arg9[%swap3A_1126, %swap3A_1127] {strides = array<i32>} : memref<128x128xf32, #tpu.memory_space<vmem>>, vector<1x16xf32>,
        %swap3A_1129 = vector.shape_cast %swap3A_1128 : vector<1x16xf32> to vector<16xf32>
        %swap3A_1130 = vector.shape_cast %add3A_1125 : vector<16xf32> to vector<1x16xf32>
        tpu.vector_store %arg9[%swap3A_1126, %swap3A_1127], %swap3A_1130 {strides = array<i32>} : memref<128x128xf32, #tpu.memory_space<vmem>>, vector<1x16xf32>,
        %get3A_1131 = arith.index_cast %add3A_1120 : i32 to index
        %get3A_1132 = arith.constant 16 : index
        %get3A_1133 = tpu.vector_load %arg9[%get3A_1131, %get3A_1132] {strides = array<i32>} : memref<128x128xf32, #tpu.memory_space<vmem>>, vector<1x16xf32>,
        %get3A_1134 = vector.shape_cast %get3A_1133 : vector<1x16xf32> to vector<16xf32>
        %add3A_1135 = arith.addf %get3A_1134, %get3A_220 : vector<16xf32>
        %swap3A_1136 = arith.index_cast %add3A_1120 : i32 to index
        %swap3A_1137 = arith.constant 16 : index
        %swap3A_1138 = tpu.vector_load %arg9[%swap3A_1136, %swap3A_1137] {strides = array<i32>} : memref<128x128xf32, #tpu.memory_space<vmem>>, vector<1x16xf32>,
        %swap3A_1139 = vector.shape_cast %swap3A_1138 : vector<1x16xf32> to vector<16xf32>
        %swap3A_1140 = vector.shape_cast %add3A_1135 : vector<16xf32> to vector<1x16xf32>
        tpu.vector_store %arg9[%swap3A_1136, %swap3A_1137], %swap3A_1140 {strides = array<i32>} : memref<128x128xf32, #tpu.memory_space<vmem>>, vector<1x16xf32>,
        %get3A_1141 = arith.index_cast %add3A_1120 : i32 to index
        %get3A_1142 = arith.constant 32 : index
        %get3A_1143 = tpu.vector_load %arg9[%get3A_1141, %get3A_1142] {strides = array<i32>} : memref<128x128xf32, #tpu.memory_space<vmem>>, vector<1x16xf32>,
        %get3A_1144 = vector.shape_cast %get3A_1143 : vector<1x16xf32> to vector<16xf32>
        %add3A_1145 = arith.addf %get3A_1144, %get3A_223 : vector<16xf32>
        %swap3A_1146 = arith.index_cast %add3A_1120 : i32 to index
        %swap3A_1147 = arith.constant 32 : index
        %swap3A_1148 = tpu.vector_load %arg9[%swap3A_1146, %swap3A_1147] {strides = array<i32>} : memref<128x128xf32, #tpu.memory_space<vmem>>, vector<1x16xf32>,
        %swap3A_1149 = vector.shape_cast %swap3A_1148 : vector<1x16xf32> to vector<16xf32>
        %swap3A_1150 = vector.shape_cast %add3A_1145 : vector<16xf32> to vector<1x16xf32>
        tpu.vector_store %arg9[%swap3A_1146, %swap3A_1147], %swap3A_1150 {strides = array<i32>} : memref<128x128xf32, #tpu.memory_space<vmem>>, vector<1x16xf32>,
        %get3A_1151 = arith.index_cast %add3A_1120 : i32 to index
        %get3A_1152 = arith.constant 48 : index
        %get3A_1153 = tpu.vector_load %arg9[%get3A_1151, %get3A_1152] {strides = array<i32>} : memref<128x128xf32, #tpu.memory_space<vmem>>, vector<1x16xf32>,
        %get3A_1154 = vector.shape_cast %get3A_1153 : vector<1x16xf32> to vector<16xf32>
        %add3A_1155 = arith.addf %get3A_1154, %get3A_226 : vector<16xf32>
        %swap3A_1156 = arith.index_cast %add3A_1120 : i32 to index
        %swap3A_1157 = arith.constant 48 : index
        %swap3A_1158 = tpu.vector_load %arg9[%swap3A_1156, %swap3A_1157] {strides = array<i32>} : memref<128x128xf32, #tpu.memory_space<vmem>>, vector<1x16xf32>,
        %swap3A_1159 = vector.shape_cast %swap3A_1158 : vector<1x16xf32> to vector<16xf32>
        %swap3A_1160 = vector.shape_cast %add3A_1155 : vector<16xf32> to vector<1x16xf32>
        tpu.vector_store %arg9[%swap3A_1156, %swap3A_1157], %swap3A_1160 {strides = array<i32>} : memref<128x128xf32, #tpu.memory_space<vmem>>, vector<1x16xf32>,
        %get3A_1161 = arith.index_cast %add3A_1120 : i32 to index
        %get3A_1162 = arith.constant 64 : index
        %get3A_1163 = tpu.vector_load %arg9[%get3A_1161, %get3A_1162] {strides = array<i32>} : memref<128x128xf32, #tpu.memory_space<vmem>>, vector<1x16xf32>,
        %get3A_1164 = vector.shape_cast %get3A_1163 : vector<1x16xf32> to vector<16xf32>
        %add3A_1165 = arith.addf %get3A_1164, %get3A_229 : vector<16xf32>
        %swap3A_1166 = arith.index_cast %add3A_1120 : i32 to index
        %swap3A_1167 = arith.constant 64 : index
        %swap3A_1168 = tpu.vector_load %arg9[%swap3A_1166, %swap3A_1167] {strides = array<i32>} : memref<128x128xf32, #tpu.memory_space<vmem>>, vector<1x16xf32>,
        %swap3A_1169 = vector.shape_cast %swap3A_1168 : vector<1x16xf32> to vector<16xf32>
        %swap3A_1170 = vector.shape_cast %add3A_1165 : vector<16xf32> to vector<1x16xf32>
        tpu.vector_store %arg9[%swap3A_1166, %swap3A_1167], %swap3A_1170 {strides = array<i32>} : memref<128x128xf32, #tpu.memory_space<vmem>>, vector<1x16xf32>,
        %get3A_1171 = arith.index_cast %add3A_1120 : i32 to index
        %get3A_1172 = arith.constant 80 : index
        %get3A_1173 = tpu.vector_load %arg9[%get3A_1171, %get3A_1172] {strides = array<i32>} : memref<128x128xf32, #tpu.memory_space<vmem>>, vector<1x16xf32>,
        %get3A_1174 = vector.shape_cast %get3A_1173 : vector<1x16xf32> to vector<16xf32>
        %add3A_1175 = arith.addf %get3A_1174, %get3A_232 : vector<16xf32>
        %swap3A_1176 = arith.index_cast %add3A_1120 : i32 to index
        %swap3A_1177 = arith.constant 80 : index
        %swap3A_1178 = tpu.vector_load %arg9[%swap3A_1176, %swap3A_1177] {strides = array<i32>} : memref<128x128xf32, #tpu.memory_space<vmem>>, vector<1x16xf32>,
        %swap3A_1179 = vector.shape_cast %swap3A_1178 : vector<1x16xf32> to vector<16xf32>
        %swap3A_1180 = vector.shape_cast %add3A_1175 : vector<16xf32> to vector<1x16xf32>
        tpu.vector_store %arg9[%swap3A_1176, %swap3A_1177], %swap3A_1180 {strides = array<i32>} : memref<128x128xf32, #tpu.memory_space<vmem>>, vector<1x16xf32>,
        %get3A_1181 = arith.index_cast %add3A_1120 : i32 to index
        %get3A_1182 = arith.constant 96 : index
        %get3A_1183 = tpu.vector_load %arg9[%get3A_1181, %get3A_1182] {strides = array<i32>} : memref<128x128xf32, #tpu.memory_space<vmem>>, vector<1x16xf32>,
        %get3A_1184 = vector.shape_cast %get3A_1183 : vector<1x16xf32> to vector<16xf32>
        %add3A_1185 = arith.addf %get3A_1184, %get3A_235 : vector<16xf32>
        %swap3A_1186 = arith.index_cast %add3A_1120 : i32 to index
        %swap3A_1187 = arith.constant 96 : index
        %swap3A_1188 = tpu.vector_load %arg9[%swap3A_1186, %swap3A_1187] {strides = array<i32>} : memref<128x128xf32, #tpu.memory_space<vmem>>, vector<1x16xf32>,
        %swap3A_1189 = vector.shape_cast %swap3A_1188 : vector<1x16xf32> to vector<16xf32>
        %swap3A_1190 = vector.shape_cast %add3A_1185 : vector<16xf32> to vector<1x16xf32>
        tpu.vector_store %arg9[%swap3A_1186, %swap3A_1187], %swap3A_1190 {strides = array<i32>} : memref<128x128xf32, #tpu.memory_space<vmem>>, vector<1x16xf32>,
        %get3A_1191 = arith.index_cast %add3A_1120 : i32 to index
        %get3A_1192 = arith.constant 112 : index
        %get3A_1193 = tpu.vector_load %arg9[%get3A_1191, %get3A_1192] {strides = array<i32>} : memref<128x128xf32, #tpu.memory_space<vmem>>, vector<1x16xf32>,
        %get3A_1194 = vector.shape_cast %get3A_1193 : vector<1x16xf32> to vector<16xf32>
        %add3A_1195 = arith.addf %get3A_1194, %get3A_238 : vector<16xf32>
        %swap3A_1196 = arith.index_cast %add3A_1120 : i32 to index
        %swap3A_1197 = arith.constant 112 : index
        %swap3A_1198 = tpu.vector_load %arg9[%swap3A_1196, %swap3A_1197] {strides = array<i32>} : memref<128x128xf32, #tpu.memory_space<vmem>>, vector<1x16xf32>,
        %swap3A_1199 = vector.shape_cast %swap3A_1198 : vector<1x16xf32> to vector<16xf32>
        %swap3A_1200 = vector.shape_cast %add3A_1195 : vector<16xf32> to vector<1x16xf32>
        tpu.vector_store %arg9[%swap3A_1196, %swap3A_1197], %swap3A_1200 {strides = array<i32>} : memref<128x128xf32, #tpu.memory_space<vmem>>, vector<1x16xf32>,
      }
      %scan3A_316 = arith.constant 32 : i32
      %dma_start3A_317 = arith.constant 0 : i32
      %dma_start3A_318 = arith.constant 0 : i32
      %dma_start3A_319 = tpu.memref_slice %arg5[%dma_start3A_317, %dma_start3A_318] : memref<819200x128xf32, #tpu.memory_space<hbm>> -> memref<819200x128xf32, #tpu.memory_space<hbm>>
      tpu.enqueue_indirect_dma source(%arg9 : memref<128x128xf32, #tpu.memory_space<vmem>>) target(%dma_start3A_319 : memref<819200x128xf32, #tpu.memory_space<hbm>>) offsets(%arg8 : memref<128xi32, #tpu.memory_space<vmem>>) semaphore(%arg12 : memref<!tpu.dma_semaphore, #tpu.memory_space<semaphore_mem>>)
      %mul3A_320 = arith.constant 5 : i32
      %mul3A_321 = arith.muli %scan3A_189, %mul3A_320 : i32
      %add3A_322 = arith.constant 1 : i32
      %add3A_323 = arith.addi %mul3A_321, %add3A_322 : i32
      %ge3A_324 = arith.constant 2 : i32
      %ge3A_325 = arith.cmpi sge, %add3A_323, %ge3A_324 : i32
      %add3A_326 = arith.constant 3 : i32
      %add3A_327 = arith.addi %add3A_323, %add3A_326 : i32
      %lt3A_328 = arith.constant 200 : i32
      %lt3A_329 = arith.cmpi slt, %add3A_327, %lt3A_328 : i32
      %and3A_330 = arith.andi %ge3A_325, %lt3A_329 : i1
      %convert_element_type3A_331 = arith.extui %and3A_330 : i1 to i32
      %cond3A_332 = arith.constant 0 : i32
      %cond3A_333 = arith.cmpi ne, %convert_element_type3A_331, %cond3A_332 : i32
      scf.if %cond3A_333 {
        %dma_wait3A_864 = arith.constant 0 : i32
        %dma_wait3A_865 = arith.constant 0 : i32
        %dma_wait3A_866 = tpu.memref_slice %arg5[%dma_wait3A_864, %dma_wait3A_865] : memref<819200x128xf32, #tpu.memory_space<hbm>> -> memref<819200x128xf32, #tpu.memory_space<hbm>>
        tpu.wait_indirect_dma semaphore(%arg40 : memref<!tpu.dma_semaphore, #tpu.memory_space<semaphore_mem>>) src(%arg37 : memref<128x128xf32, #tpu.memory_space<vmem>>) dst(%dma_wait3A_866 : memref<819200x128xf32, #tpu.memory_space<hbm>>)
      } else {
      }
      %add3A_334 = arith.constant 3 : i32
      %add3A_335 = arith.addi %add3A_323, %add3A_334 : i32
      %lt3A_336 = arith.constant 200 : i32
      %lt3A_337 = arith.cmpi slt, %add3A_335, %lt3A_336 : i32
      %convert_element_type3A_338 = arith.extui %lt3A_337 : i1 to i32
      %cond3A_339 = arith.constant 0 : i32
      %cond3A_340 = arith.cmpi ne, %convert_element_type3A_338, %cond3A_339 : i32
      scf.if %cond3A_340 {
        %add3A_864 = arith.constant 3 : i32
        %add3A_865 = arith.addi %add3A_323, %add3A_864 : i32
        %dma_start3A_866 = tpu.memref_slice %arg2[%add3A_865, %mul3A_2] : memref<200x4096xi32, #tpu.memory_space<hbm>> -> memref<1x128xi32, #tpu.memory_space<hbm>>
        %dma_start3A_867 = tpu.memref_squeeze %dma_start3A_866 : memref<1x128xi32, #tpu.memory_space<hbm>> -> memref<128xi32, #tpu.memory_space<hbm>>
        %dma_start3A_868 = tpu.memref_slice %arg2[%add3A_865, %mul3A_2] : memref<200x4096xi32, #tpu.memory_space<hbm>> -> memref<1x128xi32, #tpu.memory_space<hbm>>
        %dma_start3A_869 = tpu.memref_squeeze %dma_start3A_868 : memref<1x128xi32, #tpu.memory_space<hbm>> -> memref<128xi32, #tpu.memory_space<hbm>>
        tpu.enqueue_dma source(%dma_start3A_869 : memref<128xi32, #tpu.memory_space<hbm>>) target(%arg34 : memref<128xi32, #tpu.memory_space<vmem>>) target_semaphore(%arg38 : memref<!tpu.dma_semaphore, #tpu.memory_space<semaphore_mem>>)
        %dma_start3A_870 = arith.constant 0 : i32
        %dma_start3A_871 = tpu.memref_slice %arg4[%add3A_865, %dma_start3A_870] : memref<200x128xf32, #tpu.memory_space<hbm>> -> memref<1x128xf32, #tpu.memory_space<hbm>>
        %dma_start3A_872 = tpu.memref_squeeze %dma_start3A_871 : memref<1x128xf32, #tpu.memory_space<hbm>> -> memref<128xf32, #tpu.memory_space<hbm>>
        %dma_start3A_873 = arith.constant 0 : i32
        %dma_start3A_874 = tpu.memref_slice %arg4[%add3A_865, %dma_start3A_873] : memref<200x128xf32, #tpu.memory_space<hbm>> -> memref<1x128xf32, #tpu.memory_space<hbm>>
        %dma_start3A_875 = tpu.memref_squeeze %dma_start3A_874 : memref<1x128xf32, #tpu.memory_space<hbm>> -> memref<128xf32, #tpu.memory_space<hbm>>
        tpu.enqueue_dma source(%dma_start3A_875 : memref<128xf32, #tpu.memory_space<hbm>>) target(%arg35 : memref<128xf32, #tpu.memory_space<vmem>>) target_semaphore(%arg38 : memref<!tpu.dma_semaphore, #tpu.memory_space<semaphore_mem>>)
      } else {
      }
      %add3A_341 = arith.constant 2 : i32
      %add3A_342 = arith.addi %add3A_323, %add3A_341 : i32
      %lt3A_343 = arith.constant 200 : i32
      %lt3A_344 = arith.cmpi slt, %add3A_342, %lt3A_343 : i32
      %convert_element_type3A_345 = arith.extui %lt3A_344 : i1 to i32
      %cond3A_346 = arith.constant 0 : i32
      %cond3A_347 = arith.cmpi ne, %convert_element_type3A_345, %cond3A_346 : i32
      scf.if %cond3A_347 {
        %add3A_864 = arith.constant 2 : i32
        %add3A_865 = arith.addi %add3A_323, %add3A_864 : i32
        %dma_wait3A_866 = tpu.memref_slice %arg2[%add3A_865, %mul3A_2] : memref<200x4096xi32, #tpu.memory_space<hbm>> -> memref<1x128xi32, #tpu.memory_space<hbm>>
        %dma_wait3A_867 = tpu.memref_squeeze %dma_wait3A_866 : memref<1x128xi32, #tpu.memory_space<hbm>> -> memref<128xi32, #tpu.memory_space<hbm>>
        %dma_wait3A_868 = tpu.memref_slice %arg2[%add3A_865, %mul3A_2] : memref<200x4096xi32, #tpu.memory_space<hbm>> -> memref<1x128xi32, #tpu.memory_space<hbm>>
        %dma_wait3A_869 = tpu.memref_squeeze %dma_wait3A_868 : memref<1x128xi32, #tpu.memory_space<hbm>> -> memref<128xi32, #tpu.memory_space<hbm>>
        tpu.wait_dma2 semaphore(%arg31 : memref<!tpu.dma_semaphore, #tpu.memory_space<semaphore_mem>>) src(%dma_wait3A_869 : memref<128xi32, #tpu.memory_space<hbm>>) dst(%arg27 : memref<128xi32, #tpu.memory_space<vmem>>)
        %dma_wait3A_870 = arith.constant 0 : i32
        %dma_wait3A_871 = tpu.memref_slice %arg4[%add3A_865, %dma_wait3A_870] : memref<200x128xf32, #tpu.memory_space<hbm>> -> memref<1x128xf32, #tpu.memory_space<hbm>>
        %dma_wait3A_872 = tpu.memref_squeeze %dma_wait3A_871 : memref<1x128xf32, #tpu.memory_space<hbm>> -> memref<128xf32, #tpu.memory_space<hbm>>
        %dma_wait3A_873 = arith.constant 0 : i32
        %dma_wait3A_874 = tpu.memref_slice %arg4[%add3A_865, %dma_wait3A_873] : memref<200x128xf32, #tpu.memory_space<hbm>> -> memref<1x128xf32, #tpu.memory_space<hbm>>
        %dma_wait3A_875 = tpu.memref_squeeze %dma_wait3A_874 : memref<1x128xf32, #tpu.memory_space<hbm>> -> memref<128xf32, #tpu.memory_space<hbm>>
        tpu.wait_dma2 semaphore(%arg31 : memref<!tpu.dma_semaphore, #tpu.memory_space<semaphore_mem>>) src(%dma_wait3A_875 : memref<128xf32, #tpu.memory_space<hbm>>) dst(%arg28 : memref<128xf32, #tpu.memory_space<vmem>>)
        %dma_start3A_876 = arith.constant 0 : i32
        %dma_start3A_877 = arith.constant 0 : i32
        %dma_start3A_878 = tpu.memref_slice %arg3[%dma_start3A_876, %dma_start3A_877] : memref<1000000x128xf32, #tpu.memory_space<hbm>> -> memref<1000000x128xf32, #tpu.memory_space<hbm>>
        tpu.enqueue_indirect_dma source(%dma_start3A_878 : memref<1000000x128xf32, #tpu.memory_space<hbm>>) target(%arg30 : memref<128x128xf32, #tpu.memory_space<vmem>>) offsets(%arg27 : memref<128xi32, #tpu.memory_space<vmem>>) semaphore(%arg32 : memref<!tpu.dma_semaphore, #tpu.memory_space<semaphore_mem>>)
      } else {
      }
      %dma_wait3A_348 = arith.constant 0 : i32
      %dma_wait3A_349 = arith.constant 0 : i32
      %dma_wait3A_350 = tpu.memref_slice %arg3[%dma_wait3A_348, %dma_wait3A_349] : memref<1000000x128xf32, #tpu.memory_space<hbm>> -> memref<1000000x128xf32, #tpu.memory_space<hbm>>
      tpu.wait_indirect_dma semaphore(%arg18 : memref<!tpu.dma_semaphore, #tpu.memory_space<semaphore_mem>>) src(%dma_wait3A_350 : memref<1000000x128xf32, #tpu.memory_space<hbm>>) dst(%arg16 : memref<128x128xf32, #tpu.memory_space<vmem>>)
      %get3A_351 = arith.constant 0 : index
      %get3A_352 = tpu.vector_load %arg14[%get3A_351] {strides = array<i32>} : memref<128xf32, #tpu.memory_space<vmem>>, vector<16xf32>,
      %get3A_353 = vector.shape_cast %get3A_352 : vector<16xf32> to vector<16xf32>
      %get3A_354 = arith.constant 16 : index
      %get3A_355 = tpu.vector_load %arg14[%get3A_354] {strides = array<i32>} : memref<128xf32, #tpu.memory_space<vmem>>, vector<16xf32>,
      %get3A_356 = vector.shape_cast %get3A_355 : vector<16xf32> to vector<16xf32>
      %get3A_357 = arith.constant 32 : index
      %get3A_358 = tpu.vector_load %arg14[%get3A_357] {strides = array<i32>} : memref<128xf32, #tpu.memory_space<vmem>>, vector<16xf32>,
      %get3A_359 = vector.shape_cast %get3A_358 : vector<16xf32> to vector<16xf32>
      %get3A_360 = arith.constant 48 : index
      %get3A_361 = tpu.vector_load %arg14[%get3A_360] {strides = array<i32>} : memref<128xf32, #tpu.memory_space<vmem>>, vector<16xf32>,
      %get3A_362 = vector.shape_cast %get3A_361 : vector<16xf32> to vector<16xf32>
      %get3A_363 = arith.constant 64 : index
      %get3A_364 = tpu.vector_load %arg14[%get3A_363] {strides = array<i32>} : memref<128xf32, #tpu.memory_space<vmem>>, vector<16xf32>,
      %get3A_365 = vector.shape_cast %get3A_364 : vector<16xf32> to vector<16xf32>
      %get3A_366 = arith.constant 80 : index
      %get3A_367 = tpu.vector_load %arg14[%get3A_366] {strides = array<i32>} : memref<128xf32, #tpu.memory_space<vmem>>, vector<16xf32>,
      %get3A_368 = vector.shape_cast %get3A_367 : vector<16xf32> to vector<16xf32>
      %get3A_369 = arith.constant 96 : index
      %get3A_370 = tpu.vector_load %arg14[%get3A_369] {strides = array<i32>} : memref<128xf32, #tpu.memory_space<vmem>>, vector<16xf32>,
      %get3A_371 = vector.shape_cast %get3A_370 : vector<16xf32> to vector<16xf32>
      %get3A_372 = arith.constant 112 : index
      %get3A_373 = tpu.vector_load %arg14[%get3A_372] {strides = array<i32>} : memref<128xf32, #tpu.memory_space<vmem>>, vector<16xf32>,
      %get3A_374 = vector.shape_cast %get3A_373 : vector<16xf32> to vector<16xf32>
      %get3A_375 = arith.constant 0 : index
      %get3A_376 = tpu.vector_load %arg41[%get3A_375] {strides = array<i32>} : memref<128xi32, #tpu.memory_space<vmem>>, vector<16xi32>,
      %get3A_377 = vector.shape_cast %get3A_376 : vector<16xi32> to vector<16xi32>
      %add3A_378 = vector.broadcast %add3A_323 : i32 to vector<16xi32>
      %add3A_379 = arith.addi %get3A_377, %add3A_378 : vector<16xi32>
      %swap3A_380 = arith.constant 0 : index
      %swap3A_381 = tpu.vector_load %arg15[%swap3A_380] {strides = array<i32>} : memref<128xi32, #tpu.memory_space<vmem>>, vector<16xi32>,
      %swap3A_382 = vector.shape_cast %swap3A_381 : vector<16xi32> to vector<16xi32>
      %swap3A_383 = vector.shape_cast %add3A_379 : vector<16xi32> to vector<16xi32>
      tpu.vector_store %arg15[%swap3A_380], %swap3A_383 {strides = array<i32>} : memref<128xi32, #tpu.memory_space<vmem>>, vector<16xi32>,
      %get3A_384 = arith.constant 16 : index
      %get3A_385 = tpu.vector_load %arg41[%get3A_384] {strides = array<i32>} : memref<128xi32, #tpu.memory_space<vmem>>, vector<16xi32>,
      %get3A_386 = vector.shape_cast %get3A_385 : vector<16xi32> to vector<16xi32>
      %add3A_387 = vector.broadcast %add3A_323 : i32 to vector<16xi32>
      %add3A_388 = arith.addi %get3A_386, %add3A_387 : vector<16xi32>
      %swap3A_389 = arith.constant 16 : index
      %swap3A_390 = tpu.vector_load %arg15[%swap3A_389] {strides = array<i32>} : memref<128xi32, #tpu.memory_space<vmem>>, vector<16xi32>,
      %swap3A_391 = vector.shape_cast %swap3A_390 : vector<16xi32> to vector<16xi32>
      %swap3A_392 = vector.shape_cast %add3A_388 : vector<16xi32> to vector<16xi32>
      tpu.vector_store %arg15[%swap3A_389], %swap3A_392 {strides = array<i32>} : memref<128xi32, #tpu.memory_space<vmem>>, vector<16xi32>,
      %get3A_393 = arith.constant 32 : index
      %get3A_394 = tpu.vector_load %arg41[%get3A_393] {strides = array<i32>} : memref<128xi32, #tpu.memory_space<vmem>>, vector<16xi32>,
      %get3A_395 = vector.shape_cast %get3A_394 : vector<16xi32> to vector<16xi32>
      %add3A_396 = vector.broadcast %add3A_323 : i32 to vector<16xi32>
      %add3A_397 = arith.addi %get3A_395, %add3A_396 : vector<16xi32>
      %swap3A_398 = arith.constant 32 : index
      %swap3A_399 = tpu.vector_load %arg15[%swap3A_398] {strides = array<i32>} : memref<128xi32, #tpu.memory_space<vmem>>, vector<16xi32>,
      %swap3A_400 = vector.shape_cast %swap3A_399 : vector<16xi32> to vector<16xi32>
      %swap3A_401 = vector.shape_cast %add3A_397 : vector<16xi32> to vector<16xi32>
      tpu.vector_store %arg15[%swap3A_398], %swap3A_401 {strides = array<i32>} : memref<128xi32, #tpu.memory_space<vmem>>, vector<16xi32>,
      %get3A_402 = arith.constant 48 : index
      %get3A_403 = tpu.vector_load %arg41[%get3A_402] {strides = array<i32>} : memref<128xi32, #tpu.memory_space<vmem>>, vector<16xi32>,
      %get3A_404 = vector.shape_cast %get3A_403 : vector<16xi32> to vector<16xi32>
      %add3A_405 = vector.broadcast %add3A_323 : i32 to vector<16xi32>
      %add3A_406 = arith.addi %get3A_404, %add3A_405 : vector<16xi32>
      %swap3A_407 = arith.constant 48 : index
      %swap3A_408 = tpu.vector_load %arg15[%swap3A_407] {strides = array<i32>} : memref<128xi32, #tpu.memory_space<vmem>>, vector<16xi32>,
      %swap3A_409 = vector.shape_cast %swap3A_408 : vector<16xi32> to vector<16xi32>
      %swap3A_410 = vector.shape_cast %add3A_406 : vector<16xi32> to vector<16xi32>
      tpu.vector_store %arg15[%swap3A_407], %swap3A_410 {strides = array<i32>} : memref<128xi32, #tpu.memory_space<vmem>>, vector<16xi32>,
      %get3A_411 = arith.constant 64 : index
      %get3A_412 = tpu.vector_load %arg41[%get3A_411] {strides = array<i32>} : memref<128xi32, #tpu.memory_space<vmem>>, vector<16xi32>,
      %get3A_413 = vector.shape_cast %get3A_412 : vector<16xi32> to vector<16xi32>
      %add3A_414 = vector.broadcast %add3A_323 : i32 to vector<16xi32>
      %add3A_415 = arith.addi %get3A_413, %add3A_414 : vector<16xi32>
      %swap3A_416 = arith.constant 64 : index
      %swap3A_417 = tpu.vector_load %arg15[%swap3A_416] {strides = array<i32>} : memref<128xi32, #tpu.memory_space<vmem>>, vector<16xi32>,
      %swap3A_418 = vector.shape_cast %swap3A_417 : vector<16xi32> to vector<16xi32>
      %swap3A_419 = vector.shape_cast %add3A_415 : vector<16xi32> to vector<16xi32>
      tpu.vector_store %arg15[%swap3A_416], %swap3A_419 {strides = array<i32>} : memref<128xi32, #tpu.memory_space<vmem>>, vector<16xi32>,
      %get3A_420 = arith.constant 80 : index
      %get3A_421 = tpu.vector_load %arg41[%get3A_420] {strides = array<i32>} : memref<128xi32, #tpu.memory_space<vmem>>, vector<16xi32>,
      %get3A_422 = vector.shape_cast %get3A_421 : vector<16xi32> to vector<16xi32>
      %add3A_423 = vector.broadcast %add3A_323 : i32 to vector<16xi32>
      %add3A_424 = arith.addi %get3A_422, %add3A_423 : vector<16xi32>
      %swap3A_425 = arith.constant 80 : index
      %swap3A_426 = tpu.vector_load %arg15[%swap3A_425] {strides = array<i32>} : memref<128xi32, #tpu.memory_space<vmem>>, vector<16xi32>,
      %swap3A_427 = vector.shape_cast %swap3A_426 : vector<16xi32> to vector<16xi32>
      %swap3A_428 = vector.shape_cast %add3A_424 : vector<16xi32> to vector<16xi32>
      tpu.vector_store %arg15[%swap3A_425], %swap3A_428 {strides = array<i32>} : memref<128xi32, #tpu.memory_space<vmem>>, vector<16xi32>,
      %get3A_429 = arith.constant 96 : index
      %get3A_430 = tpu.vector_load %arg41[%get3A_429] {strides = array<i32>} : memref<128xi32, #tpu.memory_space<vmem>>, vector<16xi32>,
      %get3A_431 = vector.shape_cast %get3A_430 : vector<16xi32> to vector<16xi32>
      %add3A_432 = vector.broadcast %add3A_323 : i32 to vector<16xi32>
      %add3A_433 = arith.addi %get3A_431, %add3A_432 : vector<16xi32>
      %swap3A_434 = arith.constant 96 : index
      %swap3A_435 = tpu.vector_load %arg15[%swap3A_434] {strides = array<i32>} : memref<128xi32, #tpu.memory_space<vmem>>, vector<16xi32>,
      %swap3A_436 = vector.shape_cast %swap3A_435 : vector<16xi32> to vector<16xi32>
      %swap3A_437 = vector.shape_cast %add3A_433 : vector<16xi32> to vector<16xi32>
      tpu.vector_store %arg15[%swap3A_434], %swap3A_437 {strides = array<i32>} : memref<128xi32, #tpu.memory_space<vmem>>, vector<16xi32>,
      %get3A_438 = arith.constant 112 : index
      %get3A_439 = tpu.vector_load %arg41[%get3A_438] {strides = array<i32>} : memref<128xi32, #tpu.memory_space<vmem>>, vector<16xi32>,
      %get3A_440 = vector.shape_cast %get3A_439 : vector<16xi32> to vector<16xi32>
      %add3A_441 = vector.broadcast %add3A_323 : i32 to vector<16xi32>
      %add3A_442 = arith.addi %get3A_440, %add3A_441 : vector<16xi32>
      %swap3A_443 = arith.constant 112 : index
      %swap3A_444 = tpu.vector_load %arg15[%swap3A_443] {strides = array<i32>} : memref<128xi32, #tpu.memory_space<vmem>>, vector<16xi32>,
      %swap3A_445 = vector.shape_cast %swap3A_444 : vector<16xi32> to vector<16xi32>
      %swap3A_446 = vector.shape_cast %add3A_442 : vector<16xi32> to vector<16xi32>
      tpu.vector_store %arg15[%swap3A_443], %swap3A_446 {strides = array<i32>} : memref<128xi32, #tpu.memory_space<vmem>>, vector<16xi32>,
      %scan3A_447 = arith.constant 0 : i32
      %scan3A_448 = arith.constant 0 : i32
      %scan3A_449 = arith.constant 32 : i32
      %scan3A_450 = arith.addi %scan3A_448, %scan3A_449 : i32
      %scan3A_451 = arith.constant 1 : i32
      scf.for %scan3A_864 = %scan3A_448 to %scan3A_450 step %scan3A_451  : i32 {
        %mul3A_865 = arith.constant 4 : i32
        %mul3A_866 = arith.muli %scan3A_864, %mul3A_865 : i32
        %add3A_867 = arith.constant 0 : i32
        %add3A_868 = arith.addi %mul3A_866, %add3A_867 : i32
        %get3A_869 = arith.index_cast %add3A_868 : i32 to index
        %get3A_870 = arith.constant 0 : index
        %get3A_871 = tpu.vector_load %arg16[%get3A_869, %get3A_870] {strides = array<i32>} : memref<128x128xf32, #tpu.memory_space<vmem>>, vector<1x16xf32>,
        %get3A_872 = vector.shape_cast %get3A_871 : vector<1x16xf32> to vector<16xf32>
        %add3A_873 = arith.addf %get3A_872, %get3A_353 : vector<16xf32>
        %swap3A_874 = arith.index_cast %add3A_868 : i32 to index
        %swap3A_875 = arith.constant 0 : index
        %swap3A_876 = tpu.vector_load %arg16[%swap3A_874, %swap3A_875] {strides = array<i32>} : memref<128x128xf32, #tpu.memory_space<vmem>>, vector<1x16xf32>,
        %swap3A_877 = vector.shape_cast %swap3A_876 : vector<1x16xf32> to vector<16xf32>
        %swap3A_878 = vector.shape_cast %add3A_873 : vector<16xf32> to vector<1x16xf32>
        tpu.vector_store %arg16[%swap3A_874, %swap3A_875], %swap3A_878 {strides = array<i32>} : memref<128x128xf32, #tpu.memory_space<vmem>>, vector<1x16xf32>,
        %get3A_879 = arith.index_cast %add3A_868 : i32 to index
        %get3A_880 = arith.constant 16 : index
        %get3A_881 = tpu.vector_load %arg16[%get3A_879, %get3A_880] {strides = array<i32>} : memref<128x128xf32, #tpu.memory_space<vmem>>, vector<1x16xf32>,
        %get3A_882 = vector.shape_cast %get3A_881 : vector<1x16xf32> to vector<16xf32>
        %add3A_883 = arith.addf %get3A_882, %get3A_356 : vector<16xf32>
        %swap3A_884 = arith.index_cast %add3A_868 : i32 to index
        %swap3A_885 = arith.constant 16 : index
        %swap3A_886 = tpu.vector_load %arg16[%swap3A_884, %swap3A_885] {strides = array<i32>} : memref<128x128xf32, #tpu.memory_space<vmem>>, vector<1x16xf32>,
        %swap3A_887 = vector.shape_cast %swap3A_886 : vector<1x16xf32> to vector<16xf32>
        %swap3A_888 = vector.shape_cast %add3A_883 : vector<16xf32> to vector<1x16xf32>
        tpu.vector_store %arg16[%swap3A_884, %swap3A_885], %swap3A_888 {strides = array<i32>} : memref<128x128xf32, #tpu.memory_space<vmem>>, vector<1x16xf32>,
        %get3A_889 = arith.index_cast %add3A_868 : i32 to index
        %get3A_890 = arith.constant 32 : index
        %get3A_891 = tpu.vector_load %arg16[%get3A_889, %get3A_890] {strides = array<i32>} : memref<128x128xf32, #tpu.memory_space<vmem>>, vector<1x16xf32>,
        %get3A_892 = vector.shape_cast %get3A_891 : vector<1x16xf32> to vector<16xf32>
        %add3A_893 = arith.addf %get3A_892, %get3A_359 : vector<16xf32>
        %swap3A_894 = arith.index_cast %add3A_868 : i32 to index
        %swap3A_895 = arith.constant 32 : index
        %swap3A_896 = tpu.vector_load %arg16[%swap3A_894, %swap3A_895] {strides = array<i32>} : memref<128x128xf32, #tpu.memory_space<vmem>>, vector<1x16xf32>,
        %swap3A_897 = vector.shape_cast %swap3A_896 : vector<1x16xf32> to vector<16xf32>
        %swap3A_898 = vector.shape_cast %add3A_893 : vector<16xf32> to vector<1x16xf32>
        tpu.vector_store %arg16[%swap3A_894, %swap3A_895], %swap3A_898 {strides = array<i32>} : memref<128x128xf32, #tpu.memory_space<vmem>>, vector<1x16xf32>,
        %get3A_899 = arith.index_cast %add3A_868 : i32 to index
        %get3A_900 = arith.constant 48 : index
        %get3A_901 = tpu.vector_load %arg16[%get3A_899, %get3A_900] {strides = array<i32>} : memref<128x128xf32, #tpu.memory_space<vmem>>, vector<1x16xf32>,
        %get3A_902 = vector.shape_cast %get3A_901 : vector<1x16xf32> to vector<16xf32>
        %add3A_903 = arith.addf %get3A_902, %get3A_362 : vector<16xf32>
        %swap3A_904 = arith.index_cast %add3A_868 : i32 to index
        %swap3A_905 = arith.constant 48 : index
        %swap3A_906 = tpu.vector_load %arg16[%swap3A_904, %swap3A_905] {strides = array<i32>} : memref<128x128xf32, #tpu.memory_space<vmem>>, vector<1x16xf32>,
        %swap3A_907 = vector.shape_cast %swap3A_906 : vector<1x16xf32> to vector<16xf32>
        %swap3A_908 = vector.shape_cast %add3A_903 : vector<16xf32> to vector<1x16xf32>
        tpu.vector_store %arg16[%swap3A_904, %swap3A_905], %swap3A_908 {strides = array<i32>} : memref<128x128xf32, #tpu.memory_space<vmem>>, vector<1x16xf32>,
        %get3A_909 = arith.index_cast %add3A_868 : i32 to index
        %get3A_910 = arith.constant 64 : index
        %get3A_911 = tpu.vector_load %arg16[%get3A_909, %get3A_910] {strides = array<i32>} : memref<128x128xf32, #tpu.memory_space<vmem>>, vector<1x16xf32>,
        %get3A_912 = vector.shape_cast %get3A_911 : vector<1x16xf32> to vector<16xf32>
        %add3A_913 = arith.addf %get3A_912, %get3A_365 : vector<16xf32>
        %swap3A_914 = arith.index_cast %add3A_868 : i32 to index
        %swap3A_915 = arith.constant 64 : index
        %swap3A_916 = tpu.vector_load %arg16[%swap3A_914, %swap3A_915] {strides = array<i32>} : memref<128x128xf32, #tpu.memory_space<vmem>>, vector<1x16xf32>,
        %swap3A_917 = vector.shape_cast %swap3A_916 : vector<1x16xf32> to vector<16xf32>
        %swap3A_918 = vector.shape_cast %add3A_913 : vector<16xf32> to vector<1x16xf32>
        tpu.vector_store %arg16[%swap3A_914, %swap3A_915], %swap3A_918 {strides = array<i32>} : memref<128x128xf32, #tpu.memory_space<vmem>>, vector<1x16xf32>,
        %get3A_919 = arith.index_cast %add3A_868 : i32 to index
        %get3A_920 = arith.constant 80 : index
        %get3A_921 = tpu.vector_load %arg16[%get3A_919, %get3A_920] {strides = array<i32>} : memref<128x128xf32, #tpu.memory_space<vmem>>, vector<1x16xf32>,
        %get3A_922 = vector.shape_cast %get3A_921 : vector<1x16xf32> to vector<16xf32>
        %add3A_923 = arith.addf %get3A_922, %get3A_368 : vector<16xf32>
        %swap3A_924 = arith.index_cast %add3A_868 : i32 to index
        %swap3A_925 = arith.constant 80 : index
        %swap3A_926 = tpu.vector_load %arg16[%swap3A_924, %swap3A_925] {strides = array<i32>} : memref<128x128xf32, #tpu.memory_space<vmem>>, vector<1x16xf32>,
        %swap3A_927 = vector.shape_cast %swap3A_926 : vector<1x16xf32> to vector<16xf32>
        %swap3A_928 = vector.shape_cast %add3A_923 : vector<16xf32> to vector<1x16xf32>
        tpu.vector_store %arg16[%swap3A_924, %swap3A_925], %swap3A_928 {strides = array<i32>} : memref<128x128xf32, #tpu.memory_space<vmem>>, vector<1x16xf32>,
        %get3A_929 = arith.index_cast %add3A_868 : i32 to index
        %get3A_930 = arith.constant 96 : index
        %get3A_931 = tpu.vector_load %arg16[%get3A_929, %get3A_930] {strides = array<i32>} : memref<128x128xf32, #tpu.memory_space<vmem>>, vector<1x16xf32>,
        %get3A_932 = vector.shape_cast %get3A_931 : vector<1x16xf32> to vector<16xf32>
        %add3A_933 = arith.addf %get3A_932, %get3A_371 : vector<16xf32>
        %swap3A_934 = arith.index_cast %add3A_868 : i32 to index
        %swap3A_935 = arith.constant 96 : index
        %swap3A_936 = tpu.vector_load %arg16[%swap3A_934, %swap3A_935] {strides = array<i32>} : memref<128x128xf32, #tpu.memory_space<vmem>>, vector<1x16xf32>,
        %swap3A_937 = vector.shape_cast %swap3A_936 : vector<1x16xf32> to vector<16xf32>
        %swap3A_938 = vector.shape_cast %add3A_933 : vector<16xf32> to vector<1x16xf32>
        tpu.vector_store %arg16[%swap3A_934, %swap3A_935], %swap3A_938 {strides = array<i32>} : memref<128x128xf32, #tpu.memory_space<vmem>>, vector<1x16xf32>,
        %get3A_939 = arith.index_cast %add3A_868 : i32 to index
        %get3A_940 = arith.constant 112 : index
        %get3A_941 = tpu.vector_load %arg16[%get3A_939, %get3A_940] {strides = array<i32>} : memref<128x128xf32, #tpu.memory_space<vmem>>, vector<1x16xf32>,
        %get3A_942 = vector.shape_cast %get3A_941 : vector<1x16xf32> to vector<16xf32>
        %add3A_943 = arith.addf %get3A_942, %get3A_374 : vector<16xf32>
        %swap3A_944 = arith.index_cast %add3A_868 : i32 to index
        %swap3A_945 = arith.constant 112 : index
        %swap3A_946 = tpu.vector_load %arg16[%swap3A_944, %swap3A_945] {strides = array<i32>} : memref<128x128xf32, #tpu.memory_space<vmem>>, vector<1x16xf32>,
        %swap3A_947 = vector.shape_cast %swap3A_946 : vector<1x16xf32> to vector<16xf32>
        %swap3A_948 = vector.shape_cast %add3A_943 : vector<16xf32> to vector<1x16xf32>
        tpu.vector_store %arg16[%swap3A_944, %swap3A_945], %swap3A_948 {strides = array<i32>} : memref<128x128xf32, #tpu.memory_space<vmem>>, vector<1x16xf32>,
        %mul3A_949 = arith.constant 4 : i32
        %mul3A_950 = arith.muli %scan3A_864, %mul3A_949 : i32
        %add3A_951 = arith.constant 1 : i32
        %add3A_952 = arith.addi %mul3A_950, %add3A_951 : i32
        %get3A_953 = arith.index_cast %add3A_952 : i32 to index
        %get3A_954 = arith.constant 0 : index
        %get3A_955 = tpu.vector_load %arg16[%get3A_953, %get3A_954] {strides = array<i32>} : memref<128x128xf32, #tpu.memory_space<vmem>>, vector<1x16xf32>,
        %get3A_956 = vector.shape_cast %get3A_955 : vector<1x16xf32> to vector<16xf32>
        %add3A_957 = arith.addf %get3A_956, %get3A_353 : vector<16xf32>
        %swap3A_958 = arith.index_cast %add3A_952 : i32 to index
        %swap3A_959 = arith.constant 0 : index
        %swap3A_960 = tpu.vector_load %arg16[%swap3A_958, %swap3A_959] {strides = array<i32>} : memref<128x128xf32, #tpu.memory_space<vmem>>, vector<1x16xf32>,
        %swap3A_961 = vector.shape_cast %swap3A_960 : vector<1x16xf32> to vector<16xf32>
        %swap3A_962 = vector.shape_cast %add3A_957 : vector<16xf32> to vector<1x16xf32>
        tpu.vector_store %arg16[%swap3A_958, %swap3A_959], %swap3A_962 {strides = array<i32>} : memref<128x128xf32, #tpu.memory_space<vmem>>, vector<1x16xf32>,
        %get3A_963 = arith.index_cast %add3A_952 : i32 to index
        %get3A_964 = arith.constant 16 : index
        %get3A_965 = tpu.vector_load %arg16[%get3A_963, %get3A_964] {strides = array<i32>} : memref<128x128xf32, #tpu.memory_space<vmem>>, vector<1x16xf32>,
        %get3A_966 = vector.shape_cast %get3A_965 : vector<1x16xf32> to vector<16xf32>
        %add3A_967 = arith.addf %get3A_966, %get3A_356 : vector<16xf32>
        %swap3A_968 = arith.index_cast %add3A_952 : i32 to index
        %swap3A_969 = arith.constant 16 : index
        %swap3A_970 = tpu.vector_load %arg16[%swap3A_968, %swap3A_969] {strides = array<i32>} : memref<128x128xf32, #tpu.memory_space<vmem>>, vector<1x16xf32>,
        %swap3A_971 = vector.shape_cast %swap3A_970 : vector<1x16xf32> to vector<16xf32>
        %swap3A_972 = vector.shape_cast %add3A_967 : vector<16xf32> to vector<1x16xf32>
        tpu.vector_store %arg16[%swap3A_968, %swap3A_969], %swap3A_972 {strides = array<i32>} : memref<128x128xf32, #tpu.memory_space<vmem>>, vector<1x16xf32>,
        %get3A_973 = arith.index_cast %add3A_952 : i32 to index
        %get3A_974 = arith.constant 32 : index
        %get3A_975 = tpu.vector_load %arg16[%get3A_973, %get3A_974] {strides = array<i32>} : memref<128x128xf32, #tpu.memory_space<vmem>>, vector<1x16xf32>,
        %get3A_976 = vector.shape_cast %get3A_975 : vector<1x16xf32> to vector<16xf32>
        %add3A_977 = arith.addf %get3A_976, %get3A_359 : vector<16xf32>
        %swap3A_978 = arith.index_cast %add3A_952 : i32 to index
        %swap3A_979 = arith.constant 32 : index
        %swap3A_980 = tpu.vector_load %arg16[%swap3A_978, %swap3A_979] {strides = array<i32>} : memref<128x128xf32, #tpu.memory_space<vmem>>, vector<1x16xf32>,
        %swap3A_981 = vector.shape_cast %swap3A_980 : vector<1x16xf32> to vector<16xf32>
        %swap3A_982 = vector.shape_cast %add3A_977 : vector<16xf32> to vector<1x16xf32>
        tpu.vector_store %arg16[%swap3A_978, %swap3A_979], %swap3A_982 {strides = array<i32>} : memref<128x128xf32, #tpu.memory_space<vmem>>, vector<1x16xf32>,
        %get3A_983 = arith.index_cast %add3A_952 : i32 to index
        %get3A_984 = arith.constant 48 : index
        %get3A_985 = tpu.vector_load %arg16[%get3A_983, %get3A_984] {strides = array<i32>} : memref<128x128xf32, #tpu.memory_space<vmem>>, vector<1x16xf32>,
        %get3A_986 = vector.shape_cast %get3A_985 : vector<1x16xf32> to vector<16xf32>
        %add3A_987 = arith.addf %get3A_986, %get3A_362 : vector<16xf32>
        %swap3A_988 = arith.index_cast %add3A_952 : i32 to index
        %swap3A_989 = arith.constant 48 : index
        %swap3A_990 = tpu.vector_load %arg16[%swap3A_988, %swap3A_989] {strides = array<i32>} : memref<128x128xf32, #tpu.memory_space<vmem>>, vector<1x16xf32>,
        %swap3A_991 = vector.shape_cast %swap3A_990 : vector<1x16xf32> to vector<16xf32>
        %swap3A_992 = vector.shape_cast %add3A_987 : vector<16xf32> to vector<1x16xf32>
        tpu.vector_store %arg16[%swap3A_988, %swap3A_989], %swap3A_992 {strides = array<i32>} : memref<128x128xf32, #tpu.memory_space<vmem>>, vector<1x16xf32>,
        %get3A_993 = arith.index_cast %add3A_952 : i32 to index
        %get3A_994 = arith.constant 64 : index
        %get3A_995 = tpu.vector_load %arg16[%get3A_993, %get3A_994] {strides = array<i32>} : memref<128x128xf32, #tpu.memory_space<vmem>>, vector<1x16xf32>,
        %get3A_996 = vector.shape_cast %get3A_995 : vector<1x16xf32> to vector<16xf32>
        %add3A_997 = arith.addf %get3A_996, %get3A_365 : vector<16xf32>
        %swap3A_998 = arith.index_cast %add3A_952 : i32 to index
        %swap3A_999 = arith.constant 64 : index
        %swap3A_1000 = tpu.vector_load %arg16[%swap3A_998, %swap3A_999] {strides = array<i32>} : memref<128x128xf32, #tpu.memory_space<vmem>>, vector<1x16xf32>,
        %swap3A_1001 = vector.shape_cast %swap3A_1000 : vector<1x16xf32> to vector<16xf32>
        %swap3A_1002 = vector.shape_cast %add3A_997 : vector<16xf32> to vector<1x16xf32>
        tpu.vector_store %arg16[%swap3A_998, %swap3A_999], %swap3A_1002 {strides = array<i32>} : memref<128x128xf32, #tpu.memory_space<vmem>>, vector<1x16xf32>,
        %get3A_1003 = arith.index_cast %add3A_952 : i32 to index
        %get3A_1004 = arith.constant 80 : index
        %get3A_1005 = tpu.vector_load %arg16[%get3A_1003, %get3A_1004] {strides = array<i32>} : memref<128x128xf32, #tpu.memory_space<vmem>>, vector<1x16xf32>,
        %get3A_1006 = vector.shape_cast %get3A_1005 : vector<1x16xf32> to vector<16xf32>
        %add3A_1007 = arith.addf %get3A_1006, %get3A_368 : vector<16xf32>
        %swap3A_1008 = arith.index_cast %add3A_952 : i32 to index
        %swap3A_1009 = arith.constant 80 : index
        %swap3A_1010 = tpu.vector_load %arg16[%swap3A_1008, %swap3A_1009] {strides = array<i32>} : memref<128x128xf32, #tpu.memory_space<vmem>>, vector<1x16xf32>,
        %swap3A_1011 = vector.shape_cast %swap3A_1010 : vector<1x16xf32> to vector<16xf32>
        %swap3A_1012 = vector.shape_cast %add3A_1007 : vector<16xf32> to vector<1x16xf32>
        tpu.vector_store %arg16[%swap3A_1008, %swap3A_1009], %swap3A_1012 {strides = array<i32>} : memref<128x128xf32, #tpu.memory_space<vmem>>, vector<1x16xf32>,
        %get3A_1013 = arith.index_cast %add3A_952 : i32 to index
        %get3A_1014 = arith.constant 96 : index
        %get3A_1015 = tpu.vector_load %arg16[%get3A_1013, %get3A_1014] {strides = array<i32>} : memref<128x128xf32, #tpu.memory_space<vmem>>, vector<1x16xf32>,
        %get3A_1016 = vector.shape_cast %get3A_1015 : vector<1x16xf32> to vector<16xf32>
        %add3A_1017 = arith.addf %get3A_1016, %get3A_371 : vector<16xf32>
        %swap3A_1018 = arith.index_cast %add3A_952 : i32 to index
        %swap3A_1019 = arith.constant 96 : index
        %swap3A_1020 = tpu.vector_load %arg16[%swap3A_1018, %swap3A_1019] {strides = array<i32>} : memref<128x128xf32, #tpu.memory_space<vmem>>, vector<1x16xf32>,
        %swap3A_1021 = vector.shape_cast %swap3A_1020 : vector<1x16xf32> to vector<16xf32>
        %swap3A_1022 = vector.shape_cast %add3A_1017 : vector<16xf32> to vector<1x16xf32>
        tpu.vector_store %arg16[%swap3A_1018, %swap3A_1019], %swap3A_1022 {strides = array<i32>} : memref<128x128xf32, #tpu.memory_space<vmem>>, vector<1x16xf32>,
        %get3A_1023 = arith.index_cast %add3A_952 : i32 to index
        %get3A_1024 = arith.constant 112 : index
        %get3A_1025 = tpu.vector_load %arg16[%get3A_1023, %get3A_1024] {strides = array<i32>} : memref<128x128xf32, #tpu.memory_space<vmem>>, vector<1x16xf32>,
        %get3A_1026 = vector.shape_cast %get3A_1025 : vector<1x16xf32> to vector<16xf32>
        %add3A_1027 = arith.addf %get3A_1026, %get3A_374 : vector<16xf32>
        %swap3A_1028 = arith.index_cast %add3A_952 : i32 to index
        %swap3A_1029 = arith.constant 112 : index
        %swap3A_1030 = tpu.vector_load %arg16[%swap3A_1028, %swap3A_1029] {strides = array<i32>} : memref<128x128xf32, #tpu.memory_space<vmem>>, vector<1x16xf32>,
        %swap3A_1031 = vector.shape_cast %swap3A_1030 : vector<1x16xf32> to vector<16xf32>
        %swap3A_1032 = vector.shape_cast %add3A_1027 : vector<16xf32> to vector<1x16xf32>
        tpu.vector_store %arg16[%swap3A_1028, %swap3A_1029], %swap3A_1032 {strides = array<i32>} : memref<128x128xf32, #tpu.memory_space<vmem>>, vector<1x16xf32>,
        %mul3A_1033 = arith.constant 4 : i32
        %mul3A_1034 = arith.muli %scan3A_864, %mul3A_1033 : i32
        %add3A_1035 = arith.constant 2 : i32
        %add3A_1036 = arith.addi %mul3A_1034, %add3A_1035 : i32
        %get3A_1037 = arith.index_cast %add3A_1036 : i32 to index
        %get3A_1038 = arith.constant 0 : index
        %get3A_1039 = tpu.vector_load %arg16[%get3A_1037, %get3A_1038] {strides = array<i32>} : memref<128x128xf32, #tpu.memory_space<vmem>>, vector<1x16xf32>,
        %get3A_1040 = vector.shape_cast %get3A_1039 : vector<1x16xf32> to vector<16xf32>
        %add3A_1041 = arith.addf %get3A_1040, %get3A_353 : vector<16xf32>
        %swap3A_1042 = arith.index_cast %add3A_1036 : i32 to index
        %swap3A_1043 = arith.constant 0 : index
        %swap3A_1044 = tpu.vector_load %arg16[%swap3A_1042, %swap3A_1043] {strides = array<i32>} : memref<128x128xf32, #tpu.memory_space<vmem>>, vector<1x16xf32>,
        %swap3A_1045 = vector.shape_cast %swap3A_1044 : vector<1x16xf32> to vector<16xf32>
        %swap3A_1046 = vector.shape_cast %add3A_1041 : vector<16xf32> to vector<1x16xf32>
        tpu.vector_store %arg16[%swap3A_1042, %swap3A_1043], %swap3A_1046 {strides = array<i32>} : memref<128x128xf32, #tpu.memory_space<vmem>>, vector<1x16xf32>,
        %get3A_1047 = arith.index_cast %add3A_1036 : i32 to index
        %get3A_1048 = arith.constant 16 : index
        %get3A_1049 = tpu.vector_load %arg16[%get3A_1047, %get3A_1048] {strides = array<i32>} : memref<128x128xf32, #tpu.memory_space<vmem>>, vector<1x16xf32>,
        %get3A_1050 = vector.shape_cast %get3A_1049 : vector<1x16xf32> to vector<16xf32>
        %add3A_1051 = arith.addf %get3A_1050, %get3A_356 : vector<16xf32>
        %swap3A_1052 = arith.index_cast %add3A_1036 : i32 to index
        %swap3A_1053 = arith.constant 16 : index
        %swap3A_1054 = tpu.vector_load %arg16[%swap3A_1052, %swap3A_1053] {strides = array<i32>} : memref<128x128xf32, #tpu.memory_space<vmem>>, vector<1x16xf32>,
        %swap3A_1055 = vector.shape_cast %swap3A_1054 : vector<1x16xf32> to vector<16xf32>
        %swap3A_1056 = vector.shape_cast %add3A_1051 : vector<16xf32> to vector<1x16xf32>
        tpu.vector_store %arg16[%swap3A_1052, %swap3A_1053], %swap3A_1056 {strides = array<i32>} : memref<128x128xf32, #tpu.memory_space<vmem>>, vector<1x16xf32>,
        %get3A_1057 = arith.index_cast %add3A_1036 : i32 to index
        %get3A_1058 = arith.constant 32 : index
        %get3A_1059 = tpu.vector_load %arg16[%get3A_1057, %get3A_1058] {strides = array<i32>} : memref<128x128xf32, #tpu.memory_space<vmem>>, vector<1x16xf32>,
        %get3A_1060 = vector.shape_cast %get3A_1059 : vector<1x16xf32> to vector<16xf32>
        %add3A_1061 = arith.addf %get3A_1060, %get3A_359 : vector<16xf32>
        %swap3A_1062 = arith.index_cast %add3A_1036 : i32 to index
        %swap3A_1063 = arith.constant 32 : index
        %swap3A_1064 = tpu.vector_load %arg16[%swap3A_1062, %swap3A_1063] {strides = array<i32>} : memref<128x128xf32, #tpu.memory_space<vmem>>, vector<1x16xf32>,
        %swap3A_1065 = vector.shape_cast %swap3A_1064 : vector<1x16xf32> to vector<16xf32>
        %swap3A_1066 = vector.shape_cast %add3A_1061 : vector<16xf32> to vector<1x16xf32>
        tpu.vector_store %arg16[%swap3A_1062, %swap3A_1063], %swap3A_1066 {strides = array<i32>} : memref<128x128xf32, #tpu.memory_space<vmem>>, vector<1x16xf32>,
        %get3A_1067 = arith.index_cast %add3A_1036 : i32 to index
        %get3A_1068 = arith.constant 48 : index
        %get3A_1069 = tpu.vector_load %arg16[%get3A_1067, %get3A_1068] {strides = array<i32>} : memref<128x128xf32, #tpu.memory_space<vmem>>, vector<1x16xf32>,
        %get3A_1070 = vector.shape_cast %get3A_1069 : vector<1x16xf32> to vector<16xf32>
        %add3A_1071 = arith.addf %get3A_1070, %get3A_362 : vector<16xf32>
        %swap3A_1072 = arith.index_cast %add3A_1036 : i32 to index
        %swap3A_1073 = arith.constant 48 : index
        %swap3A_1074 = tpu.vector_load %arg16[%swap3A_1072, %swap3A_1073] {strides = array<i32>} : memref<128x128xf32, #tpu.memory_space<vmem>>, vector<1x16xf32>,
        %swap3A_1075 = vector.shape_cast %swap3A_1074 : vector<1x16xf32> to vector<16xf32>
        %swap3A_1076 = vector.shape_cast %add3A_1071 : vector<16xf32> to vector<1x16xf32>
        tpu.vector_store %arg16[%swap3A_1072, %swap3A_1073], %swap3A_1076 {strides = array<i32>} : memref<128x128xf32, #tpu.memory_space<vmem>>, vector<1x16xf32>,
        %get3A_1077 = arith.index_cast %add3A_1036 : i32 to index
        %get3A_1078 = arith.constant 64 : index
        %get3A_1079 = tpu.vector_load %arg16[%get3A_1077, %get3A_1078] {strides = array<i32>} : memref<128x128xf32, #tpu.memory_space<vmem>>, vector<1x16xf32>,
        %get3A_1080 = vector.shape_cast %get3A_1079 : vector<1x16xf32> to vector<16xf32>
        %add3A_1081 = arith.addf %get3A_1080, %get3A_365 : vector<16xf32>
        %swap3A_1082 = arith.index_cast %add3A_1036 : i32 to index
        %swap3A_1083 = arith.constant 64 : index
        %swap3A_1084 = tpu.vector_load %arg16[%swap3A_1082, %swap3A_1083] {strides = array<i32>} : memref<128x128xf32, #tpu.memory_space<vmem>>, vector<1x16xf32>,
        %swap3A_1085 = vector.shape_cast %swap3A_1084 : vector<1x16xf32> to vector<16xf32>
        %swap3A_1086 = vector.shape_cast %add3A_1081 : vector<16xf32> to vector<1x16xf32>
        tpu.vector_store %arg16[%swap3A_1082, %swap3A_1083], %swap3A_1086 {strides = array<i32>} : memref<128x128xf32, #tpu.memory_space<vmem>>, vector<1x16xf32>,
        %get3A_1087 = arith.index_cast %add3A_1036 : i32 to index
        %get3A_1088 = arith.constant 80 : index
        %get3A_1089 = tpu.vector_load %arg16[%get3A_1087, %get3A_1088] {strides = array<i32>} : memref<128x128xf32, #tpu.memory_space<vmem>>, vector<1x16xf32>,
        %get3A_1090 = vector.shape_cast %get3A_1089 : vector<1x16xf32> to vector<16xf32>
        %add3A_1091 = arith.addf %get3A_1090, %get3A_368 : vector<16xf32>
        %swap3A_1092 = arith.index_cast %add3A_1036 : i32 to index
        %swap3A_1093 = arith.constant 80 : index
        %swap3A_1094 = tpu.vector_load %arg16[%swap3A_1092, %swap3A_1093] {strides = array<i32>} : memref<128x128xf32, #tpu.memory_space<vmem>>, vector<1x16xf32>,
        %swap3A_1095 = vector.shape_cast %swap3A_1094 : vector<1x16xf32> to vector<16xf32>
        %swap3A_1096 = vector.shape_cast %add3A_1091 : vector<16xf32> to vector<1x16xf32>
        tpu.vector_store %arg16[%swap3A_1092, %swap3A_1093], %swap3A_1096 {strides = array<i32>} : memref<128x128xf32, #tpu.memory_space<vmem>>, vector<1x16xf32>,
        %get3A_1097 = arith.index_cast %add3A_1036 : i32 to index
        %get3A_1098 = arith.constant 96 : index
        %get3A_1099 = tpu.vector_load %arg16[%get3A_1097, %get3A_1098] {strides = array<i32>} : memref<128x128xf32, #tpu.memory_space<vmem>>, vector<1x16xf32>,
        %get3A_1100 = vector.shape_cast %get3A_1099 : vector<1x16xf32> to vector<16xf32>
        %add3A_1101 = arith.addf %get3A_1100, %get3A_371 : vector<16xf32>
        %swap3A_1102 = arith.index_cast %add3A_1036 : i32 to index
        %swap3A_1103 = arith.constant 96 : index
        %swap3A_1104 = tpu.vector_load %arg16[%swap3A_1102, %swap3A_1103] {strides = array<i32>} : memref<128x128xf32, #tpu.memory_space<vmem>>, vector<1x16xf32>,
        %swap3A_1105 = vector.shape_cast %swap3A_1104 : vector<1x16xf32> to vector<16xf32>
        %swap3A_1106 = vector.shape_cast %add3A_1101 : vector<16xf32> to vector<1x16xf32>
        tpu.vector_store %arg16[%swap3A_1102, %swap3A_1103], %swap3A_1106 {strides = array<i32>} : memref<128x128xf32, #tpu.memory_space<vmem>>, vector<1x16xf32>,
        %get3A_1107 = arith.index_cast %add3A_1036 : i32 to index
        %get3A_1108 = arith.constant 112 : index
        %get3A_1109 = tpu.vector_load %arg16[%get3A_1107, %get3A_1108] {strides = array<i32>} : memref<128x128xf32, #tpu.memory_space<vmem>>, vector<1x16xf32>,
        %get3A_1110 = vector.shape_cast %get3A_1109 : vector<1x16xf32> to vector<16xf32>
        %add3A_1111 = arith.addf %get3A_1110, %get3A_374 : vector<16xf32>
        %swap3A_1112 = arith.index_cast %add3A_1036 : i32 to index
        %swap3A_1113 = arith.constant 112 : index
        %swap3A_1114 = tpu.vector_load %arg16[%swap3A_1112, %swap3A_1113] {strides = array<i32>} : memref<128x128xf32, #tpu.memory_space<vmem>>, vector<1x16xf32>,
        %swap3A_1115 = vector.shape_cast %swap3A_1114 : vector<1x16xf32> to vector<16xf32>
        %swap3A_1116 = vector.shape_cast %add3A_1111 : vector<16xf32> to vector<1x16xf32>
        tpu.vector_store %arg16[%swap3A_1112, %swap3A_1113], %swap3A_1116 {strides = array<i32>} : memref<128x128xf32, #tpu.memory_space<vmem>>, vector<1x16xf32>,
        %mul3A_1117 = arith.constant 4 : i32
        %mul3A_1118 = arith.muli %scan3A_864, %mul3A_1117 : i32
        %add3A_1119 = arith.constant 3 : i32
        %add3A_1120 = arith.addi %mul3A_1118, %add3A_1119 : i32
        %get3A_1121 = arith.index_cast %add3A_1120 : i32 to index
        %get3A_1122 = arith.constant 0 : index
        %get3A_1123 = tpu.vector_load %arg16[%get3A_1121, %get3A_1122] {strides = array<i32>} : memref<128x128xf32, #tpu.memory_space<vmem>>, vector<1x16xf32>,
        %get3A_1124 = vector.shape_cast %get3A_1123 : vector<1x16xf32> to vector<16xf32>
        %add3A_1125 = arith.addf %get3A_1124, %get3A_353 : vector<16xf32>
        %swap3A_1126 = arith.index_cast %add3A_1120 : i32 to index
        %swap3A_1127 = arith.constant 0 : index
        %swap3A_1128 = tpu.vector_load %arg16[%swap3A_1126, %swap3A_1127] {strides = array<i32>} : memref<128x128xf32, #tpu.memory_space<vmem>>, vector<1x16xf32>,
        %swap3A_1129 = vector.shape_cast %swap3A_1128 : vector<1x16xf32> to vector<16xf32>
        %swap3A_1130 = vector.shape_cast %add3A_1125 : vector<16xf32> to vector<1x16xf32>
        tpu.vector_store %arg16[%swap3A_1126, %swap3A_1127], %swap3A_1130 {strides = array<i32>} : memref<128x128xf32, #tpu.memory_space<vmem>>, vector<1x16xf32>,
        %get3A_1131 = arith.index_cast %add3A_1120 : i32 to index
        %get3A_1132 = arith.constant 16 : index
        %get3A_1133 = tpu.vector_load %arg16[%get3A_1131, %get3A_1132] {strides = array<i32>} : memref<128x128xf32, #tpu.memory_space<vmem>>, vector<1x16xf32>,
        %get3A_1134 = vector.shape_cast %get3A_1133 : vector<1x16xf32> to vector<16xf32>
        %add3A_1135 = arith.addf %get3A_1134, %get3A_356 : vector<16xf32>
        %swap3A_1136 = arith.index_cast %add3A_1120 : i32 to index
        %swap3A_1137 = arith.constant 16 : index
        %swap3A_1138 = tpu.vector_load %arg16[%swap3A_1136, %swap3A_1137] {strides = array<i32>} : memref<128x128xf32, #tpu.memory_space<vmem>>, vector<1x16xf32>,
        %swap3A_1139 = vector.shape_cast %swap3A_1138 : vector<1x16xf32> to vector<16xf32>
        %swap3A_1140 = vector.shape_cast %add3A_1135 : vector<16xf32> to vector<1x16xf32>
        tpu.vector_store %arg16[%swap3A_1136, %swap3A_1137], %swap3A_1140 {strides = array<i32>} : memref<128x128xf32, #tpu.memory_space<vmem>>, vector<1x16xf32>,
        %get3A_1141 = arith.index_cast %add3A_1120 : i32 to index
        %get3A_1142 = arith.constant 32 : index
        %get3A_1143 = tpu.vector_load %arg16[%get3A_1141, %get3A_1142] {strides = array<i32>} : memref<128x128xf32, #tpu.memory_space<vmem>>, vector<1x16xf32>,
        %get3A_1144 = vector.shape_cast %get3A_1143 : vector<1x16xf32> to vector<16xf32>
        %add3A_1145 = arith.addf %get3A_1144, %get3A_359 : vector<16xf32>
        %swap3A_1146 = arith.index_cast %add3A_1120 : i32 to index
        %swap3A_1147 = arith.constant 32 : index
        %swap3A_1148 = tpu.vector_load %arg16[%swap3A_1146, %swap3A_1147] {strides = array<i32>} : memref<128x128xf32, #tpu.memory_space<vmem>>, vector<1x16xf32>,
        %swap3A_1149 = vector.shape_cast %swap3A_1148 : vector<1x16xf32> to vector<16xf32>
        %swap3A_1150 = vector.shape_cast %add3A_1145 : vector<16xf32> to vector<1x16xf32>
        tpu.vector_store %arg16[%swap3A_1146, %swap3A_1147], %swap3A_1150 {strides = array<i32>} : memref<128x128xf32, #tpu.memory_space<vmem>>, vector<1x16xf32>,
        %get3A_1151 = arith.index_cast %add3A_1120 : i32 to index
        %get3A_1152 = arith.constant 48 : index
        %get3A_1153 = tpu.vector_load %arg16[%get3A_1151, %get3A_1152] {strides = array<i32>} : memref<128x128xf32, #tpu.memory_space<vmem>>, vector<1x16xf32>,
        %get3A_1154 = vector.shape_cast %get3A_1153 : vector<1x16xf32> to vector<16xf32>
        %add3A_1155 = arith.addf %get3A_1154, %get3A_362 : vector<16xf32>
        %swap3A_1156 = arith.index_cast %add3A_1120 : i32 to index
        %swap3A_1157 = arith.constant 48 : index
        %swap3A_1158 = tpu.vector_load %arg16[%swap3A_1156, %swap3A_1157] {strides = array<i32>} : memref<128x128xf32, #tpu.memory_space<vmem>>, vector<1x16xf32>,
        %swap3A_1159 = vector.shape_cast %swap3A_1158 : vector<1x16xf32> to vector<16xf32>
        %swap3A_1160 = vector.shape_cast %add3A_1155 : vector<16xf32> to vector<1x16xf32>
        tpu.vector_store %arg16[%swap3A_1156, %swap3A_1157], %swap3A_1160 {strides = array<i32>} : memref<128x128xf32, #tpu.memory_space<vmem>>, vector<1x16xf32>,
        %get3A_1161 = arith.index_cast %add3A_1120 : i32 to index
        %get3A_1162 = arith.constant 64 : index
        %get3A_1163 = tpu.vector_load %arg16[%get3A_1161, %get3A_1162] {strides = array<i32>} : memref<128x128xf32, #tpu.memory_space<vmem>>, vector<1x16xf32>,
        %get3A_1164 = vector.shape_cast %get3A_1163 : vector<1x16xf32> to vector<16xf32>
        %add3A_1165 = arith.addf %get3A_1164, %get3A_365 : vector<16xf32>
        %swap3A_1166 = arith.index_cast %add3A_1120 : i32 to index
        %swap3A_1167 = arith.constant 64 : index
        %swap3A_1168 = tpu.vector_load %arg16[%swap3A_1166, %swap3A_1167] {strides = array<i32>} : memref<128x128xf32, #tpu.memory_space<vmem>>, vector<1x16xf32>,
        %swap3A_1169 = vector.shape_cast %swap3A_1168 : vector<1x16xf32> to vector<16xf32>
        %swap3A_1170 = vector.shape_cast %add3A_1165 : vector<16xf32> to vector<1x16xf32>
        tpu.vector_store %arg16[%swap3A_1166, %swap3A_1167], %swap3A_1170 {strides = array<i32>} : memref<128x128xf32, #tpu.memory_space<vmem>>, vector<1x16xf32>,
        %get3A_1171 = arith.index_cast %add3A_1120 : i32 to index
        %get3A_1172 = arith.constant 80 : index
        %get3A_1173 = tpu.vector_load %arg16[%get3A_1171, %get3A_1172] {strides = array<i32>} : memref<128x128xf32, #tpu.memory_space<vmem>>, vector<1x16xf32>,
        %get3A_1174 = vector.shape_cast %get3A_1173 : vector<1x16xf32> to vector<16xf32>
        %add3A_1175 = arith.addf %get3A_1174, %get3A_368 : vector<16xf32>
        %swap3A_1176 = arith.index_cast %add3A_1120 : i32 to index
        %swap3A_1177 = arith.constant 80 : index
        %swap3A_1178 = tpu.vector_load %arg16[%swap3A_1176, %swap3A_1177] {strides = array<i32>} : memref<128x128xf32, #tpu.memory_space<vmem>>, vector<1x16xf32>,
        %swap3A_1179 = vector.shape_cast %swap3A_1178 : vector<1x16xf32> to vector<16xf32>
        %swap3A_1180 = vector.shape_cast %add3A_1175 : vector<16xf32> to vector<1x16xf32>
        tpu.vector_store %arg16[%swap3A_1176, %swap3A_1177], %swap3A_1180 {strides = array<i32>} : memref<128x128xf32, #tpu.memory_space<vmem>>, vector<1x16xf32>,
        %get3A_1181 = arith.index_cast %add3A_1120 : i32 to index
        %get3A_1182 = arith.constant 96 : index
        %get3A_1183 = tpu.vector_load %arg16[%get3A_1181, %get3A_1182] {strides = array<i32>} : memref<128x128xf32, #tpu.memory_space<vmem>>, vector<1x16xf32>,
        %get3A_1184 = vector.shape_cast %get3A_1183 : vector<1x16xf32> to vector<16xf32>
        %add3A_1185 = arith.addf %get3A_1184, %get3A_371 : vector<16xf32>
        %swap3A_1186 = arith.index_cast %add3A_1120 : i32 to index
        %swap3A_1187 = arith.constant 96 : index
        %swap3A_1188 = tpu.vector_load %arg16[%swap3A_1186, %swap3A_1187] {strides = array<i32>} : memref<128x128xf32, #tpu.memory_space<vmem>>, vector<1x16xf32>,
        %swap3A_1189 = vector.shape_cast %swap3A_1188 : vector<1x16xf32> to vector<16xf32>
        %swap3A_1190 = vector.shape_cast %add3A_1185 : vector<16xf32> to vector<1x16xf32>
        tpu.vector_store %arg16[%swap3A_1186, %swap3A_1187], %swap3A_1190 {strides = array<i32>} : memref<128x128xf32, #tpu.memory_space<vmem>>, vector<1x16xf32>,
        %get3A_1191 = arith.index_cast %add3A_1120 : i32 to index
        %get3A_1192 = arith.constant 112 : index
        %get3A_1193 = tpu.vector_load %arg16[%get3A_1191, %get3A_1192] {strides = array<i32>} : memref<128x128xf32, #tpu.memory_space<vmem>>, vector<1x16xf32>,
        %get3A_1194 = vector.shape_cast %get3A_1193 : vector<1x16xf32> to vector<16xf32>
        %add3A_1195 = arith.addf %get3A_1194, %get3A_374 : vector<16xf32>
        %swap3A_1196 = arith.index_cast %add3A_1120 : i32 to index
        %swap3A_1197 = arith.constant 112 : index
        %swap3A_1198 = tpu.vector_load %arg16[%swap3A_1196, %swap3A_1197] {strides = array<i32>} : memref<128x128xf32, #tpu.memory_space<vmem>>, vector<1x16xf32>,
        %swap3A_1199 = vector.shape_cast %swap3A_1198 : vector<1x16xf32> to vector<16xf32>
        %swap3A_1200 = vector.shape_cast %add3A_1195 : vector<16xf32> to vector<1x16xf32>
        tpu.vector_store %arg16[%swap3A_1196, %swap3A_1197], %swap3A_1200 {strides = array<i32>} : memref<128x128xf32, #tpu.memory_space<vmem>>, vector<1x16xf32>,
      }
      %scan3A_452 = arith.constant 32 : i32
      %dma_start3A_453 = arith.constant 0 : i32
      %dma_start3A_454 = arith.constant 0 : i32
      %dma_start3A_455 = tpu.memref_slice %arg5[%dma_start3A_453, %dma_start3A_454] : memref<819200x128xf32, #tpu.memory_space<hbm>> -> memref<819200x128xf32, #tpu.memory_space<hbm>>
      tpu.enqueue_indirect_dma source(%arg16 : memref<128x128xf32, #tpu.memory_space<vmem>>) target(%dma_start3A_455 : memref<819200x128xf32, #tpu.memory_space<hbm>>) offsets(%arg15 : memref<128xi32, #tpu.memory_space<vmem>>) semaphore(%arg19 : memref<!tpu.dma_semaphore, #tpu.memory_space<semaphore_mem>>)
      %mul3A_456 = arith.constant 5 : i32
      %mul3A_457 = arith.muli %scan3A_189, %mul3A_456 : i32
      %add3A_458 = arith.constant 2 : i32
      %add3A_459 = arith.addi %mul3A_457, %add3A_458 : i32
      %ge3A_460 = arith.constant 2 : i32
      %ge3A_461 = arith.cmpi sge, %add3A_459, %ge3A_460 : i32
      %add3A_462 = arith.constant 3 : i32
      %add3A_463 = arith.addi %add3A_459, %add3A_462 : i32
      %lt3A_464 = arith.constant 200 : i32
      %lt3A_465 = arith.cmpi slt, %add3A_463, %lt3A_464 : i32
      %and3A_466 = arith.andi %ge3A_461, %lt3A_465 : i1
      %convert_element_type3A_467 = arith.extui %and3A_466 : i1 to i32
      %cond3A_468 = arith.constant 0 : i32
      %cond3A_469 = arith.cmpi ne, %convert_element_type3A_467, %cond3A_468 : i32
      scf.if %cond3A_469 {
        %dma_wait3A_864 = arith.constant 0 : i32
        %dma_wait3A_865 = arith.constant 0 : i32
        %dma_wait3A_866 = tpu.memref_slice %arg5[%dma_wait3A_864, %dma_wait3A_865] : memref<819200x128xf32, #tpu.memory_space<hbm>> -> memref<819200x128xf32, #tpu.memory_space<hbm>>
        tpu.wait_indirect_dma semaphore(%arg12 : memref<!tpu.dma_semaphore, #tpu.memory_space<semaphore_mem>>) src(%arg9 : memref<128x128xf32, #tpu.memory_space<vmem>>) dst(%dma_wait3A_866 : memref<819200x128xf32, #tpu.memory_space<hbm>>)
      } else {
      }
      %add3A_470 = arith.constant 3 : i32
      %add3A_471 = arith.addi %add3A_459, %add3A_470 : i32
      %lt3A_472 = arith.constant 200 : i32
      %lt3A_473 = arith.cmpi slt, %add3A_471, %lt3A_472 : i32
      %convert_element_type3A_474 = arith.extui %lt3A_473 : i1 to i32
      %cond3A_475 = arith.constant 0 : i32
      %cond3A_476 = arith.cmpi ne, %convert_element_type3A_474, %cond3A_475 : i32
      scf.if %cond3A_476 {
        %add3A_864 = arith.constant 3 : i32
        %add3A_865 = arith.addi %add3A_459, %add3A_864 : i32
        %dma_start3A_866 = tpu.memref_slice %arg2[%add3A_865, %mul3A_2] : memref<200x4096xi32, #tpu.memory_space<hbm>> -> memref<1x128xi32, #tpu.memory_space<hbm>>
        %dma_start3A_867 = tpu.memref_squeeze %dma_start3A_866 : memref<1x128xi32, #tpu.memory_space<hbm>> -> memref<128xi32, #tpu.memory_space<hbm>>
        %dma_start3A_868 = tpu.memref_slice %arg2[%add3A_865, %mul3A_2] : memref<200x4096xi32, #tpu.memory_space<hbm>> -> memref<1x128xi32, #tpu.memory_space<hbm>>
        %dma_start3A_869 = tpu.memref_squeeze %dma_start3A_868 : memref<1x128xi32, #tpu.memory_space<hbm>> -> memref<128xi32, #tpu.memory_space<hbm>>
        tpu.enqueue_dma source(%dma_start3A_869 : memref<128xi32, #tpu.memory_space<hbm>>) target(%arg6 : memref<128xi32, #tpu.memory_space<vmem>>) target_semaphore(%arg10 : memref<!tpu.dma_semaphore, #tpu.memory_space<semaphore_mem>>)
        %dma_start3A_870 = arith.constant 0 : i32
        %dma_start3A_871 = tpu.memref_slice %arg4[%add3A_865, %dma_start3A_870] : memref<200x128xf32, #tpu.memory_space<hbm>> -> memref<1x128xf32, #tpu.memory_space<hbm>>
        %dma_start3A_872 = tpu.memref_squeeze %dma_start3A_871 : memref<1x128xf32, #tpu.memory_space<hbm>> -> memref<128xf32, #tpu.memory_space<hbm>>
        %dma_start3A_873 = arith.constant 0 : i32
        %dma_start3A_874 = tpu.memref_slice %arg4[%add3A_865, %dma_start3A_873] : memref<200x128xf32, #tpu.memory_space<hbm>> -> memref<1x128xf32, #tpu.memory_space<hbm>>
        %dma_start3A_875 = tpu.memref_squeeze %dma_start3A_874 : memref<1x128xf32, #tpu.memory_space<hbm>> -> memref<128xf32, #tpu.memory_space<hbm>>
        tpu.enqueue_dma source(%dma_start3A_875 : memref<128xf32, #tpu.memory_space<hbm>>) target(%arg7 : memref<128xf32, #tpu.memory_space<vmem>>) target_semaphore(%arg10 : memref<!tpu.dma_semaphore, #tpu.memory_space<semaphore_mem>>)
      } else {
      }
      %add3A_477 = arith.constant 2 : i32
      %add3A_478 = arith.addi %add3A_459, %add3A_477 : i32
      %lt3A_479 = arith.constant 200 : i32
      %lt3A_480 = arith.cmpi slt, %add3A_478, %lt3A_479 : i32
      %convert_element_type3A_481 = arith.extui %lt3A_480 : i1 to i32
      %cond3A_482 = arith.constant 0 : i32
      %cond3A_483 = arith.cmpi ne, %convert_element_type3A_481, %cond3A_482 : i32
      scf.if %cond3A_483 {
        %add3A_864 = arith.constant 2 : i32
        %add3A_865 = arith.addi %add3A_459, %add3A_864 : i32
        %dma_wait3A_866 = tpu.memref_slice %arg2[%add3A_865, %mul3A_2] : memref<200x4096xi32, #tpu.memory_space<hbm>> -> memref<1x128xi32, #tpu.memory_space<hbm>>
        %dma_wait3A_867 = tpu.memref_squeeze %dma_wait3A_866 : memref<1x128xi32, #tpu.memory_space<hbm>> -> memref<128xi32, #tpu.memory_space<hbm>>
        %dma_wait3A_868 = tpu.memref_slice %arg2[%add3A_865, %mul3A_2] : memref<200x4096xi32, #tpu.memory_space<hbm>> -> memref<1x128xi32, #tpu.memory_space<hbm>>
        %dma_wait3A_869 = tpu.memref_squeeze %dma_wait3A_868 : memref<1x128xi32, #tpu.memory_space<hbm>> -> memref<128xi32, #tpu.memory_space<hbm>>
        tpu.wait_dma2 semaphore(%arg38 : memref<!tpu.dma_semaphore, #tpu.memory_space<semaphore_mem>>) src(%dma_wait3A_869 : memref<128xi32, #tpu.memory_space<hbm>>) dst(%arg34 : memref<128xi32, #tpu.memory_space<vmem>>)
        %dma_wait3A_870 = arith.constant 0 : i32
        %dma_wait3A_871 = tpu.memref_slice %arg4[%add3A_865, %dma_wait3A_870] : memref<200x128xf32, #tpu.memory_space<hbm>> -> memref<1x128xf32, #tpu.memory_space<hbm>>
        %dma_wait3A_872 = tpu.memref_squeeze %dma_wait3A_871 : memref<1x128xf32, #tpu.memory_space<hbm>> -> memref<128xf32, #tpu.memory_space<hbm>>
        %dma_wait3A_873 = arith.constant 0 : i32
        %dma_wait3A_874 = tpu.memref_slice %arg4[%add3A_865, %dma_wait3A_873] : memref<200x128xf32, #tpu.memory_space<hbm>> -> memref<1x128xf32, #tpu.memory_space<hbm>>
        %dma_wait3A_875 = tpu.memref_squeeze %dma_wait3A_874 : memref<1x128xf32, #tpu.memory_space<hbm>> -> memref<128xf32, #tpu.memory_space<hbm>>
        tpu.wait_dma2 semaphore(%arg38 : memref<!tpu.dma_semaphore, #tpu.memory_space<semaphore_mem>>) src(%dma_wait3A_875 : memref<128xf32, #tpu.memory_space<hbm>>) dst(%arg35 : memref<128xf32, #tpu.memory_space<vmem>>)
        %dma_start3A_876 = arith.constant 0 : i32
        %dma_start3A_877 = arith.constant 0 : i32
        %dma_start3A_878 = tpu.memref_slice %arg3[%dma_start3A_876, %dma_start3A_877] : memref<1000000x128xf32, #tpu.memory_space<hbm>> -> memref<1000000x128xf32, #tpu.memory_space<hbm>>
        tpu.enqueue_indirect_dma source(%dma_start3A_878 : memref<1000000x128xf32, #tpu.memory_space<hbm>>) target(%arg37 : memref<128x128xf32, #tpu.memory_space<vmem>>) offsets(%arg34 : memref<128xi32, #tpu.memory_space<vmem>>) semaphore(%arg39 : memref<!tpu.dma_semaphore, #tpu.memory_space<semaphore_mem>>)
      } else {
      }
      %dma_wait3A_484 = arith.constant 0 : i32
      %dma_wait3A_485 = arith.constant 0 : i32
      %dma_wait3A_486 = tpu.memref_slice %arg3[%dma_wait3A_484, %dma_wait3A_485] : memref<1000000x128xf32, #tpu.memory_space<hbm>> -> memref<1000000x128xf32, #tpu.memory_space<hbm>>
      tpu.wait_indirect_dma semaphore(%arg25 : memref<!tpu.dma_semaphore, #tpu.memory_space<semaphore_mem>>) src(%dma_wait3A_486 : memref<1000000x128xf32, #tpu.memory_space<hbm>>) dst(%arg23 : memref<128x128xf32, #tpu.memory_space<vmem>>)
      %get3A_487 = arith.constant 0 : index
      %get3A_488 = tpu.vector_load %arg21[%get3A_487] {strides = array<i32>} : memref<128xf32, #tpu.memory_space<vmem>>, vector<16xf32>,
      %get3A_489 = vector.shape_cast %get3A_488 : vector<16xf32> to vector<16xf32>
      %get3A_490 = arith.constant 16 : index
      %get3A_491 = tpu.vector_load %arg21[%get3A_490] {strides = array<i32>} : memref<128xf32, #tpu.memory_space<vmem>>, vector<16xf32>,
      %get3A_492 = vector.shape_cast %get3A_491 : vector<16xf32> to vector<16xf32>
      %get3A_493 = arith.constant 32 : index
      %get3A_494 = tpu.vector_load %arg21[%get3A_493] {strides = array<i32>} : memref<128xf32, #tpu.memory_space<vmem>>, vector<16xf32>,
      %get3A_495 = vector.shape_cast %get3A_494 : vector<16xf32> to vector<16xf32>
      %get3A_496 = arith.constant 48 : index
      %get3A_497 = tpu.vector_load %arg21[%get3A_496] {strides = array<i32>} : memref<128xf32, #tpu.memory_space<vmem>>, vector<16xf32>,
      %get3A_498 = vector.shape_cast %get3A_497 : vector<16xf32> to vector<16xf32>
      %get3A_499 = arith.constant 64 : index
      %get3A_500 = tpu.vector_load %arg21[%get3A_499] {strides = array<i32>} : memref<128xf32, #tpu.memory_space<vmem>>, vector<16xf32>,
      %get3A_501 = vector.shape_cast %get3A_500 : vector<16xf32> to vector<16xf32>
      %get3A_502 = arith.constant 80 : index
      %get3A_503 = tpu.vector_load %arg21[%get3A_502] {strides = array<i32>} : memref<128xf32, #tpu.memory_space<vmem>>, vector<16xf32>,
      %get3A_504 = vector.shape_cast %get3A_503 : vector<16xf32> to vector<16xf32>
      %get3A_505 = arith.constant 96 : index
      %get3A_506 = tpu.vector_load %arg21[%get3A_505] {strides = array<i32>} : memref<128xf32, #tpu.memory_space<vmem>>, vector<16xf32>,
      %get3A_507 = vector.shape_cast %get3A_506 : vector<16xf32> to vector<16xf32>
      %get3A_508 = arith.constant 112 : index
      %get3A_509 = tpu.vector_load %arg21[%get3A_508] {strides = array<i32>} : memref<128xf32, #tpu.memory_space<vmem>>, vector<16xf32>,
      %get3A_510 = vector.shape_cast %get3A_509 : vector<16xf32> to vector<16xf32>
      %get3A_511 = arith.constant 0 : index
      %get3A_512 = tpu.vector_load %arg41[%get3A_511] {strides = array<i32>} : memref<128xi32, #tpu.memory_space<vmem>>, vector<16xi32>,
      %get3A_513 = vector.shape_cast %get3A_512 : vector<16xi32> to vector<16xi32>
      %add3A_514 = vector.broadcast %add3A_459 : i32 to vector<16xi32>
      %add3A_515 = arith.addi %get3A_513, %add3A_514 : vector<16xi32>
      %swap3A_516 = arith.constant 0 : index
      %swap3A_517 = tpu.vector_load %arg22[%swap3A_516] {strides = array<i32>} : memref<128xi32, #tpu.memory_space<vmem>>, vector<16xi32>,
      %swap3A_518 = vector.shape_cast %swap3A_517 : vector<16xi32> to vector<16xi32>
      %swap3A_519 = vector.shape_cast %add3A_515 : vector<16xi32> to vector<16xi32>
      tpu.vector_store %arg22[%swap3A_516], %swap3A_519 {strides = array<i32>} : memref<128xi32, #tpu.memory_space<vmem>>, vector<16xi32>,
      %get3A_520 = arith.constant 16 : index
      %get3A_521 = tpu.vector_load %arg41[%get3A_520] {strides = array<i32>} : memref<128xi32, #tpu.memory_space<vmem>>, vector<16xi32>,
      %get3A_522 = vector.shape_cast %get3A_521 : vector<16xi32> to vector<16xi32>
      %add3A_523 = vector.broadcast %add3A_459 : i32 to vector<16xi32>
      %add3A_524 = arith.addi %get3A_522, %add3A_523 : vector<16xi32>
      %swap3A_525 = arith.constant 16 : index
      %swap3A_526 = tpu.vector_load %arg22[%swap3A_525] {strides = array<i32>} : memref<128xi32, #tpu.memory_space<vmem>>, vector<16xi32>,
      %swap3A_527 = vector.shape_cast %swap3A_526 : vector<16xi32> to vector<16xi32>
      %swap3A_528 = vector.shape_cast %add3A_524 : vector<16xi32> to vector<16xi32>
      tpu.vector_store %arg22[%swap3A_525], %swap3A_528 {strides = array<i32>} : memref<128xi32, #tpu.memory_space<vmem>>, vector<16xi32>,
      %get3A_529 = arith.constant 32 : index
      %get3A_530 = tpu.vector_load %arg41[%get3A_529] {strides = array<i32>} : memref<128xi32, #tpu.memory_space<vmem>>, vector<16xi32>,
      %get3A_531 = vector.shape_cast %get3A_530 : vector<16xi32> to vector<16xi32>
      %add3A_532 = vector.broadcast %add3A_459 : i32 to vector<16xi32>
      %add3A_533 = arith.addi %get3A_531, %add3A_532 : vector<16xi32>
      %swap3A_534 = arith.constant 32 : index
      %swap3A_535 = tpu.vector_load %arg22[%swap3A_534] {strides = array<i32>} : memref<128xi32, #tpu.memory_space<vmem>>, vector<16xi32>,
      %swap3A_536 = vector.shape_cast %swap3A_535 : vector<16xi32> to vector<16xi32>
      %swap3A_537 = vector.shape_cast %add3A_533 : vector<16xi32> to vector<16xi32>
      tpu.vector_store %arg22[%swap3A_534], %swap3A_537 {strides = array<i32>} : memref<128xi32, #tpu.memory_space<vmem>>, vector<16xi32>,
      %get3A_538 = arith.constant 48 : index
      %get3A_539 = tpu.vector_load %arg41[%get3A_538] {strides = array<i32>} : memref<128xi32, #tpu.memory_space<vmem>>, vector<16xi32>,
      %get3A_540 = vector.shape_cast %get3A_539 : vector<16xi32> to vector<16xi32>
      %add3A_541 = vector.broadcast %add3A_459 : i32 to vector<16xi32>
      %add3A_542 = arith.addi %get3A_540, %add3A_541 : vector<16xi32>
      %swap3A_543 = arith.constant 48 : index
      %swap3A_544 = tpu.vector_load %arg22[%swap3A_543] {strides = array<i32>} : memref<128xi32, #tpu.memory_space<vmem>>, vector<16xi32>,
      %swap3A_545 = vector.shape_cast %swap3A_544 : vector<16xi32> to vector<16xi32>
      %swap3A_546 = vector.shape_cast %add3A_542 : vector<16xi32> to vector<16xi32>
      tpu.vector_store %arg22[%swap3A_543], %swap3A_546 {strides = array<i32>} : memref<128xi32, #tpu.memory_space<vmem>>, vector<16xi32>,
      %get3A_547 = arith.constant 64 : index
      %get3A_548 = tpu.vector_load %arg41[%get3A_547] {strides = array<i32>} : memref<128xi32, #tpu.memory_space<vmem>>, vector<16xi32>,
      %get3A_549 = vector.shape_cast %get3A_548 : vector<16xi32> to vector<16xi32>
      %add3A_550 = vector.broadcast %add3A_459 : i32 to vector<16xi32>
      %add3A_551 = arith.addi %get3A_549, %add3A_550 : vector<16xi32>
      %swap3A_552 = arith.constant 64 : index
      %swap3A_553 = tpu.vector_load %arg22[%swap3A_552] {strides = array<i32>} : memref<128xi32, #tpu.memory_space<vmem>>, vector<16xi32>,
      %swap3A_554 = vector.shape_cast %swap3A_553 : vector<16xi32> to vector<16xi32>
      %swap3A_555 = vector.shape_cast %add3A_551 : vector<16xi32> to vector<16xi32>
      tpu.vector_store %arg22[%swap3A_552], %swap3A_555 {strides = array<i32>} : memref<128xi32, #tpu.memory_space<vmem>>, vector<16xi32>,
      %get3A_556 = arith.constant 80 : index
      %get3A_557 = tpu.vector_load %arg41[%get3A_556] {strides = array<i32>} : memref<128xi32, #tpu.memory_space<vmem>>, vector<16xi32>,
      %get3A_558 = vector.shape_cast %get3A_557 : vector<16xi32> to vector<16xi32>
      %add3A_559 = vector.broadcast %add3A_459 : i32 to vector<16xi32>
      %add3A_560 = arith.addi %get3A_558, %add3A_559 : vector<16xi32>
      %swap3A_561 = arith.constant 80 : index
      %swap3A_562 = tpu.vector_load %arg22[%swap3A_561] {strides = array<i32>} : memref<128xi32, #tpu.memory_space<vmem>>, vector<16xi32>,
      %swap3A_563 = vector.shape_cast %swap3A_562 : vector<16xi32> to vector<16xi32>
      %swap3A_564 = vector.shape_cast %add3A_560 : vector<16xi32> to vector<16xi32>
      tpu.vector_store %arg22[%swap3A_561], %swap3A_564 {strides = array<i32>} : memref<128xi32, #tpu.memory_space<vmem>>, vector<16xi32>,
      %get3A_565 = arith.constant 96 : index
      %get3A_566 = tpu.vector_load %arg41[%get3A_565] {strides = array<i32>} : memref<128xi32, #tpu.memory_space<vmem>>, vector<16xi32>,
      %get3A_567 = vector.shape_cast %get3A_566 : vector<16xi32> to vector<16xi32>
      %add3A_568 = vector.broadcast %add3A_459 : i32 to vector<16xi32>
      %add3A_569 = arith.addi %get3A_567, %add3A_568 : vector<16xi32>
      %swap3A_570 = arith.constant 96 : index
      %swap3A_571 = tpu.vector_load %arg22[%swap3A_570] {strides = array<i32>} : memref<128xi32, #tpu.memory_space<vmem>>, vector<16xi32>,
      %swap3A_572 = vector.shape_cast %swap3A_571 : vector<16xi32> to vector<16xi32>
      %swap3A_573 = vector.shape_cast %add3A_569 : vector<16xi32> to vector<16xi32>
      tpu.vector_store %arg22[%swap3A_570], %swap3A_573 {strides = array<i32>} : memref<128xi32, #tpu.memory_space<vmem>>, vector<16xi32>,
      %get3A_574 = arith.constant 112 : index
      %get3A_575 = tpu.vector_load %arg41[%get3A_574] {strides = array<i32>} : memref<128xi32, #tpu.memory_space<vmem>>, vector<16xi32>,
      %get3A_576 = vector.shape_cast %get3A_575 : vector<16xi32> to vector<16xi32>
      %add3A_577 = vector.broadcast %add3A_459 : i32 to vector<16xi32>
      %add3A_578 = arith.addi %get3A_576, %add3A_577 : vector<16xi32>
      %swap3A_579 = arith.constant 112 : index
      %swap3A_580 = tpu.vector_load %arg22[%swap3A_579] {strides = array<i32>} : memref<128xi32, #tpu.memory_space<vmem>>, vector<16xi32>,
      %swap3A_581 = vector.shape_cast %swap3A_580 : vector<16xi32> to vector<16xi32>
      %swap3A_582 = vector.shape_cast %add3A_578 : vector<16xi32> to vector<16xi32>
      tpu.vector_store %arg22[%swap3A_579], %swap3A_582 {strides = array<i32>} : memref<128xi32, #tpu.memory_space<vmem>>, vector<16xi32>,
      %scan3A_583 = arith.constant 0 : i32
      %scan3A_584 = arith.constant 0 : i32
      %scan3A_585 = arith.constant 32 : i32
      %scan3A_586 = arith.addi %scan3A_584, %scan3A_585 : i32
      %scan3A_587 = arith.constant 1 : i32
      scf.for %scan3A_864 = %scan3A_584 to %scan3A_586 step %scan3A_587  : i32 {
        %mul3A_865 = arith.constant 4 : i32
        %mul3A_866 = arith.muli %scan3A_864, %mul3A_865 : i32
        %add3A_867 = arith.constant 0 : i32
        %add3A_868 = arith.addi %mul3A_866, %add3A_867 : i32
        %get3A_869 = arith.index_cast %add3A_868 : i32 to index
        %get3A_870 = arith.constant 0 : index
        %get3A_871 = tpu.vector_load %arg23[%get3A_869, %get3A_870] {strides = array<i32>} : memref<128x128xf32, #tpu.memory_space<vmem>>, vector<1x16xf32>,
        %get3A_872 = vector.shape_cast %get3A_871 : vector<1x16xf32> to vector<16xf32>
        %add3A_873 = arith.addf %get3A_872, %get3A_489 : vector<16xf32>
        %swap3A_874 = arith.index_cast %add3A_868 : i32 to index
        %swap3A_875 = arith.constant 0 : index
        %swap3A_876 = tpu.vector_load %arg23[%swap3A_874, %swap3A_875] {strides = array<i32>} : memref<128x128xf32, #tpu.memory_space<vmem>>, vector<1x16xf32>,
        %swap3A_877 = vector.shape_cast %swap3A_876 : vector<1x16xf32> to vector<16xf32>
        %swap3A_878 = vector.shape_cast %add3A_873 : vector<16xf32> to vector<1x16xf32>
        tpu.vector_store %arg23[%swap3A_874, %swap3A_875], %swap3A_878 {strides = array<i32>} : memref<128x128xf32, #tpu.memory_space<vmem>>, vector<1x16xf32>,
        %get3A_879 = arith.index_cast %add3A_868 : i32 to index
        %get3A_880 = arith.constant 16 : index
        %get3A_881 = tpu.vector_load %arg23[%get3A_879, %get3A_880] {strides = array<i32>} : memref<128x128xf32, #tpu.memory_space<vmem>>, vector<1x16xf32>,
        %get3A_882 = vector.shape_cast %get3A_881 : vector<1x16xf32> to vector<16xf32>
        %add3A_883 = arith.addf %get3A_882, %get3A_492 : vector<16xf32>
        %swap3A_884 = arith.index_cast %add3A_868 : i32 to index
        %swap3A_885 = arith.constant 16 : index
        %swap3A_886 = tpu.vector_load %arg23[%swap3A_884, %swap3A_885] {strides = array<i32>} : memref<128x128xf32, #tpu.memory_space<vmem>>, vector<1x16xf32>,
        %swap3A_887 = vector.shape_cast %swap3A_886 : vector<1x16xf32> to vector<16xf32>
        %swap3A_888 = vector.shape_cast %add3A_883 : vector<16xf32> to vector<1x16xf32>
        tpu.vector_store %arg23[%swap3A_884, %swap3A_885], %swap3A_888 {strides = array<i32>} : memref<128x128xf32, #tpu.memory_space<vmem>>, vector<1x16xf32>,
        %get3A_889 = arith.index_cast %add3A_868 : i32 to index
        %get3A_890 = arith.constant 32 : index
        %get3A_891 = tpu.vector_load %arg23[%get3A_889, %get3A_890] {strides = array<i32>} : memref<128x128xf32, #tpu.memory_space<vmem>>, vector<1x16xf32>,
        %get3A_892 = vector.shape_cast %get3A_891 : vector<1x16xf32> to vector<16xf32>
        %add3A_893 = arith.addf %get3A_892, %get3A_495 : vector<16xf32>
        %swap3A_894 = arith.index_cast %add3A_868 : i32 to index
        %swap3A_895 = arith.constant 32 : index
        %swap3A_896 = tpu.vector_load %arg23[%swap3A_894, %swap3A_895] {strides = array<i32>} : memref<128x128xf32, #tpu.memory_space<vmem>>, vector<1x16xf32>,
        %swap3A_897 = vector.shape_cast %swap3A_896 : vector<1x16xf32> to vector<16xf32>
        %swap3A_898 = vector.shape_cast %add3A_893 : vector<16xf32> to vector<1x16xf32>
        tpu.vector_store %arg23[%swap3A_894, %swap3A_895], %swap3A_898 {strides = array<i32>} : memref<128x128xf32, #tpu.memory_space<vmem>>, vector<1x16xf32>,
        %get3A_899 = arith.index_cast %add3A_868 : i32 to index
        %get3A_900 = arith.constant 48 : index
        %get3A_901 = tpu.vector_load %arg23[%get3A_899, %get3A_900] {strides = array<i32>} : memref<128x128xf32, #tpu.memory_space<vmem>>, vector<1x16xf32>,
        %get3A_902 = vector.shape_cast %get3A_901 : vector<1x16xf32> to vector<16xf32>
        %add3A_903 = arith.addf %get3A_902, %get3A_498 : vector<16xf32>
        %swap3A_904 = arith.index_cast %add3A_868 : i32 to index
        %swap3A_905 = arith.constant 48 : index
        %swap3A_906 = tpu.vector_load %arg23[%swap3A_904, %swap3A_905] {strides = array<i32>} : memref<128x128xf32, #tpu.memory_space<vmem>>, vector<1x16xf32>,
        %swap3A_907 = vector.shape_cast %swap3A_906 : vector<1x16xf32> to vector<16xf32>
        %swap3A_908 = vector.shape_cast %add3A_903 : vector<16xf32> to vector<1x16xf32>
        tpu.vector_store %arg23[%swap3A_904, %swap3A_905], %swap3A_908 {strides = array<i32>} : memref<128x128xf32, #tpu.memory_space<vmem>>, vector<1x16xf32>,
        %get3A_909 = arith.index_cast %add3A_868 : i32 to index
        %get3A_910 = arith.constant 64 : index
        %get3A_911 = tpu.vector_load %arg23[%get3A_909, %get3A_910] {strides = array<i32>} : memref<128x128xf32, #tpu.memory_space<vmem>>, vector<1x16xf32>,
        %get3A_912 = vector.shape_cast %get3A_911 : vector<1x16xf32> to vector<16xf32>
        %add3A_913 = arith.addf %get3A_912, %get3A_501 : vector<16xf32>
        %swap3A_914 = arith.index_cast %add3A_868 : i32 to index
        %swap3A_915 = arith.constant 64 : index
        %swap3A_916 = tpu.vector_load %arg23[%swap3A_914, %swap3A_915] {strides = array<i32>} : memref<128x128xf32, #tpu.memory_space<vmem>>, vector<1x16xf32>,
        %swap3A_917 = vector.shape_cast %swap3A_916 : vector<1x16xf32> to vector<16xf32>
        %swap3A_918 = vector.shape_cast %add3A_913 : vector<16xf32> to vector<1x16xf32>
        tpu.vector_store %arg23[%swap3A_914, %swap3A_915], %swap3A_918 {strides = array<i32>} : memref<128x128xf32, #tpu.memory_space<vmem>>, vector<1x16xf32>,
        %get3A_919 = arith.index_cast %add3A_868 : i32 to index
        %get3A_920 = arith.constant 80 : index
        %get3A_921 = tpu.vector_load %arg23[%get3A_919, %get3A_920] {strides = array<i32>} : memref<128x128xf32, #tpu.memory_space<vmem>>, vector<1x16xf32>,
        %get3A_922 = vector.shape_cast %get3A_921 : vector<1x16xf32> to vector<16xf32>
        %add3A_923 = arith.addf %get3A_922, %get3A_504 : vector<16xf32>
        %swap3A_924 = arith.index_cast %add3A_868 : i32 to index
        %swap3A_925 = arith.constant 80 : index
        %swap3A_926 = tpu.vector_load %arg23[%swap3A_924, %swap3A_925] {strides = array<i32>} : memref<128x128xf32, #tpu.memory_space<vmem>>, vector<1x16xf32>,
        %swap3A_927 = vector.shape_cast %swap3A_926 : vector<1x16xf32> to vector<16xf32>
        %swap3A_928 = vector.shape_cast %add3A_923 : vector<16xf32> to vector<1x16xf32>
        tpu.vector_store %arg23[%swap3A_924, %swap3A_925], %swap3A_928 {strides = array<i32>} : memref<128x128xf32, #tpu.memory_space<vmem>>, vector<1x16xf32>,
        %get3A_929 = arith.index_cast %add3A_868 : i32 to index
        %get3A_930 = arith.constant 96 : index
        %get3A_931 = tpu.vector_load %arg23[%get3A_929, %get3A_930] {strides = array<i32>} : memref<128x128xf32, #tpu.memory_space<vmem>>, vector<1x16xf32>,
        %get3A_932 = vector.shape_cast %get3A_931 : vector<1x16xf32> to vector<16xf32>
        %add3A_933 = arith.addf %get3A_932, %get3A_507 : vector<16xf32>
        %swap3A_934 = arith.index_cast %add3A_868 : i32 to index
        %swap3A_935 = arith.constant 96 : index
        %swap3A_936 = tpu.vector_load %arg23[%swap3A_934, %swap3A_935] {strides = array<i32>} : memref<128x128xf32, #tpu.memory_space<vmem>>, vector<1x16xf32>,
        %swap3A_937 = vector.shape_cast %swap3A_936 : vector<1x16xf32> to vector<16xf32>
        %swap3A_938 = vector.shape_cast %add3A_933 : vector<16xf32> to vector<1x16xf32>
        tpu.vector_store %arg23[%swap3A_934, %swap3A_935], %swap3A_938 {strides = array<i32>} : memref<128x128xf32, #tpu.memory_space<vmem>>, vector<1x16xf32>,
        %get3A_939 = arith.index_cast %add3A_868 : i32 to index
        %get3A_940 = arith.constant 112 : index
        %get3A_941 = tpu.vector_load %arg23[%get3A_939, %get3A_940] {strides = array<i32>} : memref<128x128xf32, #tpu.memory_space<vmem>>, vector<1x16xf32>,
        %get3A_942 = vector.shape_cast %get3A_941 : vector<1x16xf32> to vector<16xf32>
        %add3A_943 = arith.addf %get3A_942, %get3A_510 : vector<16xf32>
        %swap3A_944 = arith.index_cast %add3A_868 : i32 to index
        %swap3A_945 = arith.constant 112 : index
        %swap3A_946 = tpu.vector_load %arg23[%swap3A_944, %swap3A_945] {strides = array<i32>} : memref<128x128xf32, #tpu.memory_space<vmem>>, vector<1x16xf32>,
        %swap3A_947 = vector.shape_cast %swap3A_946 : vector<1x16xf32> to vector<16xf32>
        %swap3A_948 = vector.shape_cast %add3A_943 : vector<16xf32> to vector<1x16xf32>
        tpu.vector_store %arg23[%swap3A_944, %swap3A_945], %swap3A_948 {strides = array<i32>} : memref<128x128xf32, #tpu.memory_space<vmem>>, vector<1x16xf32>,
        %mul3A_949 = arith.constant 4 : i32
        %mul3A_950 = arith.muli %scan3A_864, %mul3A_949 : i32
        %add3A_951 = arith.constant 1 : i32
        %add3A_952 = arith.addi %mul3A_950, %add3A_951 : i32
        %get3A_953 = arith.index_cast %add3A_952 : i32 to index
        %get3A_954 = arith.constant 0 : index
        %get3A_955 = tpu.vector_load %arg23[%get3A_953, %get3A_954] {strides = array<i32>} : memref<128x128xf32, #tpu.memory_space<vmem>>, vector<1x16xf32>,
        %get3A_956 = vector.shape_cast %get3A_955 : vector<1x16xf32> to vector<16xf32>
        %add3A_957 = arith.addf %get3A_956, %get3A_489 : vector<16xf32>
        %swap3A_958 = arith.index_cast %add3A_952 : i32 to index
        %swap3A_959 = arith.constant 0 : index
        %swap3A_960 = tpu.vector_load %arg23[%swap3A_958, %swap3A_959] {strides = array<i32>} : memref<128x128xf32, #tpu.memory_space<vmem>>, vector<1x16xf32>,
        %swap3A_961 = vector.shape_cast %swap3A_960 : vector<1x16xf32> to vector<16xf32>
        %swap3A_962 = vector.shape_cast %add3A_957 : vector<16xf32> to vector<1x16xf32>
        tpu.vector_store %arg23[%swap3A_958, %swap3A_959], %swap3A_962 {strides = array<i32>} : memref<128x128xf32, #tpu.memory_space<vmem>>, vector<1x16xf32>,
        %get3A_963 = arith.index_cast %add3A_952 : i32 to index
        %get3A_964 = arith.constant 16 : index
        %get3A_965 = tpu.vector_load %arg23[%get3A_963, %get3A_964] {strides = array<i32>} : memref<128x128xf32, #tpu.memory_space<vmem>>, vector<1x16xf32>,
        %get3A_966 = vector.shape_cast %get3A_965 : vector<1x16xf32> to vector<16xf32>
        %add3A_967 = arith.addf %get3A_966, %get3A_492 : vector<16xf32>
        %swap3A_968 = arith.index_cast %add3A_952 : i32 to index
        %swap3A_969 = arith.constant 16 : index
        %swap3A_970 = tpu.vector_load %arg23[%swap3A_968, %swap3A_969] {strides = array<i32>} : memref<128x128xf32, #tpu.memory_space<vmem>>, vector<1x16xf32>,
        %swap3A_971 = vector.shape_cast %swap3A_970 : vector<1x16xf32> to vector<16xf32>
        %swap3A_972 = vector.shape_cast %add3A_967 : vector<16xf32> to vector<1x16xf32>
        tpu.vector_store %arg23[%swap3A_968, %swap3A_969], %swap3A_972 {strides = array<i32>} : memref<128x128xf32, #tpu.memory_space<vmem>>, vector<1x16xf32>,
        %get3A_973 = arith.index_cast %add3A_952 : i32 to index
        %get3A_974 = arith.constant 32 : index
        %get3A_975 = tpu.vector_load %arg23[%get3A_973, %get3A_974] {strides = array<i32>} : memref<128x128xf32, #tpu.memory_space<vmem>>, vector<1x16xf32>,
        %get3A_976 = vector.shape_cast %get3A_975 : vector<1x16xf32> to vector<16xf32>
        %add3A_977 = arith.addf %get3A_976, %get3A_495 : vector<16xf32>
        %swap3A_978 = arith.index_cast %add3A_952 : i32 to index
        %swap3A_979 = arith.constant 32 : index
        %swap3A_980 = tpu.vector_load %arg23[%swap3A_978, %swap3A_979] {strides = array<i32>} : memref<128x128xf32, #tpu.memory_space<vmem>>, vector<1x16xf32>,
        %swap3A_981 = vector.shape_cast %swap3A_980 : vector<1x16xf32> to vector<16xf32>
        %swap3A_982 = vector.shape_cast %add3A_977 : vector<16xf32> to vector<1x16xf32>
        tpu.vector_store %arg23[%swap3A_978, %swap3A_979], %swap3A_982 {strides = array<i32>} : memref<128x128xf32, #tpu.memory_space<vmem>>, vector<1x16xf32>,
        %get3A_983 = arith.index_cast %add3A_952 : i32 to index
        %get3A_984 = arith.constant 48 : index
        %get3A_985 = tpu.vector_load %arg23[%get3A_983, %get3A_984] {strides = array<i32>} : memref<128x128xf32, #tpu.memory_space<vmem>>, vector<1x16xf32>,
        %get3A_986 = vector.shape_cast %get3A_985 : vector<1x16xf32> to vector<16xf32>
        %add3A_987 = arith.addf %get3A_986, %get3A_498 : vector<16xf32>
        %swap3A_988 = arith.index_cast %add3A_952 : i32 to index
        %swap3A_989 = arith.constant 48 : index
        %swap3A_990 = tpu.vector_load %arg23[%swap3A_988, %swap3A_989] {strides = array<i32>} : memref<128x128xf32, #tpu.memory_space<vmem>>, vector<1x16xf32>,
        %swap3A_991 = vector.shape_cast %swap3A_990 : vector<1x16xf32> to vector<16xf32>
        %swap3A_992 = vector.shape_cast %add3A_987 : vector<16xf32> to vector<1x16xf32>
        tpu.vector_store %arg23[%swap3A_988, %swap3A_989], %swap3A_992 {strides = array<i32>} : memref<128x128xf32, #tpu.memory_space<vmem>>, vector<1x16xf32>,
        %get3A_993 = arith.index_cast %add3A_952 : i32 to index
        %get3A_994 = arith.constant 64 : index
        %get3A_995 = tpu.vector_load %arg23[%get3A_993, %get3A_994] {strides = array<i32>} : memref<128x128xf32, #tpu.memory_space<vmem>>, vector<1x16xf32>,
        %get3A_996 = vector.shape_cast %get3A_995 : vector<1x16xf32> to vector<16xf32>
        %add3A_997 = arith.addf %get3A_996, %get3A_501 : vector<16xf32>
        %swap3A_998 = arith.index_cast %add3A_952 : i32 to index
        %swap3A_999 = arith.constant 64 : index
        %swap3A_1000 = tpu.vector_load %arg23[%swap3A_998, %swap3A_999] {strides = array<i32>} : memref<128x128xf32, #tpu.memory_space<vmem>>, vector<1x16xf32>,
        %swap3A_1001 = vector.shape_cast %swap3A_1000 : vector<1x16xf32> to vector<16xf32>
        %swap3A_1002 = vector.shape_cast %add3A_997 : vector<16xf32> to vector<1x16xf32>
        tpu.vector_store %arg23[%swap3A_998, %swap3A_999], %swap3A_1002 {strides = array<i32>} : memref<128x128xf32, #tpu.memory_space<vmem>>, vector<1x16xf32>,
        %get3A_1003 = arith.index_cast %add3A_952 : i32 to index
        %get3A_1004 = arith.constant 80 : index
        %get3A_1005 = tpu.vector_load %arg23[%get3A_1003, %get3A_1004] {strides = array<i32>} : memref<128x128xf32, #tpu.memory_space<vmem>>, vector<1x16xf32>,
        %get3A_1006 = vector.shape_cast %get3A_1005 : vector<1x16xf32> to vector<16xf32>
        %add3A_1007 = arith.addf %get3A_1006, %get3A_504 : vector<16xf32>
        %swap3A_1008 = arith.index_cast %add3A_952 : i32 to index
        %swap3A_1009 = arith.constant 80 : index
        %swap3A_1010 = tpu.vector_load %arg23[%swap3A_1008, %swap3A_1009] {strides = array<i32>} : memref<128x128xf32, #tpu.memory_space<vmem>>, vector<1x16xf32>,
        %swap3A_1011 = vector.shape_cast %swap3A_1010 : vector<1x16xf32> to vector<16xf32>
        %swap3A_1012 = vector.shape_cast %add3A_1007 : vector<16xf32> to vector<1x16xf32>
        tpu.vector_store %arg23[%swap3A_1008, %swap3A_1009], %swap3A_1012 {strides = array<i32>} : memref<128x128xf32, #tpu.memory_space<vmem>>, vector<1x16xf32>,
        %get3A_1013 = arith.index_cast %add3A_952 : i32 to index
        %get3A_1014 = arith.constant 96 : index
        %get3A_1015 = tpu.vector_load %arg23[%get3A_1013, %get3A_1014] {strides = array<i32>} : memref<128x128xf32, #tpu.memory_space<vmem>>, vector<1x16xf32>,
        %get3A_1016 = vector.shape_cast %get3A_1015 : vector<1x16xf32> to vector<16xf32>
        %add3A_1017 = arith.addf %get3A_1016, %get3A_507 : vector<16xf32>
        %swap3A_1018 = arith.index_cast %add3A_952 : i32 to index
        %swap3A_1019 = arith.constant 96 : index
        %swap3A_1020 = tpu.vector_load %arg23[%swap3A_1018, %swap3A_1019] {strides = array<i32>} : memref<128x128xf32, #tpu.memory_space<vmem>>, vector<1x16xf32>,
        %swap3A_1021 = vector.shape_cast %swap3A_1020 : vector<1x16xf32> to vector<16xf32>
        %swap3A_1022 = vector.shape_cast %add3A_1017 : vector<16xf32> to vector<1x16xf32>
        tpu.vector_store %arg23[%swap3A_1018, %swap3A_1019], %swap3A_1022 {strides = array<i32>} : memref<128x128xf32, #tpu.memory_space<vmem>>, vector<1x16xf32>,
        %get3A_1023 = arith.index_cast %add3A_952 : i32 to index
        %get3A_1024 = arith.constant 112 : index
        %get3A_1025 = tpu.vector_load %arg23[%get3A_1023, %get3A_1024] {strides = array<i32>} : memref<128x128xf32, #tpu.memory_space<vmem>>, vector<1x16xf32>,
        %get3A_1026 = vector.shape_cast %get3A_1025 : vector<1x16xf32> to vector<16xf32>
        %add3A_1027 = arith.addf %get3A_1026, %get3A_510 : vector<16xf32>
        %swap3A_1028 = arith.index_cast %add3A_952 : i32 to index
        %swap3A_1029 = arith.constant 112 : index
        %swap3A_1030 = tpu.vector_load %arg23[%swap3A_1028, %swap3A_1029] {strides = array<i32>} : memref<128x128xf32, #tpu.memory_space<vmem>>, vector<1x16xf32>,
        %swap3A_1031 = vector.shape_cast %swap3A_1030 : vector<1x16xf32> to vector<16xf32>
        %swap3A_1032 = vector.shape_cast %add3A_1027 : vector<16xf32> to vector<1x16xf32>
        tpu.vector_store %arg23[%swap3A_1028, %swap3A_1029], %swap3A_1032 {strides = array<i32>} : memref<128x128xf32, #tpu.memory_space<vmem>>, vector<1x16xf32>,
        %mul3A_1033 = arith.constant 4 : i32
        %mul3A_1034 = arith.muli %scan3A_864, %mul3A_1033 : i32
        %add3A_1035 = arith.constant 2 : i32
        %add3A_1036 = arith.addi %mul3A_1034, %add3A_1035 : i32
        %get3A_1037 = arith.index_cast %add3A_1036 : i32 to index
        %get3A_1038 = arith.constant 0 : index
        %get3A_1039 = tpu.vector_load %arg23[%get3A_1037, %get3A_1038] {strides = array<i32>} : memref<128x128xf32, #tpu.memory_space<vmem>>, vector<1x16xf32>,
        %get3A_1040 = vector.shape_cast %get3A_1039 : vector<1x16xf32> to vector<16xf32>
        %add3A_1041 = arith.addf %get3A_1040, %get3A_489 : vector<16xf32>
        %swap3A_1042 = arith.index_cast %add3A_1036 : i32 to index
        %swap3A_1043 = arith.constant 0 : index
        %swap3A_1044 = tpu.vector_load %arg23[%swap3A_1042, %swap3A_1043] {strides = array<i32>} : memref<128x128xf32, #tpu.memory_space<vmem>>, vector<1x16xf32>,
        %swap3A_1045 = vector.shape_cast %swap3A_1044 : vector<1x16xf32> to vector<16xf32>
        %swap3A_1046 = vector.shape_cast %add3A_1041 : vector<16xf32> to vector<1x16xf32>
        tpu.vector_store %arg23[%swap3A_1042, %swap3A_1043], %swap3A_1046 {strides = array<i32>} : memref<128x128xf32, #tpu.memory_space<vmem>>, vector<1x16xf32>,
        %get3A_1047 = arith.index_cast %add3A_1036 : i32 to index
        %get3A_1048 = arith.constant 16 : index
        %get3A_1049 = tpu.vector_load %arg23[%get3A_1047, %get3A_1048] {strides = array<i32>} : memref<128x128xf32, #tpu.memory_space<vmem>>, vector<1x16xf32>,
        %get3A_1050 = vector.shape_cast %get3A_1049 : vector<1x16xf32> to vector<16xf32>
        %add3A_1051 = arith.addf %get3A_1050, %get3A_492 : vector<16xf32>
        %swap3A_1052 = arith.index_cast %add3A_1036 : i32 to index
        %swap3A_1053 = arith.constant 16 : index
        %swap3A_1054 = tpu.vector_load %arg23[%swap3A_1052, %swap3A_1053] {strides = array<i32>} : memref<128x128xf32, #tpu.memory_space<vmem>>, vector<1x16xf32>,
        %swap3A_1055 = vector.shape_cast %swap3A_1054 : vector<1x16xf32> to vector<16xf32>
        %swap3A_1056 = vector.shape_cast %add3A_1051 : vector<16xf32> to vector<1x16xf32>
        tpu.vector_store %arg23[%swap3A_1052, %swap3A_1053], %swap3A_1056 {strides = array<i32>} : memref<128x128xf32, #tpu.memory_space<vmem>>, vector<1x16xf32>,
        %get3A_1057 = arith.index_cast %add3A_1036 : i32 to index
        %get3A_1058 = arith.constant 32 : index
        %get3A_1059 = tpu.vector_load %arg23[%get3A_1057, %get3A_1058] {strides = array<i32>} : memref<128x128xf32, #tpu.memory_space<vmem>>, vector<1x16xf32>,
        %get3A_1060 = vector.shape_cast %get3A_1059 : vector<1x16xf32> to vector<16xf32>
        %add3A_1061 = arith.addf %get3A_1060, %get3A_495 : vector<16xf32>
        %swap3A_1062 = arith.index_cast %add3A_1036 : i32 to index
        %swap3A_1063 = arith.constant 32 : index
        %swap3A_1064 = tpu.vector_load %arg23[%swap3A_1062, %swap3A_1063] {strides = array<i32>} : memref<128x128xf32, #tpu.memory_space<vmem>>, vector<1x16xf32>,
        %swap3A_1065 = vector.shape_cast %swap3A_1064 : vector<1x16xf32> to vector<16xf32>
        %swap3A_1066 = vector.shape_cast %add3A_1061 : vector<16xf32> to vector<1x16xf32>
        tpu.vector_store %arg23[%swap3A_1062, %swap3A_1063], %swap3A_1066 {strides = array<i32>} : memref<128x128xf32, #tpu.memory_space<vmem>>, vector<1x16xf32>,
        %get3A_1067 = arith.index_cast %add3A_1036 : i32 to index
        %get3A_1068 = arith.constant 48 : index
        %get3A_1069 = tpu.vector_load %arg23[%get3A_1067, %get3A_1068] {strides = array<i32>} : memref<128x128xf32, #tpu.memory_space<vmem>>, vector<1x16xf32>,
        %get3A_1070 = vector.shape_cast %get3A_1069 : vector<1x16xf32> to vector<16xf32>
        %add3A_1071 = arith.addf %get3A_1070, %get3A_498 : vector<16xf32>
        %swap3A_1072 = arith.index_cast %add3A_1036 : i32 to index
        %swap3A_1073 = arith.constant 48 : index
        %swap3A_1074 = tpu.vector_load %arg23[%swap3A_1072, %swap3A_1073] {strides = array<i32>} : memref<128x128xf32, #tpu.memory_space<vmem>>, vector<1x16xf32>,
        %swap3A_1075 = vector.shape_cast %swap3A_1074 : vector<1x16xf32> to vector<16xf32>
        %swap3A_1076 = vector.shape_cast %add3A_1071 : vector<16xf32> to vector<1x16xf32>
        tpu.vector_store %arg23[%swap3A_1072, %swap3A_1073], %swap3A_1076 {strides = array<i32>} : memref<128x128xf32, #tpu.memory_space<vmem>>, vector<1x16xf32>,
        %get3A_1077 = arith.index_cast %add3A_1036 : i32 to index
        %get3A_1078 = arith.constant 64 : index
        %get3A_1079 = tpu.vector_load %arg23[%get3A_1077, %get3A_1078] {strides = array<i32>} : memref<128x128xf32, #tpu.memory_space<vmem>>, vector<1x16xf32>,
        %get3A_1080 = vector.shape_cast %get3A_1079 : vector<1x16xf32> to vector<16xf32>
        %add3A_1081 = arith.addf %get3A_1080, %get3A_501 : vector<16xf32>
        %swap3A_1082 = arith.index_cast %add3A_1036 : i32 to index
        %swap3A_1083 = arith.constant 64 : index
        %swap3A_1084 = tpu.vector_load %arg23[%swap3A_1082, %swap3A_1083] {strides = array<i32>} : memref<128x128xf32, #tpu.memory_space<vmem>>, vector<1x16xf32>,
        %swap3A_1085 = vector.shape_cast %swap3A_1084 : vector<1x16xf32> to vector<16xf32>
        %swap3A_1086 = vector.shape_cast %add3A_1081 : vector<16xf32> to vector<1x16xf32>
        tpu.vector_store %arg23[%swap3A_1082, %swap3A_1083], %swap3A_1086 {strides = array<i32>} : memref<128x128xf32, #tpu.memory_space<vmem>>, vector<1x16xf32>,
        %get3A_1087 = arith.index_cast %add3A_1036 : i32 to index
        %get3A_1088 = arith.constant 80 : index
        %get3A_1089 = tpu.vector_load %arg23[%get3A_1087, %get3A_1088] {strides = array<i32>} : memref<128x128xf32, #tpu.memory_space<vmem>>, vector<1x16xf32>,
        %get3A_1090 = vector.shape_cast %get3A_1089 : vector<1x16xf32> to vector<16xf32>
        %add3A_1091 = arith.addf %get3A_1090, %get3A_504 : vector<16xf32>
        %swap3A_1092 = arith.index_cast %add3A_1036 : i32 to index
        %swap3A_1093 = arith.constant 80 : index
        %swap3A_1094 = tpu.vector_load %arg23[%swap3A_1092, %swap3A_1093] {strides = array<i32>} : memref<128x128xf32, #tpu.memory_space<vmem>>, vector<1x16xf32>,
        %swap3A_1095 = vector.shape_cast %swap3A_1094 : vector<1x16xf32> to vector<16xf32>
        %swap3A_1096 = vector.shape_cast %add3A_1091 : vector<16xf32> to vector<1x16xf32>
        tpu.vector_store %arg23[%swap3A_1092, %swap3A_1093], %swap3A_1096 {strides = array<i32>} : memref<128x128xf32, #tpu.memory_space<vmem>>, vector<1x16xf32>,
        %get3A_1097 = arith.index_cast %add3A_1036 : i32 to index
        %get3A_1098 = arith.constant 96 : index
        %get3A_1099 = tpu.vector_load %arg23[%get3A_1097, %get3A_1098] {strides = array<i32>} : memref<128x128xf32, #tpu.memory_space<vmem>>, vector<1x16xf32>,
        %get3A_1100 = vector.shape_cast %get3A_1099 : vector<1x16xf32> to vector<16xf32>
        %add3A_1101 = arith.addf %get3A_1100, %get3A_507 : vector<16xf32>
        %swap3A_1102 = arith.index_cast %add3A_1036 : i32 to index
        %swap3A_1103 = arith.constant 96 : index
        %swap3A_1104 = tpu.vector_load %arg23[%swap3A_1102, %swap3A_1103] {strides = array<i32>} : memref<128x128xf32, #tpu.memory_space<vmem>>, vector<1x16xf32>,
        %swap3A_1105 = vector.shape_cast %swap3A_1104 : vector<1x16xf32> to vector<16xf32>
        %swap3A_1106 = vector.shape_cast %add3A_1101 : vector<16xf32> to vector<1x16xf32>
        tpu.vector_store %arg23[%swap3A_1102, %swap3A_1103], %swap3A_1106 {strides = array<i32>} : memref<128x128xf32, #tpu.memory_space<vmem>>, vector<1x16xf32>,
        %get3A_1107 = arith.index_cast %add3A_1036 : i32 to index
        %get3A_1108 = arith.constant 112 : index
        %get3A_1109 = tpu.vector_load %arg23[%get3A_1107, %get3A_1108] {strides = array<i32>} : memref<128x128xf32, #tpu.memory_space<vmem>>, vector<1x16xf32>,
        %get3A_1110 = vector.shape_cast %get3A_1109 : vector<1x16xf32> to vector<16xf32>
        %add3A_1111 = arith.addf %get3A_1110, %get3A_510 : vector<16xf32>
        %swap3A_1112 = arith.index_cast %add3A_1036 : i32 to index
        %swap3A_1113 = arith.constant 112 : index
        %swap3A_1114 = tpu.vector_load %arg23[%swap3A_1112, %swap3A_1113] {strides = array<i32>} : memref<128x128xf32, #tpu.memory_space<vmem>>, vector<1x16xf32>,
        %swap3A_1115 = vector.shape_cast %swap3A_1114 : vector<1x16xf32> to vector<16xf32>
        %swap3A_1116 = vector.shape_cast %add3A_1111 : vector<16xf32> to vector<1x16xf32>
        tpu.vector_store %arg23[%swap3A_1112, %swap3A_1113], %swap3A_1116 {strides = array<i32>} : memref<128x128xf32, #tpu.memory_space<vmem>>, vector<1x16xf32>,
        %mul3A_1117 = arith.constant 4 : i32
        %mul3A_1118 = arith.muli %scan3A_864, %mul3A_1117 : i32
        %add3A_1119 = arith.constant 3 : i32
        %add3A_1120 = arith.addi %mul3A_1118, %add3A_1119 : i32
        %get3A_1121 = arith.index_cast %add3A_1120 : i32 to index
        %get3A_1122 = arith.constant 0 : index
        %get3A_1123 = tpu.vector_load %arg23[%get3A_1121, %get3A_1122] {strides = array<i32>} : memref<128x128xf32, #tpu.memory_space<vmem>>, vector<1x16xf32>,
        %get3A_1124 = vector.shape_cast %get3A_1123 : vector<1x16xf32> to vector<16xf32>
        %add3A_1125 = arith.addf %get3A_1124, %get3A_489 : vector<16xf32>
        %swap3A_1126 = arith.index_cast %add3A_1120 : i32 to index
        %swap3A_1127 = arith.constant 0 : index
        %swap3A_1128 = tpu.vector_load %arg23[%swap3A_1126, %swap3A_1127] {strides = array<i32>} : memref<128x128xf32, #tpu.memory_space<vmem>>, vector<1x16xf32>,
        %swap3A_1129 = vector.shape_cast %swap3A_1128 : vector<1x16xf32> to vector<16xf32>
        %swap3A_1130 = vector.shape_cast %add3A_1125 : vector<16xf32> to vector<1x16xf32>
        tpu.vector_store %arg23[%swap3A_1126, %swap3A_1127], %swap3A_1130 {strides = array<i32>} : memref<128x128xf32, #tpu.memory_space<vmem>>, vector<1x16xf32>,
        %get3A_1131 = arith.index_cast %add3A_1120 : i32 to index
        %get3A_1132 = arith.constant 16 : index
        %get3A_1133 = tpu.vector_load %arg23[%get3A_1131, %get3A_1132] {strides = array<i32>} : memref<128x128xf32, #tpu.memory_space<vmem>>, vector<1x16xf32>,
        %get3A_1134 = vector.shape_cast %get3A_1133 : vector<1x16xf32> to vector<16xf32>
        %add3A_1135 = arith.addf %get3A_1134, %get3A_492 : vector<16xf32>
        %swap3A_1136 = arith.index_cast %add3A_1120 : i32 to index
        %swap3A_1137 = arith.constant 16 : index
        %swap3A_1138 = tpu.vector_load %arg23[%swap3A_1136, %swap3A_1137] {strides = array<i32>} : memref<128x128xf32, #tpu.memory_space<vmem>>, vector<1x16xf32>,
        %swap3A_1139 = vector.shape_cast %swap3A_1138 : vector<1x16xf32> to vector<16xf32>
        %swap3A_1140 = vector.shape_cast %add3A_1135 : vector<16xf32> to vector<1x16xf32>
        tpu.vector_store %arg23[%swap3A_1136, %swap3A_1137], %swap3A_1140 {strides = array<i32>} : memref<128x128xf32, #tpu.memory_space<vmem>>, vector<1x16xf32>,
        %get3A_1141 = arith.index_cast %add3A_1120 : i32 to index
        %get3A_1142 = arith.constant 32 : index
        %get3A_1143 = tpu.vector_load %arg23[%get3A_1141, %get3A_1142] {strides = array<i32>} : memref<128x128xf32, #tpu.memory_space<vmem>>, vector<1x16xf32>,
        %get3A_1144 = vector.shape_cast %get3A_1143 : vector<1x16xf32> to vector<16xf32>
        %add3A_1145 = arith.addf %get3A_1144, %get3A_495 : vector<16xf32>
        %swap3A_1146 = arith.index_cast %add3A_1120 : i32 to index
        %swap3A_1147 = arith.constant 32 : index
        %swap3A_1148 = tpu.vector_load %arg23[%swap3A_1146, %swap3A_1147] {strides = array<i32>} : memref<128x128xf32, #tpu.memory_space<vmem>>, vector<1x16xf32>,
        %swap3A_1149 = vector.shape_cast %swap3A_1148 : vector<1x16xf32> to vector<16xf32>
        %swap3A_1150 = vector.shape_cast %add3A_1145 : vector<16xf32> to vector<1x16xf32>
        tpu.vector_store %arg23[%swap3A_1146, %swap3A_1147], %swap3A_1150 {strides = array<i32>} : memref<128x128xf32, #tpu.memory_space<vmem>>, vector<1x16xf32>,
        %get3A_1151 = arith.index_cast %add3A_1120 : i32 to index
        %get3A_1152 = arith.constant 48 : index
        %get3A_1153 = tpu.vector_load %arg23[%get3A_1151, %get3A_1152] {strides = array<i32>} : memref<128x128xf32, #tpu.memory_space<vmem>>, vector<1x16xf32>,
        %get3A_1154 = vector.shape_cast %get3A_1153 : vector<1x16xf32> to vector<16xf32>
        %add3A_1155 = arith.addf %get3A_1154, %get3A_498 : vector<16xf32>
        %swap3A_1156 = arith.index_cast %add3A_1120 : i32 to index
        %swap3A_1157 = arith.constant 48 : index
        %swap3A_1158 = tpu.vector_load %arg23[%swap3A_1156, %swap3A_1157] {strides = array<i32>} : memref<128x128xf32, #tpu.memory_space<vmem>>, vector<1x16xf32>,
        %swap3A_1159 = vector.shape_cast %swap3A_1158 : vector<1x16xf32> to vector<16xf32>
        %swap3A_1160 = vector.shape_cast %add3A_1155 : vector<16xf32> to vector<1x16xf32>
        tpu.vector_store %arg23[%swap3A_1156, %swap3A_1157], %swap3A_1160 {strides = array<i32>} : memref<128x128xf32, #tpu.memory_space<vmem>>, vector<1x16xf32>,
        %get3A_1161 = arith.index_cast %add3A_1120 : i32 to index
        %get3A_1162 = arith.constant 64 : index
        %get3A_1163 = tpu.vector_load %arg23[%get3A_1161, %get3A_1162] {strides = array<i32>} : memref<128x128xf32, #tpu.memory_space<vmem>>, vector<1x16xf32>,
        %get3A_1164 = vector.shape_cast %get3A_1163 : vector<1x16xf32> to vector<16xf32>
        %add3A_1165 = arith.addf %get3A_1164, %get3A_501 : vector<16xf32>
        %swap3A_1166 = arith.index_cast %add3A_1120 : i32 to index
        %swap3A_1167 = arith.constant 64 : index
        %swap3A_1168 = tpu.vector_load %arg23[%swap3A_1166, %swap3A_1167] {strides = array<i32>} : memref<128x128xf32, #tpu.memory_space<vmem>>, vector<1x16xf32>,
        %swap3A_1169 = vector.shape_cast %swap3A_1168 : vector<1x16xf32> to vector<16xf32>
        %swap3A_1170 = vector.shape_cast %add3A_1165 : vector<16xf32> to vector<1x16xf32>
        tpu.vector_store %arg23[%swap3A_1166, %swap3A_1167], %swap3A_1170 {strides = array<i32>} : memref<128x128xf32, #tpu.memory_space<vmem>>, vector<1x16xf32>,
        %get3A_1171 = arith.index_cast %add3A_1120 : i32 to index
        %get3A_1172 = arith.constant 80 : index
        %get3A_1173 = tpu.vector_load %arg23[%get3A_1171, %get3A_1172] {strides = array<i32>} : memref<128x128xf32, #tpu.memory_space<vmem>>, vector<1x16xf32>,
        %get3A_1174 = vector.shape_cast %get3A_1173 : vector<1x16xf32> to vector<16xf32>
        %add3A_1175 = arith.addf %get3A_1174, %get3A_504 : vector<16xf32>
        %swap3A_1176 = arith.index_cast %add3A_1120 : i32 to index
        %swap3A_1177 = arith.constant 80 : index
        %swap3A_1178 = tpu.vector_load %arg23[%swap3A_1176, %swap3A_1177] {strides = array<i32>} : memref<128x128xf32, #tpu.memory_space<vmem>>, vector<1x16xf32>,
        %swap3A_1179 = vector.shape_cast %swap3A_1178 : vector<1x16xf32> to vector<16xf32>
        %swap3A_1180 = vector.shape_cast %add3A_1175 : vector<16xf32> to vector<1x16xf32>
        tpu.vector_store %arg23[%swap3A_1176, %swap3A_1177], %swap3A_1180 {strides = array<i32>} : memref<128x128xf32, #tpu.memory_space<vmem>>, vector<1x16xf32>,
        %get3A_1181 = arith.index_cast %add3A_1120 : i32 to index
        %get3A_1182 = arith.constant 96 : index
        %get3A_1183 = tpu.vector_load %arg23[%get3A_1181, %get3A_1182] {strides = array<i32>} : memref<128x128xf32, #tpu.memory_space<vmem>>, vector<1x16xf32>,
        %get3A_1184 = vector.shape_cast %get3A_1183 : vector<1x16xf32> to vector<16xf32>
        %add3A_1185 = arith.addf %get3A_1184, %get3A_507 : vector<16xf32>
        %swap3A_1186 = arith.index_cast %add3A_1120 : i32 to index
        %swap3A_1187 = arith.constant 96 : index
        %swap3A_1188 = tpu.vector_load %arg23[%swap3A_1186, %swap3A_1187] {strides = array<i32>} : memref<128x128xf32, #tpu.memory_space<vmem>>, vector<1x16xf32>,
        %swap3A_1189 = vector.shape_cast %swap3A_1188 : vector<1x16xf32> to vector<16xf32>
        %swap3A_1190 = vector.shape_cast %add3A_1185 : vector<16xf32> to vector<1x16xf32>
        tpu.vector_store %arg23[%swap3A_1186, %swap3A_1187], %swap3A_1190 {strides = array<i32>} : memref<128x128xf32, #tpu.memory_space<vmem>>, vector<1x16xf32>,
        %get3A_1191 = arith.index_cast %add3A_1120 : i32 to index
        %get3A_1192 = arith.constant 112 : index
        %get3A_1193 = tpu.vector_load %arg23[%get3A_1191, %get3A_1192] {strides = array<i32>} : memref<128x128xf32, #tpu.memory_space<vmem>>, vector<1x16xf32>,
        %get3A_1194 = vector.shape_cast %get3A_1193 : vector<1x16xf32> to vector<16xf32>
        %add3A_1195 = arith.addf %get3A_1194, %get3A_510 : vector<16xf32>
        %swap3A_1196 = arith.index_cast %add3A_1120 : i32 to index
        %swap3A_1197 = arith.constant 112 : index
        %swap3A_1198 = tpu.vector_load %arg23[%swap3A_1196, %swap3A_1197] {strides = array<i32>} : memref<128x128xf32, #tpu.memory_space<vmem>>, vector<1x16xf32>,
        %swap3A_1199 = vector.shape_cast %swap3A_1198 : vector<1x16xf32> to vector<16xf32>
        %swap3A_1200 = vector.shape_cast %add3A_1195 : vector<16xf32> to vector<1x16xf32>
        tpu.vector_store %arg23[%swap3A_1196, %swap3A_1197], %swap3A_1200 {strides = array<i32>} : memref<128x128xf32, #tpu.memory_space<vmem>>, vector<1x16xf32>,
      }
      %scan3A_588 = arith.constant 32 : i32
      %dma_start3A_589 = arith.constant 0 : i32
      %dma_start3A_590 = arith.constant 0 : i32
      %dma_start3A_591 = tpu.memref_slice %arg5[%dma_start3A_589, %dma_start3A_590] : memref<819200x128xf32, #tpu.memory_space<hbm>> -> memref<819200x128xf32, #tpu.memory_space<hbm>>
      tpu.enqueue_indirect_dma source(%arg23 : memref<128x128xf32, #tpu.memory_space<vmem>>) target(%dma_start3A_591 : memref<819200x128xf32, #tpu.memory_space<hbm>>) offsets(%arg22 : memref<128xi32, #tpu.memory_space<vmem>>) semaphore(%arg26 : memref<!tpu.dma_semaphore, #tpu.memory_space<semaphore_mem>>)
      %mul3A_592 = arith.constant 5 : i32
      %mul3A_593 = arith.muli %scan3A_189, %mul3A_592 : i32
      %add3A_594 = arith.constant 3 : i32
      %add3A_595 = arith.addi %mul3A_593, %add3A_594 : i32
      %ge3A_596 = arith.constant 2 : i32
      %ge3A_597 = arith.cmpi sge, %add3A_595, %ge3A_596 : i32
      %add3A_598 = arith.constant 3 : i32
      %add3A_599 = arith.addi %add3A_595, %add3A_598 : i32
      %lt3A_600 = arith.constant 200 : i32
      %lt3A_601 = arith.cmpi slt, %add3A_599, %lt3A_600 : i32
      %and3A_602 = arith.andi %ge3A_597, %lt3A_601 : i1
      %convert_element_type3A_603 = arith.extui %and3A_602 : i1 to i32
      %cond3A_604 = arith.constant 0 : i32
      %cond3A_605 = arith.cmpi ne, %convert_element_type3A_603, %cond3A_604 : i32
      scf.if %cond3A_605 {
        %dma_wait3A_864 = arith.constant 0 : i32
        %dma_wait3A_865 = arith.constant 0 : i32
        %dma_wait3A_866 = tpu.memref_slice %arg5[%dma_wait3A_864, %dma_wait3A_865] : memref<819200x128xf32, #tpu.memory_space<hbm>> -> memref<819200x128xf32, #tpu.memory_space<hbm>>
        tpu.wait_indirect_dma semaphore(%arg19 : memref<!tpu.dma_semaphore, #tpu.memory_space<semaphore_mem>>) src(%arg16 : memref<128x128xf32, #tpu.memory_space<vmem>>) dst(%dma_wait3A_866 : memref<819200x128xf32, #tpu.memory_space<hbm>>)
      } else {
      }
      %add3A_606 = arith.constant 3 : i32
      %add3A_607 = arith.addi %add3A_595, %add3A_606 : i32
      %lt3A_608 = arith.constant 200 : i32
      %lt3A_609 = arith.cmpi slt, %add3A_607, %lt3A_608 : i32
      %convert_element_type3A_610 = arith.extui %lt3A_609 : i1 to i32
      %cond3A_611 = arith.constant 0 : i32
      %cond3A_612 = arith.cmpi ne, %convert_element_type3A_610, %cond3A_611 : i32
      scf.if %cond3A_612 {
        %add3A_864 = arith.constant 3 : i32
        %add3A_865 = arith.addi %add3A_595, %add3A_864 : i32
        %dma_start3A_866 = tpu.memref_slice %arg2[%add3A_865, %mul3A_2] : memref<200x4096xi32, #tpu.memory_space<hbm>> -> memref<1x128xi32, #tpu.memory_space<hbm>>
        %dma_start3A_867 = tpu.memref_squeeze %dma_start3A_866 : memref<1x128xi32, #tpu.memory_space<hbm>> -> memref<128xi32, #tpu.memory_space<hbm>>
        %dma_start3A_868 = tpu.memref_slice %arg2[%add3A_865, %mul3A_2] : memref<200x4096xi32, #tpu.memory_space<hbm>> -> memref<1x128xi32, #tpu.memory_space<hbm>>
        %dma_start3A_869 = tpu.memref_squeeze %dma_start3A_868 : memref<1x128xi32, #tpu.memory_space<hbm>> -> memref<128xi32, #tpu.memory_space<hbm>>
        tpu.enqueue_dma source(%dma_start3A_869 : memref<128xi32, #tpu.memory_space<hbm>>) target(%arg13 : memref<128xi32, #tpu.memory_space<vmem>>) target_semaphore(%arg17 : memref<!tpu.dma_semaphore, #tpu.memory_space<semaphore_mem>>)
        %dma_start3A_870 = arith.constant 0 : i32
        %dma_start3A_871 = tpu.memref_slice %arg4[%add3A_865, %dma_start3A_870] : memref<200x128xf32, #tpu.memory_space<hbm>> -> memref<1x128xf32, #tpu.memory_space<hbm>>
        %dma_start3A_872 = tpu.memref_squeeze %dma_start3A_871 : memref<1x128xf32, #tpu.memory_space<hbm>> -> memref<128xf32, #tpu.memory_space<hbm>>
        %dma_start3A_873 = arith.constant 0 : i32
        %dma_start3A_874 = tpu.memref_slice %arg4[%add3A_865, %dma_start3A_873] : memref<200x128xf32, #tpu.memory_space<hbm>> -> memref<1x128xf32, #tpu.memory_space<hbm>>
        %dma_start3A_875 = tpu.memref_squeeze %dma_start3A_874 : memref<1x128xf32, #tpu.memory_space<hbm>> -> memref<128xf32, #tpu.memory_space<hbm>>
        tpu.enqueue_dma source(%dma_start3A_875 : memref<128xf32, #tpu.memory_space<hbm>>) target(%arg14 : memref<128xf32, #tpu.memory_space<vmem>>) target_semaphore(%arg17 : memref<!tpu.dma_semaphore, #tpu.memory_space<semaphore_mem>>)
      } else {
      }
      %add3A_613 = arith.constant 2 : i32
      %add3A_614 = arith.addi %add3A_595, %add3A_613 : i32
      %lt3A_615 = arith.constant 200 : i32
      %lt3A_616 = arith.cmpi slt, %add3A_614, %lt3A_615 : i32
      %convert_element_type3A_617 = arith.extui %lt3A_616 : i1 to i32
      %cond3A_618 = arith.constant 0 : i32
      %cond3A_619 = arith.cmpi ne, %convert_element_type3A_617, %cond3A_618 : i32
      scf.if %cond3A_619 {
        %add3A_864 = arith.constant 2 : i32
        %add3A_865 = arith.addi %add3A_595, %add3A_864 : i32
        %dma_wait3A_866 = tpu.memref_slice %arg2[%add3A_865, %mul3A_2] : memref<200x4096xi32, #tpu.memory_space<hbm>> -> memref<1x128xi32, #tpu.memory_space<hbm>>
        %dma_wait3A_867 = tpu.memref_squeeze %dma_wait3A_866 : memref<1x128xi32, #tpu.memory_space<hbm>> -> memref<128xi32, #tpu.memory_space<hbm>>
        %dma_wait3A_868 = tpu.memref_slice %arg2[%add3A_865, %mul3A_2] : memref<200x4096xi32, #tpu.memory_space<hbm>> -> memref<1x128xi32, #tpu.memory_space<hbm>>
        %dma_wait3A_869 = tpu.memref_squeeze %dma_wait3A_868 : memref<1x128xi32, #tpu.memory_space<hbm>> -> memref<128xi32, #tpu.memory_space<hbm>>
        tpu.wait_dma2 semaphore(%arg10 : memref<!tpu.dma_semaphore, #tpu.memory_space<semaphore_mem>>) src(%dma_wait3A_869 : memref<128xi32, #tpu.memory_space<hbm>>) dst(%arg6 : memref<128xi32, #tpu.memory_space<vmem>>)
        %dma_wait3A_870 = arith.constant 0 : i32
        %dma_wait3A_871 = tpu.memref_slice %arg4[%add3A_865, %dma_wait3A_870] : memref<200x128xf32, #tpu.memory_space<hbm>> -> memref<1x128xf32, #tpu.memory_space<hbm>>
        %dma_wait3A_872 = tpu.memref_squeeze %dma_wait3A_871 : memref<1x128xf32, #tpu.memory_space<hbm>> -> memref<128xf32, #tpu.memory_space<hbm>>
        %dma_wait3A_873 = arith.constant 0 : i32
        %dma_wait3A_874 = tpu.memref_slice %arg4[%add3A_865, %dma_wait3A_873] : memref<200x128xf32, #tpu.memory_space<hbm>> -> memref<1x128xf32, #tpu.memory_space<hbm>>
        %dma_wait3A_875 = tpu.memref_squeeze %dma_wait3A_874 : memref<1x128xf32, #tpu.memory_space<hbm>> -> memref<128xf32, #tpu.memory_space<hbm>>
        tpu.wait_dma2 semaphore(%arg10 : memref<!tpu.dma_semaphore, #tpu.memory_space<semaphore_mem>>) src(%dma_wait3A_875 : memref<128xf32, #tpu.memory_space<hbm>>) dst(%arg7 : memref<128xf32, #tpu.memory_space<vmem>>)
        %dma_start3A_876 = arith.constant 0 : i32
        %dma_start3A_877 = arith.constant 0 : i32
        %dma_start3A_878 = tpu.memref_slice %arg3[%dma_start3A_876, %dma_start3A_877] : memref<1000000x128xf32, #tpu.memory_space<hbm>> -> memref<1000000x128xf32, #tpu.memory_space<hbm>>
        tpu.enqueue_indirect_dma source(%dma_start3A_878 : memref<1000000x128xf32, #tpu.memory_space<hbm>>) target(%arg9 : memref<128x128xf32, #tpu.memory_space<vmem>>) offsets(%arg6 : memref<128xi32, #tpu.memory_space<vmem>>) semaphore(%arg11 : memref<!tpu.dma_semaphore, #tpu.memory_space<semaphore_mem>>)
      } else {
      }
      %dma_wait3A_620 = arith.constant 0 : i32
      %dma_wait3A_621 = arith.constant 0 : i32
      %dma_wait3A_622 = tpu.memref_slice %arg3[%dma_wait3A_620, %dma_wait3A_621] : memref<1000000x128xf32, #tpu.memory_space<hbm>> -> memref<1000000x128xf32, #tpu.memory_space<hbm>>
      tpu.wait_indirect_dma semaphore(%arg32 : memref<!tpu.dma_semaphore, #tpu.memory_space<semaphore_mem>>) src(%dma_wait3A_622 : memref<1000000x128xf32, #tpu.memory_space<hbm>>) dst(%arg30 : memref<128x128xf32, #tpu.memory_space<vmem>>)
      %get3A_623 = arith.constant 0 : index
      %get3A_624 = tpu.vector_load %arg28[%get3A_623] {strides = array<i32>} : memref<128xf32, #tpu.memory_space<vmem>>, vector<16xf32>,
      %get3A_625 = vector.shape_cast %get3A_624 : vector<16xf32> to vector<16xf32>
      %get3A_626 = arith.constant 16 : index
      %get3A_627 = tpu.vector_load %arg28[%get3A_626] {strides = array<i32>} : memref<128xf32, #tpu.memory_space<vmem>>, vector<16xf32>,
      %get3A_628 = vector.shape_cast %get3A_627 : vector<16xf32> to vector<16xf32>
      %get3A_629 = arith.constant 32 : index
      %get3A_630 = tpu.vector_load %arg28[%get3A_629] {strides = array<i32>} : memref<128xf32, #tpu.memory_space<vmem>>, vector<16xf32>,
      %get3A_631 = vector.shape_cast %get3A_630 : vector<16xf32> to vector<16xf32>
      %get3A_632 = arith.constant 48 : index
      %get3A_633 = tpu.vector_load %arg28[%get3A_632] {strides = array<i32>} : memref<128xf32, #tpu.memory_space<vmem>>, vector<16xf32>,
      %get3A_634 = vector.shape_cast %get3A_633 : vector<16xf32> to vector<16xf32>
      %get3A_635 = arith.constant 64 : index
      %get3A_636 = tpu.vector_load %arg28[%get3A_635] {strides = array<i32>} : memref<128xf32, #tpu.memory_space<vmem>>, vector<16xf32>,
      %get3A_637 = vector.shape_cast %get3A_636 : vector<16xf32> to vector<16xf32>
      %get3A_638 = arith.constant 80 : index
      %get3A_639 = tpu.vector_load %arg28[%get3A_638] {strides = array<i32>} : memref<128xf32, #tpu.memory_space<vmem>>, vector<16xf32>,
      %get3A_640 = vector.shape_cast %get3A_639 : vector<16xf32> to vector<16xf32>
      %get3A_641 = arith.constant 96 : index
      %get3A_642 = tpu.vector_load %arg28[%get3A_641] {strides = array<i32>} : memref<128xf32, #tpu.memory_space<vmem>>, vector<16xf32>,
      %get3A_643 = vector.shape_cast %get3A_642 : vector<16xf32> to vector<16xf32>
      %get3A_644 = arith.constant 112 : index
      %get3A_645 = tpu.vector_load %arg28[%get3A_644] {strides = array<i32>} : memref<128xf32, #tpu.memory_space<vmem>>, vector<16xf32>,
      %get3A_646 = vector.shape_cast %get3A_645 : vector<16xf32> to vector<16xf32>
      %get3A_647 = arith.constant 0 : index
      %get3A_648 = tpu.vector_load %arg41[%get3A_647] {strides = array<i32>} : memref<128xi32, #tpu.memory_space<vmem>>, vector<16xi32>,
      %get3A_649 = vector.shape_cast %get3A_648 : vector<16xi32> to vector<16xi32>
      %add3A_650 = vector.broadcast %add3A_595 : i32 to vector<16xi32>
      %add3A_651 = arith.addi %get3A_649, %add3A_650 : vector<16xi32>
      %swap3A_652 = arith.constant 0 : index
      %swap3A_653 = tpu.vector_load %arg29[%swap3A_652] {strides = array<i32>} : memref<128xi32, #tpu.memory_space<vmem>>, vector<16xi32>,
      %swap3A_654 = vector.shape_cast %swap3A_653 : vector<16xi32> to vector<16xi32>
      %swap3A_655 = vector.shape_cast %add3A_651 : vector<16xi32> to vector<16xi32>
      tpu.vector_store %arg29[%swap3A_652], %swap3A_655 {strides = array<i32>} : memref<128xi32, #tpu.memory_space<vmem>>, vector<16xi32>,
      %get3A_656 = arith.constant 16 : index
      %get3A_657 = tpu.vector_load %arg41[%get3A_656] {strides = array<i32>} : memref<128xi32, #tpu.memory_space<vmem>>, vector<16xi32>,
      %get3A_658 = vector.shape_cast %get3A_657 : vector<16xi32> to vector<16xi32>
      %add3A_659 = vector.broadcast %add3A_595 : i32 to vector<16xi32>
      %add3A_660 = arith.addi %get3A_658, %add3A_659 : vector<16xi32>
      %swap3A_661 = arith.constant 16 : index
      %swap3A_662 = tpu.vector_load %arg29[%swap3A_661] {strides = array<i32>} : memref<128xi32, #tpu.memory_space<vmem>>, vector<16xi32>,
      %swap3A_663 = vector.shape_cast %swap3A_662 : vector<16xi32> to vector<16xi32>
      %swap3A_664 = vector.shape_cast %add3A_660 : vector<16xi32> to vector<16xi32>
      tpu.vector_store %arg29[%swap3A_661], %swap3A_664 {strides = array<i32>} : memref<128xi32, #tpu.memory_space<vmem>>, vector<16xi32>,
      %get3A_665 = arith.constant 32 : index
      %get3A_666 = tpu.vector_load %arg41[%get3A_665] {strides = array<i32>} : memref<128xi32, #tpu.memory_space<vmem>>, vector<16xi32>,
      %get3A_667 = vector.shape_cast %get3A_666 : vector<16xi32> to vector<16xi32>
      %add3A_668 = vector.broadcast %add3A_595 : i32 to vector<16xi32>
      %add3A_669 = arith.addi %get3A_667, %add3A_668 : vector<16xi32>
      %swap3A_670 = arith.constant 32 : index
      %swap3A_671 = tpu.vector_load %arg29[%swap3A_670] {strides = array<i32>} : memref<128xi32, #tpu.memory_space<vmem>>, vector<16xi32>,
      %swap3A_672 = vector.shape_cast %swap3A_671 : vector<16xi32> to vector<16xi32>
      %swap3A_673 = vector.shape_cast %add3A_669 : vector<16xi32> to vector<16xi32>
      tpu.vector_store %arg29[%swap3A_670], %swap3A_673 {strides = array<i32>} : memref<128xi32, #tpu.memory_space<vmem>>, vector<16xi32>,
      %get3A_674 = arith.constant 48 : index
      %get3A_675 = tpu.vector_load %arg41[%get3A_674] {strides = array<i32>} : memref<128xi32, #tpu.memory_space<vmem>>, vector<16xi32>,
      %get3A_676 = vector.shape_cast %get3A_675 : vector<16xi32> to vector<16xi32>
      %add3A_677 = vector.broadcast %add3A_595 : i32 to vector<16xi32>
      %add3A_678 = arith.addi %get3A_676, %add3A_677 : vector<16xi32>
      %swap3A_679 = arith.constant 48 : index
      %swap3A_680 = tpu.vector_load %arg29[%swap3A_679] {strides = array<i32>} : memref<128xi32, #tpu.memory_space<vmem>>, vector<16xi32>,
      %swap3A_681 = vector.shape_cast %swap3A_680 : vector<16xi32> to vector<16xi32>
      %swap3A_682 = vector.shape_cast %add3A_678 : vector<16xi32> to vector<16xi32>
      tpu.vector_store %arg29[%swap3A_679], %swap3A_682 {strides = array<i32>} : memref<128xi32, #tpu.memory_space<vmem>>, vector<16xi32>,
      %get3A_683 = arith.constant 64 : index
      %get3A_684 = tpu.vector_load %arg41[%get3A_683] {strides = array<i32>} : memref<128xi32, #tpu.memory_space<vmem>>, vector<16xi32>,
      %get3A_685 = vector.shape_cast %get3A_684 : vector<16xi32> to vector<16xi32>
      %add3A_686 = vector.broadcast %add3A_595 : i32 to vector<16xi32>
      %add3A_687 = arith.addi %get3A_685, %add3A_686 : vector<16xi32>
      %swap3A_688 = arith.constant 64 : index
      %swap3A_689 = tpu.vector_load %arg29[%swap3A_688] {strides = array<i32>} : memref<128xi32, #tpu.memory_space<vmem>>, vector<16xi32>,
      %swap3A_690 = vector.shape_cast %swap3A_689 : vector<16xi32> to vector<16xi32>
      %swap3A_691 = vector.shape_cast %add3A_687 : vector<16xi32> to vector<16xi32>
      tpu.vector_store %arg29[%swap3A_688], %swap3A_691 {strides = array<i32>} : memref<128xi32, #tpu.memory_space<vmem>>, vector<16xi32>,
      %get3A_692 = arith.constant 80 : index
      %get3A_693 = tpu.vector_load %arg41[%get3A_692] {strides = array<i32>} : memref<128xi32, #tpu.memory_space<vmem>>, vector<16xi32>,
      %get3A_694 = vector.shape_cast %get3A_693 : vector<16xi32> to vector<16xi32>
      %add3A_695 = vector.broadcast %add3A_595 : i32 to vector<16xi32>
      %add3A_696 = arith.addi %get3A_694, %add3A_695 : vector<16xi32>
      %swap3A_697 = arith.constant 80 : index
      %swap3A_698 = tpu.vector_load %arg29[%swap3A_697] {strides = array<i32>} : memref<128xi32, #tpu.memory_space<vmem>>, vector<16xi32>,
      %swap3A_699 = vector.shape_cast %swap3A_698 : vector<16xi32> to vector<16xi32>
      %swap3A_700 = vector.shape_cast %add3A_696 : vector<16xi32> to vector<16xi32>
      tpu.vector_store %arg29[%swap3A_697], %swap3A_700 {strides = array<i32>} : memref<128xi32, #tpu.memory_space<vmem>>, vector<16xi32>,
      %get3A_701 = arith.constant 96 : index
      %get3A_702 = tpu.vector_load %arg41[%get3A_701] {strides = array<i32>} : memref<128xi32, #tpu.memory_space<vmem>>, vector<16xi32>,
      %get3A_703 = vector.shape_cast %get3A_702 : vector<16xi32> to vector<16xi32>
      %add3A_704 = vector.broadcast %add3A_595 : i32 to vector<16xi32>
      %add3A_705 = arith.addi %get3A_703, %add3A_704 : vector<16xi32>
      %swap3A_706 = arith.constant 96 : index
      %swap3A_707 = tpu.vector_load %arg29[%swap3A_706] {strides = array<i32>} : memref<128xi32, #tpu.memory_space<vmem>>, vector<16xi32>,
      %swap3A_708 = vector.shape_cast %swap3A_707 : vector<16xi32> to vector<16xi32>
      %swap3A_709 = vector.shape_cast %add3A_705 : vector<16xi32> to vector<16xi32>
      tpu.vector_store %arg29[%swap3A_706], %swap3A_709 {strides = array<i32>} : memref<128xi32, #tpu.memory_space<vmem>>, vector<16xi32>,
      %get3A_710 = arith.constant 112 : index
      %get3A_711 = tpu.vector_load %arg41[%get3A_710] {strides = array<i32>} : memref<128xi32, #tpu.memory_space<vmem>>, vector<16xi32>,
      %get3A_712 = vector.shape_cast %get3A_711 : vector<16xi32> to vector<16xi32>
      %add3A_713 = vector.broadcast %add3A_595 : i32 to vector<16xi32>
      %add3A_714 = arith.addi %get3A_712, %add3A_713 : vector<16xi32>
      %swap3A_715 = arith.constant 112 : index
      %swap3A_716 = tpu.vector_load %arg29[%swap3A_715] {strides = array<i32>} : memref<128xi32, #tpu.memory_space<vmem>>, vector<16xi32>,
      %swap3A_717 = vector.shape_cast %swap3A_716 : vector<16xi32> to vector<16xi32>
      %swap3A_718 = vector.shape_cast %add3A_714 : vector<16xi32> to vector<16xi32>
      tpu.vector_store %arg29[%swap3A_715], %swap3A_718 {strides = array<i32>} : memref<128xi32, #tpu.memory_space<vmem>>, vector<16xi32>,
      %scan3A_719 = arith.constant 0 : i32
      %scan3A_720 = arith.constant 0 : i32
      %scan3A_721 = arith.constant 32 : i32
      %scan3A_722 = arith.addi %scan3A_720, %scan3A_721 : i32
      %scan3A_723 = arith.constant 1 : i32
      scf.for %scan3A_864 = %scan3A_720 to %scan3A_722 step %scan3A_723  : i32 {
        %mul3A_865 = arith.constant 4 : i32
        %mul3A_866 = arith.muli %scan3A_864, %mul3A_865 : i32
        %add3A_867 = arith.constant 0 : i32
        %add3A_868 = arith.addi %mul3A_866, %add3A_867 : i32
        %get3A_869 = arith.index_cast %add3A_868 : i32 to index
        %get3A_870 = arith.constant 0 : index
        %get3A_871 = tpu.vector_load %arg30[%get3A_869, %get3A_870] {strides = array<i32>} : memref<128x128xf32, #tpu.memory_space<vmem>>, vector<1x16xf32>,
        %get3A_872 = vector.shape_cast %get3A_871 : vector<1x16xf32> to vector<16xf32>
        %add3A_873 = arith.addf %get3A_872, %get3A_625 : vector<16xf32>
        %swap3A_874 = arith.index_cast %add3A_868 : i32 to index
        %swap3A_875 = arith.constant 0 : index
        %swap3A_876 = tpu.vector_load %arg30[%swap3A_874, %swap3A_875] {strides = array<i32>} : memref<128x128xf32, #tpu.memory_space<vmem>>, vector<1x16xf32>,
        %swap3A_877 = vector.shape_cast %swap3A_876 : vector<1x16xf32> to vector<16xf32>
        %swap3A_878 = vector.shape_cast %add3A_873 : vector<16xf32> to vector<1x16xf32>
        tpu.vector_store %arg30[%swap3A_874, %swap3A_875], %swap3A_878 {strides = array<i32>} : memref<128x128xf32, #tpu.memory_space<vmem>>, vector<1x16xf32>,
        %get3A_879 = arith.index_cast %add3A_868 : i32 to index
        %get3A_880 = arith.constant 16 : index
        %get3A_881 = tpu.vector_load %arg30[%get3A_879, %get3A_880] {strides = array<i32>} : memref<128x128xf32, #tpu.memory_space<vmem>>, vector<1x16xf32>,
        %get3A_882 = vector.shape_cast %get3A_881 : vector<1x16xf32> to vector<16xf32>
        %add3A_883 = arith.addf %get3A_882, %get3A_628 : vector<16xf32>
        %swap3A_884 = arith.index_cast %add3A_868 : i32 to index
        %swap3A_885 = arith.constant 16 : index
        %swap3A_886 = tpu.vector_load %arg30[%swap3A_884, %swap3A_885] {strides = array<i32>} : memref<128x128xf32, #tpu.memory_space<vmem>>, vector<1x16xf32>,
        %swap3A_887 = vector.shape_cast %swap3A_886 : vector<1x16xf32> to vector<16xf32>
        %swap3A_888 = vector.shape_cast %add3A_883 : vector<16xf32> to vector<1x16xf32>
        tpu.vector_store %arg30[%swap3A_884, %swap3A_885], %swap3A_888 {strides = array<i32>} : memref<128x128xf32, #tpu.memory_space<vmem>>, vector<1x16xf32>,
        %get3A_889 = arith.index_cast %add3A_868 : i32 to index
        %get3A_890 = arith.constant 32 : index
        %get3A_891 = tpu.vector_load %arg30[%get3A_889, %get3A_890] {strides = array<i32>} : memref<128x128xf32, #tpu.memory_space<vmem>>, vector<1x16xf32>,
        %get3A_892 = vector.shape_cast %get3A_891 : vector<1x16xf32> to vector<16xf32>
        %add3A_893 = arith.addf %get3A_892, %get3A_631 : vector<16xf32>
        %swap3A_894 = arith.index_cast %add3A_868 : i32 to index
        %swap3A_895 = arith.constant 32 : index
        %swap3A_896 = tpu.vector_load %arg30[%swap3A_894, %swap3A_895] {strides = array<i32>} : memref<128x128xf32, #tpu.memory_space<vmem>>, vector<1x16xf32>,
        %swap3A_897 = vector.shape_cast %swap3A_896 : vector<1x16xf32> to vector<16xf32>
        %swap3A_898 = vector.shape_cast %add3A_893 : vector<16xf32> to vector<1x16xf32>
        tpu.vector_store %arg30[%swap3A_894, %swap3A_895], %swap3A_898 {strides = array<i32>} : memref<128x128xf32, #tpu.memory_space<vmem>>, vector<1x16xf32>,
        %get3A_899 = arith.index_cast %add3A_868 : i32 to index
        %get3A_900 = arith.constant 48 : index
        %get3A_901 = tpu.vector_load %arg30[%get3A_899, %get3A_900] {strides = array<i32>} : memref<128x128xf32, #tpu.memory_space<vmem>>, vector<1x16xf32>,
        %get3A_902 = vector.shape_cast %get3A_901 : vector<1x16xf32> to vector<16xf32>
        %add3A_903 = arith.addf %get3A_902, %get3A_634 : vector<16xf32>
        %swap3A_904 = arith.index_cast %add3A_868 : i32 to index
        %swap3A_905 = arith.constant 48 : index
        %swap3A_906 = tpu.vector_load %arg30[%swap3A_904, %swap3A_905] {strides = array<i32>} : memref<128x128xf32, #tpu.memory_space<vmem>>, vector<1x16xf32>,
        %swap3A_907 = vector.shape_cast %swap3A_906 : vector<1x16xf32> to vector<16xf32>
        %swap3A_908 = vector.shape_cast %add3A_903 : vector<16xf32> to vector<1x16xf32>
        tpu.vector_store %arg30[%swap3A_904, %swap3A_905], %swap3A_908 {strides = array<i32>} : memref<128x128xf32, #tpu.memory_space<vmem>>, vector<1x16xf32>,
        %get3A_909 = arith.index_cast %add3A_868 : i32 to index
        %get3A_910 = arith.constant 64 : index
        %get3A_911 = tpu.vector_load %arg30[%get3A_909, %get3A_910] {strides = array<i32>} : memref<128x128xf32, #tpu.memory_space<vmem>>, vector<1x16xf32>,
        %get3A_912 = vector.shape_cast %get3A_911 : vector<1x16xf32> to vector<16xf32>
        %add3A_913 = arith.addf %get3A_912, %get3A_637 : vector<16xf32>
        %swap3A_914 = arith.index_cast %add3A_868 : i32 to index
        %swap3A_915 = arith.constant 64 : index
        %swap3A_916 = tpu.vector_load %arg30[%swap3A_914, %swap3A_915] {strides = array<i32>} : memref<128x128xf32, #tpu.memory_space<vmem>>, vector<1x16xf32>,
        %swap3A_917 = vector.shape_cast %swap3A_916 : vector<1x16xf32> to vector<16xf32>
        %swap3A_918 = vector.shape_cast %add3A_913 : vector<16xf32> to vector<1x16xf32>
        tpu.vector_store %arg30[%swap3A_914, %swap3A_915], %swap3A_918 {strides = array<i32>} : memref<128x128xf32, #tpu.memory_space<vmem>>, vector<1x16xf32>,
        %get3A_919 = arith.index_cast %add3A_868 : i32 to index
        %get3A_920 = arith.constant 80 : index
        %get3A_921 = tpu.vector_load %arg30[%get3A_919, %get3A_920] {strides = array<i32>} : memref<128x128xf32, #tpu.memory_space<vmem>>, vector<1x16xf32>,
        %get3A_922 = vector.shape_cast %get3A_921 : vector<1x16xf32> to vector<16xf32>
        %add3A_923 = arith.addf %get3A_922, %get3A_640 : vector<16xf32>
        %swap3A_924 = arith.index_cast %add3A_868 : i32 to index
        %swap3A_925 = arith.constant 80 : index
        %swap3A_926 = tpu.vector_load %arg30[%swap3A_924, %swap3A_925] {strides = array<i32>} : memref<128x128xf32, #tpu.memory_space<vmem>>, vector<1x16xf32>,
        %swap3A_927 = vector.shape_cast %swap3A_926 : vector<1x16xf32> to vector<16xf32>
        %swap3A_928 = vector.shape_cast %add3A_923 : vector<16xf32> to vector<1x16xf32>
        tpu.vector_store %arg30[%swap3A_924, %swap3A_925], %swap3A_928 {strides = array<i32>} : memref<128x128xf32, #tpu.memory_space<vmem>>, vector<1x16xf32>,
        %get3A_929 = arith.index_cast %add3A_868 : i32 to index
        %get3A_930 = arith.constant 96 : index
        %get3A_931 = tpu.vector_load %arg30[%get3A_929, %get3A_930] {strides = array<i32>} : memref<128x128xf32, #tpu.memory_space<vmem>>, vector<1x16xf32>,
        %get3A_932 = vector.shape_cast %get3A_931 : vector<1x16xf32> to vector<16xf32>
        %add3A_933 = arith.addf %get3A_932, %get3A_643 : vector<16xf32>
        %swap3A_934 = arith.index_cast %add3A_868 : i32 to index
        %swap3A_935 = arith.constant 96 : index
        %swap3A_936 = tpu.vector_load %arg30[%swap3A_934, %swap3A_935] {strides = array<i32>} : memref<128x128xf32, #tpu.memory_space<vmem>>, vector<1x16xf32>,
        %swap3A_937 = vector.shape_cast %swap3A_936 : vector<1x16xf32> to vector<16xf32>
        %swap3A_938 = vector.shape_cast %add3A_933 : vector<16xf32> to vector<1x16xf32>
        tpu.vector_store %arg30[%swap3A_934, %swap3A_935], %swap3A_938 {strides = array<i32>} : memref<128x128xf32, #tpu.memory_space<vmem>>, vector<1x16xf32>,
        %get3A_939 = arith.index_cast %add3A_868 : i32 to index
        %get3A_940 = arith.constant 112 : index
        %get3A_941 = tpu.vector_load %arg30[%get3A_939, %get3A_940] {strides = array<i32>} : memref<128x128xf32, #tpu.memory_space<vmem>>, vector<1x16xf32>,
        %get3A_942 = vector.shape_cast %get3A_941 : vector<1x16xf32> to vector<16xf32>
        %add3A_943 = arith.addf %get3A_942, %get3A_646 : vector<16xf32>
        %swap3A_944 = arith.index_cast %add3A_868 : i32 to index
        %swap3A_945 = arith.constant 112 : index
        %swap3A_946 = tpu.vector_load %arg30[%swap3A_944, %swap3A_945] {strides = array<i32>} : memref<128x128xf32, #tpu.memory_space<vmem>>, vector<1x16xf32>,
        %swap3A_947 = vector.shape_cast %swap3A_946 : vector<1x16xf32> to vector<16xf32>
        %swap3A_948 = vector.shape_cast %add3A_943 : vector<16xf32> to vector<1x16xf32>
        tpu.vector_store %arg30[%swap3A_944, %swap3A_945], %swap3A_948 {strides = array<i32>} : memref<128x128xf32, #tpu.memory_space<vmem>>, vector<1x16xf32>,
        %mul3A_949 = arith.constant 4 : i32
        %mul3A_950 = arith.muli %scan3A_864, %mul3A_949 : i32
        %add3A_951 = arith.constant 1 : i32
        %add3A_952 = arith.addi %mul3A_950, %add3A_951 : i32
        %get3A_953 = arith.index_cast %add3A_952 : i32 to index
        %get3A_954 = arith.constant 0 : index
        %get3A_955 = tpu.vector_load %arg30[%get3A_953, %get3A_954] {strides = array<i32>} : memref<128x128xf32, #tpu.memory_space<vmem>>, vector<1x16xf32>,
        %get3A_956 = vector.shape_cast %get3A_955 : vector<1x16xf32> to vector<16xf32>
        %add3A_957 = arith.addf %get3A_956, %get3A_625 : vector<16xf32>
        %swap3A_958 = arith.index_cast %add3A_952 : i32 to index
        %swap3A_959 = arith.constant 0 : index
        %swap3A_960 = tpu.vector_load %arg30[%swap3A_958, %swap3A_959] {strides = array<i32>} : memref<128x128xf32, #tpu.memory_space<vmem>>, vector<1x16xf32>,
        %swap3A_961 = vector.shape_cast %swap3A_960 : vector<1x16xf32> to vector<16xf32>
        %swap3A_962 = vector.shape_cast %add3A_957 : vector<16xf32> to vector<1x16xf32>
        tpu.vector_store %arg30[%swap3A_958, %swap3A_959], %swap3A_962 {strides = array<i32>} : memref<128x128xf32, #tpu.memory_space<vmem>>, vector<1x16xf32>,
        %get3A_963 = arith.index_cast %add3A_952 : i32 to index
        %get3A_964 = arith.constant 16 : index
        %get3A_965 = tpu.vector_load %arg30[%get3A_963, %get3A_964] {strides = array<i32>} : memref<128x128xf32, #tpu.memory_space<vmem>>, vector<1x16xf32>,
        %get3A_966 = vector.shape_cast %get3A_965 : vector<1x16xf32> to vector<16xf32>
        %add3A_967 = arith.addf %get3A_966, %get3A_628 : vector<16xf32>
        %swap3A_968 = arith.index_cast %add3A_952 : i32 to index
        %swap3A_969 = arith.constant 16 : index
        %swap3A_970 = tpu.vector_load %arg30[%swap3A_968, %swap3A_969] {strides = array<i32>} : memref<128x128xf32, #tpu.memory_space<vmem>>, vector<1x16xf32>,
        %swap3A_971 = vector.shape_cast %swap3A_970 : vector<1x16xf32> to vector<16xf32>
        %swap3A_972 = vector.shape_cast %add3A_967 : vector<16xf32> to vector<1x16xf32>
        tpu.vector_store %arg30[%swap3A_968, %swap3A_969], %swap3A_972 {strides = array<i32>} : memref<128x128xf32, #tpu.memory_space<vmem>>, vector<1x16xf32>,
        %get3A_973 = arith.index_cast %add3A_952 : i32 to index
        %get3A_974 = arith.constant 32 : index
        %get3A_975 = tpu.vector_load %arg30[%get3A_973, %get3A_974] {strides = array<i32>} : memref<128x128xf32, #tpu.memory_space<vmem>>, vector<1x16xf32>,
        %get3A_976 = vector.shape_cast %get3A_975 : vector<1x16xf32> to vector<16xf32>
        %add3A_977 = arith.addf %get3A_976, %get3A_631 : vector<16xf32>
        %swap3A_978 = arith.index_cast %add3A_952 : i32 to index
        %swap3A_979 = arith.constant 32 : index
        %swap3A_980 = tpu.vector_load %arg30[%swap3A_978, %swap3A_979] {strides = array<i32>} : memref<128x128xf32, #tpu.memory_space<vmem>>, vector<1x16xf32>,
        %swap3A_981 = vector.shape_cast %swap3A_980 : vector<1x16xf32> to vector<16xf32>
        %swap3A_982 = vector.shape_cast %add3A_977 : vector<16xf32> to vector<1x16xf32>
        tpu.vector_store %arg30[%swap3A_978, %swap3A_979], %swap3A_982 {strides = array<i32>} : memref<128x128xf32, #tpu.memory_space<vmem>>, vector<1x16xf32>,
        %get3A_983 = arith.index_cast %add3A_952 : i32 to index
        %get3A_984 = arith.constant 48 : index
        %get3A_985 = tpu.vector_load %arg30[%get3A_983, %get3A_984] {strides = array<i32>} : memref<128x128xf32, #tpu.memory_space<vmem>>, vector<1x16xf32>,
        %get3A_986 = vector.shape_cast %get3A_985 : vector<1x16xf32> to vector<16xf32>
        %add3A_987 = arith.addf %get3A_986, %get3A_634 : vector<16xf32>
        %swap3A_988 = arith.index_cast %add3A_952 : i32 to index
        %swap3A_989 = arith.constant 48 : index
        %swap3A_990 = tpu.vector_load %arg30[%swap3A_988, %swap3A_989] {strides = array<i32>} : memref<128x128xf32, #tpu.memory_space<vmem>>, vector<1x16xf32>,
        %swap3A_991 = vector.shape_cast %swap3A_990 : vector<1x16xf32> to vector<16xf32>
        %swap3A_992 = vector.shape_cast %add3A_987 : vector<16xf32> to vector<1x16xf32>
        tpu.vector_store %arg30[%swap3A_988, %swap3A_989], %swap3A_992 {strides = array<i32>} : memref<128x128xf32, #tpu.memory_space<vmem>>, vector<1x16xf32>,
        %get3A_993 = arith.index_cast %add3A_952 : i32 to index
        %get3A_994 = arith.constant 64 : index
        %get3A_995 = tpu.vector_load %arg30[%get3A_993, %get3A_994] {strides = array<i32>} : memref<128x128xf32, #tpu.memory_space<vmem>>, vector<1x16xf32>,
        %get3A_996 = vector.shape_cast %get3A_995 : vector<1x16xf32> to vector<16xf32>
        %add3A_997 = arith.addf %get3A_996, %get3A_637 : vector<16xf32>
        %swap3A_998 = arith.index_cast %add3A_952 : i32 to index
        %swap3A_999 = arith.constant 64 : index
        %swap3A_1000 = tpu.vector_load %arg30[%swap3A_998, %swap3A_999] {strides = array<i32>} : memref<128x128xf32, #tpu.memory_space<vmem>>, vector<1x16xf32>,
        %swap3A_1001 = vector.shape_cast %swap3A_1000 : vector<1x16xf32> to vector<16xf32>
        %swap3A_1002 = vector.shape_cast %add3A_997 : vector<16xf32> to vector<1x16xf32>
        tpu.vector_store %arg30[%swap3A_998, %swap3A_999], %swap3A_1002 {strides = array<i32>} : memref<128x128xf32, #tpu.memory_space<vmem>>, vector<1x16xf32>,
        %get3A_1003 = arith.index_cast %add3A_952 : i32 to index
        %get3A_1004 = arith.constant 80 : index
        %get3A_1005 = tpu.vector_load %arg30[%get3A_1003, %get3A_1004] {strides = array<i32>} : memref<128x128xf32, #tpu.memory_space<vmem>>, vector<1x16xf32>,
        %get3A_1006 = vector.shape_cast %get3A_1005 : vector<1x16xf32> to vector<16xf32>
        %add3A_1007 = arith.addf %get3A_1006, %get3A_640 : vector<16xf32>
        %swap3A_1008 = arith.index_cast %add3A_952 : i32 to index
        %swap3A_1009 = arith.constant 80 : index
        %swap3A_1010 = tpu.vector_load %arg30[%swap3A_1008, %swap3A_1009] {strides = array<i32>} : memref<128x128xf32, #tpu.memory_space<vmem>>, vector<1x16xf32>,
        %swap3A_1011 = vector.shape_cast %swap3A_1010 : vector<1x16xf32> to vector<16xf32>
        %swap3A_1012 = vector.shape_cast %add3A_1007 : vector<16xf32> to vector<1x16xf32>
        tpu.vector_store %arg30[%swap3A_1008, %swap3A_1009], %swap3A_1012 {strides = array<i32>} : memref<128x128xf32, #tpu.memory_space<vmem>>, vector<1x16xf32>,
        %get3A_1013 = arith.index_cast %add3A_952 : i32 to index
        %get3A_1014 = arith.constant 96 : index
        %get3A_1015 = tpu.vector_load %arg30[%get3A_1013, %get3A_1014] {strides = array<i32>} : memref<128x128xf32, #tpu.memory_space<vmem>>, vector<1x16xf32>,
        %get3A_1016 = vector.shape_cast %get3A_1015 : vector<1x16xf32> to vector<16xf32>
        %add3A_1017 = arith.addf %get3A_1016, %get3A_643 : vector<16xf32>
        %swap3A_1018 = arith.index_cast %add3A_952 : i32 to index
        %swap3A_1019 = arith.constant 96 : index
        %swap3A_1020 = tpu.vector_load %arg30[%swap3A_1018, %swap3A_1019] {strides = array<i32>} : memref<128x128xf32, #tpu.memory_space<vmem>>, vector<1x16xf32>,
        %swap3A_1021 = vector.shape_cast %swap3A_1020 : vector<1x16xf32> to vector<16xf32>
        %swap3A_1022 = vector.shape_cast %add3A_1017 : vector<16xf32> to vector<1x16xf32>
        tpu.vector_store %arg30[%swap3A_1018, %swap3A_1019], %swap3A_1022 {strides = array<i32>} : memref<128x128xf32, #tpu.memory_space<vmem>>, vector<1x16xf32>,
        %get3A_1023 = arith.index_cast %add3A_952 : i32 to index
        %get3A_1024 = arith.constant 112 : index
        %get3A_1025 = tpu.vector_load %arg30[%get3A_1023, %get3A_1024] {strides = array<i32>} : memref<128x128xf32, #tpu.memory_space<vmem>>, vector<1x16xf32>,
        %get3A_1026 = vector.shape_cast %get3A_1025 : vector<1x16xf32> to vector<16xf32>
        %add3A_1027 = arith.addf %get3A_1026, %get3A_646 : vector<16xf32>
        %swap3A_1028 = arith.index_cast %add3A_952 : i32 to index
        %swap3A_1029 = arith.constant 112 : index
        %swap3A_1030 = tpu.vector_load %arg30[%swap3A_1028, %swap3A_1029] {strides = array<i32>} : memref<128x128xf32, #tpu.memory_space<vmem>>, vector<1x16xf32>,
        %swap3A_1031 = vector.shape_cast %swap3A_1030 : vector<1x16xf32> to vector<16xf32>
        %swap3A_1032 = vector.shape_cast %add3A_1027 : vector<16xf32> to vector<1x16xf32>
        tpu.vector_store %arg30[%swap3A_1028, %swap3A_1029], %swap3A_1032 {strides = array<i32>} : memref<128x128xf32, #tpu.memory_space<vmem>>, vector<1x16xf32>,
        %mul3A_1033 = arith.constant 4 : i32
        %mul3A_1034 = arith.muli %scan3A_864, %mul3A_1033 : i32
        %add3A_1035 = arith.constant 2 : i32
        %add3A_1036 = arith.addi %mul3A_1034, %add3A_1035 : i32
        %get3A_1037 = arith.index_cast %add3A_1036 : i32 to index
        %get3A_1038 = arith.constant 0 : index
        %get3A_1039 = tpu.vector_load %arg30[%get3A_1037, %get3A_1038] {strides = array<i32>} : memref<128x128xf32, #tpu.memory_space<vmem>>, vector<1x16xf32>,
        %get3A_1040 = vector.shape_cast %get3A_1039 : vector<1x16xf32> to vector<16xf32>
        %add3A_1041 = arith.addf %get3A_1040, %get3A_625 : vector<16xf32>
        %swap3A_1042 = arith.index_cast %add3A_1036 : i32 to index
        %swap3A_1043 = arith.constant 0 : index
        %swap3A_1044 = tpu.vector_load %arg30[%swap3A_1042, %swap3A_1043] {strides = array<i32>} : memref<128x128xf32, #tpu.memory_space<vmem>>, vector<1x16xf32>,
        %swap3A_1045 = vector.shape_cast %swap3A_1044 : vector<1x16xf32> to vector<16xf32>
        %swap3A_1046 = vector.shape_cast %add3A_1041 : vector<16xf32> to vector<1x16xf32>
        tpu.vector_store %arg30[%swap3A_1042, %swap3A_1043], %swap3A_1046 {strides = array<i32>} : memref<128x128xf32, #tpu.memory_space<vmem>>, vector<1x16xf32>,
        %get3A_1047 = arith.index_cast %add3A_1036 : i32 to index
        %get3A_1048 = arith.constant 16 : index
        %get3A_1049 = tpu.vector_load %arg30[%get3A_1047, %get3A_1048] {strides = array<i32>} : memref<128x128xf32, #tpu.memory_space<vmem>>, vector<1x16xf32>,
        %get3A_1050 = vector.shape_cast %get3A_1049 : vector<1x16xf32> to vector<16xf32>
        %add3A_1051 = arith.addf %get3A_1050, %get3A_628 : vector<16xf32>
        %swap3A_1052 = arith.index_cast %add3A_1036 : i32 to index
        %swap3A_1053 = arith.constant 16 : index
        %swap3A_1054 = tpu.vector_load %arg30[%swap3A_1052, %swap3A_1053] {strides = array<i32>} : memref<128x128xf32, #tpu.memory_space<vmem>>, vector<1x16xf32>,
        %swap3A_1055 = vector.shape_cast %swap3A_1054 : vector<1x16xf32> to vector<16xf32>
        %swap3A_1056 = vector.shape_cast %add3A_1051 : vector<16xf32> to vector<1x16xf32>
        tpu.vector_store %arg30[%swap3A_1052, %swap3A_1053], %swap3A_1056 {strides = array<i32>} : memref<128x128xf32, #tpu.memory_space<vmem>>, vector<1x16xf32>,
        %get3A_1057 = arith.index_cast %add3A_1036 : i32 to index
        %get3A_1058 = arith.constant 32 : index
        %get3A_1059 = tpu.vector_load %arg30[%get3A_1057, %get3A_1058] {strides = array<i32>} : memref<128x128xf32, #tpu.memory_space<vmem>>, vector<1x16xf32>,
        %get3A_1060 = vector.shape_cast %get3A_1059 : vector<1x16xf32> to vector<16xf32>
        %add3A_1061 = arith.addf %get3A_1060, %get3A_631 : vector<16xf32>
        %swap3A_1062 = arith.index_cast %add3A_1036 : i32 to index
        %swap3A_1063 = arith.constant 32 : index
        %swap3A_1064 = tpu.vector_load %arg30[%swap3A_1062, %swap3A_1063] {strides = array<i32>} : memref<128x128xf32, #tpu.memory_space<vmem>>, vector<1x16xf32>,
        %swap3A_1065 = vector.shape_cast %swap3A_1064 : vector<1x16xf32> to vector<16xf32>
        %swap3A_1066 = vector.shape_cast %add3A_1061 : vector<16xf32> to vector<1x16xf32>
        tpu.vector_store %arg30[%swap3A_1062, %swap3A_1063], %swap3A_1066 {strides = array<i32>} : memref<128x128xf32, #tpu.memory_space<vmem>>, vector<1x16xf32>,
        %get3A_1067 = arith.index_cast %add3A_1036 : i32 to index
        %get3A_1068 = arith.constant 48 : index
        %get3A_1069 = tpu.vector_load %arg30[%get3A_1067, %get3A_1068] {strides = array<i32>} : memref<128x128xf32, #tpu.memory_space<vmem>>, vector<1x16xf32>,
        %get3A_1070 = vector.shape_cast %get3A_1069 : vector<1x16xf32> to vector<16xf32>
        %add3A_1071 = arith.addf %get3A_1070, %get3A_634 : vector<16xf32>
        %swap3A_1072 = arith.index_cast %add3A_1036 : i32 to index
        %swap3A_1073 = arith.constant 48 : index
        %swap3A_1074 = tpu.vector_load %arg30[%swap3A_1072, %swap3A_1073] {strides = array<i32>} : memref<128x128xf32, #tpu.memory_space<vmem>>, vector<1x16xf32>,
        %swap3A_1075 = vector.shape_cast %swap3A_1074 : vector<1x16xf32> to vector<16xf32>
        %swap3A_1076 = vector.shape_cast %add3A_1071 : vector<16xf32> to vector<1x16xf32>
        tpu.vector_store %arg30[%swap3A_1072, %swap3A_1073], %swap3A_1076 {strides = array<i32>} : memref<128x128xf32, #tpu.memory_space<vmem>>, vector<1x16xf32>,
        %get3A_1077 = arith.index_cast %add3A_1036 : i32 to index
        %get3A_1078 = arith.constant 64 : index
        %get3A_1079 = tpu.vector_load %arg30[%get3A_1077, %get3A_1078] {strides = array<i32>} : memref<128x128xf32, #tpu.memory_space<vmem>>, vector<1x16xf32>,
        %get3A_1080 = vector.shape_cast %get3A_1079 : vector<1x16xf32> to vector<16xf32>
        %add3A_1081 = arith.addf %get3A_1080, %get3A_637 : vector<16xf32>
        %swap3A_1082 = arith.index_cast %add3A_1036 : i32 to index
        %swap3A_1083 = arith.constant 64 : index
        %swap3A_1084 = tpu.vector_load %arg30[%swap3A_1082, %swap3A_1083] {strides = array<i32>} : memref<128x128xf32, #tpu.memory_space<vmem>>, vector<1x16xf32>,
        %swap3A_1085 = vector.shape_cast %swap3A_1084 : vector<1x16xf32> to vector<16xf32>
        %swap3A_1086 = vector.shape_cast %add3A_1081 : vector<16xf32> to vector<1x16xf32>
        tpu.vector_store %arg30[%swap3A_1082, %swap3A_1083], %swap3A_1086 {strides = array<i32>} : memref<128x128xf32, #tpu.memory_space<vmem>>, vector<1x16xf32>,
        %get3A_1087 = arith.index_cast %add3A_1036 : i32 to index
        %get3A_1088 = arith.constant 80 : index
        %get3A_1089 = tpu.vector_load %arg30[%get3A_1087, %get3A_1088] {strides = array<i32>} : memref<128x128xf32, #tpu.memory_space<vmem>>, vector<1x16xf32>,
        %get3A_1090 = vector.shape_cast %get3A_1089 : vector<1x16xf32> to vector<16xf32>
        %add3A_1091 = arith.addf %get3A_1090, %get3A_640 : vector<16xf32>
        %swap3A_1092 = arith.index_cast %add3A_1036 : i32 to index
        %swap3A_1093 = arith.constant 80 : index
        %swap3A_1094 = tpu.vector_load %arg30[%swap3A_1092, %swap3A_1093] {strides = array<i32>} : memref<128x128xf32, #tpu.memory_space<vmem>>, vector<1x16xf32>,
        %swap3A_1095 = vector.shape_cast %swap3A_1094 : vector<1x16xf32> to vector<16xf32>
        %swap3A_1096 = vector.shape_cast %add3A_1091 : vector<16xf32> to vector<1x16xf32>
        tpu.vector_store %arg30[%swap3A_1092, %swap3A_1093], %swap3A_1096 {strides = array<i32>} : memref<128x128xf32, #tpu.memory_space<vmem>>, vector<1x16xf32>,
        %get3A_1097 = arith.index_cast %add3A_1036 : i32 to index
        %get3A_1098 = arith.constant 96 : index
        %get3A_1099 = tpu.vector_load %arg30[%get3A_1097, %get3A_1098] {strides = array<i32>} : memref<128x128xf32, #tpu.memory_space<vmem>>, vector<1x16xf32>,
        %get3A_1100 = vector.shape_cast %get3A_1099 : vector<1x16xf32> to vector<16xf32>
        %add3A_1101 = arith.addf %get3A_1100, %get3A_643 : vector<16xf32>
        %swap3A_1102 = arith.index_cast %add3A_1036 : i32 to index
        %swap3A_1103 = arith.constant 96 : index
        %swap3A_1104 = tpu.vector_load %arg30[%swap3A_1102, %swap3A_1103] {strides = array<i32>} : memref<128x128xf32, #tpu.memory_space<vmem>>, vector<1x16xf32>,
        %swap3A_1105 = vector.shape_cast %swap3A_1104 : vector<1x16xf32> to vector<16xf32>
        %swap3A_1106 = vector.shape_cast %add3A_1101 : vector<16xf32> to vector<1x16xf32>
        tpu.vector_store %arg30[%swap3A_1102, %swap3A_1103], %swap3A_1106 {strides = array<i32>} : memref<128x128xf32, #tpu.memory_space<vmem>>, vector<1x16xf32>,
        %get3A_1107 = arith.index_cast %add3A_1036 : i32 to index
        %get3A_1108 = arith.constant 112 : index
        %get3A_1109 = tpu.vector_load %arg30[%get3A_1107, %get3A_1108] {strides = array<i32>} : memref<128x128xf32, #tpu.memory_space<vmem>>, vector<1x16xf32>,
        %get3A_1110 = vector.shape_cast %get3A_1109 : vector<1x16xf32> to vector<16xf32>
        %add3A_1111 = arith.addf %get3A_1110, %get3A_646 : vector<16xf32>
        %swap3A_1112 = arith.index_cast %add3A_1036 : i32 to index
        %swap3A_1113 = arith.constant 112 : index
        %swap3A_1114 = tpu.vector_load %arg30[%swap3A_1112, %swap3A_1113] {strides = array<i32>} : memref<128x128xf32, #tpu.memory_space<vmem>>, vector<1x16xf32>,
        %swap3A_1115 = vector.shape_cast %swap3A_1114 : vector<1x16xf32> to vector<16xf32>
        %swap3A_1116 = vector.shape_cast %add3A_1111 : vector<16xf32> to vector<1x16xf32>
        tpu.vector_store %arg30[%swap3A_1112, %swap3A_1113], %swap3A_1116 {strides = array<i32>} : memref<128x128xf32, #tpu.memory_space<vmem>>, vector<1x16xf32>,
        %mul3A_1117 = arith.constant 4 : i32
        %mul3A_1118 = arith.muli %scan3A_864, %mul3A_1117 : i32
        %add3A_1119 = arith.constant 3 : i32
        %add3A_1120 = arith.addi %mul3A_1118, %add3A_1119 : i32
        %get3A_1121 = arith.index_cast %add3A_1120 : i32 to index
        %get3A_1122 = arith.constant 0 : index
        %get3A_1123 = tpu.vector_load %arg30[%get3A_1121, %get3A_1122] {strides = array<i32>} : memref<128x128xf32, #tpu.memory_space<vmem>>, vector<1x16xf32>,
        %get3A_1124 = vector.shape_cast %get3A_1123 : vector<1x16xf32> to vector<16xf32>
        %add3A_1125 = arith.addf %get3A_1124, %get3A_625 : vector<16xf32>
        %swap3A_1126 = arith.index_cast %add3A_1120 : i32 to index
        %swap3A_1127 = arith.constant 0 : index
        %swap3A_1128 = tpu.vector_load %arg30[%swap3A_1126, %swap3A_1127] {strides = array<i32>} : memref<128x128xf32, #tpu.memory_space<vmem>>, vector<1x16xf32>,
        %swap3A_1129 = vector.shape_cast %swap3A_1128 : vector<1x16xf32> to vector<16xf32>
        %swap3A_1130 = vector.shape_cast %add3A_1125 : vector<16xf32> to vector<1x16xf32>
        tpu.vector_store %arg30[%swap3A_1126, %swap3A_1127], %swap3A_1130 {strides = array<i32>} : memref<128x128xf32, #tpu.memory_space<vmem>>, vector<1x16xf32>,
        %get3A_1131 = arith.index_cast %add3A_1120 : i32 to index
        %get3A_1132 = arith.constant 16 : index
        %get3A_1133 = tpu.vector_load %arg30[%get3A_1131, %get3A_1132] {strides = array<i32>} : memref<128x128xf32, #tpu.memory_space<vmem>>, vector<1x16xf32>,
        %get3A_1134 = vector.shape_cast %get3A_1133 : vector<1x16xf32> to vector<16xf32>
        %add3A_1135 = arith.addf %get3A_1134, %get3A_628 : vector<16xf32>
        %swap3A_1136 = arith.index_cast %add3A_1120 : i32 to index
        %swap3A_1137 = arith.constant 16 : index
        %swap3A_1138 = tpu.vector_load %arg30[%swap3A_1136, %swap3A_1137] {strides = array<i32>} : memref<128x128xf32, #tpu.memory_space<vmem>>, vector<1x16xf32>,
        %swap3A_1139 = vector.shape_cast %swap3A_1138 : vector<1x16xf32> to vector<16xf32>
        %swap3A_1140 = vector.shape_cast %add3A_1135 : vector<16xf32> to vector<1x16xf32>
        tpu.vector_store %arg30[%swap3A_1136, %swap3A_1137], %swap3A_1140 {strides = array<i32>} : memref<128x128xf32, #tpu.memory_space<vmem>>, vector<1x16xf32>,
        %get3A_1141 = arith.index_cast %add3A_1120 : i32 to index
        %get3A_1142 = arith.constant 32 : index
        %get3A_1143 = tpu.vector_load %arg30[%get3A_1141, %get3A_1142] {strides = array<i32>} : memref<128x128xf32, #tpu.memory_space<vmem>>, vector<1x16xf32>,
        %get3A_1144 = vector.shape_cast %get3A_1143 : vector<1x16xf32> to vector<16xf32>
        %add3A_1145 = arith.addf %get3A_1144, %get3A_631 : vector<16xf32>
        %swap3A_1146 = arith.index_cast %add3A_1120 : i32 to index
        %swap3A_1147 = arith.constant 32 : index
        %swap3A_1148 = tpu.vector_load %arg30[%swap3A_1146, %swap3A_1147] {strides = array<i32>} : memref<128x128xf32, #tpu.memory_space<vmem>>, vector<1x16xf32>,
        %swap3A_1149 = vector.shape_cast %swap3A_1148 : vector<1x16xf32> to vector<16xf32>
        %swap3A_1150 = vector.shape_cast %add3A_1145 : vector<16xf32> to vector<1x16xf32>
        tpu.vector_store %arg30[%swap3A_1146, %swap3A_1147], %swap3A_1150 {strides = array<i32>} : memref<128x128xf32, #tpu.memory_space<vmem>>, vector<1x16xf32>,
        %get3A_1151 = arith.index_cast %add3A_1120 : i32 to index
        %get3A_1152 = arith.constant 48 : index
        %get3A_1153 = tpu.vector_load %arg30[%get3A_1151, %get3A_1152] {strides = array<i32>} : memref<128x128xf32, #tpu.memory_space<vmem>>, vector<1x16xf32>,
        %get3A_1154 = vector.shape_cast %get3A_1153 : vector<1x16xf32> to vector<16xf32>
        %add3A_1155 = arith.addf %get3A_1154, %get3A_634 : vector<16xf32>
        %swap3A_1156 = arith.index_cast %add3A_1120 : i32 to index
        %swap3A_1157 = arith.constant 48 : index
        %swap3A_1158 = tpu.vector_load %arg30[%swap3A_1156, %swap3A_1157] {strides = array<i32>} : memref<128x128xf32, #tpu.memory_space<vmem>>, vector<1x16xf32>,
        %swap3A_1159 = vector.shape_cast %swap3A_1158 : vector<1x16xf32> to vector<16xf32>
        %swap3A_1160 = vector.shape_cast %add3A_1155 : vector<16xf32> to vector<1x16xf32>
        tpu.vector_store %arg30[%swap3A_1156, %swap3A_1157], %swap3A_1160 {strides = array<i32>} : memref<128x128xf32, #tpu.memory_space<vmem>>, vector<1x16xf32>,
        %get3A_1161 = arith.index_cast %add3A_1120 : i32 to index
        %get3A_1162 = arith.constant 64 : index
        %get3A_1163 = tpu.vector_load %arg30[%get3A_1161, %get3A_1162] {strides = array<i32>} : memref<128x128xf32, #tpu.memory_space<vmem>>, vector<1x16xf32>,
        %get3A_1164 = vector.shape_cast %get3A_1163 : vector<1x16xf32> to vector<16xf32>
        %add3A_1165 = arith.addf %get3A_1164, %get3A_637 : vector<16xf32>
        %swap3A_1166 = arith.index_cast %add3A_1120 : i32 to index
        %swap3A_1167 = arith.constant 64 : index
        %swap3A_1168 = tpu.vector_load %arg30[%swap3A_1166, %swap3A_1167] {strides = array<i32>} : memref<128x128xf32, #tpu.memory_space<vmem>>, vector<1x16xf32>,
        %swap3A_1169 = vector.shape_cast %swap3A_1168 : vector<1x16xf32> to vector<16xf32>
        %swap3A_1170 = vector.shape_cast %add3A_1165 : vector<16xf32> to vector<1x16xf32>
        tpu.vector_store %arg30[%swap3A_1166, %swap3A_1167], %swap3A_1170 {strides = array<i32>} : memref<128x128xf32, #tpu.memory_space<vmem>>, vector<1x16xf32>,
        %get3A_1171 = arith.index_cast %add3A_1120 : i32 to index
        %get3A_1172 = arith.constant 80 : index
        %get3A_1173 = tpu.vector_load %arg30[%get3A_1171, %get3A_1172] {strides = array<i32>} : memref<128x128xf32, #tpu.memory_space<vmem>>, vector<1x16xf32>,
        %get3A_1174 = vector.shape_cast %get3A_1173 : vector<1x16xf32> to vector<16xf32>
        %add3A_1175 = arith.addf %get3A_1174, %get3A_640 : vector<16xf32>
        %swap3A_1176 = arith.index_cast %add3A_1120 : i32 to index
        %swap3A_1177 = arith.constant 80 : index
        %swap3A_1178 = tpu.vector_load %arg30[%swap3A_1176, %swap3A_1177] {strides = array<i32>} : memref<128x128xf32, #tpu.memory_space<vmem>>, vector<1x16xf32>,
        %swap3A_1179 = vector.shape_cast %swap3A_1178 : vector<1x16xf32> to vector<16xf32>
        %swap3A_1180 = vector.shape_cast %add3A_1175 : vector<16xf32> to vector<1x16xf32>
        tpu.vector_store %arg30[%swap3A_1176, %swap3A_1177], %swap3A_1180 {strides = array<i32>} : memref<128x128xf32, #tpu.memory_space<vmem>>, vector<1x16xf32>,
        %get3A_1181 = arith.index_cast %add3A_1120 : i32 to index
        %get3A_1182 = arith.constant 96 : index
        %get3A_1183 = tpu.vector_load %arg30[%get3A_1181, %get3A_1182] {strides = array<i32>} : memref<128x128xf32, #tpu.memory_space<vmem>>, vector<1x16xf32>,
        %get3A_1184 = vector.shape_cast %get3A_1183 : vector<1x16xf32> to vector<16xf32>
        %add3A_1185 = arith.addf %get3A_1184, %get3A_643 : vector<16xf32>
        %swap3A_1186 = arith.index_cast %add3A_1120 : i32 to index
        %swap3A_1187 = arith.constant 96 : index
        %swap3A_1188 = tpu.vector_load %arg30[%swap3A_1186, %swap3A_1187] {strides = array<i32>} : memref<128x128xf32, #tpu.memory_space<vmem>>, vector<1x16xf32>,
        %swap3A_1189 = vector.shape_cast %swap3A_1188 : vector<1x16xf32> to vector<16xf32>
        %swap3A_1190 = vector.shape_cast %add3A_1185 : vector<16xf32> to vector<1x16xf32>
        tpu.vector_store %arg30[%swap3A_1186, %swap3A_1187], %swap3A_1190 {strides = array<i32>} : memref<128x128xf32, #tpu.memory_space<vmem>>, vector<1x16xf32>,
        %get3A_1191 = arith.index_cast %add3A_1120 : i32 to index
        %get3A_1192 = arith.constant 112 : index
        %get3A_1193 = tpu.vector_load %arg30[%get3A_1191, %get3A_1192] {strides = array<i32>} : memref<128x128xf32, #tpu.memory_space<vmem>>, vector<1x16xf32>,
        %get3A_1194 = vector.shape_cast %get3A_1193 : vector<1x16xf32> to vector<16xf32>
        %add3A_1195 = arith.addf %get3A_1194, %get3A_646 : vector<16xf32>
        %swap3A_1196 = arith.index_cast %add3A_1120 : i32 to index
        %swap3A_1197 = arith.constant 112 : index
        %swap3A_1198 = tpu.vector_load %arg30[%swap3A_1196, %swap3A_1197] {strides = array<i32>} : memref<128x128xf32, #tpu.memory_space<vmem>>, vector<1x16xf32>,
        %swap3A_1199 = vector.shape_cast %swap3A_1198 : vector<1x16xf32> to vector<16xf32>
        %swap3A_1200 = vector.shape_cast %add3A_1195 : vector<16xf32> to vector<1x16xf32>
        tpu.vector_store %arg30[%swap3A_1196, %swap3A_1197], %swap3A_1200 {strides = array<i32>} : memref<128x128xf32, #tpu.memory_space<vmem>>, vector<1x16xf32>,
      }
      %scan3A_724 = arith.constant 32 : i32
      %dma_start3A_725 = arith.constant 0 : i32
      %dma_start3A_726 = arith.constant 0 : i32
      %dma_start3A_727 = tpu.memref_slice %arg5[%dma_start3A_725, %dma_start3A_726] : memref<819200x128xf32, #tpu.memory_space<hbm>> -> memref<819200x128xf32, #tpu.memory_space<hbm>>
      tpu.enqueue_indirect_dma source(%arg30 : memref<128x128xf32, #tpu.memory_space<vmem>>) target(%dma_start3A_727 : memref<819200x128xf32, #tpu.memory_space<hbm>>) offsets(%arg29 : memref<128xi32, #tpu.memory_space<vmem>>) semaphore(%arg33 : memref<!tpu.dma_semaphore, #tpu.memory_space<semaphore_mem>>)
      %mul3A_728 = arith.constant 5 : i32
      %mul3A_729 = arith.muli %scan3A_189, %mul3A_728 : i32
      %add3A_730 = arith.constant 4 : i32
      %add3A_731 = arith.addi %mul3A_729, %add3A_730 : i32
      %ge3A_732 = arith.constant 2 : i32
      %ge3A_733 = arith.cmpi sge, %add3A_731, %ge3A_732 : i32
      %add3A_734 = arith.constant 3 : i32
      %add3A_735 = arith.addi %add3A_731, %add3A_734 : i32
      %lt3A_736 = arith.constant 200 : i32
      %lt3A_737 = arith.cmpi slt, %add3A_735, %lt3A_736 : i32
      %and3A_738 = arith.andi %ge3A_733, %lt3A_737 : i1
      %convert_element_type3A_739 = arith.extui %and3A_738 : i1 to i32
      %cond3A_740 = arith.constant 0 : i32
      %cond3A_741 = arith.cmpi ne, %convert_element_type3A_739, %cond3A_740 : i32
      scf.if %cond3A_741 {
        %dma_wait3A_864 = arith.constant 0 : i32
        %dma_wait3A_865 = arith.constant 0 : i32
        %dma_wait3A_866 = tpu.memref_slice %arg5[%dma_wait3A_864, %dma_wait3A_865] : memref<819200x128xf32, #tpu.memory_space<hbm>> -> memref<819200x128xf32, #tpu.memory_space<hbm>>
        tpu.wait_indirect_dma semaphore(%arg26 : memref<!tpu.dma_semaphore, #tpu.memory_space<semaphore_mem>>) src(%arg23 : memref<128x128xf32, #tpu.memory_space<vmem>>) dst(%dma_wait3A_866 : memref<819200x128xf32, #tpu.memory_space<hbm>>)
      } else {
      }
      %add3A_742 = arith.constant 3 : i32
      %add3A_743 = arith.addi %add3A_731, %add3A_742 : i32
      %lt3A_744 = arith.constant 200 : i32
      %lt3A_745 = arith.cmpi slt, %add3A_743, %lt3A_744 : i32
      %convert_element_type3A_746 = arith.extui %lt3A_745 : i1 to i32
      %cond3A_747 = arith.constant 0 : i32
      %cond3A_748 = arith.cmpi ne, %convert_element_type3A_746, %cond3A_747 : i32
      scf.if %cond3A_748 {
        %add3A_864 = arith.constant 3 : i32
        %add3A_865 = arith.addi %add3A_731, %add3A_864 : i32
        %dma_start3A_866 = tpu.memref_slice %arg2[%add3A_865, %mul3A_2] : memref<200x4096xi32, #tpu.memory_space<hbm>> -> memref<1x128xi32, #tpu.memory_space<hbm>>
        %dma_start3A_867 = tpu.memref_squeeze %dma_start3A_866 : memref<1x128xi32, #tpu.memory_space<hbm>> -> memref<128xi32, #tpu.memory_space<hbm>>
        %dma_start3A_868 = tpu.memref_slice %arg2[%add3A_865, %mul3A_2] : memref<200x4096xi32, #tpu.memory_space<hbm>> -> memref<1x128xi32, #tpu.memory_space<hbm>>
        %dma_start3A_869 = tpu.memref_squeeze %dma_start3A_868 : memref<1x128xi32, #tpu.memory_space<hbm>> -> memref<128xi32, #tpu.memory_space<hbm>>
        tpu.enqueue_dma source(%dma_start3A_869 : memref<128xi32, #tpu.memory_space<hbm>>) target(%arg20 : memref<128xi32, #tpu.memory_space<vmem>>) target_semaphore(%arg24 : memref<!tpu.dma_semaphore, #tpu.memory_space<semaphore_mem>>)
        %dma_start3A_870 = arith.constant 0 : i32
        %dma_start3A_871 = tpu.memref_slice %arg4[%add3A_865, %dma_start3A_870] : memref<200x128xf32, #tpu.memory_space<hbm>> -> memref<1x128xf32, #tpu.memory_space<hbm>>
        %dma_start3A_872 = tpu.memref_squeeze %dma_start3A_871 : memref<1x128xf32, #tpu.memory_space<hbm>> -> memref<128xf32, #tpu.memory_space<hbm>>
        %dma_start3A_873 = arith.constant 0 : i32
        %dma_start3A_874 = tpu.memref_slice %arg4[%add3A_865, %dma_start3A_873] : memref<200x128xf32, #tpu.memory_space<hbm>> -> memref<1x128xf32, #tpu.memory_space<hbm>>
        %dma_start3A_875 = tpu.memref_squeeze %dma_start3A_874 : memref<1x128xf32, #tpu.memory_space<hbm>> -> memref<128xf32, #tpu.memory_space<hbm>>
        tpu.enqueue_dma source(%dma_start3A_875 : memref<128xf32, #tpu.memory_space<hbm>>) target(%arg21 : memref<128xf32, #tpu.memory_space<vmem>>) target_semaphore(%arg24 : memref<!tpu.dma_semaphore, #tpu.memory_space<semaphore_mem>>)
      } else {
      }
      %add3A_749 = arith.constant 2 : i32
      %add3A_750 = arith.addi %add3A_731, %add3A_749 : i32
      %lt3A_751 = arith.constant 200 : i32
      %lt3A_752 = arith.cmpi slt, %add3A_750, %lt3A_751 : i32
      %convert_element_type3A_753 = arith.extui %lt3A_752 : i1 to i32
      %cond3A_754 = arith.constant 0 : i32
      %cond3A_755 = arith.cmpi ne, %convert_element_type3A_753, %cond3A_754 : i32
      scf.if %cond3A_755 {
        %add3A_864 = arith.constant 2 : i32
        %add3A_865 = arith.addi %add3A_731, %add3A_864 : i32
        %dma_wait3A_866 = tpu.memref_slice %arg2[%add3A_865, %mul3A_2] : memref<200x4096xi32, #tpu.memory_space<hbm>> -> memref<1x128xi32, #tpu.memory_space<hbm>>
        %dma_wait3A_867 = tpu.memref_squeeze %dma_wait3A_866 : memref<1x128xi32, #tpu.memory_space<hbm>> -> memref<128xi32, #tpu.memory_space<hbm>>
        %dma_wait3A_868 = tpu.memref_slice %arg2[%add3A_865, %mul3A_2] : memref<200x4096xi32, #tpu.memory_space<hbm>> -> memref<1x128xi32, #tpu.memory_space<hbm>>
        %dma_wait3A_869 = tpu.memref_squeeze %dma_wait3A_868 : memref<1x128xi32, #tpu.memory_space<hbm>> -> memref<128xi32, #tpu.memory_space<hbm>>
        tpu.wait_dma2 semaphore(%arg17 : memref<!tpu.dma_semaphore, #tpu.memory_space<semaphore_mem>>) src(%dma_wait3A_869 : memref<128xi32, #tpu.memory_space<hbm>>) dst(%arg13 : memref<128xi32, #tpu.memory_space<vmem>>)
        %dma_wait3A_870 = arith.constant 0 : i32
        %dma_wait3A_871 = tpu.memref_slice %arg4[%add3A_865, %dma_wait3A_870] : memref<200x128xf32, #tpu.memory_space<hbm>> -> memref<1x128xf32, #tpu.memory_space<hbm>>
        %dma_wait3A_872 = tpu.memref_squeeze %dma_wait3A_871 : memref<1x128xf32, #tpu.memory_space<hbm>> -> memref<128xf32, #tpu.memory_space<hbm>>
        %dma_wait3A_873 = arith.constant 0 : i32
        %dma_wait3A_874 = tpu.memref_slice %arg4[%add3A_865, %dma_wait3A_873] : memref<200x128xf32, #tpu.memory_space<hbm>> -> memref<1x128xf32, #tpu.memory_space<hbm>>
        %dma_wait3A_875 = tpu.memref_squeeze %dma_wait3A_874 : memref<1x128xf32, #tpu.memory_space<hbm>> -> memref<128xf32, #tpu.memory_space<hbm>>
        tpu.wait_dma2 semaphore(%arg17 : memref<!tpu.dma_semaphore, #tpu.memory_space<semaphore_mem>>) src(%dma_wait3A_875 : memref<128xf32, #tpu.memory_space<hbm>>) dst(%arg14 : memref<128xf32, #tpu.memory_space<vmem>>)
        %dma_start3A_876 = arith.constant 0 : i32
        %dma_start3A_877 = arith.constant 0 : i32
        %dma_start3A_878 = tpu.memref_slice %arg3[%dma_start3A_876, %dma_start3A_877] : memref<1000000x128xf32, #tpu.memory_space<hbm>> -> memref<1000000x128xf32, #tpu.memory_space<hbm>>
        tpu.enqueue_indirect_dma source(%dma_start3A_878 : memref<1000000x128xf32, #tpu.memory_space<hbm>>) target(%arg16 : memref<128x128xf32, #tpu.memory_space<vmem>>) offsets(%arg13 : memref<128xi32, #tpu.memory_space<vmem>>) semaphore(%arg18 : memref<!tpu.dma_semaphore, #tpu.memory_space<semaphore_mem>>)
      } else {
      }
      %dma_wait3A_756 = arith.constant 0 : i32
      %dma_wait3A_757 = arith.constant 0 : i32
      %dma_wait3A_758 = tpu.memref_slice %arg3[%dma_wait3A_756, %dma_wait3A_757] : memref<1000000x128xf32, #tpu.memory_space<hbm>> -> memref<1000000x128xf32, #tpu.memory_space<hbm>>
      tpu.wait_indirect_dma semaphore(%arg39 : memref<!tpu.dma_semaphore, #tpu.memory_space<semaphore_mem>>) src(%dma_wait3A_758 : memref<1000000x128xf32, #tpu.memory_space<hbm>>) dst(%arg37 : memref<128x128xf32, #tpu.memory_space<vmem>>)
      %get3A_759 = arith.constant 0 : index
      %get3A_760 = tpu.vector_load %arg35[%get3A_759] {strides = array<i32>} : memref<128xf32, #tpu.memory_space<vmem>>, vector<16xf32>,
      %get3A_761 = vector.shape_cast %get3A_760 : vector<16xf32> to vector<16xf32>
      %get3A_762 = arith.constant 16 : index
      %get3A_763 = tpu.vector_load %arg35[%get3A_762] {strides = array<i32>} : memref<128xf32, #tpu.memory_space<vmem>>, vector<16xf32>,
      %get3A_764 = vector.shape_cast %get3A_763 : vector<16xf32> to vector<16xf32>
      %get3A_765 = arith.constant 32 : index
      %get3A_766 = tpu.vector_load %arg35[%get3A_765] {strides = array<i32>} : memref<128xf32, #tpu.memory_space<vmem>>, vector<16xf32>,
      %get3A_767 = vector.shape_cast %get3A_766 : vector<16xf32> to vector<16xf32>
      %get3A_768 = arith.constant 48 : index
      %get3A_769 = tpu.vector_load %arg35[%get3A_768] {strides = array<i32>} : memref<128xf32, #tpu.memory_space<vmem>>, vector<16xf32>,
      %get3A_770 = vector.shape_cast %get3A_769 : vector<16xf32> to vector<16xf32>
      %get3A_771 = arith.constant 64 : index
      %get3A_772 = tpu.vector_load %arg35[%get3A_771] {strides = array<i32>} : memref<128xf32, #tpu.memory_space<vmem>>, vector<16xf32>,
      %get3A_773 = vector.shape_cast %get3A_772 : vector<16xf32> to vector<16xf32>
      %get3A_774 = arith.constant 80 : index
      %get3A_775 = tpu.vector_load %arg35[%get3A_774] {strides = array<i32>} : memref<128xf32, #tpu.memory_space<vmem>>, vector<16xf32>,
      %get3A_776 = vector.shape_cast %get3A_775 : vector<16xf32> to vector<16xf32>
      %get3A_777 = arith.constant 96 : index
      %get3A_778 = tpu.vector_load %arg35[%get3A_777] {strides = array<i32>} : memref<128xf32, #tpu.memory_space<vmem>>, vector<16xf32>,
      %get3A_779 = vector.shape_cast %get3A_778 : vector<16xf32> to vector<16xf32>
      %get3A_780 = arith.constant 112 : index
      %get3A_781 = tpu.vector_load %arg35[%get3A_780] {strides = array<i32>} : memref<128xf32, #tpu.memory_space<vmem>>, vector<16xf32>,
      %get3A_782 = vector.shape_cast %get3A_781 : vector<16xf32> to vector<16xf32>
      %get3A_783 = arith.constant 0 : index
      %get3A_784 = tpu.vector_load %arg41[%get3A_783] {strides = array<i32>} : memref<128xi32, #tpu.memory_space<vmem>>, vector<16xi32>,
      %get3A_785 = vector.shape_cast %get3A_784 : vector<16xi32> to vector<16xi32>
      %add3A_786 = vector.broadcast %add3A_731 : i32 to vector<16xi32>
      %add3A_787 = arith.addi %get3A_785, %add3A_786 : vector<16xi32>
      %swap3A_788 = arith.constant 0 : index
      %swap3A_789 = tpu.vector_load %arg36[%swap3A_788] {strides = array<i32>} : memref<128xi32, #tpu.memory_space<vmem>>, vector<16xi32>,
      %swap3A_790 = vector.shape_cast %swap3A_789 : vector<16xi32> to vector<16xi32>
      %swap3A_791 = vector.shape_cast %add3A_787 : vector<16xi32> to vector<16xi32>
      tpu.vector_store %arg36[%swap3A_788], %swap3A_791 {strides = array<i32>} : memref<128xi32, #tpu.memory_space<vmem>>, vector<16xi32>,
      %get3A_792 = arith.constant 16 : index
      %get3A_793 = tpu.vector_load %arg41[%get3A_792] {strides = array<i32>} : memref<128xi32, #tpu.memory_space<vmem>>, vector<16xi32>,
      %get3A_794 = vector.shape_cast %get3A_793 : vector<16xi32> to vector<16xi32>
      %add3A_795 = vector.broadcast %add3A_731 : i32 to vector<16xi32>
      %add3A_796 = arith.addi %get3A_794, %add3A_795 : vector<16xi32>
      %swap3A_797 = arith.constant 16 : index
      %swap3A_798 = tpu.vector_load %arg36[%swap3A_797] {strides = array<i32>} : memref<128xi32, #tpu.memory_space<vmem>>, vector<16xi32>,
      %swap3A_799 = vector.shape_cast %swap3A_798 : vector<16xi32> to vector<16xi32>
      %swap3A_800 = vector.shape_cast %add3A_796 : vector<16xi32> to vector<16xi32>
      tpu.vector_store %arg36[%swap3A_797], %swap3A_800 {strides = array<i32>} : memref<128xi32, #tpu.memory_space<vmem>>, vector<16xi32>,
      %get3A_801 = arith.constant 32 : index
      %get3A_802 = tpu.vector_load %arg41[%get3A_801] {strides = array<i32>} : memref<128xi32, #tpu.memory_space<vmem>>, vector<16xi32>,
      %get3A_803 = vector.shape_cast %get3A_802 : vector<16xi32> to vector<16xi32>
      %add3A_804 = vector.broadcast %add3A_731 : i32 to vector<16xi32>
      %add3A_805 = arith.addi %get3A_803, %add3A_804 : vector<16xi32>
      %swap3A_806 = arith.constant 32 : index
      %swap3A_807 = tpu.vector_load %arg36[%swap3A_806] {strides = array<i32>} : memref<128xi32, #tpu.memory_space<vmem>>, vector<16xi32>,
      %swap3A_808 = vector.shape_cast %swap3A_807 : vector<16xi32> to vector<16xi32>
      %swap3A_809 = vector.shape_cast %add3A_805 : vector<16xi32> to vector<16xi32>
      tpu.vector_store %arg36[%swap3A_806], %swap3A_809 {strides = array<i32>} : memref<128xi32, #tpu.memory_space<vmem>>, vector<16xi32>,
      %get3A_810 = arith.constant 48 : index
      %get3A_811 = tpu.vector_load %arg41[%get3A_810] {strides = array<i32>} : memref<128xi32, #tpu.memory_space<vmem>>, vector<16xi32>,
      %get3A_812 = vector.shape_cast %get3A_811 : vector<16xi32> to vector<16xi32>
      %add3A_813 = vector.broadcast %add3A_731 : i32 to vector<16xi32>
      %add3A_814 = arith.addi %get3A_812, %add3A_813 : vector<16xi32>
      %swap3A_815 = arith.constant 48 : index
      %swap3A_816 = tpu.vector_load %arg36[%swap3A_815] {strides = array<i32>} : memref<128xi32, #tpu.memory_space<vmem>>, vector<16xi32>,
      %swap3A_817 = vector.shape_cast %swap3A_816 : vector<16xi32> to vector<16xi32>
      %swap3A_818 = vector.shape_cast %add3A_814 : vector<16xi32> to vector<16xi32>
      tpu.vector_store %arg36[%swap3A_815], %swap3A_818 {strides = array<i32>} : memref<128xi32, #tpu.memory_space<vmem>>, vector<16xi32>,
      %get3A_819 = arith.constant 64 : index
      %get3A_820 = tpu.vector_load %arg41[%get3A_819] {strides = array<i32>} : memref<128xi32, #tpu.memory_space<vmem>>, vector<16xi32>,
      %get3A_821 = vector.shape_cast %get3A_820 : vector<16xi32> to vector<16xi32>
      %add3A_822 = vector.broadcast %add3A_731 : i32 to vector<16xi32>
      %add3A_823 = arith.addi %get3A_821, %add3A_822 : vector<16xi32>
      %swap3A_824 = arith.constant 64 : index
      %swap3A_825 = tpu.vector_load %arg36[%swap3A_824] {strides = array<i32>} : memref<128xi32, #tpu.memory_space<vmem>>, vector<16xi32>,
      %swap3A_826 = vector.shape_cast %swap3A_825 : vector<16xi32> to vector<16xi32>
      %swap3A_827 = vector.shape_cast %add3A_823 : vector<16xi32> to vector<16xi32>
      tpu.vector_store %arg36[%swap3A_824], %swap3A_827 {strides = array<i32>} : memref<128xi32, #tpu.memory_space<vmem>>, vector<16xi32>,
      %get3A_828 = arith.constant 80 : index
      %get3A_829 = tpu.vector_load %arg41[%get3A_828] {strides = array<i32>} : memref<128xi32, #tpu.memory_space<vmem>>, vector<16xi32>,
      %get3A_830 = vector.shape_cast %get3A_829 : vector<16xi32> to vector<16xi32>
      %add3A_831 = vector.broadcast %add3A_731 : i32 to vector<16xi32>
      %add3A_832 = arith.addi %get3A_830, %add3A_831 : vector<16xi32>
      %swap3A_833 = arith.constant 80 : index
      %swap3A_834 = tpu.vector_load %arg36[%swap3A_833] {strides = array<i32>} : memref<128xi32, #tpu.memory_space<vmem>>, vector<16xi32>,
      %swap3A_835 = vector.shape_cast %swap3A_834 : vector<16xi32> to vector<16xi32>
      %swap3A_836 = vector.shape_cast %add3A_832 : vector<16xi32> to vector<16xi32>
      tpu.vector_store %arg36[%swap3A_833], %swap3A_836 {strides = array<i32>} : memref<128xi32, #tpu.memory_space<vmem>>, vector<16xi32>,
      %get3A_837 = arith.constant 96 : index
      %get3A_838 = tpu.vector_load %arg41[%get3A_837] {strides = array<i32>} : memref<128xi32, #tpu.memory_space<vmem>>, vector<16xi32>,
      %get3A_839 = vector.shape_cast %get3A_838 : vector<16xi32> to vector<16xi32>
      %add3A_840 = vector.broadcast %add3A_731 : i32 to vector<16xi32>
      %add3A_841 = arith.addi %get3A_839, %add3A_840 : vector<16xi32>
      %swap3A_842 = arith.constant 96 : index
      %swap3A_843 = tpu.vector_load %arg36[%swap3A_842] {strides = array<i32>} : memref<128xi32, #tpu.memory_space<vmem>>, vector<16xi32>,
      %swap3A_844 = vector.shape_cast %swap3A_843 : vector<16xi32> to vector<16xi32>
      %swap3A_845 = vector.shape_cast %add3A_841 : vector<16xi32> to vector<16xi32>
      tpu.vector_store %arg36[%swap3A_842], %swap3A_845 {strides = array<i32>} : memref<128xi32, #tpu.memory_space<vmem>>, vector<16xi32>,
      %get3A_846 = arith.constant 112 : index
      %get3A_847 = tpu.vector_load %arg41[%get3A_846] {strides = array<i32>} : memref<128xi32, #tpu.memory_space<vmem>>, vector<16xi32>,
      %get3A_848 = vector.shape_cast %get3A_847 : vector<16xi32> to vector<16xi32>
      %add3A_849 = vector.broadcast %add3A_731 : i32 to vector<16xi32>
      %add3A_850 = arith.addi %get3A_848, %add3A_849 : vector<16xi32>
      %swap3A_851 = arith.constant 112 : index
      %swap3A_852 = tpu.vector_load %arg36[%swap3A_851] {strides = array<i32>} : memref<128xi32, #tpu.memory_space<vmem>>, vector<16xi32>,
      %swap3A_853 = vector.shape_cast %swap3A_852 : vector<16xi32> to vector<16xi32>
      %swap3A_854 = vector.shape_cast %add3A_850 : vector<16xi32> to vector<16xi32>
      tpu.vector_store %arg36[%swap3A_851], %swap3A_854 {strides = array<i32>} : memref<128xi32, #tpu.memory_space<vmem>>, vector<16xi32>,
      %scan3A_855 = arith.constant 0 : i32
      %scan3A_856 = arith.constant 0 : i32
      %scan3A_857 = arith.constant 32 : i32
      %scan3A_858 = arith.addi %scan3A_856, %scan3A_857 : i32
      %scan3A_859 = arith.constant 1 : i32
      scf.for %scan3A_864 = %scan3A_856 to %scan3A_858 step %scan3A_859  : i32 {
        %mul3A_865 = arith.constant 4 : i32
        %mul3A_866 = arith.muli %scan3A_864, %mul3A_865 : i32
        %add3A_867 = arith.constant 0 : i32
        %add3A_868 = arith.addi %mul3A_866, %add3A_867 : i32
        %get3A_869 = arith.index_cast %add3A_868 : i32 to index
        %get3A_870 = arith.constant 0 : index
        %get3A_871 = tpu.vector_load %arg37[%get3A_869, %get3A_870] {strides = array<i32>} : memref<128x128xf32, #tpu.memory_space<vmem>>, vector<1x16xf32>,
        %get3A_872 = vector.shape_cast %get3A_871 : vector<1x16xf32> to vector<16xf32>
        %add3A_873 = arith.addf %get3A_872, %get3A_761 : vector<16xf32>
        %swap3A_874 = arith.index_cast %add3A_868 : i32 to index
        %swap3A_875 = arith.constant 0 : index
        %swap3A_876 = tpu.vector_load %arg37[%swap3A_874, %swap3A_875] {strides = array<i32>} : memref<128x128xf32, #tpu.memory_space<vmem>>, vector<1x16xf32>,
        %swap3A_877 = vector.shape_cast %swap3A_876 : vector<1x16xf32> to vector<16xf32>
        %swap3A_878 = vector.shape_cast %add3A_873 : vector<16xf32> to vector<1x16xf32>
        tpu.vector_store %arg37[%swap3A_874, %swap3A_875], %swap3A_878 {strides = array<i32>} : memref<128x128xf32, #tpu.memory_space<vmem>>, vector<1x16xf32>,
        %get3A_879 = arith.index_cast %add3A_868 : i32 to index
        %get3A_880 = arith.constant 16 : index
        %get3A_881 = tpu.vector_load %arg37[%get3A_879, %get3A_880] {strides = array<i32>} : memref<128x128xf32, #tpu.memory_space<vmem>>, vector<1x16xf32>,
        %get3A_882 = vector.shape_cast %get3A_881 : vector<1x16xf32> to vector<16xf32>
        %add3A_883 = arith.addf %get3A_882, %get3A_764 : vector<16xf32>
        %swap3A_884 = arith.index_cast %add3A_868 : i32 to index
        %swap3A_885 = arith.constant 16 : index
        %swap3A_886 = tpu.vector_load %arg37[%swap3A_884, %swap3A_885] {strides = array<i32>} : memref<128x128xf32, #tpu.memory_space<vmem>>, vector<1x16xf32>,
        %swap3A_887 = vector.shape_cast %swap3A_886 : vector<1x16xf32> to vector<16xf32>
        %swap3A_888 = vector.shape_cast %add3A_883 : vector<16xf32> to vector<1x16xf32>
        tpu.vector_store %arg37[%swap3A_884, %swap3A_885], %swap3A_888 {strides = array<i32>} : memref<128x128xf32, #tpu.memory_space<vmem>>, vector<1x16xf32>,
        %get3A_889 = arith.index_cast %add3A_868 : i32 to index
        %get3A_890 = arith.constant 32 : index
        %get3A_891 = tpu.vector_load %arg37[%get3A_889, %get3A_890] {strides = array<i32>} : memref<128x128xf32, #tpu.memory_space<vmem>>, vector<1x16xf32>,
        %get3A_892 = vector.shape_cast %get3A_891 : vector<1x16xf32> to vector<16xf32>
        %add3A_893 = arith.addf %get3A_892, %get3A_767 : vector<16xf32>
        %swap3A_894 = arith.index_cast %add3A_868 : i32 to index
        %swap3A_895 = arith.constant 32 : index
        %swap3A_896 = tpu.vector_load %arg37[%swap3A_894, %swap3A_895] {strides = array<i32>} : memref<128x128xf32, #tpu.memory_space<vmem>>, vector<1x16xf32>,
        %swap3A_897 = vector.shape_cast %swap3A_896 : vector<1x16xf32> to vector<16xf32>
        %swap3A_898 = vector.shape_cast %add3A_893 : vector<16xf32> to vector<1x16xf32>
        tpu.vector_store %arg37[%swap3A_894, %swap3A_895], %swap3A_898 {strides = array<i32>} : memref<128x128xf32, #tpu.memory_space<vmem>>, vector<1x16xf32>,
        %get3A_899 = arith.index_cast %add3A_868 : i32 to index
        %get3A_900 = arith.constant 48 : index
        %get3A_901 = tpu.vector_load %arg37[%get3A_899, %get3A_900] {strides = array<i32>} : memref<128x128xf32, #tpu.memory_space<vmem>>, vector<1x16xf32>,
        %get3A_902 = vector.shape_cast %get3A_901 : vector<1x16xf32> to vector<16xf32>
        %add3A_903 = arith.addf %get3A_902, %get3A_770 : vector<16xf32>
        %swap3A_904 = arith.index_cast %add3A_868 : i32 to index
        %swap3A_905 = arith.constant 48 : index
        %swap3A_906 = tpu.vector_load %arg37[%swap3A_904, %swap3A_905] {strides = array<i32>} : memref<128x128xf32, #tpu.memory_space<vmem>>, vector<1x16xf32>,
        %swap3A_907 = vector.shape_cast %swap3A_906 : vector<1x16xf32> to vector<16xf32>
        %swap3A_908 = vector.shape_cast %add3A_903 : vector<16xf32> to vector<1x16xf32>
        tpu.vector_store %arg37[%swap3A_904, %swap3A_905], %swap3A_908 {strides = array<i32>} : memref<128x128xf32, #tpu.memory_space<vmem>>, vector<1x16xf32>,
        %get3A_909 = arith.index_cast %add3A_868 : i32 to index
        %get3A_910 = arith.constant 64 : index
        %get3A_911 = tpu.vector_load %arg37[%get3A_909, %get3A_910] {strides = array<i32>} : memref<128x128xf32, #tpu.memory_space<vmem>>, vector<1x16xf32>,
        %get3A_912 = vector.shape_cast %get3A_911 : vector<1x16xf32> to vector<16xf32>
        %add3A_913 = arith.addf %get3A_912, %get3A_773 : vector<16xf32>
        %swap3A_914 = arith.index_cast %add3A_868 : i32 to index
        %swap3A_915 = arith.constant 64 : index
        %swap3A_916 = tpu.vector_load %arg37[%swap3A_914, %swap3A_915] {strides = array<i32>} : memref<128x128xf32, #tpu.memory_space<vmem>>, vector<1x16xf32>,
        %swap3A_917 = vector.shape_cast %swap3A_916 : vector<1x16xf32> to vector<16xf32>
        %swap3A_918 = vector.shape_cast %add3A_913 : vector<16xf32> to vector<1x16xf32>
        tpu.vector_store %arg37[%swap3A_914, %swap3A_915], %swap3A_918 {strides = array<i32>} : memref<128x128xf32, #tpu.memory_space<vmem>>, vector<1x16xf32>,
        %get3A_919 = arith.index_cast %add3A_868 : i32 to index
        %get3A_920 = arith.constant 80 : index
        %get3A_921 = tpu.vector_load %arg37[%get3A_919, %get3A_920] {strides = array<i32>} : memref<128x128xf32, #tpu.memory_space<vmem>>, vector<1x16xf32>,
        %get3A_922 = vector.shape_cast %get3A_921 : vector<1x16xf32> to vector<16xf32>
        %add3A_923 = arith.addf %get3A_922, %get3A_776 : vector<16xf32>
        %swap3A_924 = arith.index_cast %add3A_868 : i32 to index
        %swap3A_925 = arith.constant 80 : index
        %swap3A_926 = tpu.vector_load %arg37[%swap3A_924, %swap3A_925] {strides = array<i32>} : memref<128x128xf32, #tpu.memory_space<vmem>>, vector<1x16xf32>,
        %swap3A_927 = vector.shape_cast %swap3A_926 : vector<1x16xf32> to vector<16xf32>
        %swap3A_928 = vector.shape_cast %add3A_923 : vector<16xf32> to vector<1x16xf32>
        tpu.vector_store %arg37[%swap3A_924, %swap3A_925], %swap3A_928 {strides = array<i32>} : memref<128x128xf32, #tpu.memory_space<vmem>>, vector<1x16xf32>,
        %get3A_929 = arith.index_cast %add3A_868 : i32 to index
        %get3A_930 = arith.constant 96 : index
        %get3A_931 = tpu.vector_load %arg37[%get3A_929, %get3A_930] {strides = array<i32>} : memref<128x128xf32, #tpu.memory_space<vmem>>, vector<1x16xf32>,
        %get3A_932 = vector.shape_cast %get3A_931 : vector<1x16xf32> to vector<16xf32>
        %add3A_933 = arith.addf %get3A_932, %get3A_779 : vector<16xf32>
        %swap3A_934 = arith.index_cast %add3A_868 : i32 to index
        %swap3A_935 = arith.constant 96 : index
        %swap3A_936 = tpu.vector_load %arg37[%swap3A_934, %swap3A_935] {strides = array<i32>} : memref<128x128xf32, #tpu.memory_space<vmem>>, vector<1x16xf32>,
        %swap3A_937 = vector.shape_cast %swap3A_936 : vector<1x16xf32> to vector<16xf32>
        %swap3A_938 = vector.shape_cast %add3A_933 : vector<16xf32> to vector<1x16xf32>
        tpu.vector_store %arg37[%swap3A_934, %swap3A_935], %swap3A_938 {strides = array<i32>} : memref<128x128xf32, #tpu.memory_space<vmem>>, vector<1x16xf32>,
        %get3A_939 = arith.index_cast %add3A_868 : i32 to index
        %get3A_940 = arith.constant 112 : index
        %get3A_941 = tpu.vector_load %arg37[%get3A_939, %get3A_940] {strides = array<i32>} : memref<128x128xf32, #tpu.memory_space<vmem>>, vector<1x16xf32>,
        %get3A_942 = vector.shape_cast %get3A_941 : vector<1x16xf32> to vector<16xf32>
        %add3A_943 = arith.addf %get3A_942, %get3A_782 : vector<16xf32>
        %swap3A_944 = arith.index_cast %add3A_868 : i32 to index
        %swap3A_945 = arith.constant 112 : index
        %swap3A_946 = tpu.vector_load %arg37[%swap3A_944, %swap3A_945] {strides = array<i32>} : memref<128x128xf32, #tpu.memory_space<vmem>>, vector<1x16xf32>,
        %swap3A_947 = vector.shape_cast %swap3A_946 : vector<1x16xf32> to vector<16xf32>
        %swap3A_948 = vector.shape_cast %add3A_943 : vector<16xf32> to vector<1x16xf32>
        tpu.vector_store %arg37[%swap3A_944, %swap3A_945], %swap3A_948 {strides = array<i32>} : memref<128x128xf32, #tpu.memory_space<vmem>>, vector<1x16xf32>,
        %mul3A_949 = arith.constant 4 : i32
        %mul3A_950 = arith.muli %scan3A_864, %mul3A_949 : i32
        %add3A_951 = arith.constant 1 : i32
        %add3A_952 = arith.addi %mul3A_950, %add3A_951 : i32
        %get3A_953 = arith.index_cast %add3A_952 : i32 to index
        %get3A_954 = arith.constant 0 : index
        %get3A_955 = tpu.vector_load %arg37[%get3A_953, %get3A_954] {strides = array<i32>} : memref<128x128xf32, #tpu.memory_space<vmem>>, vector<1x16xf32>,
        %get3A_956 = vector.shape_cast %get3A_955 : vector<1x16xf32> to vector<16xf32>
        %add3A_957 = arith.addf %get3A_956, %get3A_761 : vector<16xf32>
        %swap3A_958 = arith.index_cast %add3A_952 : i32 to index
        %swap3A_959 = arith.constant 0 : index
        %swap3A_960 = tpu.vector_load %arg37[%swap3A_958, %swap3A_959] {strides = array<i32>} : memref<128x128xf32, #tpu.memory_space<vmem>>, vector<1x16xf32>,
        %swap3A_961 = vector.shape_cast %swap3A_960 : vector<1x16xf32> to vector<16xf32>
        %swap3A_962 = vector.shape_cast %add3A_957 : vector<16xf32> to vector<1x16xf32>
        tpu.vector_store %arg37[%swap3A_958, %swap3A_959], %swap3A_962 {strides = array<i32>} : memref<128x128xf32, #tpu.memory_space<vmem>>, vector<1x16xf32>,
        %get3A_963 = arith.index_cast %add3A_952 : i32 to index
        %get3A_964 = arith.constant 16 : index
        %get3A_965 = tpu.vector_load %arg37[%get3A_963, %get3A_964] {strides = array<i32>} : memref<128x128xf32, #tpu.memory_space<vmem>>, vector<1x16xf32>,
        %get3A_966 = vector.shape_cast %get3A_965 : vector<1x16xf32> to vector<16xf32>
        %add3A_967 = arith.addf %get3A_966, %get3A_764 : vector<16xf32>
        %swap3A_968 = arith.index_cast %add3A_952 : i32 to index
        %swap3A_969 = arith.constant 16 : index
        %swap3A_970 = tpu.vector_load %arg37[%swap3A_968, %swap3A_969] {strides = array<i32>} : memref<128x128xf32, #tpu.memory_space<vmem>>, vector<1x16xf32>,
        %swap3A_971 = vector.shape_cast %swap3A_970 : vector<1x16xf32> to vector<16xf32>
        %swap3A_972 = vector.shape_cast %add3A_967 : vector<16xf32> to vector<1x16xf32>
        tpu.vector_store %arg37[%swap3A_968, %swap3A_969], %swap3A_972 {strides = array<i32>} : memref<128x128xf32, #tpu.memory_space<vmem>>, vector<1x16xf32>,
        %get3A_973 = arith.index_cast %add3A_952 : i32 to index
        %get3A_974 = arith.constant 32 : index
        %get3A_975 = tpu.vector_load %arg37[%get3A_973, %get3A_974] {strides = array<i32>} : memref<128x128xf32, #tpu.memory_space<vmem>>, vector<1x16xf32>,
        %get3A_976 = vector.shape_cast %get3A_975 : vector<1x16xf32> to vector<16xf32>
        %add3A_977 = arith.addf %get3A_976, %get3A_767 : vector<16xf32>
        %swap3A_978 = arith.index_cast %add3A_952 : i32 to index
        %swap3A_979 = arith.constant 32 : index
        %swap3A_980 = tpu.vector_load %arg37[%swap3A_978, %swap3A_979] {strides = array<i32>} : memref<128x128xf32, #tpu.memory_space<vmem>>, vector<1x16xf32>,
        %swap3A_981 = vector.shape_cast %swap3A_980 : vector<1x16xf32> to vector<16xf32>
        %swap3A_982 = vector.shape_cast %add3A_977 : vector<16xf32> to vector<1x16xf32>
        tpu.vector_store %arg37[%swap3A_978, %swap3A_979], %swap3A_982 {strides = array<i32>} : memref<128x128xf32, #tpu.memory_space<vmem>>, vector<1x16xf32>,
        %get3A_983 = arith.index_cast %add3A_952 : i32 to index
        %get3A_984 = arith.constant 48 : index
        %get3A_985 = tpu.vector_load %arg37[%get3A_983, %get3A_984] {strides = array<i32>} : memref<128x128xf32, #tpu.memory_space<vmem>>, vector<1x16xf32>,
        %get3A_986 = vector.shape_cast %get3A_985 : vector<1x16xf32> to vector<16xf32>
        %add3A_987 = arith.addf %get3A_986, %get3A_770 : vector<16xf32>
        %swap3A_988 = arith.index_cast %add3A_952 : i32 to index
        %swap3A_989 = arith.constant 48 : index
        %swap3A_990 = tpu.vector_load %arg37[%swap3A_988, %swap3A_989] {strides = array<i32>} : memref<128x128xf32, #tpu.memory_space<vmem>>, vector<1x16xf32>,
        %swap3A_991 = vector.shape_cast %swap3A_990 : vector<1x16xf32> to vector<16xf32>
        %swap3A_992 = vector.shape_cast %add3A_987 : vector<16xf32> to vector<1x16xf32>
        tpu.vector_store %arg37[%swap3A_988, %swap3A_989], %swap3A_992 {strides = array<i32>} : memref<128x128xf32, #tpu.memory_space<vmem>>, vector<1x16xf32>,
        %get3A_993 = arith.index_cast %add3A_952 : i32 to index
        %get3A_994 = arith.constant 64 : index
        %get3A_995 = tpu.vector_load %arg37[%get3A_993, %get3A_994] {strides = array<i32>} : memref<128x128xf32, #tpu.memory_space<vmem>>, vector<1x16xf32>,
        %get3A_996 = vector.shape_cast %get3A_995 : vector<1x16xf32> to vector<16xf32>
        %add3A_997 = arith.addf %get3A_996, %get3A_773 : vector<16xf32>
        %swap3A_998 = arith.index_cast %add3A_952 : i32 to index
        %swap3A_999 = arith.constant 64 : index
        %swap3A_1000 = tpu.vector_load %arg37[%swap3A_998, %swap3A_999] {strides = array<i32>} : memref<128x128xf32, #tpu.memory_space<vmem>>, vector<1x16xf32>,
        %swap3A_1001 = vector.shape_cast %swap3A_1000 : vector<1x16xf32> to vector<16xf32>
        %swap3A_1002 = vector.shape_cast %add3A_997 : vector<16xf32> to vector<1x16xf32>
        tpu.vector_store %arg37[%swap3A_998, %swap3A_999], %swap3A_1002 {strides = array<i32>} : memref<128x128xf32, #tpu.memory_space<vmem>>, vector<1x16xf32>,
        %get3A_1003 = arith.index_cast %add3A_952 : i32 to index
        %get3A_1004 = arith.constant 80 : index
        %get3A_1005 = tpu.vector_load %arg37[%get3A_1003, %get3A_1004] {strides = array<i32>} : memref<128x128xf32, #tpu.memory_space<vmem>>, vector<1x16xf32>,
        %get3A_1006 = vector.shape_cast %get3A_1005 : vector<1x16xf32> to vector<16xf32>
        %add3A_1007 = arith.addf %get3A_1006, %get3A_776 : vector<16xf32>
        %swap3A_1008 = arith.index_cast %add3A_952 : i32 to index
        %swap3A_1009 = arith.constant 80 : index
        %swap3A_1010 = tpu.vector_load %arg37[%swap3A_1008, %swap3A_1009] {strides = array<i32>} : memref<128x128xf32, #tpu.memory_space<vmem>>, vector<1x16xf32>,
        %swap3A_1011 = vector.shape_cast %swap3A_1010 : vector<1x16xf32> to vector<16xf32>
        %swap3A_1012 = vector.shape_cast %add3A_1007 : vector<16xf32> to vector<1x16xf32>
        tpu.vector_store %arg37[%swap3A_1008, %swap3A_1009], %swap3A_1012 {strides = array<i32>} : memref<128x128xf32, #tpu.memory_space<vmem>>, vector<1x16xf32>,
        %get3A_1013 = arith.index_cast %add3A_952 : i32 to index
        %get3A_1014 = arith.constant 96 : index
        %get3A_1015 = tpu.vector_load %arg37[%get3A_1013, %get3A_1014] {strides = array<i32>} : memref<128x128xf32, #tpu.memory_space<vmem>>, vector<1x16xf32>,
        %get3A_1016 = vector.shape_cast %get3A_1015 : vector<1x16xf32> to vector<16xf32>
        %add3A_1017 = arith.addf %get3A_1016, %get3A_779 : vector<16xf32>
        %swap3A_1018 = arith.index_cast %add3A_952 : i32 to index
        %swap3A_1019 = arith.constant 96 : index
        %swap3A_1020 = tpu.vector_load %arg37[%swap3A_1018, %swap3A_1019] {strides = array<i32>} : memref<128x128xf32, #tpu.memory_space<vmem>>, vector<1x16xf32>,
        %swap3A_1021 = vector.shape_cast %swap3A_1020 : vector<1x16xf32> to vector<16xf32>
        %swap3A_1022 = vector.shape_cast %add3A_1017 : vector<16xf32> to vector<1x16xf32>
        tpu.vector_store %arg37[%swap3A_1018, %swap3A_1019], %swap3A_1022 {strides = array<i32>} : memref<128x128xf32, #tpu.memory_space<vmem>>, vector<1x16xf32>,
        %get3A_1023 = arith.index_cast %add3A_952 : i32 to index
        %get3A_1024 = arith.constant 112 : index
        %get3A_1025 = tpu.vector_load %arg37[%get3A_1023, %get3A_1024] {strides = array<i32>} : memref<128x128xf32, #tpu.memory_space<vmem>>, vector<1x16xf32>,
        %get3A_1026 = vector.shape_cast %get3A_1025 : vector<1x16xf32> to vector<16xf32>
        %add3A_1027 = arith.addf %get3A_1026, %get3A_782 : vector<16xf32>
        %swap3A_1028 = arith.index_cast %add3A_952 : i32 to index
        %swap3A_1029 = arith.constant 112 : index
        %swap3A_1030 = tpu.vector_load %arg37[%swap3A_1028, %swap3A_1029] {strides = array<i32>} : memref<128x128xf32, #tpu.memory_space<vmem>>, vector<1x16xf32>,
        %swap3A_1031 = vector.shape_cast %swap3A_1030 : vector<1x16xf32> to vector<16xf32>
        %swap3A_1032 = vector.shape_cast %add3A_1027 : vector<16xf32> to vector<1x16xf32>
        tpu.vector_store %arg37[%swap3A_1028, %swap3A_1029], %swap3A_1032 {strides = array<i32>} : memref<128x128xf32, #tpu.memory_space<vmem>>, vector<1x16xf32>,
        %mul3A_1033 = arith.constant 4 : i32
        %mul3A_1034 = arith.muli %scan3A_864, %mul3A_1033 : i32
        %add3A_1035 = arith.constant 2 : i32
        %add3A_1036 = arith.addi %mul3A_1034, %add3A_1035 : i32
        %get3A_1037 = arith.index_cast %add3A_1036 : i32 to index
        %get3A_1038 = arith.constant 0 : index
        %get3A_1039 = tpu.vector_load %arg37[%get3A_1037, %get3A_1038] {strides = array<i32>} : memref<128x128xf32, #tpu.memory_space<vmem>>, vector<1x16xf32>,
        %get3A_1040 = vector.shape_cast %get3A_1039 : vector<1x16xf32> to vector<16xf32>
        %add3A_1041 = arith.addf %get3A_1040, %get3A_761 : vector<16xf32>
        %swap3A_1042 = arith.index_cast %add3A_1036 : i32 to index
        %swap3A_1043 = arith.constant 0 : index
        %swap3A_1044 = tpu.vector_load %arg37[%swap3A_1042, %swap3A_1043] {strides = array<i32>} : memref<128x128xf32, #tpu.memory_space<vmem>>, vector<1x16xf32>,
        %swap3A_1045 = vector.shape_cast %swap3A_1044 : vector<1x16xf32> to vector<16xf32>
        %swap3A_1046 = vector.shape_cast %add3A_1041 : vector<16xf32> to vector<1x16xf32>
        tpu.vector_store %arg37[%swap3A_1042, %swap3A_1043], %swap3A_1046 {strides = array<i32>} : memref<128x128xf32, #tpu.memory_space<vmem>>, vector<1x16xf32>,
        %get3A_1047 = arith.index_cast %add3A_1036 : i32 to index
        %get3A_1048 = arith.constant 16 : index
        %get3A_1049 = tpu.vector_load %arg37[%get3A_1047, %get3A_1048] {strides = array<i32>} : memref<128x128xf32, #tpu.memory_space<vmem>>, vector<1x16xf32>,
        %get3A_1050 = vector.shape_cast %get3A_1049 : vector<1x16xf32> to vector<16xf32>
        %add3A_1051 = arith.addf %get3A_1050, %get3A_764 : vector<16xf32>
        %swap3A_1052 = arith.index_cast %add3A_1036 : i32 to index
        %swap3A_1053 = arith.constant 16 : index
        %swap3A_1054 = tpu.vector_load %arg37[%swap3A_1052, %swap3A_1053] {strides = array<i32>} : memref<128x128xf32, #tpu.memory_space<vmem>>, vector<1x16xf32>,
        %swap3A_1055 = vector.shape_cast %swap3A_1054 : vector<1x16xf32> to vector<16xf32>
        %swap3A_1056 = vector.shape_cast %add3A_1051 : vector<16xf32> to vector<1x16xf32>
        tpu.vector_store %arg37[%swap3A_1052, %swap3A_1053], %swap3A_1056 {strides = array<i32>} : memref<128x128xf32, #tpu.memory_space<vmem>>, vector<1x16xf32>,
        %get3A_1057 = arith.index_cast %add3A_1036 : i32 to index
        %get3A_1058 = arith.constant 32 : index
        %get3A_1059 = tpu.vector_load %arg37[%get3A_1057, %get3A_1058] {strides = array<i32>} : memref<128x128xf32, #tpu.memory_space<vmem>>, vector<1x16xf32>,
        %get3A_1060 = vector.shape_cast %get3A_1059 : vector<1x16xf32> to vector<16xf32>
        %add3A_1061 = arith.addf %get3A_1060, %get3A_767 : vector<16xf32>
        %swap3A_1062 = arith.index_cast %add3A_1036 : i32 to index
        %swap3A_1063 = arith.constant 32 : index
        %swap3A_1064 = tpu.vector_load %arg37[%swap3A_1062, %swap3A_1063] {strides = array<i32>} : memref<128x128xf32, #tpu.memory_space<vmem>>, vector<1x16xf32>,
        %swap3A_1065 = vector.shape_cast %swap3A_1064 : vector<1x16xf32> to vector<16xf32>
        %swap3A_1066 = vector.shape_cast %add3A_1061 : vector<16xf32> to vector<1x16xf32>
        tpu.vector_store %arg37[%swap3A_1062, %swap3A_1063], %swap3A_1066 {strides = array<i32>} : memref<128x128xf32, #tpu.memory_space<vmem>>, vector<1x16xf32>,
        %get3A_1067 = arith.index_cast %add3A_1036 : i32 to index
        %get3A_1068 = arith.constant 48 : index
        %get3A_1069 = tpu.vector_load %arg37[%get3A_1067, %get3A_1068] {strides = array<i32>} : memref<128x128xf32, #tpu.memory_space<vmem>>, vector<1x16xf32>,
        %get3A_1070 = vector.shape_cast %get3A_1069 : vector<1x16xf32> to vector<16xf32>
        %add3A_1071 = arith.addf %get3A_1070, %get3A_770 : vector<16xf32>
        %swap3A_1072 = arith.index_cast %add3A_1036 : i32 to index
        %swap3A_1073 = arith.constant 48 : index
        %swap3A_1074 = tpu.vector_load %arg37[%swap3A_1072, %swap3A_1073] {strides = array<i32>} : memref<128x128xf32, #tpu.memory_space<vmem>>, vector<1x16xf32>,
        %swap3A_1075 = vector.shape_cast %swap3A_1074 : vector<1x16xf32> to vector<16xf32>
        %swap3A_1076 = vector.shape_cast %add3A_1071 : vector<16xf32> to vector<1x16xf32>
        tpu.vector_store %arg37[%swap3A_1072, %swap3A_1073], %swap3A_1076 {strides = array<i32>} : memref<128x128xf32, #tpu.memory_space<vmem>>, vector<1x16xf32>,
        %get3A_1077 = arith.index_cast %add3A_1036 : i32 to index
        %get3A_1078 = arith.constant 64 : index
        %get3A_1079 = tpu.vector_load %arg37[%get3A_1077, %get3A_1078] {strides = array<i32>} : memref<128x128xf32, #tpu.memory_space<vmem>>, vector<1x16xf32>,
        %get3A_1080 = vector.shape_cast %get3A_1079 : vector<1x16xf32> to vector<16xf32>
        %add3A_1081 = arith.addf %get3A_1080, %get3A_773 : vector<16xf32>
        %swap3A_1082 = arith.index_cast %add3A_1036 : i32 to index
        %swap3A_1083 = arith.constant 64 : index
        %swap3A_1084 = tpu.vector_load %arg37[%swap3A_1082, %swap3A_1083] {strides = array<i32>} : memref<128x128xf32, #tpu.memory_space<vmem>>, vector<1x16xf32>,
        %swap3A_1085 = vector.shape_cast %swap3A_1084 : vector<1x16xf32> to vector<16xf32>
        %swap3A_1086 = vector.shape_cast %add3A_1081 : vector<16xf32> to vector<1x16xf32>
        tpu.vector_store %arg37[%swap3A_1082, %swap3A_1083], %swap3A_1086 {strides = array<i32>} : memref<128x128xf32, #tpu.memory_space<vmem>>, vector<1x16xf32>,
        %get3A_1087 = arith.index_cast %add3A_1036 : i32 to index
        %get3A_1088 = arith.constant 80 : index
        %get3A_1089 = tpu.vector_load %arg37[%get3A_1087, %get3A_1088] {strides = array<i32>} : memref<128x128xf32, #tpu.memory_space<vmem>>, vector<1x16xf32>,
        %get3A_1090 = vector.shape_cast %get3A_1089 : vector<1x16xf32> to vector<16xf32>
        %add3A_1091 = arith.addf %get3A_1090, %get3A_776 : vector<16xf32>
        %swap3A_1092 = arith.index_cast %add3A_1036 : i32 to index
        %swap3A_1093 = arith.constant 80 : index
        %swap3A_1094 = tpu.vector_load %arg37[%swap3A_1092, %swap3A_1093] {strides = array<i32>} : memref<128x128xf32, #tpu.memory_space<vmem>>, vector<1x16xf32>,
        %swap3A_1095 = vector.shape_cast %swap3A_1094 : vector<1x16xf32> to vector<16xf32>
        %swap3A_1096 = vector.shape_cast %add3A_1091 : vector<16xf32> to vector<1x16xf32>
        tpu.vector_store %arg37[%swap3A_1092, %swap3A_1093], %swap3A_1096 {strides = array<i32>} : memref<128x128xf32, #tpu.memory_space<vmem>>, vector<1x16xf32>,
        %get3A_1097 = arith.index_cast %add3A_1036 : i32 to index
        %get3A_1098 = arith.constant 96 : index
        %get3A_1099 = tpu.vector_load %arg37[%get3A_1097, %get3A_1098] {strides = array<i32>} : memref<128x128xf32, #tpu.memory_space<vmem>>, vector<1x16xf32>,
        %get3A_1100 = vector.shape_cast %get3A_1099 : vector<1x16xf32> to vector<16xf32>
        %add3A_1101 = arith.addf %get3A_1100, %get3A_779 : vector<16xf32>
        %swap3A_1102 = arith.index_cast %add3A_1036 : i32 to index
        %swap3A_1103 = arith.constant 96 : index
        %swap3A_1104 = tpu.vector_load %arg37[%swap3A_1102, %swap3A_1103] {strides = array<i32>} : memref<128x128xf32, #tpu.memory_space<vmem>>, vector<1x16xf32>,
        %swap3A_1105 = vector.shape_cast %swap3A_1104 : vector<1x16xf32> to vector<16xf32>
        %swap3A_1106 = vector.shape_cast %add3A_1101 : vector<16xf32> to vector<1x16xf32>
        tpu.vector_store %arg37[%swap3A_1102, %swap3A_1103], %swap3A_1106 {strides = array<i32>} : memref<128x128xf32, #tpu.memory_space<vmem>>, vector<1x16xf32>,
        %get3A_1107 = arith.index_cast %add3A_1036 : i32 to index
        %get3A_1108 = arith.constant 112 : index
        %get3A_1109 = tpu.vector_load %arg37[%get3A_1107, %get3A_1108] {strides = array<i32>} : memref<128x128xf32, #tpu.memory_space<vmem>>, vector<1x16xf32>,
        %get3A_1110 = vector.shape_cast %get3A_1109 : vector<1x16xf32> to vector<16xf32>
        %add3A_1111 = arith.addf %get3A_1110, %get3A_782 : vector<16xf32>
        %swap3A_1112 = arith.index_cast %add3A_1036 : i32 to index
        %swap3A_1113 = arith.constant 112 : index
        %swap3A_1114 = tpu.vector_load %arg37[%swap3A_1112, %swap3A_1113] {strides = array<i32>} : memref<128x128xf32, #tpu.memory_space<vmem>>, vector<1x16xf32>,
        %swap3A_1115 = vector.shape_cast %swap3A_1114 : vector<1x16xf32> to vector<16xf32>
        %swap3A_1116 = vector.shape_cast %add3A_1111 : vector<16xf32> to vector<1x16xf32>
        tpu.vector_store %arg37[%swap3A_1112, %swap3A_1113], %swap3A_1116 {strides = array<i32>} : memref<128x128xf32, #tpu.memory_space<vmem>>, vector<1x16xf32>,
        %mul3A_1117 = arith.constant 4 : i32
        %mul3A_1118 = arith.muli %scan3A_864, %mul3A_1117 : i32
        %add3A_1119 = arith.constant 3 : i32
        %add3A_1120 = arith.addi %mul3A_1118, %add3A_1119 : i32
        %get3A_1121 = arith.index_cast %add3A_1120 : i32 to index
        %get3A_1122 = arith.constant 0 : index
        %get3A_1123 = tpu.vector_load %arg37[%get3A_1121, %get3A_1122] {strides = array<i32>} : memref<128x128xf32, #tpu.memory_space<vmem>>, vector<1x16xf32>,
        %get3A_1124 = vector.shape_cast %get3A_1123 : vector<1x16xf32> to vector<16xf32>
        %add3A_1125 = arith.addf %get3A_1124, %get3A_761 : vector<16xf32>
        %swap3A_1126 = arith.index_cast %add3A_1120 : i32 to index
        %swap3A_1127 = arith.constant 0 : index
        %swap3A_1128 = tpu.vector_load %arg37[%swap3A_1126, %swap3A_1127] {strides = array<i32>} : memref<128x128xf32, #tpu.memory_space<vmem>>, vector<1x16xf32>,
        %swap3A_1129 = vector.shape_cast %swap3A_1128 : vector<1x16xf32> to vector<16xf32>
        %swap3A_1130 = vector.shape_cast %add3A_1125 : vector<16xf32> to vector<1x16xf32>
        tpu.vector_store %arg37[%swap3A_1126, %swap3A_1127], %swap3A_1130 {strides = array<i32>} : memref<128x128xf32, #tpu.memory_space<vmem>>, vector<1x16xf32>,
        %get3A_1131 = arith.index_cast %add3A_1120 : i32 to index
        %get3A_1132 = arith.constant 16 : index
        %get3A_1133 = tpu.vector_load %arg37[%get3A_1131, %get3A_1132] {strides = array<i32>} : memref<128x128xf32, #tpu.memory_space<vmem>>, vector<1x16xf32>,
        %get3A_1134 = vector.shape_cast %get3A_1133 : vector<1x16xf32> to vector<16xf32>
        %add3A_1135 = arith.addf %get3A_1134, %get3A_764 : vector<16xf32>
        %swap3A_1136 = arith.index_cast %add3A_1120 : i32 to index
        %swap3A_1137 = arith.constant 16 : index
        %swap3A_1138 = tpu.vector_load %arg37[%swap3A_1136, %swap3A_1137] {strides = array<i32>} : memref<128x128xf32, #tpu.memory_space<vmem>>, vector<1x16xf32>,
        %swap3A_1139 = vector.shape_cast %swap3A_1138 : vector<1x16xf32> to vector<16xf32>
        %swap3A_1140 = vector.shape_cast %add3A_1135 : vector<16xf32> to vector<1x16xf32>
        tpu.vector_store %arg37[%swap3A_1136, %swap3A_1137], %swap3A_1140 {strides = array<i32>} : memref<128x128xf32, #tpu.memory_space<vmem>>, vector<1x16xf32>,
        %get3A_1141 = arith.index_cast %add3A_1120 : i32 to index
        %get3A_1142 = arith.constant 32 : index
        %get3A_1143 = tpu.vector_load %arg37[%get3A_1141, %get3A_1142] {strides = array<i32>} : memref<128x128xf32, #tpu.memory_space<vmem>>, vector<1x16xf32>,
        %get3A_1144 = vector.shape_cast %get3A_1143 : vector<1x16xf32> to vector<16xf32>
        %add3A_1145 = arith.addf %get3A_1144, %get3A_767 : vector<16xf32>
        %swap3A_1146 = arith.index_cast %add3A_1120 : i32 to index
        %swap3A_1147 = arith.constant 32 : index
        %swap3A_1148 = tpu.vector_load %arg37[%swap3A_1146, %swap3A_1147] {strides = array<i32>} : memref<128x128xf32, #tpu.memory_space<vmem>>, vector<1x16xf32>,
        %swap3A_1149 = vector.shape_cast %swap3A_1148 : vector<1x16xf32> to vector<16xf32>
        %swap3A_1150 = vector.shape_cast %add3A_1145 : vector<16xf32> to vector<1x16xf32>
        tpu.vector_store %arg37[%swap3A_1146, %swap3A_1147], %swap3A_1150 {strides = array<i32>} : memref<128x128xf32, #tpu.memory_space<vmem>>, vector<1x16xf32>,
        %get3A_1151 = arith.index_cast %add3A_1120 : i32 to index
        %get3A_1152 = arith.constant 48 : index
        %get3A_1153 = tpu.vector_load %arg37[%get3A_1151, %get3A_1152] {strides = array<i32>} : memref<128x128xf32, #tpu.memory_space<vmem>>, vector<1x16xf32>,
        %get3A_1154 = vector.shape_cast %get3A_1153 : vector<1x16xf32> to vector<16xf32>
        %add3A_1155 = arith.addf %get3A_1154, %get3A_770 : vector<16xf32>
        %swap3A_1156 = arith.index_cast %add3A_1120 : i32 to index
        %swap3A_1157 = arith.constant 48 : index
        %swap3A_1158 = tpu.vector_load %arg37[%swap3A_1156, %swap3A_1157] {strides = array<i32>} : memref<128x128xf32, #tpu.memory_space<vmem>>, vector<1x16xf32>,
        %swap3A_1159 = vector.shape_cast %swap3A_1158 : vector<1x16xf32> to vector<16xf32>
        %swap3A_1160 = vector.shape_cast %add3A_1155 : vector<16xf32> to vector<1x16xf32>
        tpu.vector_store %arg37[%swap3A_1156, %swap3A_1157], %swap3A_1160 {strides = array<i32>} : memref<128x128xf32, #tpu.memory_space<vmem>>, vector<1x16xf32>,
        %get3A_1161 = arith.index_cast %add3A_1120 : i32 to index
        %get3A_1162 = arith.constant 64 : index
        %get3A_1163 = tpu.vector_load %arg37[%get3A_1161, %get3A_1162] {strides = array<i32>} : memref<128x128xf32, #tpu.memory_space<vmem>>, vector<1x16xf32>,
        %get3A_1164 = vector.shape_cast %get3A_1163 : vector<1x16xf32> to vector<16xf32>
        %add3A_1165 = arith.addf %get3A_1164, %get3A_773 : vector<16xf32>
        %swap3A_1166 = arith.index_cast %add3A_1120 : i32 to index
        %swap3A_1167 = arith.constant 64 : index
        %swap3A_1168 = tpu.vector_load %arg37[%swap3A_1166, %swap3A_1167] {strides = array<i32>} : memref<128x128xf32, #tpu.memory_space<vmem>>, vector<1x16xf32>,
        %swap3A_1169 = vector.shape_cast %swap3A_1168 : vector<1x16xf32> to vector<16xf32>
        %swap3A_1170 = vector.shape_cast %add3A_1165 : vector<16xf32> to vector<1x16xf32>
        tpu.vector_store %arg37[%swap3A_1166, %swap3A_1167], %swap3A_1170 {strides = array<i32>} : memref<128x128xf32, #tpu.memory_space<vmem>>, vector<1x16xf32>,
        %get3A_1171 = arith.index_cast %add3A_1120 : i32 to index
        %get3A_1172 = arith.constant 80 : index
        %get3A_1173 = tpu.vector_load %arg37[%get3A_1171, %get3A_1172] {strides = array<i32>} : memref<128x128xf32, #tpu.memory_space<vmem>>, vector<1x16xf32>,
        %get3A_1174 = vector.shape_cast %get3A_1173 : vector<1x16xf32> to vector<16xf32>
        %add3A_1175 = arith.addf %get3A_1174, %get3A_776 : vector<16xf32>
        %swap3A_1176 = arith.index_cast %add3A_1120 : i32 to index
        %swap3A_1177 = arith.constant 80 : index
        %swap3A_1178 = tpu.vector_load %arg37[%swap3A_1176, %swap3A_1177] {strides = array<i32>} : memref<128x128xf32, #tpu.memory_space<vmem>>, vector<1x16xf32>,
        %swap3A_1179 = vector.shape_cast %swap3A_1178 : vector<1x16xf32> to vector<16xf32>
        %swap3A_1180 = vector.shape_cast %add3A_1175 : vector<16xf32> to vector<1x16xf32>
        tpu.vector_store %arg37[%swap3A_1176, %swap3A_1177], %swap3A_1180 {strides = array<i32>} : memref<128x128xf32, #tpu.memory_space<vmem>>, vector<1x16xf32>,
        %get3A_1181 = arith.index_cast %add3A_1120 : i32 to index
        %get3A_1182 = arith.constant 96 : index
        %get3A_1183 = tpu.vector_load %arg37[%get3A_1181, %get3A_1182] {strides = array<i32>} : memref<128x128xf32, #tpu.memory_space<vmem>>, vector<1x16xf32>,
        %get3A_1184 = vector.shape_cast %get3A_1183 : vector<1x16xf32> to vector<16xf32>
        %add3A_1185 = arith.addf %get3A_1184, %get3A_779 : vector<16xf32>
        %swap3A_1186 = arith.index_cast %add3A_1120 : i32 to index
        %swap3A_1187 = arith.constant 96 : index
        %swap3A_1188 = tpu.vector_load %arg37[%swap3A_1186, %swap3A_1187] {strides = array<i32>} : memref<128x128xf32, #tpu.memory_space<vmem>>, vector<1x16xf32>,
        %swap3A_1189 = vector.shape_cast %swap3A_1188 : vector<1x16xf32> to vector<16xf32>
        %swap3A_1190 = vector.shape_cast %add3A_1185 : vector<16xf32> to vector<1x16xf32>
        tpu.vector_store %arg37[%swap3A_1186, %swap3A_1187], %swap3A_1190 {strides = array<i32>} : memref<128x128xf32, #tpu.memory_space<vmem>>, vector<1x16xf32>,
        %get3A_1191 = arith.index_cast %add3A_1120 : i32 to index
        %get3A_1192 = arith.constant 112 : index
        %get3A_1193 = tpu.vector_load %arg37[%get3A_1191, %get3A_1192] {strides = array<i32>} : memref<128x128xf32, #tpu.memory_space<vmem>>, vector<1x16xf32>,
        %get3A_1194 = vector.shape_cast %get3A_1193 : vector<1x16xf32> to vector<16xf32>
        %add3A_1195 = arith.addf %get3A_1194, %get3A_782 : vector<16xf32>
        %swap3A_1196 = arith.index_cast %add3A_1120 : i32 to index
        %swap3A_1197 = arith.constant 112 : index
        %swap3A_1198 = tpu.vector_load %arg37[%swap3A_1196, %swap3A_1197] {strides = array<i32>} : memref<128x128xf32, #tpu.memory_space<vmem>>, vector<1x16xf32>,
        %swap3A_1199 = vector.shape_cast %swap3A_1198 : vector<1x16xf32> to vector<16xf32>
        %swap3A_1200 = vector.shape_cast %add3A_1195 : vector<16xf32> to vector<1x16xf32>
        tpu.vector_store %arg37[%swap3A_1196, %swap3A_1197], %swap3A_1200 {strides = array<i32>} : memref<128x128xf32, #tpu.memory_space<vmem>>, vector<1x16xf32>,
      }
      %scan3A_860 = arith.constant 32 : i32
      %dma_start3A_861 = arith.constant 0 : i32
      %dma_start3A_862 = arith.constant 0 : i32
      %dma_start3A_863 = tpu.memref_slice %arg5[%dma_start3A_861, %dma_start3A_862] : memref<819200x128xf32, #tpu.memory_space<hbm>> -> memref<819200x128xf32, #tpu.memory_space<hbm>>
      tpu.enqueue_indirect_dma source(%arg37 : memref<128x128xf32, #tpu.memory_space<vmem>>) target(%dma_start3A_863 : memref<819200x128xf32, #tpu.memory_space<hbm>>) offsets(%arg36 : memref<128xi32, #tpu.memory_space<vmem>>) semaphore(%arg40 : memref<!tpu.dma_semaphore, #tpu.memory_space<semaphore_mem>>)
    }
    %scan3A_173 = arith.constant 40 : i32
    %dma_wait3A_174 = arith.constant 0 : i32
    %dma_wait3A_175 = arith.constant 0 : i32
    %dma_wait3A_176 = tpu.memref_slice %arg5[%dma_wait3A_174, %dma_wait3A_175] : memref<819200x128xf32, #tpu.memory_space<hbm>> -> memref<819200x128xf32, #tpu.memory_space<hbm>>
    tpu.wait_indirect_dma semaphore(%arg12 : memref<!tpu.dma_semaphore, #tpu.memory_space<semaphore_mem>>) src(%arg9 : memref<128x128xf32, #tpu.memory_space<vmem>>) dst(%dma_wait3A_176 : memref<819200x128xf32, #tpu.memory_space<hbm>>)
    %dma_wait3A_177 = arith.constant 0 : i32
    %dma_wait3A_178 = arith.constant 0 : i32
    %dma_wait3A_179 = tpu.memref_slice %arg5[%dma_wait3A_177, %dma_wait3A_178] : memref<819200x128xf32, #tpu.memory_space<hbm>> -> memref<819200x128xf32, #tpu.memory_space<hbm>>
    tpu.wait_indirect_dma semaphore(%arg19 : memref<!tpu.dma_semaphore, #tpu.memory_space<semaphore_mem>>) src(%arg16 : memref<128x128xf32, #tpu.memory_space<vmem>>) dst(%dma_wait3A_179 : memref<819200x128xf32, #tpu.memory_space<hbm>>)
    %dma_wait3A_180 = arith.constant 0 : i32
    %dma_wait3A_181 = arith.constant 0 : i32
    %dma_wait3A_182 = tpu.memref_slice %arg5[%dma_wait3A_180, %dma_wait3A_181] : memref<819200x128xf32, #tpu.memory_space<hbm>> -> memref<819200x128xf32, #tpu.memory_space<hbm>>
    tpu.wait_indirect_dma semaphore(%arg26 : memref<!tpu.dma_semaphore, #tpu.memory_space<semaphore_mem>>) src(%arg23 : memref<128x128xf32, #tpu.memory_space<vmem>>) dst(%dma_wait3A_182 : memref<819200x128xf32, #tpu.memory_space<hbm>>)
    %dma_wait3A_183 = arith.constant 0 : i32
    %dma_wait3A_184 = arith.constant 0 : i32
    %dma_wait3A_185 = tpu.memref_slice %arg5[%dma_wait3A_183, %dma_wait3A_184] : memref<819200x128xf32, #tpu.memory_space<hbm>> -> memref<819200x128xf32, #tpu.memory_space<hbm>>
    tpu.wait_indirect_dma semaphore(%arg33 : memref<!tpu.dma_semaphore, #tpu.memory_space<semaphore_mem>>) src(%arg30 : memref<128x128xf32, #tpu.memory_space<vmem>>) dst(%dma_wait3A_185 : memref<819200x128xf32, #tpu.memory_space<hbm>>)
    %dma_wait3A_186 = arith.constant 0 : i32
    %dma_wait3A_187 = arith.constant 0 : i32
    %dma_wait3A_188 = tpu.memref_slice %arg5[%dma_wait3A_186, %dma_wait3A_187] : memref<819200x128xf32, #tpu.memory_space<hbm>> -> memref<819200x128xf32, #tpu.memory_space<hbm>>
    tpu.wait_indirect_dma semaphore(%arg40 : memref<!tpu.dma_semaphore, #tpu.memory_space<semaphore_mem>>) src(%arg37 : memref<128x128xf32, #tpu.memory_space<vmem>>) dst(%dma_wait3A_188 : memref<819200x128xf32, #tpu.memory_space<hbm>>)
    return
  }
}

</mosaic_0001>

<sc_bundles>
// kernel: kernel.3.cloned.1.call-start
scs
__scs_entry_jumppad:
0x0: {  	(pc) =	sbr.rel $0x88, $3  }
0x1: {  	(tag) =	ssettag $0x0;
	lr =	simm.s32 $0x1  }
0x2: {  	[smem:$0x3F9E] =	sst lr;
	_ =	strace $0xD0000000  }
0x3: {  	_ = 	snop  }
0x4: {  	_ = 	snop  }
0x5: {  	_ = 	snop  }
0x6: {  	_ = 	snop  }
0x7: {  	_ = 	snop  }
__scs_overlays_trampoline_lowered:
0x8: {  	[smem:$0x3FAD] =	sst s0  }
0x9: {  	[smem:$0x3FAE] =	sst s1  }
0xa: {  	[smem:$0x3FAF] =	sst s2  }
0xb: {  	[smem:$0x3FB0] =	sst s3  }
0xc: {  	[smem:$0x3FB1] =	sst s4  }
0xd: {  	[smem:$0x3FB2] =	sst s5  }
0xe: {  	[smem:$0x3FB3] =	sst s6  }
0xf: {  	[smem:$0x3FB4] =	sst s7  }
0x10: {  	[smem:$0x3FB5] =	sst s8  }
0x11: {  	[smem:$0x3FB6] =	sst s9;
	s0 =	simm.s32 @!p0 $0x0  }
0x12: {  	s1 =	sld [smem:$0x3F9C];
	s0 =	simm.s32 @p0 $0x1  }
0x13: {  	[smem:$0x3FB7] =	sst s0;
	s0 =	simm.s32 @!p1 $0x0  }
0x14: {  	s2 =	sld [smem:$0x3F9B];
	s0 =	simm.s32 @p1 $0x1  }
0x15: {  	[smem:$0x3FB8] =	sst s0;
	s0 =	simm.s32 @!p2 $0x0  }
0x16: {  	s3 =	sld [smem:$0x3FDB];
	s0 =	simm.s32 @p2 $0x1  }
0x17: {  	s4 =	simm.s32 $0x1BF5;
	[smem:$0x3FBA] =	sst s0  }
0x18: {  	s0 =	sld [smem:$0x3F9D];
	_ =	swait.ge [sflag:s4], $0x0  }
0x19: {  	s7 =	sld [smem:$0x3F9E]  }
0x1a: {  	s8 =	sadd.s32 $0xFFFFE003, lr  }
0x1b: {  	s9 =	sadd.s32 $0xFFFFFEF7, lr;
	s5 =	simm.s32 $0xFFFFFFFF;
	p2 =	slt.u32 s8, $0xFFFFF086  }
0x1c: {  	p1 =	slt.u32 s9, $0xF7A;
	s5 =	simm.s32 @!p2 $0x0  }
0x1d: {  	s5 =	simm.s32 @p1 $0x1;
	p0 =	seq.s32 s7, s2  }
0x1e: {  	s7 =	smul.u32 @!p0 $0xF7A, s2;
	p2 =	seq.s32 @!p0 s5, $0x0  }
0x1f: {  	s9 =	smul.u32 $0xF7A, s1;
	s8 =	simm.s32 @!p0 $0x1BF5;
	p2 =	por !p2, p0  }
0x20: {  	[sflag:s8] =	ssyncset.s32 @!p0 $0xFFFFF086;
	s6 =	sadd.s32 @!p0 s3, s7;
	s7 =	simm.s32 @!p0 $0x108  }
0x21: {  	s3 =	sadd.s32 s3, s9;
	s6 =	sadd.s32 @!p0 $0x88, s6;
	s7 =	simm.s32 @p2 $0x1082  }
0x22: {  	[simem:s7], [sflag:s8] =	dma.local @!p0 [hbm:s6], $0xF7A  }
0x23: {  	s9 =	sor.u32 $0xD0000000, s2;
	s6 =	simm.s32 $0x108;
	_ =	swait.ge @!p0 [sflag:s8], $0x0  }
0x24: {  	s3 =	sadd.s32 $0x88, s3;
	s6 =	simm.s32 @!p1 $0x1082;
	[sflag:s4] =	ssyncset.s32 $0xFFFFF086  }
0x25: {  	[simem:s6], [sflag:s4] =	dma.local [hbm:s3], $0xF7A  }
0x26: {  	[smem:$0x3F9E] =	sst s1;
	(tag) =	ssettag s2;
	_ =	strace s9  }
0x27: {  	s1 =	sld [smem:$0x3FAE]  }
0x28: {  	s2 =	sld [smem:$0x3FAF]  }
0x29: {  	s4 =	sld [smem:$0x3FB1]  }
0x2a: {  	p0 =	seq.s32 s5, $0x0;
	s5 =	sld [smem:$0x3FB2]  }
0x2b: {  	s6 =	sld [smem:$0x3FB3]  }
0x2c: {  	s7 =	sld [smem:$0x3FB4]  }
0x2d: {  	s3 =	simm.s32 $0x108;
	s8 =	sld [smem:$0x3FB5]  }
0x2e: {  	s3 =	simm.s32 @!p0 $0x1082;
	s9 =	sld [smem:$0x3FB6]  }
0x2f: {  	lr =	sadd.s32 s0, s3;
	s0 =	sld [smem:$0x3FAD]  }
0x30: {  	s3 =	sld [smem:$0x3FB0]  }
0x31: {  	[smem:$0x3FB9] =	sst s10  }
0x32: {  	s10 =	sld [smem:$0x3FB7];
	_ =	sdelay $0x3  }
0x33: {  	p0 =	seq.s32 s10, $0x1;
	s10 =	sld [smem:$0x3FB9];
	_ =	sdelay $0x3  }
0x34: {  	[smem:$0x3FB9] =	sst s10  }
0x35: {  	s10 =	sld [smem:$0x3FB8];
	_ =	sdelay $0x3  }
0x36: {  	p1 =	seq.s32 s10, $0x1;
	s10 =	sld [smem:$0x3FB9];
	_ =	sdelay $0x3  }
0x37: {  	[smem:$0x3FB9] =	sst s10  }
0x38: {  	s10 =	sld [smem:$0x3FBA]  }
0x39: {  	_ = 	snop;
	(pc) =	sbr.ind lr, $3  }
0x3a: {  	_ = 	snop  }
0x3b: {  	_ = 	snop  }
0x3c: {  	p2 =	seq.s32 s10, $0x1;
	s10 =	sld [smem:$0x3FB9]  }
0x3d: {  	_ =	shalt  }
0x3e: {  	_ =	shalt  }
0x3f: {  	_ =	shalt  }
0x40: {  	_ =	shalt  }
0x41: {  	_ =	shalt  }
0x42: {  	_ =	shalt  }
0x43: {  	_ =	shalt  }
0x44: {  	_ =	shalt  }
0x45: {  	_ =	shalt  }
0x46: {  	_ =	shalt  }
0x47: {  	_ =	shalt  }
0x48: {  	_ =	shalt  }
0x49: {  	_ =	shalt  }
0x4a: {  	_ =	shalt  }
0x4b: {  	_ =	shalt  }
0x4c: {  	_ =	shalt  }
0x4d: {  	_ =	shalt  }
0x4e: {  	_ =	shalt  }
0x4f: {  	_ =	shalt  }
0x50: {  	_ =	shalt  }
0x51: {  	_ =	shalt  }
0x52: {  	_ =	shalt  }
0x53: {  	_ =	shalt  }
0x54: {  	_ =	shalt  }
0x55: {  	_ =	shalt  }
0x56: {  	_ =	shalt  }
0x57: {  	_ =	shalt  }
0x58: {  	_ =	shalt  }
0x59: {  	_ =	shalt  }
0x5a: {  	_ =	shalt  }
0x5b: {  	_ =	shalt  }
0x5c: {  	_ =	shalt  }
0x5d: {  	_ =	shalt  }
0x5e: {  	_ =	shalt  }
0x5f: {  	_ =	shalt  }
0x60: {  	_ =	shalt  }
0x61: {  	_ =	shalt  }
0x62: {  	_ =	shalt  }
0x63: {  	_ =	shalt  }
0x64: {  	_ =	shalt  }
0x65: {  	_ =	shalt  }
0x66: {  	_ =	shalt  }
0x67: {  	_ =	shalt  }
0x68: {  	_ =	shalt  }
0x69: {  	_ =	shalt  }
0x6a: {  	_ =	shalt  }
0x6b: {  	_ =	shalt  }
0x6c: {  	_ =	shalt  }
0x6d: {  	_ =	shalt  }
0x6e: {  	_ =	shalt  }
0x6f: {  	_ =	shalt  }
0x70: {  	_ =	shalt  }
0x71: {  	_ =	shalt  }
0x72: {  	_ =	shalt  }
0x73: {  	_ =	shalt  }
0x74: {  	_ =	shalt  }
0x75: {  	_ =	shalt  }
0x76: {  	_ =	shalt  }
0x77: {  	_ =	shalt  }
0x78: {  	_ =	shalt  }
0x79: {  	_ =	shalt  }
0x7a: {  	_ =	shalt  }
0x7b: {  	_ =	shalt  }
0x7c: {  	_ =	shalt  }
0x7d: {  	_ =	shalt  }
0x7e: {  	_ =	shalt  }
0x7f: {  	_ =	shalt  }
0x80: {  	_ =	shalt  }
0x81: {  	_ =	shalt  }
0x82: {  	_ =	shalt  }
0x83: {  	_ =	shalt  }
0x84: {  	_ =	shalt  }
0x85: {  	_ =	shalt  }
0x86: {  	_ =	shalt  }
0x87: {  	_ =	shalt  }
.Lfunc_end0:
.L_simem_size_0:
called_computation_lowered:
.L_overlay_start_0:
0x88: {  	s2 =	sld [smem:$0x3FD9]  }
0x89: {  	s3 =	sld [smem:$0x3FFE];
	_ =	sdelay $0x1  }
0x8a: {  	s1 =	srdreg.scid  }
0x8b: {  	s0 =	sand.u32 $0x1, s1  }
0x8c: {  	s18 =	sshll.u32 s0, $0xA;
	s2 =	sadd.s32 s3, s2  }
0x8d: {  	s2 =	sadd.s32 s2, s18  }
0x8e: {  	[smem:$0x3FC5] =	sst s2  }
0x8f: {  	_ = 	snop  }
0x90: {  	s2 =	sld [smem:$0x3FC9]  }
0x91: {  	s19 =	sld [smem:$0x3FC8]  }
0x92: {  	s4 =	sld [smem:$0x3FC7]  }
0x93: {  	s5 =	sld [smem:$0x3FD0];
	(tm) =	ssettm $0x1  }
0x94: {  	s6 =	sld [smem:$0x3FFB];
	_ =	sdelay $0x3  }
0x95: {  	_ =	strace s6  }
0x96: {  	s6 =	sld [smem:$0x3FFC];
	_ =	sdelay $0x3  }
0x97: {  	_ =	strace s6  }
0x98: {  	s6 =	sld [smem:$0x3FFD];
	_ =	sdelay $0x3  }
0x99: {  	_ =	strace s6  }
0x9a: {  	_ =	strace $0x8FFFFFFF  }
0x9b: {  	s20 =	sld [smem:$0x3FDB];
	_ =	sdelay $0x1  }
0x9c: {  	s7 =	simm.s32 $_scs_section_size  }
0x9d: {  	s8 =	simm.s32 $_size__tile_overlayer_lowered;
	s9 =	simm.s32 $_tile_overlayer_lowered  }
0x9e: {  	s23 =	simm.s32 $0x1BFF;
	s22 =	sshll.u32 s9, $0x1;
	s6 =	sadd.s32 s7, s20  }
0x9f: {  	s10 =	simm.s32 $0x0;
	s21 =	sshll.u32 s8, $0x1;
	s8 =	sadd.s32 s22, s6  }
0xa0: {  	[timem:s10], [sflag:s23] =	dma.local [hbm:s8], s21  }
0xa1: {  	_ =	swait.ge [sflag:s23], s21  }
0xa2: {  	s7 =	ssub.s32 $0x0, s21;
	[sflag:s23] =	ssyncset.done $0x0  }
0xa3: {  	[sflag:s23] =	ssyncadd.s32 s7;
	_ =	sdelay $0x1  }
0xa4: {  	s24 =	simm.s32 $0x1B8B  }
0xa5: {  	_ =	swait.ge [sflag:s24], $0x1  }
0xa6: {  	[sflag:s24] =	ssyncset.done $0x0  }
0xa7: {  	s25 =	simm.s32 $0x1B8E;
	[sflag:s24] =	ssyncadd.s32 $0xFFFFFFFF  }
0xa8: {  	s26 =	simm.s32 $execute0_lowered;
	[smem:$0x3FD2] =	sst s25  }
0xa9: {  	s7 =	sshll.u32 s26, $0x1;
	_ =	strace $0x80000046;
	[dreg:$0x1] =	wrdreg $0xFFFFFFFF  }
0xaa: {  	s28 =	simm.s32 $_size_execute0_lowered;
	s6 =	sadd.s32 s6, s7;
	[dreg:$0x0] =	wrdreg $0x0  }
0xab: {  	s7 =	sshll.u32 s28, $0x1;
	[dreg:$0x2] =	wrdreg s6  }
0xac: {  	[dreg:$0x3] =	wrdreg s7  }
0xad: {  	[dreg:$0x4] =	wrdreg $0xC0  }
0xae: {  	_ =	task [dreg:s10], $0x5FFFF  }
0xaf: {  	[dreg:$0x1] =	wrdreg $0xFFFFFFFF  }
0xb0: {  	[dreg:$0x0] =	wrdreg $0x60  }
0xb1: {  	[dreg:$0x2] =	wrdreg s2  }
0xb2: {  	[dreg:$0x3] =	wrdreg s19  }
0xb3: {  	[dreg:$0x4] =	wrdreg s4  }
0xb4: {  	[dreg:$0x5] =	wrdreg s5  }
0xb5: {  	[dreg:$0x6] =	wrdreg $0x9  }
0xb6: {  	_ =	task.clear_ibuf [dreg:s10], $0x7FFFF;
	_ =	strace $0x90000046  }
0xb7: {  	s29 =	simm.s32 $0x9;
	_ =	strace $0x80000048  }
0xb8: {  	_ =	swait.ge [sflag:s29], $0x1  }
0xb9: {  	[sflag:s29] =	ssyncadd.s32 $0xFFFFFFFF  }
0xba: {  	_ =	strace $0x90000048  }
0xbb: {  	_ =	sfence  }
0xbc: {  	s30 =	sld [smem:$0x0];
	_ =	sdelay $0x2  }
0xbd: {  	s31 =	sshll.u32 s1, $0xD;
	s1 =	sshrl.u32 s1, $0x2  }
0xbe: {  	s3 =	sand.u32 $0x4000, s31;
	s1 =	sadd.s32 s1, s30  }
0xbf: {  	s0 =	sor.u32 s3, s0;
	s1 =	sshll.u32 s1, $0x11  }
0xc0: {  	s0 =	sor.u32 s1, s0  }
0xc1: {  	s0 =	sadd.s32 $0x8F2B, s0  }
0xc2: {  	[sflag:s0] =	ssyncadd.remote.s32 $0x1  }
0xc3: {  	_ =	sfence.sel $0xFFFF  }
0xc4: {  	[dreg:$0x0] =	wrdreg $0xFFFFFFFF;
	(pc) =	sbr.abs _section_cstart, $3  }
0xc5: {  	[dreg:$0x1] =	wrdreg $0xFFFFFFFF  }
0xc6: {  	_ =	task.clear_ibuf [dreg:s10], $0x2FFFF;
	_ =	strace $0x9FFFFFFF  }
0xc7: {  	(tm) =	ssettm $0x7FFFFFFF  }
tec
execute0_lowered:
.L_overlay_start_1:
0x0: {  	(tag) =	ssettag $0x1  }
0x1: {  	s1 =	rddreg [dreg:$0x0]  }
0x2: {  	s2 =	rddreg [dreg:$0x1]  }
0x3: {  	s4 =	rddreg [dreg:$0x2]  }
0x4: {  	s5 =	rddreg [dreg:$0x3];
	s0 =	srdreg.scid  }
0x5: {  	s3 =	stileid.u32;
	s7 =	simm.s32 $0x0;
	s14 =	simm.s32 $0x80  }
0x6: {  	s17 =	simm.s32 $0x8300;
	s20 =	simm.s32 $0x180;
	s22 =	simm.s32 $0x4300  }
0x7: {  	s28 =	simm.s32 $0x2;
	s30 =	simm.s32 $0x10600;
	s16 =	simm.s32 $0x5  }
0x8: {  	s15 =	simm.s32 $0xD;
	s9 =	simm.s32 $0x10780;
	s0 =	sand.u32 $0x1, s0  }
0x9: {  	s10 =	simm.s32 $0x8;
	s3 =	sshll.u32 s3, $0x8;
	s6 =	sshll.u32 s0, $0x7  }
0xa: {  	v1 =	vlaneseq.u32;
	s12 =	simm.s32 $0xB;
	s13 =	simm.s32 $0x0;
	s3 =	sor.u32 s6, s3  }
0xb: {  	[smem:$0x7FF] =	sst s7;
	s26 =	sadd.s32 $0x10, s4;
	s31 =	sadd.s32 $0x20, s4;
	v5 =	vmul.u32 $0xC8, v1;
	v0 =	vmov s3  }
0xc: {  	s0 =	ssub.s32 $0x2, s0;
	_ =	strace $0x80000047;
	[dreg:$0x7] =	wrdreg s26;
	v0 =	vmul.u32 $0xC8, v0  }
0xd: {  	s7 =	simm.s32 $0xE;
	[dreg:$0x9] =	wrdreg s31;
	s23 =	sshrl.u32 s0, $0x1;
	v1 =	vadd.s32 $0xC80, v5  }
0xe: {  	s26 =	simm.s32 $0x8480;
	v2 =	vadd.s32 $0x1900, v5;
	v3 =	vadd.s32 $0x2580, v5;
	s24 =	sadd.s32 s1, s3;
	s0 =	ssub.s32 s0, s23;
	v7 =	vbroadcast v0, $0x0  }
0xf: {  	v4 =	vadd.s32 $0x3200, v5;
	v6 =	vadd.s32 $0x3E80, v5;
	v8 =	vadd.s32 $0x4B00, v5;
	s8 =	sshll.u32 s3, $0x3;
	s25 =	sadd.s32 $0x10, s24;
	[dreg:$0x5] =	wrdreg s24  }
0x10: {  	v9 =	vadd.s32 $0x5780, v5;
	s23 =	simm.s32 $0xC480;
	s29 =	sadd.s32 $0x20, s24;
	[dreg:$0x6] =	wrdreg s25;
	v0 =	vadd.s32 v5, v7;
	v1 =	vadd.s32 v1, v7  }
0x11: {  	s3 =	simm.s32 $0xC600;
	s0 =	smax.u32 s0, $0x1;
	[dreg:$0x8] =	wrdreg s29;
	v2 =	vadd.s32 v2, v7;
	v3 =	vadd.s32 v3, v7;
	v4 =	vadd.s32 v4, v7  }
0x12: {  	[dreg:$0xa] =	wrdreg s0;
	s25 =	simm.s32 $0x7;
	s0 =	simm.s32 $0xA;
	v5 =	vadd.s32 v6, v7;
	v6 =	vadd.s32 v8, v7;
	v7 =	vadd.s32 v9, v7  }
.LBB2_1:
0x13: {  	[tilespmem:$0x14780] =	vst v0  }
0x14: {  	[tilespmem:$0x14790] =	vst v1  }
0x15: {  	[tilespmem:$0x147A0] =	vst v2  }
0x16: {  	[tilespmem:$0x147B0] =	vst v3  }
0x17: {  	[tilespmem:$0x147C0] =	vst v4  }
0x18: {  	[tilespmem:$0x147D0] =	vst v5  }
0x19: {  	[tilespmem:$0x147E0] =	vst v6  }
0x1a: {  	[tilespmem:$0x147F0] =	vst v7;
	s6 =	simm.s32 $0x0;
	s11 =	rddreg [dreg:$0x5]  }
0x1b: {  	[tilespmem:s6], [sflag:$0x1] =	stream.linear.gather [hbm4b:s11+s6], $0x80, $0x38;
	[tilespmem:$0x14800] =	vst v63  }
0x1c: {  	[dreg:$0xb] =	wrdreg s13  }
0x1d: {  	[tilespmem:s14], [sflag:$0x1] =	stream.linear.gather [hbm4b:s4+s6], $0x80, $0x38;
	[tilespmem:$0x14800] =	vst v63  }
0x1e: {  	s29 =	rddreg [dreg:$0x6];
	s13 =	simm.s32 $0x4180  }
0x1f: {  	[tilespmem:s13], [sflag:$0x4] =	stream.linear.gather [hbm4b:s29+s6], $0x80, $0x38;
	[tilespmem:$0x14800] =	vst v63  }
0x20: {  	s31 =	rddreg [dreg:$0x7];
	s18 =	simm.s32 $0x4200  }
0x21: {  	[tilespmem:s18], [sflag:$0x4] =	stream.linear.gather [hbm4b:s31+s6], $0x80, $0x38;
	[tilespmem:$0x14800] =	vst v63  }
0x22: {  	s19 =	rddreg [dreg:$0x8]  }
0x23: {  	[tilespmem:s17], [sflag:$0x7] =	stream.linear.gather [hbm4b:s19+s6], $0x80, $0x38;
	[tilespmem:$0x14800] =	vst v63  }
0x24: {  	s21 =	rddreg [dreg:$0x9];
	s24 =	simm.s32 $0x8380;
	s29 =	simm.s32 $0x1  }
0x25: {  	[tilespmem:s24], [sflag:$0x7] =	stream.linear.gather [hbm4b:s21+s6], $0x80, $0x38;
	[tilespmem:$0x14800] =	vst v63  }
0x26: {  	_ =	swait.ge [sflag:s29], $0x80  }
0x27: {  	[sflag:s29] =	ssyncset.done $0x0  }
0x28: {  	[sflag:s29] =	ssyncadd.s32 $0xFFFFFF80  }
0x29: {  	_ =	swait.ge [sflag:s29], $0x80  }
0x2a: {  	[sflag:s29] =	ssyncset.done $0x0  }
0x2b: {  	s31 =	simm.s32 $0x4;
	[sflag:s29] =	ssyncadd.s32 $0xFFFFFF80  }
0x2c: {  	[tilespmem:s20], [sflag:$0x2] =	stream.indirect.gather [hbm4b:s2+s14], $0x80, s6, s14, $0xb8;
	[tilespmem:$0x14800] =	vst v63  }
0x2d: {  	_ =	swait.ge [sflag:s31], $0x80  }
0x2e: {  	[sflag:s31] =	ssyncset.done $0x0  }
0x2f: {  	[sflag:s31] =	ssyncadd.s32 $0xFFFFFF80  }
0x30: {  	_ =	swait.ge [sflag:s31], $0x80  }
0x31: {  	[sflag:s31] =	ssyncset.done $0x0  }
0x32: {  	s6 =	simm.s32 $0x0;
	[sflag:s31] =	ssyncadd.s32 $0xFFFFFF80  }
0x33: {  	[tilespmem:s22], [sflag:$0x5] =	stream.indirect.gather [hbm4b:s2+s14], $0x80, s13, s14, $0xb8;
	[tilespmem:$0x14800] =	vst v63  }
.LBB2_2:
0x34: {  	s21 =	smul.u32 $0x5, s6;
	_ =	sdelay $0x1  }
0x35: {  	s29 =	sadd.s32 $0x3, s21  }
0x36: {  	p0 =	seq.s32 s6, $0x0;
	s11 =	sshrl.u32 s29, $0x3  }
0x37: {  	s19 =	simm.s32 $0x0;
	s24 =	sshll.u32 s29, $0x7;
	s18 =	sshll.u32 s11, $0xF  }
0x38: {  	s31 =	simm.s32 @!p0 $0xC;
	s24 =	sand.u32 $0x380, s24;
	s18 =	sor.u32 s8, s18  }
0x39: {  	_ =	swait.ge @!p0 [sflag:s31], $0x4000;
	s11 =	sshll.u32 s11, $0xA;
	s18 =	sor.u32 s24, s18  }
0x3a: {  	[sflag:s31] =	ssyncset.done @!p0 $0x0;
	s11 =	sor.u32 s24, s11;
	s18 =	sshrl.u32 s18, $0x3  }
0x3b: {  	[sflag:s31] =	ssyncadd.s32 @!p0 $0xFFFFC000;
	s11 =	sshrl.u32 s11, $0x3;
	s18 =	sadd.s32 s1, s18  }
0x3c: {  	[tilespmem:s23], [sflag:$0xA] =	stream.linear.gather [hbm4b:s18+s19], $0x80, $0x38;
	[tilespmem:$0x14800] =	vst v63  }
0x3d: {  	s13 =	simm.s32 $0xC500;
	s11 =	sadd.s32 s4, s11  }
0x3e: {  	[tilespmem:s13], [sflag:$0xA] =	stream.linear.gather [hbm4b:s11+s19], $0x80, $0x38;
	[tilespmem:$0x14800] =	vst v63  }
0x3f: {  	_ =	swait.ge [sflag:s25], $0x80  }
0x40: {  	[sflag:s25] =	ssyncset.done $0x0  }
0x41: {  	[sflag:s25] =	ssyncadd.s32 $0xFFFFFF80  }
0x42: {  	_ =	swait.ge [sflag:s25], $0x80  }
0x43: {  	[sflag:s25] =	ssyncset.done $0x0  }
0x44: {  	[sflag:s25] =	ssyncadd.s32 $0xFFFFFF80  }
0x45: {  	[tilespmem:s26], [sflag:$0x8] =	stream.indirect.gather [hbm4b:s2+s14], $0x80, s17, s14, $0xb8;
	[tilespmem:$0x14800] =	vst v63  }
0x46: {  	_ =	swait.ge [sflag:s28], $0x4000  }
0x47: {  	[sflag:s28] =	ssyncset.done $0x0  }
0x48: {  	[sflag:s28] =	ssyncadd.s32 $0xFFFFC000  }
0x49: {  	v8 =	vld [tilespmem:$0x80]  }
0x4a: {  	v9 =	vld [tilespmem:$0x90]  }
0x4b: {  	v10 =	vld [tilespmem:$0x14780]  }
0x4c: {  	v11 =	vld [tilespmem:$0x14790]  }
0x4d: {  	v12 =	vld [tilespmem:$0x147A0]  }
0x4e: {  	v13 =	vld [tilespmem:$0x147B0]  }
0x4f: {  	v14 =	vld [tilespmem:$0x147C0]  }
0x50: {  	v15 =	vld [tilespmem:$0x147D0];
	v10 =	vadd.s32 s21, v10  }
0x51: {  	v16 =	vld [tilespmem:$0x147E0];
	[tilespmem:$0x100] =	vst v10;
	v10 =	vadd.s32 s21, v11  }
0x52: {  	v17 =	vld [tilespmem:$0x147F0];
	v11 =	vadd.s32 s21, v12;
	[tilespmem:$0x110] =	vst v10  }
0x53: {  	v12 =	vadd.s32 s21, v13;
	v10 =	vld [tilespmem:$0xA0];
	[tilespmem:$0x120] =	vst v11  }
0x54: {  	v13 =	vadd.s32 s21, v14;
	v11 =	vld [tilespmem:$0xB0];
	[tilespmem:$0x130] =	vst v12  }
0x55: {  	v14 =	vadd.s32 s21, v15;
	v12 =	vld [tilespmem:$0xC0];
	[tilespmem:$0x140] =	vst v13  }
0x56: {  	v15 =	vadd.s32 s21, v16;
	v13 =	vld [tilespmem:$0xD0];
	[tilespmem:$0x150] =	vst v14  }
0x57: {  	v16 =	vadd.s32 s21, v17;
	v14 =	vld [tilespmem:$0xE0];
	[tilespmem:$0x160] =	vst v15  }
0x58: {  	s24 =	simm.s32 $0x0;
	v15 =	vld [tilespmem:$0xF0];
	[tilespmem:$0x170] =	vst v16  }
0x59: {  	v16 =	vld [tilespmem:s24+$0x180]  }
0x5a: {  	v17 =	vld [tilespmem:s24+$0x190]  }
0x5b: {  	v18 =	vld [tilespmem:s24+$0x1A0]  }
0x5c: {  	v19 =	vld [tilespmem:s24+$0x1B0]  }
0x5d: {  	v20 =	vld [tilespmem:s24+$0x1C0]  }
0x5e: {  	v21 =	vld [tilespmem:s24+$0x1D0];
	v16 =	vadd.f32 v16, v8  }
0x5f: {  	v22 =	vld [tilespmem:s24+$0x1E0];
	v17 =	vadd.f32 v17, v9  }
0x60: {  	v18 =	vadd.f32 v18, v10;
	[tilespmem:s24+$0x180] =	vst v16;
	v16 =	vld [tilespmem:s24+$0x1F0]  }
0x61: {  	v19 =	vadd.f32 v19, v11;
	[tilespmem:s24+$0x190] =	vst v17;
	v17 =	vld [tilespmem:s24+$0x200]  }
0x62: {  	v20 =	vadd.f32 v20, v12;
	[tilespmem:s24+$0x1A0] =	vst v18;
	v18 =	vld [tilespmem:s24+$0x210]  }
0x63: {  	v21 =	vadd.f32 v21, v13;
	[tilespmem:s24+$0x1B0] =	vst v19;
	v19 =	vld [tilespmem:s24+$0x220]  }
0x64: {  	v22 =	vadd.f32 v22, v14;
	[tilespmem:s24+$0x1C0] =	vst v20;
	v20 =	vld [tilespmem:s24+$0x230]  }
0x65: {  	[tilespmem:s24+$0x1D0] =	vst v21;
	v21 =	vld [tilespmem:s24+$0x240];
	v16 =	vadd.f32 v16, v15  }
0x66: {  	[tilespmem:s24+$0x1E0] =	vst v22;
	v22 =	vld [tilespmem:s24+$0x250];
	v17 =	vadd.f32 v17, v8  }
0x67: {  	v18 =	vadd.f32 v18, v9;
	[tilespmem:s24+$0x1F0] =	vst v16;
	v16 =	vld [tilespmem:s24+$0x260]  }
0x68: {  	v19 =	vadd.f32 v19, v10;
	[tilespmem:s24+$0x200] =	vst v17;
	v17 =	vld [tilespmem:s24+$0x270]  }
0x69: {  	v20 =	vadd.f32 v20, v11;
	[tilespmem:s24+$0x210] =	vst v18;
	v18 =	vld [tilespmem:s24+$0x280]  }
0x6a: {  	v21 =	vadd.f32 v21, v12;
	[tilespmem:s24+$0x220] =	vst v19;
	v19 =	vld [tilespmem:s24+$0x290]  }
0x6b: {  	v22 =	vadd.f32 v22, v13;
	[tilespmem:s24+$0x230] =	vst v20;
	v20 =	vld [tilespmem:s24+$0x2A0]  }
0x6c: {  	[tilespmem:s24+$0x240] =	vst v21;
	v21 =	vld [tilespmem:s24+$0x2B0];
	v16 =	vadd.f32 v16, v14  }
0x6d: {  	[tilespmem:s24+$0x250] =	vst v22;
	v22 =	vld [tilespmem:s24+$0x2C0]  }
0x6e: {  	v17 =	vadd.f32 v17, v15;
	[tilespmem:s24+$0x260] =	vst v16;
	v16 =	vld [tilespmem:s24+$0x2D0]  }
0x6f: {  	v18 =	vadd.f32 v18, v8  }
0x70: {  	[tilespmem:s24+$0x270] =	vst v17;
	v17 =	vadd.f32 v19, v9;
	v19 =	vld [tilespmem:s24+$0x2F0]  }
0x71: {  	v23 =	vld [tilespmem:s24+$0x2E0];
	[tilespmem:s24+$0x280] =	vst v18;
	v18 =	vadd.f32 v20, v10  }
0x72: {  	v20 =	vld [tilespmem:s24+$0x300];
	[tilespmem:s24+$0x290] =	vst v17;
	v17 =	vadd.f32 v21, v11  }
0x73: {  	[tilespmem:s24+$0x2A0] =	vst v18;
	v21 =	vld [tilespmem:s24+$0x310];
	v18 =	vadd.f32 v22, v12;
	v22 =	vadd.f32 v16, v13  }
0x74: {  	[tilespmem:s24+$0x2B0] =	vst v17;
	v17 =	vld [tilespmem:s24+$0x320]  }
0x75: {  	v16 =	vld [tilespmem:s24+$0x330];
	[tilespmem:s24+$0x2D0] =	vst v22;
	v22 =	vadd.f32 v19, v15  }
0x76: {  	v23 =	vadd.f32 v23, v14;
	[tilespmem:s24+$0x2C0] =	vst v18;
	v18 =	vld [tilespmem:s24+$0x340]  }
0x77: {  	v19 =	vld [tilespmem:s24+$0x350];
	[tilespmem:s24+$0x2F0] =	vst v22;
	v22 =	vadd.f32 v20, v8  }
0x78: {  	s18 =	simm.s32 $0x800;
	[tilespmem:s24+$0x2E0] =	vst v23;
	v21 =	vadd.f32 v21, v9;
	v20 =	vld [tilespmem:s24+$0x360]  }
.LBB2_3:
0x79: {  	s11 =	sshra.s32 s18, $0x2;
	p1 =	sne.s32 s18, $0xF800;
	[tilespmem:s24+$0x300] =	vst v22;
	v17 =	vadd.f32 v17, v10;
	v22 =	vld [tilespmem:s24+$0x370]  }
0x7a: {  	v23 =	vld [tilespmem:s11+$0x180];
	[tilespmem:s24+$0x310] =	vst v21;
	v16 =	vadd.f32 v16, v11  }
0x7b: {  	v21 =	vld [tilespmem:s11+$0x190];
	[tilespmem:s24+$0x320] =	vst v17;
	v17 =	vadd.f32 v18, v12  }
0x7c: {  	v18 =	vld [tilespmem:s11+$0x1A0];
	[tilespmem:s24+$0x330] =	vst v16;
	v16 =	vadd.f32 v19, v13  }
0x7d: {  	v19 =	vld [tilespmem:s11+$0x1B0];
	[tilespmem:s24+$0x340] =	vst v17;
	v17 =	vadd.f32 v20, v14  }
0x7e: {  	v20 =	vld [tilespmem:s11+$0x1C0];
	[tilespmem:s24+$0x350] =	vst v16;
	v16 =	vadd.f32 v22, v15  }
0x7f: {  	v22 =	vadd.f32 v23, v8;
	v23 =	vld [tilespmem:s11+$0x1D0];
	[tilespmem:s24+$0x360] =	vst v17  }
0x80: {  	v17 =	vadd.f32 v21, v9;
	v21 =	vld [tilespmem:s11+$0x1E0];
	[tilespmem:s24+$0x370] =	vst v16;
	s24 =	smov.u32 s11  }
0x81: {  	[tilespmem:s24+$0x180] =	vst v22;
	v16 =	vadd.f32 v18, v10;
	v18 =	vld [tilespmem:s24+$0x1F0]  }
0x82: {  	[tilespmem:s24+$0x190] =	vst v17;
	v17 =	vadd.f32 v19, v11;
	v19 =	vld [tilespmem:s24+$0x200]  }
0x83: {  	[tilespmem:s24+$0x1A0] =	vst v16;
	v16 =	vadd.f32 v20, v12;
	v20 =	vld [tilespmem:s24+$0x210]  }
0x84: {  	[tilespmem:s24+$0x1B0] =	vst v17;
	v17 =	vadd.f32 v23, v13;
	v22 =	vld [tilespmem:s24+$0x220]  }
0x85: {  	[tilespmem:s24+$0x1C0] =	vst v16;
	v16 =	vadd.f32 v21, v14;
	v21 =	vld [tilespmem:s24+$0x230]  }
0x86: {  	[tilespmem:s24+$0x1D0] =	vst v17;
	v17 =	vadd.f32 v18, v15;
	v18 =	vld [tilespmem:s24+$0x240]  }
0x87: {  	[tilespmem:s24+$0x1E0] =	vst v16;
	v16 =	vadd.f32 v19, v8;
	v19 =	vld [tilespmem:s24+$0x250]  }
0x88: {  	[tilespmem:s24+$0x1F0] =	vst v17;
	v17 =	vadd.f32 v20, v9;
	v20 =	vld [tilespmem:s24+$0x260]  }
0x89: {  	[tilespmem:s24+$0x200] =	vst v16;
	v16 =	vadd.f32 v22, v10;
	v22 =	vld [tilespmem:s24+$0x270]  }
0x8a: {  	[tilespmem:s24+$0x210] =	vst v17;
	v17 =	vadd.f32 v21, v11;
	v21 =	vld [tilespmem:s24+$0x280]  }
0x8b: {  	[tilespmem:s24+$0x220] =	vst v16;
	v16 =	vadd.f32 v18, v12;
	v18 =	vld [tilespmem:s24+$0x290]  }
0x8c: {  	[tilespmem:s24+$0x230] =	vst v17;
	v17 =	vadd.f32 v19, v13;
	v19 =	vld [tilespmem:s24+$0x2A0]  }
0x8d: {  	[tilespmem:s24+$0x240] =	vst v16;
	v16 =	vadd.f32 v20, v14;
	v20 =	vld [tilespmem:s24+$0x2B0]  }
0x8e: {  	[tilespmem:s24+$0x250] =	vst v17;
	v17 =	vadd.f32 v22, v15;
	v22 =	vld [tilespmem:s24+$0x2C0]  }
0x8f: {  	[tilespmem:s24+$0x260] =	vst v16;
	v16 =	vadd.f32 v21, v8;
	v21 =	vld [tilespmem:s24+$0x2D0]  }
0x90: {  	[tilespmem:s24+$0x270] =	vst v17;
	v17 =	vadd.f32 v18, v9;
	v18 =	vld [tilespmem:s24+$0x2E0]  }
0x91: {  	[tilespmem:s24+$0x280] =	vst v16;
	v16 =	vadd.f32 v19, v10;
	v19 =	vld [tilespmem:s24+$0x2F0]  }
0x92: {  	[tilespmem:s24+$0x290] =	vst v17;
	v17 =	vadd.f32 v20, v11;
	v20 =	vld [tilespmem:s24+$0x300]  }
0x93: {  	[tilespmem:s24+$0x2A0] =	vst v16;
	v16 =	vadd.f32 v22, v12;
	v23 =	vld [tilespmem:s24+$0x310]  }
.Ltmp0:
0x94: {  	[tilespmem:s24+$0x2B0] =	vst v17;
	v21 =	vadd.f32 v21, v13;
	v17 =	vld [tilespmem:s24+$0x320];
	(pc) =	sbr.rel @p1 .LBB2_3-.Ltmp0, $4  }
0x95: {  	[tilespmem:s24+$0x2C0] =	vst v16;
	v22 =	vadd.f32 v18, v14;
	v16 =	vld [tilespmem:s24+$0x330]  }
0x96: {  	[tilespmem:s24+$0x2D0] =	vst v21;
	v21 =	vadd.f32 v19, v15;
	v18 =	vld [tilespmem:s24+$0x340]  }
0x97: {  	[tilespmem:s24+$0x2E0] =	vst v22;
	v22 =	vadd.f32 v20, v8;
	v19 =	vld [tilespmem:s24+$0x350]  }
0x98: {  	s18 =	sadd.s32 $0x800, s18;
	[tilespmem:s24+$0x2F0] =	vst v21;
	v21 =	vadd.f32 v23, v9;
	v20 =	vld [tilespmem:s24+$0x360]  }
0x99: {  	[tilespmem:s24+$0x300] =	vst v22;
	v8 =	vadd.f32 v17, v10;
	v9 =	vld [tilespmem:s24+$0x370]  }
0x9a: {  	[tilespmem:s24+$0x310] =	vst v21;
	v10 =	vadd.f32 v16, v11  }
0x9b: {  	[tilespmem:s24+$0x320] =	vst v8;
	v8 =	vadd.f32 v18, v12  }
0x9c: {  	[tilespmem:s24+$0x330] =	vst v10;
	v10 =	vadd.f32 v19, v13  }
0x9d: {  	[tilespmem:s24+$0x340] =	vst v8;
	v8 =	vadd.f32 v20, v14  }
0x9e: {  	[tilespmem:s24+$0x350] =	vst v10;
	v9 =	vadd.f32 v9, v15  }
0x9f: {  	[tilespmem:s24+$0x360] =	vst v8  }
0xa0: {  	s11 =	simm.s32 $0x100;
	[tilespmem:s24+$0x370] =	vst v9;
	s24 =	sadd.s32 $0x4, s21  }
0xa1: {  	[hbm4b:s5+s14] =	stream.indirect.scatter [tilespmem:s20], [sflag:$0x3], $0x80, s11, s14, $0xb8;
	[tilespmem:$0x14800] =	vst v63  }
0xa2: {  	s11 =	sshrl.u32 s24, $0x3  }
0xa3: {  	s13 =	simm.s32 @!p0 $0xF;
	s31 =	sshll.u32 s24, $0x7;
	s18 =	sshll.u32 s11, $0xF  }
0xa4: {  	s31 =	sand.u32 $0x380, s31;
	_ =	swait.ge @!p0 [sflag:s13], $0x4000;
	s18 =	sor.u32 s8, s18  }
0xa5: {  	s11 =	sshll.u32 s11, $0xA;
	[sflag:s13] =	ssyncset.done @!p0 $0x0;
	s18 =	sor.u32 s31, s18  }
0xa6: {  	s11 =	sor.u32 s31, s11;
	[sflag:s13] =	ssyncadd.s32 @!p0 $0xFFFFC000;
	s18 =	sshrl.u32 s18, $0x3  }
0xa7: {  	s11 =	sshrl.u32 s11, $0x3;
	s19 =	sadd.s32 s1, s18;
	s18 =	simm.s32 $0x0  }
0xa8: {  	[tilespmem:s30], [sflag:$0xD] =	stream.linear.gather [hbm4b:s19+s18], $0x80, $0x38;
	[tilespmem:$0x14800] =	vst v63  }
0xa9: {  	s11 =	sadd.s32 s4, s11;
	s19 =	simm.s32 $0x10680  }
0xaa: {  	[tilespmem:s19], [sflag:$0xD] =	stream.linear.gather [hbm4b:s11+s18], $0x80, $0x38;
	[tilespmem:$0x14800] =	vst v63  }
0xab: {  	_ =	swait.ge [sflag:s0], $0x80  }
0xac: {  	[sflag:s0] =	ssyncset.done $0x0  }
0xad: {  	[sflag:s0] =	ssyncadd.s32 $0xFFFFFF80  }
0xae: {  	_ =	swait.ge [sflag:s0], $0x80  }
0xaf: {  	[sflag:s0] =	ssyncset.done $0x0  }
0xb0: {  	[sflag:s0] =	ssyncadd.s32 $0xFFFFFF80  }
0xb1: {  	[tilespmem:s3], [sflag:$0xB] =	stream.indirect.gather [hbm4b:s2+s14], $0x80, s23, s14, $0xb8;
	[tilespmem:$0x14800] =	vst v63  }
0xb2: {  	_ =	swait.ge [sflag:s16], $0x4000  }
0xb3: {  	[sflag:s16] =	ssyncset.done $0x0  }
0xb4: {  	[sflag:s16] =	ssyncadd.s32 $0xFFFFC000  }
0xb5: {  	v8 =	vld [tilespmem:$0x4200]  }
0xb6: {  	v9 =	vld [tilespmem:$0x4210]  }
0xb7: {  	v10 =	vld [tilespmem:$0x14780]  }
0xb8: {  	v11 =	vld [tilespmem:$0x14790]  }
0xb9: {  	v12 =	vld [tilespmem:$0x147A0]  }
0xba: {  	v13 =	vld [tilespmem:$0x147B0]  }
0xbb: {  	s19 =	sadd.s32 $0x1, s21;
	v14 =	vld [tilespmem:$0x147C0]  }
0xbc: {  	v15 =	vld [tilespmem:$0x147D0];
	v10 =	vadd.s32 s19, v10  }
0xbd: {  	v16 =	vld [tilespmem:$0x147E0];
	[tilespmem:$0x4280] =	vst v10;
	v10 =	vadd.s32 s19, v11  }
0xbe: {  	v17 =	vld [tilespmem:$0x147F0];
	v11 =	vadd.s32 s19, v12;
	[tilespmem:$0x4290] =	vst v10  }
0xbf: {  	v12 =	vadd.s32 s19, v13;
	v10 =	vld [tilespmem:$0x4220];
	[tilespmem:$0x42A0] =	vst v11  }
0xc0: {  	v13 =	vadd.s32 s19, v14;
	v11 =	vld [tilespmem:$0x4230];
	[tilespmem:$0x42B0] =	vst v12  }
0xc1: {  	v14 =	vadd.s32 s19, v15;
	v12 =	vld [tilespmem:$0x4240];
	[tilespmem:$0x42C0] =	vst v13  }
0xc2: {  	v15 =	vadd.s32 s19, v16;
	v13 =	vld [tilespmem:$0x4250];
	[tilespmem:$0x42D0] =	vst v14  }
0xc3: {  	v16 =	vadd.s32 s19, v17;
	v14 =	vld [tilespmem:$0x4260];
	[tilespmem:$0x42E0] =	vst v15  }
0xc4: {  	s31 =	simm.s32 $0x0;
	v15 =	vld [tilespmem:$0x4270];
	[tilespmem:$0x42F0] =	vst v16  }
0xc5: {  	v16 =	vld [tilespmem:s31+$0x4300]  }
0xc6: {  	v17 =	vld [tilespmem:s31+$0x4310]  }
0xc7: {  	v18 =	vld [tilespmem:s31+$0x4320]  }
0xc8: {  	v19 =	vld [tilespmem:s31+$0x4330]  }
0xc9: {  	v20 =	vld [tilespmem:s31+$0x4340]  }
0xca: {  	v21 =	vld [tilespmem:s31+$0x4350];
	v16 =	vadd.f32 v16, v8  }
0xcb: {  	v22 =	vld [tilespmem:s31+$0x4360];
	v17 =	vadd.f32 v17, v9  }
0xcc: {  	v18 =	vadd.f32 v18, v10;
	[tilespmem:s31+$0x4300] =	vst v16;
	v16 =	vld [tilespmem:s31+$0x4370]  }
0xcd: {  	v19 =	vadd.f32 v19, v11;
	[tilespmem:s31+$0x4310] =	vst v17;
	v17 =	vld [tilespmem:s31+$0x4380]  }
0xce: {  	v20 =	vadd.f32 v20, v12;
	[tilespmem:s31+$0x4320] =	vst v18;
	v18 =	vld [tilespmem:s31+$0x4390]  }
0xcf: {  	v21 =	vadd.f32 v21, v13;
	[tilespmem:s31+$0x4330] =	vst v19;
	v19 =	vld [tilespmem:s31+$0x43A0]  }
0xd0: {  	v22 =	vadd.f32 v22, v14;
	[tilespmem:s31+$0x4340] =	vst v20;
	v20 =	vld [tilespmem:s31+$0x43B0]  }
0xd1: {  	[tilespmem:s31+$0x4350] =	vst v21;
	v21 =	vld [tilespmem:s31+$0x43C0];
	v16 =	vadd.f32 v16, v15  }
0xd2: {  	[tilespmem:s31+$0x4360] =	vst v22;
	v22 =	vld [tilespmem:s31+$0x43D0];
	v17 =	vadd.f32 v17, v8  }
0xd3: {  	v18 =	vadd.f32 v18, v9;
	[tilespmem:s31+$0x4370] =	vst v16;
	v16 =	vld [tilespmem:s31+$0x43E0]  }
0xd4: {  	v19 =	vadd.f32 v19, v10;
	[tilespmem:s31+$0x4380] =	vst v17;
	v17 =	vld [tilespmem:s31+$0x43F0]  }
0xd5: {  	v20 =	vadd.f32 v20, v11;
	[tilespmem:s31+$0x4390] =	vst v18;
	v18 =	vld [tilespmem:s31+$0x4400]  }
0xd6: {  	v21 =	vadd.f32 v21, v12;
	[tilespmem:s31+$0x43A0] =	vst v19;
	v19 =	vld [tilespmem:s31+$0x4410]  }
0xd7: {  	v22 =	vadd.f32 v22, v13;
	[tilespmem:s31+$0x43B0] =	vst v20;
	v20 =	vld [tilespmem:s31+$0x4420]  }
0xd8: {  	[tilespmem:s31+$0x43C0] =	vst v21;
	v21 =	vld [tilespmem:s31+$0x4430];
	v16 =	vadd.f32 v16, v14  }
0xd9: {  	[tilespmem:s31+$0x43D0] =	vst v22;
	v22 =	vld [tilespmem:s31+$0x4440]  }
0xda: {  	v17 =	vadd.f32 v17, v15;
	[tilespmem:s31+$0x43E0] =	vst v16;
	v16 =	vld [tilespmem:s31+$0x4450]  }
0xdb: {  	v18 =	vadd.f32 v18, v8  }
0xdc: {  	[tilespmem:s31+$0x43F0] =	vst v17;
	v17 =	vadd.f32 v19, v9;
	v19 =	vld [tilespmem:s31+$0x4470]  }
0xdd: {  	v23 =	vld [tilespmem:s31+$0x4460];
	[tilespmem:s31+$0x4400] =	vst v18;
	v18 =	vadd.f32 v20, v10  }
0xde: {  	v20 =	vld [tilespmem:s31+$0x4480];
	[tilespmem:s31+$0x4410] =	vst v17;
	v17 =	vadd.f32 v21, v11  }
0xdf: {  	[tilespmem:s31+$0x4420] =	vst v18;
	v21 =	vld [tilespmem:s31+$0x4490];
	v18 =	vadd.f32 v22, v12;
	v22 =	vadd.f32 v16, v13  }
0xe0: {  	[tilespmem:s31+$0x4430] =	vst v17;
	v17 =	vld [tilespmem:s31+$0x44A0]  }
0xe1: {  	v16 =	vld [tilespmem:s31+$0x44B0];
	[tilespmem:s31+$0x4450] =	vst v22;
	v22 =	vadd.f32 v19, v15  }
0xe2: {  	v23 =	vadd.f32 v23, v14;
	[tilespmem:s31+$0x4440] =	vst v18;
	v18 =	vld [tilespmem:s31+$0x44C0]  }
0xe3: {  	v19 =	vld [tilespmem:s31+$0x44D0];
	[tilespmem:s31+$0x4470] =	vst v22;
	v22 =	vadd.f32 v20, v8  }
0xe4: {  	s18 =	sadd.s32 $0x2, s21;
	s11 =	simm.s32 $0x800;
	[tilespmem:s31+$0x4460] =	vst v23;
	v21 =	vadd.f32 v21, v9;
	v20 =	vld [tilespmem:s31+$0x44E0]  }
.LBB2_5:
0xe5: {  	s13 =	sshra.s32 s11, $0x2;
	p0 =	sne.s32 s11, $0xF800;
	[tilespmem:s31+$0x4480] =	vst v22;
	v17 =	vadd.f32 v17, v10;
	v22 =	vld [tilespmem:s31+$0x44F0]  }
0xe6: {  	v23 =	vld [tilespmem:s13+$0x4300];
	[tilespmem:s31+$0x4490] =	vst v21;
	v16 =	vadd.f32 v16, v11  }
0xe7: {  	v21 =	vld [tilespmem:s13+$0x4310];
	[tilespmem:s31+$0x44A0] =	vst v17;
	v17 =	vadd.f32 v18, v12  }
0xe8: {  	v18 =	vld [tilespmem:s13+$0x4320];
	[tilespmem:s31+$0x44B0] =	vst v16;
	v16 =	vadd.f32 v19, v13  }
0xe9: {  	v19 =	vld [tilespmem:s13+$0x4330];
	[tilespmem:s31+$0x44C0] =	vst v17;
	v17 =	vadd.f32 v20, v14  }
0xea: {  	v20 =	vld [tilespmem:s13+$0x4340];
	[tilespmem:s31+$0x44D0] =	vst v16;
	v16 =	vadd.f32 v22, v15  }
0xeb: {  	v22 =	vadd.f32 v23, v8;
	v23 =	vld [tilespmem:s13+$0x4350];
	[tilespmem:s31+$0x44E0] =	vst v17  }
0xec: {  	v17 =	vadd.f32 v21, v9;
	v21 =	vld [tilespmem:s13+$0x4360];
	[tilespmem:s31+$0x44F0] =	vst v16;
	s31 =	smov.u32 s13  }
0xed: {  	[tilespmem:s31+$0x4300] =	vst v22;
	v16 =	vadd.f32 v18, v10;
	v18 =	vld [tilespmem:s31+$0x4370]  }
0xee: {  	[tilespmem:s31+$0x4310] =	vst v17;
	v17 =	vadd.f32 v19, v11;
	v19 =	vld [tilespmem:s31+$0x4380]  }
0xef: {  	[tilespmem:s31+$0x4320] =	vst v16;
	v16 =	vadd.f32 v20, v12;
	v20 =	vld [tilespmem:s31+$0x4390]  }
0xf0: {  	[tilespmem:s31+$0x4330] =	vst v17;
	v17 =	vadd.f32 v23, v13;
	v22 =	vld [tilespmem:s31+$0x43A0]  }
0xf1: {  	[tilespmem:s31+$0x4340] =	vst v16;
	v16 =	vadd.f32 v21, v14;
	v21 =	vld [tilespmem:s31+$0x43B0]  }
0xf2: {  	[tilespmem:s31+$0x4350] =	vst v17;
	v17 =	vadd.f32 v18, v15;
	v18 =	vld [tilespmem:s31+$0x43C0]  }
0xf3: {  	[tilespmem:s31+$0x4360] =	vst v16;
	v16 =	vadd.f32 v19, v8;
	v19 =	vld [tilespmem:s31+$0x43D0]  }
0xf4: {  	[tilespmem:s31+$0x4370] =	vst v17;
	v17 =	vadd.f32 v20, v9;
	v20 =	vld [tilespmem:s31+$0x43E0]  }
0xf5: {  	[tilespmem:s31+$0x4380] =	vst v16;
	v16 =	vadd.f32 v22, v10;
	v22 =	vld [tilespmem:s31+$0x43F0]  }
0xf6: {  	[tilespmem:s31+$0x4390] =	vst v17;
	v17 =	vadd.f32 v21, v11;
	v21 =	vld [tilespmem:s31+$0x4400]  }
0xf7: {  	[tilespmem:s31+$0x43A0] =	vst v16;
	v16 =	vadd.f32 v18, v12;
	v18 =	vld [tilespmem:s31+$0x4410]  }
0xf8: {  	[tilespmem:s31+$0x43B0] =	vst v17;
	v17 =	vadd.f32 v19, v13;
	v19 =	vld [tilespmem:s31+$0x4420]  }
0xf9: {  	[tilespmem:s31+$0x43C0] =	vst v16;
	v16 =	vadd.f32 v20, v14;
	v20 =	vld [tilespmem:s31+$0x4430]  }
0xfa: {  	[tilespmem:s31+$0x43D0] =	vst v17;
	v17 =	vadd.f32 v22, v15;
	v22 =	vld [tilespmem:s31+$0x4440]  }
0xfb: {  	[tilespmem:s31+$0x43E0] =	vst v16;
	v16 =	vadd.f32 v21, v8;
	v21 =	vld [tilespmem:s31+$0x4450]  }
0xfc: {  	[tilespmem:s31+$0x43F0] =	vst v17;
	v17 =	vadd.f32 v18, v9;
	v18 =	vld [tilespmem:s31+$0x4460]  }
0xfd: {  	[tilespmem:s31+$0x4400] =	vst v16;
	v16 =	vadd.f32 v19, v10;
	v19 =	vld [tilespmem:s31+$0x4470]  }
0xfe: {  	[tilespmem:s31+$0x4410] =	vst v17;
	v17 =	vadd.f32 v20, v11;
	v20 =	vld [tilespmem:s31+$0x4480]  }
0xff: {  	[tilespmem:s31+$0x4420] =	vst v16;
	v16 =	vadd.f32 v22, v12;
	v23 =	vld [tilespmem:s31+$0x4490]  }
.Ltmp1:
0x100: {  	[tilespmem:s31+$0x4430] =	vst v17;
	v21 =	vadd.f32 v21, v13;
	v17 =	vld [tilespmem:s31+$0x44A0];
	(pc) =	sbr.rel @p0 .LBB2_5-.Ltmp1, $4  }
0x101: {  	[tilespmem:s31+$0x4440] =	vst v16;
	v22 =	vadd.f32 v18, v14;
	v16 =	vld [tilespmem:s31+$0x44B0]  }
0x102: {  	[tilespmem:s31+$0x4450] =	vst v21;
	v21 =	vadd.f32 v19, v15;
	v18 =	vld [tilespmem:s31+$0x44C0]  }
0x103: {  	[tilespmem:s31+$0x4460] =	vst v22;
	v22 =	vadd.f32 v20, v8;
	v19 =	vld [tilespmem:s31+$0x44D0]  }
0x104: {  	s11 =	sadd.s32 $0x800, s11;
	[tilespmem:s31+$0x4470] =	vst v21;
	v21 =	vadd.f32 v23, v9;
	v20 =	vld [tilespmem:s31+$0x44E0]  }
0x105: {  	[tilespmem:s31+$0x4480] =	vst v22;
	v8 =	vadd.f32 v17, v10;
	v9 =	vld [tilespmem:s31+$0x44F0]  }
0x106: {  	[tilespmem:s31+$0x4490] =	vst v21;
	v10 =	vadd.f32 v16, v11  }
0x107: {  	[tilespmem:s31+$0x44A0] =	vst v8;
	v8 =	vadd.f32 v18, v12  }
0x108: {  	[tilespmem:s31+$0x44B0] =	vst v10;
	v10 =	vadd.f32 v19, v13  }
0x109: {  	[tilespmem:s31+$0x44C0] =	vst v8;
	v8 =	vadd.f32 v20, v14  }
0x10a: {  	[tilespmem:s31+$0x44D0] =	vst v10;
	v9 =	vadd.f32 v9, v15  }
0x10b: {  	[tilespmem:s31+$0x44E0] =	vst v8  }
0x10c: {  	s11 =	simm.s32 $0x4280;
	p0 =	seq.s32 s6, $0x27;
	[tilespmem:s31+$0x44F0] =	vst v9  }
0x10d: {  	[hbm4b:s5+s14] =	stream.indirect.scatter [tilespmem:s22], [sflag:$0x6], $0x80, s11, s14, $0xb8;
	[tilespmem:$0x14800] =	vst v63  }
0x10e: {  	s11 =	sadd.s32 @!p0 $0x5, s21  }
0x10f: {  	s13 =	sshrl.u32 @!p0 s11, $0x3  }
0x110: {  	s19 =	simm.s32 @!p0 $0x3;
	s11 =	sshll.u32 @!p0 s11, $0x7;
	s31 =	sshll.u32 @!p0 s13, $0xF  }
0x111: {  	_ =	swait.ge @!p0 [sflag:s19], $0x4000;
	s11 =	sand.u32 @!p0 $0x380, s11;
	s31 =	sor.u32 @!p0 s8, s31  }
0x112: {  	[sflag:s19] =	ssyncset.done @!p0 $0x0;
	s13 =	sshll.u32 @!p0 s13, $0xA;
	s31 =	sor.u32 @!p0 s11, s31  }
0x113: {  	[sflag:s19] =	ssyncadd.s32 @!p0 $0xFFFFC000;
	s11 =	sor.u32 @!p0 s11, s13;
	s31 =	sshrl.u32 @!p0 s31, $0x3  }
0x114: {  	s11 =	sshrl.u32 @!p0 s11, $0x3;
	s19 =	sadd.s32 @!p0 s1, s31;
	s31 =	simm.s32 @!p0 $0x0  }
0x115: {  	[tilespmem:s31], [sflag:$0x1] =	stream.linear.gather @!p0 [hbm4b:s19+s31], $0x80, $0x38;
	[tilespmem:$0x14800] =	vst v63  }
0x116: {  	s13 =	simm.s32 @!p0 $0x80;
	s11 =	sadd.s32 @!p0 s4, s11  }
0x117: {  	[tilespmem:s13], [sflag:$0x1] =	stream.linear.gather @!p0 [hbm4b:s11+s31], $0x80, $0x38;
	[tilespmem:$0x14800] =	vst v63  }
0x118: {  	_ =	swait.ge [sflag:s15], $0x80  }
0x119: {  	[sflag:s15] =	ssyncset.done $0x0  }
0x11a: {  	[sflag:s15] =	ssyncadd.s32 $0xFFFFFF80  }
0x11b: {  	_ =	swait.ge [sflag:s15], $0x80  }
0x11c: {  	[sflag:s15] =	ssyncset.done $0x0  }
0x11d: {  	[sflag:s15] =	ssyncadd.s32 $0xFFFFFF80  }
0x11e: {  	[tilespmem:s9], [sflag:$0xE] =	stream.indirect.gather [hbm4b:s2+s14], $0x80, s30, s14, $0xb8;
	[tilespmem:$0x14800] =	vst v63  }
0x11f: {  	_ =	swait.ge [sflag:s10], $0x4000  }
0x120: {  	[sflag:s10] =	ssyncset.done $0x0  }
0x121: {  	[sflag:s10] =	ssyncadd.s32 $0xFFFFC000  }
0x122: {  	v8 =	vld [tilespmem:$0x8380]  }
0x123: {  	v9 =	vld [tilespmem:$0x8390]  }
0x124: {  	v10 =	vld [tilespmem:$0x14780]  }
0x125: {  	v11 =	vld [tilespmem:$0x14790]  }
0x126: {  	v12 =	vld [tilespmem:$0x147A0]  }
0x127: {  	v13 =	vld [tilespmem:$0x147B0]  }
0x128: {  	v14 =	vld [tilespmem:$0x147C0]  }
0x129: {  	v15 =	vld [tilespmem:$0x147D0];
	v10 =	vadd.s32 s18, v10  }
0x12a: {  	v16 =	vld [tilespmem:$0x147E0];
	[tilespmem:$0x8400] =	vst v10;
	v10 =	vadd.s32 s18, v11  }
0x12b: {  	v17 =	vld [tilespmem:$0x147F0];
	v11 =	vadd.s32 s18, v12;
	[tilespmem:$0x8410] =	vst v10  }
0x12c: {  	v12 =	vadd.s32 s18, v13;
	v10 =	vld [tilespmem:$0x83A0];
	[tilespmem:$0x8420] =	vst v11  }
0x12d: {  	v13 =	vadd.s32 s18, v14;
	v11 =	vld [tilespmem:$0x83B0];
	[tilespmem:$0x8430] =	vst v12  }
0x12e: {  	v14 =	vadd.s32 s18, v15;
	v12 =	vld [tilespmem:$0x83C0];
	[tilespmem:$0x8440] =	vst v13  }
0x12f: {  	v15 =	vadd.s32 s18, v16;
	v13 =	vld [tilespmem:$0x83D0];
	[tilespmem:$0x8450] =	vst v14  }
0x130: {  	v16 =	vadd.s32 s18, v17;
	v14 =	vld [tilespmem:$0x83E0];
	[tilespmem:$0x8460] =	vst v15  }
0x131: {  	s31 =	simm.s32 $0x0;
	v15 =	vld [tilespmem:$0x83F0];
	[tilespmem:$0x8470] =	vst v16  }
0x132: {  	v16 =	vld [tilespmem:s31+$0x8480]  }
0x133: {  	v17 =	vld [tilespmem:s31+$0x8490]  }
0x134: {  	v18 =	vld [tilespmem:s31+$0x84A0]  }
0x135: {  	v19 =	vld [tilespmem:s31+$0x84B0]  }
0x136: {  	v20 =	vld [tilespmem:s31+$0x84C0]  }
0x137: {  	v21 =	vld [tilespmem:s31+$0x84D0];
	v16 =	vadd.f32 v16, v8  }
0x138: {  	v22 =	vld [tilespmem:s31+$0x84E0];
	v17 =	vadd.f32 v17, v9  }
0x139: {  	v18 =	vadd.f32 v18, v10;
	[tilespmem:s31+$0x8480] =	vst v16;
	v16 =	vld [tilespmem:s31+$0x84F0]  }
0x13a: {  	v19 =	vadd.f32 v19, v11;
	[tilespmem:s31+$0x8490] =	vst v17;
	v17 =	vld [tilespmem:s31+$0x8500]  }
0x13b: {  	v20 =	vadd.f32 v20, v12;
	[tilespmem:s31+$0x84A0] =	vst v18;
	v18 =	vld [tilespmem:s31+$0x8510]  }
0x13c: {  	v21 =	vadd.f32 v21, v13;
	[tilespmem:s31+$0x84B0] =	vst v19;
	v19 =	vld [tilespmem:s31+$0x8520]  }
0x13d: {  	v22 =	vadd.f32 v22, v14;
	[tilespmem:s31+$0x84C0] =	vst v20;
	v20 =	vld [tilespmem:s31+$0x8530]  }
0x13e: {  	[tilespmem:s31+$0x84D0] =	vst v21;
	v21 =	vld [tilespmem:s31+$0x8540];
	v16 =	vadd.f32 v16, v15  }
0x13f: {  	[tilespmem:s31+$0x84E0] =	vst v22;
	v22 =	vld [tilespmem:s31+$0x8550];
	v17 =	vadd.f32 v17, v8  }
0x140: {  	v18 =	vadd.f32 v18, v9;
	[tilespmem:s31+$0x84F0] =	vst v16;
	v16 =	vld [tilespmem:s31+$0x8560]  }
0x141: {  	v19 =	vadd.f32 v19, v10;
	[tilespmem:s31+$0x8500] =	vst v17;
	v17 =	vld [tilespmem:s31+$0x8570]  }
0x142: {  	v20 =	vadd.f32 v20, v11;
	[tilespmem:s31+$0x8510] =	vst v18;
	v18 =	vld [tilespmem:s31+$0x8580]  }
0x143: {  	v21 =	vadd.f32 v21, v12;
	[tilespmem:s31+$0x8520] =	vst v19;
	v19 =	vld [tilespmem:s31+$0x8590]  }
0x144: {  	v22 =	vadd.f32 v22, v13;
	[tilespmem:s31+$0x8530] =	vst v20;
	v20 =	vld [tilespmem:s31+$0x85A0]  }
0x145: {  	[tilespmem:s31+$0x8540] =	vst v21;
	v21 =	vld [tilespmem:s31+$0x85B0];
	v16 =	vadd.f32 v16, v14  }
0x146: {  	[tilespmem:s31+$0x8550] =	vst v22;
	v22 =	vld [tilespmem:s31+$0x85C0]  }
0x147: {  	v17 =	vadd.f32 v17, v15;
	[tilespmem:s31+$0x8560] =	vst v16;
	v16 =	vld [tilespmem:s31+$0x85D0]  }
0x148: {  	v18 =	vadd.f32 v18, v8  }
0x149: {  	[tilespmem:s31+$0x8570] =	vst v17;
	v17 =	vadd.f32 v19, v9;
	v19 =	vld [tilespmem:s31+$0x85F0]  }
0x14a: {  	v23 =	vld [tilespmem:s31+$0x85E0];
	[tilespmem:s31+$0x8580] =	vst v18;
	v18 =	vadd.f32 v20, v10  }
0x14b: {  	v20 =	vld [tilespmem:s31+$0x8600];
	[tilespmem:s31+$0x8590] =	vst v17;
	v17 =	vadd.f32 v21, v11  }
0x14c: {  	[tilespmem:s31+$0x85A0] =	vst v18;
	v21 =	vld [tilespmem:s31+$0x8610];
	v18 =	vadd.f32 v22, v12;
	v22 =	vadd.f32 v16, v13  }
0x14d: {  	[tilespmem:s31+$0x85B0] =	vst v17;
	v17 =	vld [tilespmem:s31+$0x8620]  }
0x14e: {  	v16 =	vld [tilespmem:s31+$0x8630];
	[tilespmem:s31+$0x85D0] =	vst v22;
	v22 =	vadd.f32 v19, v15  }
0x14f: {  	v23 =	vadd.f32 v23, v14;
	[tilespmem:s31+$0x85C0] =	vst v18;
	v18 =	vld [tilespmem:s31+$0x8640]  }
0x150: {  	v19 =	vld [tilespmem:s31+$0x8650];
	[tilespmem:s31+$0x85F0] =	vst v22;
	v22 =	vadd.f32 v20, v8  }
0x151: {  	s11 =	simm.s32 $0x800;
	[tilespmem:s31+$0x85E0] =	vst v23;
	v21 =	vadd.f32 v21, v9;
	v20 =	vld [tilespmem:s31+$0x8660]  }
.LBB2_7:
0x152: {  	s13 =	sshra.s32 s11, $0x2;
	p1 =	sne.s32 s11, $0xF800;
	[tilespmem:s31+$0x8600] =	vst v22;
	v17 =	vadd.f32 v17, v10;
	v22 =	vld [tilespmem:s31+$0x8670]  }
0x153: {  	v23 =	vld [tilespmem:s13+$0x8480];
	[tilespmem:s31+$0x8610] =	vst v21;
	v16 =	vadd.f32 v16, v11  }
0x154: {  	v21 =	vld [tilespmem:s13+$0x8490];
	[tilespmem:s31+$0x8620] =	vst v17;
	v17 =	vadd.f32 v18, v12  }
0x155: {  	v18 =	vld [tilespmem:s13+$0x84A0];
	[tilespmem:s31+$0x8630] =	vst v16;
	v16 =	vadd.f32 v19, v13  }
0x156: {  	v19 =	vld [tilespmem:s13+$0x84B0];
	[tilespmem:s31+$0x8640] =	vst v17;
	v17 =	vadd.f32 v20, v14  }
0x157: {  	v20 =	vld [tilespmem:s13+$0x84C0];
	[tilespmem:s31+$0x8650] =	vst v16;
	v16 =	vadd.f32 v22, v15  }
0x158: {  	v22 =	vadd.f32 v23, v8;
	v23 =	vld [tilespmem:s13+$0x84D0];
	[tilespmem:s31+$0x8660] =	vst v17  }
0x159: {  	v17 =	vadd.f32 v21, v9;
	v21 =	vld [tilespmem:s13+$0x84E0];
	[tilespmem:s31+$0x8670] =	vst v16;
	s31 =	smov.u32 s13  }
0x15a: {  	[tilespmem:s31+$0x8480] =	vst v22;
	v16 =	vadd.f32 v18, v10;
	v18 =	vld [tilespmem:s31+$0x84F0]  }
0x15b: {  	[tilespmem:s31+$0x8490] =	vst v17;
	v17 =	vadd.f32 v19, v11;
	v19 =	vld [tilespmem:s31+$0x8500]  }
0x15c: {  	[tilespmem:s31+$0x84A0] =	vst v16;
	v16 =	vadd.f32 v20, v12;
	v20 =	vld [tilespmem:s31+$0x8510]  }
0x15d: {  	[tilespmem:s31+$0x84B0] =	vst v17;
	v17 =	vadd.f32 v23, v13;
	v22 =	vld [tilespmem:s31+$0x8520]  }
0x15e: {  	[tilespmem:s31+$0x84C0] =	vst v16;
	v16 =	vadd.f32 v21, v14;
	v21 =	vld [tilespmem:s31+$0x8530]  }
0x15f: {  	[tilespmem:s31+$0x84D0] =	vst v17;
	v17 =	vadd.f32 v18, v15;
	v18 =	vld [tilespmem:s31+$0x8540]  }
0x160: {  	[tilespmem:s31+$0x84E0] =	vst v16;
	v16 =	vadd.f32 v19, v8;
	v19 =	vld [tilespmem:s31+$0x8550]  }
0x161: {  	[tilespmem:s31+$0x84F0] =	vst v17;
	v17 =	vadd.f32 v20, v9;
	v20 =	vld [tilespmem:s31+$0x8560]  }
0x162: {  	[tilespmem:s31+$0x8500] =	vst v16;
	v16 =	vadd.f32 v22, v10;
	v22 =	vld [tilespmem:s31+$0x8570]  }
0x163: {  	[tilespmem:s31+$0x8510] =	vst v17;
	v17 =	vadd.f32 v21, v11;
	v21 =	vld [tilespmem:s31+$0x8580]  }
0x164: {  	[tilespmem:s31+$0x8520] =	vst v16;
	v16 =	vadd.f32 v18, v12;
	v18 =	vld [tilespmem:s31+$0x8590]  }
0x165: {  	[tilespmem:s31+$0x8530] =	vst v17;
	v17 =	vadd.f32 v19, v13;
	v19 =	vld [tilespmem:s31+$0x85A0]  }
0x166: {  	[tilespmem:s31+$0x8540] =	vst v16;
	v16 =	vadd.f32 v20, v14;
	v20 =	vld [tilespmem:s31+$0x85B0]  }
0x167: {  	[tilespmem:s31+$0x8550] =	vst v17;
	v17 =	vadd.f32 v22, v15;
	v22 =	vld [tilespmem:s31+$0x85C0]  }
0x168: {  	[tilespmem:s31+$0x8560] =	vst v16;
	v16 =	vadd.f32 v21, v8;
	v21 =	vld [tilespmem:s31+$0x85D0]  }
0x169: {  	[tilespmem:s31+$0x8570] =	vst v17;
	v17 =	vadd.f32 v18, v9;
	v18 =	vld [tilespmem:s31+$0x85E0]  }
0x16a: {  	[tilespmem:s31+$0x8580] =	vst v16;
	v16 =	vadd.f32 v19, v10;
	v19 =	vld [tilespmem:s31+$0x85F0]  }
0x16b: {  	[tilespmem:s31+$0x8590] =	vst v17;
	v17 =	vadd.f32 v20, v11;
	v20 =	vld [tilespmem:s31+$0x8600]  }
0x16c: {  	[tilespmem:s31+$0x85A0] =	vst v16;
	v16 =	vadd.f32 v22, v12;
	v23 =	vld [tilespmem:s31+$0x8610]  }
.Ltmp2:
0x16d: {  	[tilespmem:s31+$0x85B0] =	vst v17;
	v21 =	vadd.f32 v21, v13;
	v17 =	vld [tilespmem:s31+$0x8620];
	(pc) =	sbr.rel @p1 .LBB2_7-.Ltmp2, $4  }
0x16e: {  	[tilespmem:s31+$0x85C0] =	vst v16;
	v22 =	vadd.f32 v18, v14;
	v16 =	vld [tilespmem:s31+$0x8630]  }
0x16f: {  	[tilespmem:s31+$0x85D0] =	vst v21;
	v21 =	vadd.f32 v19, v15;
	v18 =	vld [tilespmem:s31+$0x8640]  }
0x170: {  	[tilespmem:s31+$0x85E0] =	vst v22;
	v22 =	vadd.f32 v20, v8;
	v19 =	vld [tilespmem:s31+$0x8650]  }
0x171: {  	s11 =	sadd.s32 $0x800, s11;
	[tilespmem:s31+$0x85F0] =	vst v21;
	v21 =	vadd.f32 v23, v9;
	v20 =	vld [tilespmem:s31+$0x8660]  }
0x172: {  	[tilespmem:s31+$0x8600] =	vst v22;
	v8 =	vadd.f32 v17, v10;
	v9 =	vld [tilespmem:s31+$0x8670]  }
0x173: {  	[tilespmem:s31+$0x8610] =	vst v21;
	v10 =	vadd.f32 v16, v11  }
0x174: {  	[tilespmem:s31+$0x8620] =	vst v8;
	v8 =	vadd.f32 v18, v12  }
0x175: {  	[tilespmem:s31+$0x8630] =	vst v10;
	v10 =	vadd.f32 v19, v13  }
0x176: {  	[tilespmem:s31+$0x8640] =	vst v8;
	v8 =	vadd.f32 v20, v14  }
0x177: {  	[tilespmem:s31+$0x8650] =	vst v10;
	v9 =	vadd.f32 v9, v15  }
0x178: {  	[tilespmem:s31+$0x8660] =	vst v8  }
0x179: {  	s11 =	simm.s32 $0x8400;
	[tilespmem:s31+$0x8670] =	vst v9  }
0x17a: {  	[hbm4b:s5+s14] =	stream.indirect.scatter [tilespmem:s26], [sflag:$0x9], $0x80, s11, s14, $0xb8;
	[tilespmem:$0x14800] =	vst v63  }
0x17b: {  	s11 =	sadd.s32 @!p0 $0x6, s21  }
0x17c: {  	s18 =	simm.s32 @!p0 $0x6;
	s13 =	sshrl.u32 @!p0 s11, $0x3  }
0x17d: {  	s31 =	simm.s32 @!p0 $0x4180;
	s11 =	sshll.u32 @!p0 s11, $0x7;
	s19 =	sshll.u32 @!p0 s13, $0xF  }
0x17e: {  	_ =	swait.ge @!p0 [sflag:s18], $0x4000;
	s11 =	sand.u32 @!p0 $0x380, s11;
	s19 =	sor.u32 @!p0 s8, s19  }
0x17f: {  	[sflag:s18] =	ssyncset.done @!p0 $0x0;
	s13 =	sshll.u32 @!p0 s13, $0xA;
	s19 =	sor.u32 @!p0 s11, s19  }
0x180: {  	[sflag:s18] =	ssyncadd.s32 @!p0 $0xFFFFC000;
	s11 =	sor.u32 @!p0 s11, s13;
	s18 =	sshrl.u32 @!p0 s19, $0x3  }
0x181: {  	s19 =	simm.s32 @!p0 $0x0;
	s11 =	sshrl.u32 @!p0 s11, $0x3;
	s18 =	sadd.s32 @!p0 s1, s18  }
0x182: {  	[tilespmem:s31], [sflag:$0x4] =	stream.linear.gather @!p0 [hbm4b:s18+s19], $0x80, $0x38;
	[tilespmem:$0x14800] =	vst v63  }
0x183: {  	s13 =	simm.s32 @!p0 $0x4200;
	s11 =	sadd.s32 @!p0 s4, s11  }
0x184: {  	[tilespmem:s13], [sflag:$0x4] =	stream.linear.gather @!p0 [hbm4b:s11+s19], $0x80, $0x38;
	[tilespmem:$0x14800] =	vst v63  }
0x185: {  	s11 =	simm.s32 @!p0 $0x1  }
0x186: {  	_ =	swait.ge @!p0 [sflag:s11], $0x80  }
0x187: {  	[sflag:s11] =	ssyncset.done @!p0 $0x0  }
0x188: {  	[sflag:s11] =	ssyncadd.s32 @!p0 $0xFFFFFF80  }
0x189: {  	_ =	swait.ge @!p0 [sflag:s11], $0x80  }
0x18a: {  	[sflag:s11] =	ssyncset.done @!p0 $0x0  }
0x18b: {  	s13 =	simm.s32 @!p0 $0x180;
	[sflag:s11] =	ssyncadd.s32 @!p0 $0xFFFFFF80;
	s11 =	simm.s32 @!p0 $0x80  }
0x18c: {  	[tilespmem:s13], [sflag:$0x2] =	stream.indirect.gather @!p0 [hbm4b:s2+s11], $0x80, s19, s11, $0xb8;
	[tilespmem:$0x14800] =	vst v63  }
0x18d: {  	_ =	swait.ge [sflag:s12], $0x4000  }
0x18e: {  	[sflag:s12] =	ssyncset.done $0x0  }
0x18f: {  	[sflag:s12] =	ssyncadd.s32 $0xFFFFC000  }
0x190: {  	v8 =	vld [tilespmem:$0xC500]  }
0x191: {  	v9 =	vld [tilespmem:$0xC510]  }
0x192: {  	v10 =	vld [tilespmem:$0x14780]  }
0x193: {  	v11 =	vld [tilespmem:$0x14790]  }
0x194: {  	v12 =	vld [tilespmem:$0x147A0]  }
0x195: {  	v13 =	vld [tilespmem:$0x147B0]  }
0x196: {  	v14 =	vld [tilespmem:$0x147C0]  }
0x197: {  	v15 =	vld [tilespmem:$0x147D0];
	v10 =	vadd.s32 s29, v10  }
0x198: {  	v16 =	vld [tilespmem:$0x147E0];
	[tilespmem:$0xC580] =	vst v10;
	v10 =	vadd.s32 s29, v11  }
0x199: {  	v17 =	vld [tilespmem:$0x147F0];
	v11 =	vadd.s32 s29, v12;
	[tilespmem:$0xC590] =	vst v10  }
0x19a: {  	v12 =	vadd.s32 s29, v13;
	v10 =	vld [tilespmem:$0xC520];
	[tilespmem:$0xC5A0] =	vst v11  }
0x19b: {  	v13 =	vadd.s32 s29, v14;
	v11 =	vld [tilespmem:$0xC530];
	[tilespmem:$0xC5B0] =	vst v12  }
0x19c: {  	v14 =	vadd.s32 s29, v15;
	v12 =	vld [tilespmem:$0xC540];
	[tilespmem:$0xC5C0] =	vst v13  }
0x19d: {  	v15 =	vadd.s32 s29, v16;
	v13 =	vld [tilespmem:$0xC550];
	[tilespmem:$0xC5D0] =	vst v14  }
0x19e: {  	v16 =	vadd.s32 s29, v17;
	v14 =	vld [tilespmem:$0xC560];
	[tilespmem:$0xC5E0] =	vst v15  }
0x19f: {  	s29 =	simm.s32 $0x0;
	v15 =	vld [tilespmem:$0xC570];
	[tilespmem:$0xC5F0] =	vst v16  }
0x1a0: {  	v16 =	vld [tilespmem:s29+$0xC600]  }
0x1a1: {  	v17 =	vld [tilespmem:s29+$0xC610]  }
0x1a2: {  	v18 =	vld [tilespmem:s29+$0xC620]  }
0x1a3: {  	v19 =	vld [tilespmem:s29+$0xC630]  }
0x1a4: {  	v20 =	vld [tilespmem:s29+$0xC640]  }
0x1a5: {  	v21 =	vld [tilespmem:s29+$0xC650];
	v16 =	vadd.f32 v16, v8  }
0x1a6: {  	v22 =	vld [tilespmem:s29+$0xC660];
	v17 =	vadd.f32 v17, v9  }
0x1a7: {  	v18 =	vadd.f32 v18, v10;
	[tilespmem:s29+$0xC600] =	vst v16;
	v16 =	vld [tilespmem:s29+$0xC670]  }
0x1a8: {  	v19 =	vadd.f32 v19, v11;
	[tilespmem:s29+$0xC610] =	vst v17;
	v17 =	vld [tilespmem:s29+$0xC680]  }
0x1a9: {  	v20 =	vadd.f32 v20, v12;
	[tilespmem:s29+$0xC620] =	vst v18;
	v18 =	vld [tilespmem:s29+$0xC690]  }
0x1aa: {  	v21 =	vadd.f32 v21, v13;
	[tilespmem:s29+$0xC630] =	vst v19;
	v19 =	vld [tilespmem:s29+$0xC6A0]  }
0x1ab: {  	v22 =	vadd.f32 v22, v14;
	[tilespmem:s29+$0xC640] =	vst v20;
	v20 =	vld [tilespmem:s29+$0xC6B0]  }
0x1ac: {  	[tilespmem:s29+$0xC650] =	vst v21;
	v21 =	vld [tilespmem:s29+$0xC6C0];
	v16 =	vadd.f32 v16, v15  }
0x1ad: {  	[tilespmem:s29+$0xC660] =	vst v22;
	v22 =	vld [tilespmem:s29+$0xC6D0];
	v17 =	vadd.f32 v17, v8  }
0x1ae: {  	v18 =	vadd.f32 v18, v9;
	[tilespmem:s29+$0xC670] =	vst v16;
	v16 =	vld [tilespmem:s29+$0xC6E0]  }
0x1af: {  	v19 =	vadd.f32 v19, v10;
	[tilespmem:s29+$0xC680] =	vst v17;
	v17 =	vld [tilespmem:s29+$0xC6F0]  }
0x1b0: {  	v20 =	vadd.f32 v20, v11;
	[tilespmem:s29+$0xC690] =	vst v18;
	v18 =	vld [tilespmem:s29+$0xC700]  }
0x1b1: {  	v21 =	vadd.f32 v21, v12;
	[tilespmem:s29+$0xC6A0] =	vst v19;
	v19 =	vld [tilespmem:s29+$0xC710]  }
0x1b2: {  	v22 =	vadd.f32 v22, v13;
	[tilespmem:s29+$0xC6B0] =	vst v20;
	v20 =	vld [tilespmem:s29+$0xC720]  }
0x1b3: {  	[tilespmem:s29+$0xC6C0] =	vst v21;
	v21 =	vld [tilespmem:s29+$0xC730];
	v16 =	vadd.f32 v16, v14  }
0x1b4: {  	[tilespmem:s29+$0xC6D0] =	vst v22;
	v22 =	vld [tilespmem:s29+$0xC740]  }
0x1b5: {  	v17 =	vadd.f32 v17, v15;
	[tilespmem:s29+$0xC6E0] =	vst v16;
	v16 =	vld [tilespmem:s29+$0xC750]  }
0x1b6: {  	v18 =	vadd.f32 v18, v8  }
0x1b7: {  	[tilespmem:s29+$0xC6F0] =	vst v17;
	v17 =	vadd.f32 v19, v9;
	v19 =	vld [tilespmem:s29+$0xC770]  }
0x1b8: {  	v23 =	vld [tilespmem:s29+$0xC760];
	[tilespmem:s29+$0xC700] =	vst v18;
	v18 =	vadd.f32 v20, v10  }
0x1b9: {  	v20 =	vld [tilespmem:s29+$0xC780];
	[tilespmem:s29+$0xC710] =	vst v17;
	v17 =	vadd.f32 v21, v11  }
0x1ba: {  	[tilespmem:s29+$0xC720] =	vst v18;
	v21 =	vld [tilespmem:s29+$0xC790];
	v18 =	vadd.f32 v22, v12;
	v22 =	vadd.f32 v16, v13  }
0x1bb: {  	[tilespmem:s29+$0xC730] =	vst v17;
	v17 =	vld [tilespmem:s29+$0xC7A0]  }
0x1bc: {  	v16 =	vld [tilespmem:s29+$0xC7B0];
	[tilespmem:s29+$0xC750] =	vst v22;
	v22 =	vadd.f32 v19, v15  }
0x1bd: {  	v23 =	vadd.f32 v23, v14;
	[tilespmem:s29+$0xC740] =	vst v18;
	v18 =	vld [tilespmem:s29+$0xC7C0]  }
0x1be: {  	v19 =	vld [tilespmem:s29+$0xC7D0];
	[tilespmem:s29+$0xC770] =	vst v22;
	v22 =	vadd.f32 v20, v8  }
0x1bf: {  	s11 =	simm.s32 $0x800;
	[tilespmem:s29+$0xC760] =	vst v23;
	v21 =	vadd.f32 v21, v9;
	v20 =	vld [tilespmem:s29+$0xC7E0]  }
.LBB2_9:
0x1c0: {  	s13 =	sshra.s32 s11, $0x2;
	p1 =	sne.s32 s11, $0xF800;
	[tilespmem:s29+$0xC780] =	vst v22;
	v17 =	vadd.f32 v17, v10;
	v22 =	vld [tilespmem:s29+$0xC7F0]  }
0x1c1: {  	v23 =	vld [tilespmem:s13+$0xC600];
	[tilespmem:s29+$0xC790] =	vst v21;
	v16 =	vadd.f32 v16, v11  }
0x1c2: {  	v21 =	vld [tilespmem:s13+$0xC610];
	[tilespmem:s29+$0xC7A0] =	vst v17;
	v17 =	vadd.f32 v18, v12  }
0x1c3: {  	v18 =	vld [tilespmem:s13+$0xC620];
	[tilespmem:s29+$0xC7B0] =	vst v16;
	v16 =	vadd.f32 v19, v13  }
0x1c4: {  	v19 =	vld [tilespmem:s13+$0xC630];
	[tilespmem:s29+$0xC7C0] =	vst v17;
	v17 =	vadd.f32 v20, v14  }
0x1c5: {  	v20 =	vld [tilespmem:s13+$0xC640];
	[tilespmem:s29+$0xC7D0] =	vst v16;
	v16 =	vadd.f32 v22, v15  }
0x1c6: {  	v22 =	vadd.f32 v23, v8;
	v23 =	vld [tilespmem:s13+$0xC650];
	[tilespmem:s29+$0xC7E0] =	vst v17  }
0x1c7: {  	v17 =	vadd.f32 v21, v9;
	v21 =	vld [tilespmem:s13+$0xC660];
	[tilespmem:s29+$0xC7F0] =	vst v16;
	s29 =	smov.u32 s13  }
0x1c8: {  	[tilespmem:s29+$0xC600] =	vst v22;
	v16 =	vadd.f32 v18, v10;
	v18 =	vld [tilespmem:s29+$0xC670]  }
0x1c9: {  	[tilespmem:s29+$0xC610] =	vst v17;
	v17 =	vadd.f32 v19, v11;
	v19 =	vld [tilespmem:s29+$0xC680]  }
0x1ca: {  	[tilespmem:s29+$0xC620] =	vst v16;
	v16 =	vadd.f32 v20, v12;
	v20 =	vld [tilespmem:s29+$0xC690]  }
0x1cb: {  	[tilespmem:s29+$0xC630] =	vst v17;
	v17 =	vadd.f32 v23, v13;
	v22 =	vld [tilespmem:s29+$0xC6A0]  }
0x1cc: {  	[tilespmem:s29+$0xC640] =	vst v16;
	v16 =	vadd.f32 v21, v14;
	v21 =	vld [tilespmem:s29+$0xC6B0]  }
0x1cd: {  	[tilespmem:s29+$0xC650] =	vst v17;
	v17 =	vadd.f32 v18, v15;
	v18 =	vld [tilespmem:s29+$0xC6C0]  }
0x1ce: {  	[tilespmem:s29+$0xC660] =	vst v16;
	v16 =	vadd.f32 v19, v8;
	v19 =	vld [tilespmem:s29+$0xC6D0]  }
0x1cf: {  	[tilespmem:s29+$0xC670] =	vst v17;
	v17 =	vadd.f32 v20, v9;
	v20 =	vld [tilespmem:s29+$0xC6E0]  }
0x1d0: {  	[tilespmem:s29+$0xC680] =	vst v16;
	v16 =	vadd.f32 v22, v10;
	v22 =	vld [tilespmem:s29+$0xC6F0]  }
0x1d1: {  	[tilespmem:s29+$0xC690] =	vst v17;
	v17 =	vadd.f32 v21, v11;
	v21 =	vld [tilespmem:s29+$0xC700]  }
0x1d2: {  	[tilespmem:s29+$0xC6A0] =	vst v16;
	v16 =	vadd.f32 v18, v12;
	v18 =	vld [tilespmem:s29+$0xC710]  }
0x1d3: {  	[tilespmem:s29+$0xC6B0] =	vst v17;
	v17 =	vadd.f32 v19, v13;
	v19 =	vld [tilespmem:s29+$0xC720]  }
0x1d4: {  	[tilespmem:s29+$0xC6C0] =	vst v16;
	v16 =	vadd.f32 v20, v14;
	v20 =	vld [tilespmem:s29+$0xC730]  }
0x1d5: {  	[tilespmem:s29+$0xC6D0] =	vst v17;
	v17 =	vadd.f32 v22, v15;
	v22 =	vld [tilespmem:s29+$0xC740]  }
0x1d6: {  	[tilespmem:s29+$0xC6E0] =	vst v16;
	v16 =	vadd.f32 v21, v8;
	v21 =	vld [tilespmem:s29+$0xC750]  }
0x1d7: {  	[tilespmem:s29+$0xC6F0] =	vst v17;
	v17 =	vadd.f32 v18, v9;
	v18 =	vld [tilespmem:s29+$0xC760]  }
0x1d8: {  	[tilespmem:s29+$0xC700] =	vst v16;
	v16 =	vadd.f32 v19, v10;
	v19 =	vld [tilespmem:s29+$0xC770]  }
0x1d9: {  	[tilespmem:s29+$0xC710] =	vst v17;
	v17 =	vadd.f32 v20, v11;
	v20 =	vld [tilespmem:s29+$0xC780]  }
0x1da: {  	[tilespmem:s29+$0xC720] =	vst v16;
	v16 =	vadd.f32 v22, v12;
	v23 =	vld [tilespmem:s29+$0xC790]  }
.Ltmp3:
0x1db: {  	[tilespmem:s29+$0xC730] =	vst v17;
	v21 =	vadd.f32 v21, v13;
	v17 =	vld [tilespmem:s29+$0xC7A0];
	(pc) =	sbr.rel @p1 .LBB2_9-.Ltmp3, $4  }
0x1dc: {  	[tilespmem:s29+$0xC740] =	vst v16;
	v22 =	vadd.f32 v18, v14;
	v16 =	vld [tilespmem:s29+$0xC7B0]  }
0x1dd: {  	[tilespmem:s29+$0xC750] =	vst v21;
	v21 =	vadd.f32 v19, v15;
	v18 =	vld [tilespmem:s29+$0xC7C0]  }
0x1de: {  	[tilespmem:s29+$0xC760] =	vst v22;
	v22 =	vadd.f32 v20, v8;
	v19 =	vld [tilespmem:s29+$0xC7D0]  }
0x1df: {  	s11 =	sadd.s32 $0x800, s11;
	[tilespmem:s29+$0xC770] =	vst v21;
	v21 =	vadd.f32 v23, v9;
	v20 =	vld [tilespmem:s29+$0xC7E0]  }
0x1e0: {  	[tilespmem:s29+$0xC780] =	vst v22;
	v8 =	vadd.f32 v17, v10;
	v9 =	vld [tilespmem:s29+$0xC7F0]  }
0x1e1: {  	[tilespmem:s29+$0xC790] =	vst v21;
	v10 =	vadd.f32 v16, v11  }
0x1e2: {  	[tilespmem:s29+$0xC7A0] =	vst v8;
	v8 =	vadd.f32 v18, v12  }
0x1e3: {  	[tilespmem:s29+$0xC7B0] =	vst v10;
	v10 =	vadd.f32 v19, v13  }
0x1e4: {  	[tilespmem:s29+$0xC7C0] =	vst v8;
	v8 =	vadd.f32 v20, v14  }
0x1e5: {  	[tilespmem:s29+$0xC7D0] =	vst v10;
	v9 =	vadd.f32 v9, v15  }
0x1e6: {  	[tilespmem:s29+$0xC7E0] =	vst v8  }
0x1e7: {  	s11 =	simm.s32 $0xC580;
	[tilespmem:s29+$0xC7F0] =	vst v9  }
0x1e8: {  	[hbm4b:s5+s14] =	stream.indirect.scatter [tilespmem:s3], [sflag:$0xC], $0x80, s11, s14, $0xb8;
	[tilespmem:$0x14800] =	vst v63  }
0x1e9: {  	s11 =	sadd.s32 @!p0 $0x7, s21  }
0x1ea: {  	s18 =	simm.s32 @!p0 $0x9;
	s13 =	sshrl.u32 @!p0 s11, $0x3  }
0x1eb: {  	s21 =	simm.s32 @!p0 $0x8300;
	s11 =	sshll.u32 @!p0 s11, $0x7;
	s19 =	sshll.u32 @!p0 s13, $0xF  }
0x1ec: {  	_ =	swait.ge @!p0 [sflag:s18], $0x4000;
	s11 =	sand.u32 @!p0 $0x380, s11;
	s19 =	sor.u32 @!p0 s8, s19  }
0x1ed: {  	[sflag:s18] =	ssyncset.done @!p0 $0x0;
	s13 =	sshll.u32 @!p0 s13, $0xA;
	s19 =	sor.u32 @!p0 s11, s19  }
0x1ee: {  	[sflag:s18] =	ssyncadd.s32 @!p0 $0xFFFFC000;
	s11 =	sor.u32 @!p0 s11, s13;
	s18 =	sshrl.u32 @!p0 s19, $0x3  }
0x1ef: {  	s19 =	simm.s32 @!p0 $0x0;
	s11 =	sshrl.u32 @!p0 s11, $0x3;
	s18 =	sadd.s32 @!p0 s1, s18  }
0x1f0: {  	[tilespmem:s21], [sflag:$0x7] =	stream.linear.gather @!p0 [hbm4b:s18+s19], $0x80, $0x38;
	[tilespmem:$0x14800] =	vst v63  }
0x1f1: {  	s13 =	simm.s32 @!p0 $0x8380;
	s11 =	sadd.s32 @!p0 s4, s11  }
0x1f2: {  	[tilespmem:s13], [sflag:$0x7] =	stream.linear.gather @!p0 [hbm4b:s11+s19], $0x80, $0x38;
	[tilespmem:$0x14800] =	vst v63  }
0x1f3: {  	s11 =	simm.s32 @!p0 $0x4  }
0x1f4: {  	_ =	swait.ge @!p0 [sflag:s11], $0x80  }
0x1f5: {  	[sflag:s11] =	ssyncset.done @!p0 $0x0  }
0x1f6: {  	[sflag:s11] =	ssyncadd.s32 @!p0 $0xFFFFFF80  }
0x1f7: {  	_ =	swait.ge @!p0 [sflag:s11], $0x80  }
0x1f8: {  	s18 =	simm.s32 @!p0 $0x4300;
	[sflag:s11] =	ssyncset.done @!p0 $0x0  }
0x1f9: {  	s13 =	simm.s32 @!p0 $0x4180;
	[sflag:s11] =	ssyncadd.s32 @!p0 $0xFFFFFF80;
	s11 =	simm.s32 @!p0 $0x80  }
0x1fa: {  	[tilespmem:s18], [sflag:$0x5] =	stream.indirect.gather @!p0 [hbm4b:s2+s11], $0x80, s13, s11, $0xb8;
	[tilespmem:$0x14800] =	vst v63  }
0x1fb: {  	_ =	swait.ge [sflag:s7], $0x4000  }
0x1fc: {  	[sflag:s7] =	ssyncset.done $0x0  }
0x1fd: {  	[sflag:s7] =	ssyncadd.s32 $0xFFFFC000  }
0x1fe: {  	v8 =	vld [tilespmem:$0x10680]  }
0x1ff: {  	v9 =	vld [tilespmem:$0x10690]  }
0x200: {  	v10 =	vld [tilespmem:$0x14780]  }
0x201: {  	v11 =	vld [tilespmem:$0x14790]  }
0x202: {  	v12 =	vld [tilespmem:$0x147A0]  }
0x203: {  	v13 =	vld [tilespmem:$0x147B0]  }
0x204: {  	v14 =	vld [tilespmem:$0x147C0]  }
0x205: {  	v15 =	vld [tilespmem:$0x147D0];
	v10 =	vadd.s32 s24, v10  }
0x206: {  	v16 =	vld [tilespmem:$0x147E0];
	[tilespmem:$0x10700] =	vst v10;
	v10 =	vadd.s32 s24, v11  }
0x207: {  	v17 =	vld [tilespmem:$0x147F0];
	v11 =	vadd.s32 s24, v12;
	[tilespmem:$0x10710] =	vst v10  }
0x208: {  	v12 =	vadd.s32 s24, v13;
	v10 =	vld [tilespmem:$0x106A0];
	[tilespmem:$0x10720] =	vst v11  }
0x209: {  	v13 =	vadd.s32 s24, v14;
	v11 =	vld [tilespmem:$0x106B0];
	[tilespmem:$0x10730] =	vst v12  }
0x20a: {  	v14 =	vadd.s32 s24, v15;
	v12 =	vld [tilespmem:$0x106C0];
	[tilespmem:$0x10740] =	vst v13  }
0x20b: {  	v15 =	vadd.s32 s24, v16;
	v13 =	vld [tilespmem:$0x106D0];
	[tilespmem:$0x10750] =	vst v14  }
0x20c: {  	v16 =	vadd.s32 s24, v17;
	v14 =	vld [tilespmem:$0x106E0];
	[tilespmem:$0x10760] =	vst v15  }
0x20d: {  	s21 =	simm.s32 $0x0;
	v15 =	vld [tilespmem:$0x106F0];
	[tilespmem:$0x10770] =	vst v16  }
0x20e: {  	v16 =	vld [tilespmem:s21+$0x10780]  }
0x20f: {  	v17 =	vld [tilespmem:s21+$0x10790]  }
0x210: {  	v18 =	vld [tilespmem:s21+$0x107A0]  }
0x211: {  	v19 =	vld [tilespmem:s21+$0x107B0]  }
0x212: {  	v20 =	vld [tilespmem:s21+$0x107C0]  }
0x213: {  	v21 =	vld [tilespmem:s21+$0x107D0];
	v16 =	vadd.f32 v16, v8  }
0x214: {  	v22 =	vld [tilespmem:s21+$0x107E0];
	v17 =	vadd.f32 v17, v9  }
0x215: {  	v18 =	vadd.f32 v18, v10;
	[tilespmem:s21+$0x10780] =	vst v16;
	v16 =	vld [tilespmem:s21+$0x107F0]  }
0x216: {  	v19 =	vadd.f32 v19, v11;
	[tilespmem:s21+$0x10790] =	vst v17;
	v17 =	vld [tilespmem:s21+$0x10800]  }
0x217: {  	v20 =	vadd.f32 v20, v12;
	[tilespmem:s21+$0x107A0] =	vst v18;
	v18 =	vld [tilespmem:s21+$0x10810]  }
0x218: {  	v21 =	vadd.f32 v21, v13;
	[tilespmem:s21+$0x107B0] =	vst v19;
	v19 =	vld [tilespmem:s21+$0x10820]  }
0x219: {  	v22 =	vadd.f32 v22, v14;
	[tilespmem:s21+$0x107C0] =	vst v20;
	v20 =	vld [tilespmem:s21+$0x10830]  }
0x21a: {  	[tilespmem:s21+$0x107D0] =	vst v21;
	v21 =	vld [tilespmem:s21+$0x10840];
	v16 =	vadd.f32 v16, v15  }
0x21b: {  	[tilespmem:s21+$0x107E0] =	vst v22;
	v22 =	vld [tilespmem:s21+$0x10850];
	v17 =	vadd.f32 v17, v8  }
0x21c: {  	v18 =	vadd.f32 v18, v9;
	[tilespmem:s21+$0x107F0] =	vst v16;
	v16 =	vld [tilespmem:s21+$0x10860]  }
0x21d: {  	v19 =	vadd.f32 v19, v10;
	[tilespmem:s21+$0x10800] =	vst v17;
	v17 =	vld [tilespmem:s21+$0x10870]  }
0x21e: {  	v20 =	vadd.f32 v20, v11;
	[tilespmem:s21+$0x10810] =	vst v18;
	v18 =	vld [tilespmem:s21+$0x10880]  }
0x21f: {  	v21 =	vadd.f32 v21, v12;
	[tilespmem:s21+$0x10820] =	vst v19;
	v19 =	vld [tilespmem:s21+$0x10890]  }
0x220: {  	v22 =	vadd.f32 v22, v13;
	[tilespmem:s21+$0x10830] =	vst v20;
	v20 =	vld [tilespmem:s21+$0x108A0]  }
0x221: {  	[tilespmem:s21+$0x10840] =	vst v21;
	v21 =	vld [tilespmem:s21+$0x108B0];
	v16 =	vadd.f32 v16, v14  }
0x222: {  	[tilespmem:s21+$0x10850] =	vst v22;
	v22 =	vld [tilespmem:s21+$0x108C0]  }
0x223: {  	v17 =	vadd.f32 v17, v15;
	[tilespmem:s21+$0x10860] =	vst v16;
	v16 =	vld [tilespmem:s21+$0x108D0]  }
0x224: {  	v18 =	vadd.f32 v18, v8  }
0x225: {  	[tilespmem:s21+$0x10870] =	vst v17;
	v17 =	vadd.f32 v19, v9;
	v19 =	vld [tilespmem:s21+$0x108F0]  }
0x226: {  	v23 =	vld [tilespmem:s21+$0x108E0];
	[tilespmem:s21+$0x10880] =	vst v18;
	v18 =	vadd.f32 v20, v10  }
0x227: {  	v20 =	vld [tilespmem:s21+$0x10900];
	[tilespmem:s21+$0x10890] =	vst v17;
	v17 =	vadd.f32 v21, v11  }
0x228: {  	[tilespmem:s21+$0x108A0] =	vst v18;
	v21 =	vld [tilespmem:s21+$0x10910];
	v18 =	vadd.f32 v22, v12;
	v22 =	vadd.f32 v16, v13  }
0x229: {  	[tilespmem:s21+$0x108B0] =	vst v17;
	v17 =	vld [tilespmem:s21+$0x10920]  }
0x22a: {  	v16 =	vld [tilespmem:s21+$0x10930];
	[tilespmem:s21+$0x108D0] =	vst v22;
	v22 =	vadd.f32 v19, v15  }
0x22b: {  	v23 =	vadd.f32 v23, v14;
	[tilespmem:s21+$0x108C0] =	vst v18;
	v18 =	vld [tilespmem:s21+$0x10940]  }
0x22c: {  	v19 =	vld [tilespmem:s21+$0x10950];
	[tilespmem:s21+$0x108F0] =	vst v22;
	v22 =	vadd.f32 v20, v8  }
0x22d: {  	s11 =	simm.s32 $0x800;
	[tilespmem:s21+$0x108E0] =	vst v23;
	v21 =	vadd.f32 v21, v9;
	v20 =	vld [tilespmem:s21+$0x10960]  }
.LBB2_11:
0x22e: {  	s13 =	sshra.s32 s11, $0x2;
	p0 =	sne.s32 s11, $0xF800;
	[tilespmem:s21+$0x10900] =	vst v22;
	v17 =	vadd.f32 v17, v10;
	v22 =	vld [tilespmem:s21+$0x10970]  }
0x22f: {  	v23 =	vld [tilespmem:s13+$0x10780];
	[tilespmem:s21+$0x10910] =	vst v21;
	v16 =	vadd.f32 v16, v11  }
0x230: {  	v21 =	vld [tilespmem:s13+$0x10790];
	[tilespmem:s21+$0x10920] =	vst v17;
	v17 =	vadd.f32 v18, v12  }
0x231: {  	v18 =	vld [tilespmem:s13+$0x107A0];
	[tilespmem:s21+$0x10930] =	vst v16;
	v16 =	vadd.f32 v19, v13  }
0x232: {  	v19 =	vld [tilespmem:s13+$0x107B0];
	[tilespmem:s21+$0x10940] =	vst v17;
	v17 =	vadd.f32 v20, v14  }
0x233: {  	v20 =	vld [tilespmem:s13+$0x107C0];
	[tilespmem:s21+$0x10950] =	vst v16;
	v16 =	vadd.f32 v22, v15  }
0x234: {  	v22 =	vadd.f32 v23, v8;
	v23 =	vld [tilespmem:s13+$0x107D0];
	[tilespmem:s21+$0x10960] =	vst v17  }
0x235: {  	v17 =	vadd.f32 v21, v9;
	v21 =	vld [tilespmem:s13+$0x107E0];
	[tilespmem:s21+$0x10970] =	vst v16;
	s21 =	smov.u32 s13  }
0x236: {  	[tilespmem:s21+$0x10780] =	vst v22;
	v16 =	vadd.f32 v18, v10;
	v18 =	vld [tilespmem:s21+$0x107F0]  }
0x237: {  	[tilespmem:s21+$0x10790] =	vst v17;
	v17 =	vadd.f32 v19, v11;
	v19 =	vld [tilespmem:s21+$0x10800]  }
0x238: {  	[tilespmem:s21+$0x107A0] =	vst v16;
	v16 =	vadd.f32 v20, v12;
	v20 =	vld [tilespmem:s21+$0x10810]  }
0x239: {  	[tilespmem:s21+$0x107B0] =	vst v17;
	v17 =	vadd.f32 v23, v13;
	v22 =	vld [tilespmem:s21+$0x10820]  }
0x23a: {  	[tilespmem:s21+$0x107C0] =	vst v16;
	v16 =	vadd.f32 v21, v14;
	v21 =	vld [tilespmem:s21+$0x10830]  }
0x23b: {  	[tilespmem:s21+$0x107D0] =	vst v17;
	v17 =	vadd.f32 v18, v15;
	v18 =	vld [tilespmem:s21+$0x10840]  }
0x23c: {  	[tilespmem:s21+$0x107E0] =	vst v16;
	v16 =	vadd.f32 v19, v8;
	v19 =	vld [tilespmem:s21+$0x10850]  }
0x23d: {  	[tilespmem:s21+$0x107F0] =	vst v17;
	v17 =	vadd.f32 v20, v9;
	v20 =	vld [tilespmem:s21+$0x10860]  }
0x23e: {  	[tilespmem:s21+$0x10800] =	vst v16;
	v16 =	vadd.f32 v22, v10;
	v22 =	vld [tilespmem:s21+$0x10870]  }
0x23f: {  	[tilespmem:s21+$0x10810] =	vst v17;
	v17 =	vadd.f32 v21, v11;
	v21 =	vld [tilespmem:s21+$0x10880]  }
0x240: {  	[tilespmem:s21+$0x10820] =	vst v16;
	v16 =	vadd.f32 v18, v12;
	v18 =	vld [tilespmem:s21+$0x10890]  }
0x241: {  	[tilespmem:s21+$0x10830] =	vst v17;
	v17 =	vadd.f32 v19, v13;
	v19 =	vld [tilespmem:s21+$0x108A0]  }
0x242: {  	[tilespmem:s21+$0x10840] =	vst v16;
	v16 =	vadd.f32 v20, v14;
	v20 =	vld [tilespmem:s21+$0x108B0]  }
0x243: {  	[tilespmem:s21+$0x10850] =	vst v17;
	v17 =	vadd.f32 v22, v15;
	v22 =	vld [tilespmem:s21+$0x108C0]  }
0x244: {  	[tilespmem:s21+$0x10860] =	vst v16;
	v16 =	vadd.f32 v21, v8;
	v21 =	vld [tilespmem:s21+$0x108D0]  }
0x245: {  	[tilespmem:s21+$0x10870] =	vst v17;
	v17 =	vadd.f32 v18, v9;
	v18 =	vld [tilespmem:s21+$0x108E0]  }
0x246: {  	[tilespmem:s21+$0x10880] =	vst v16;
	v16 =	vadd.f32 v19, v10;
	v19 =	vld [tilespmem:s21+$0x108F0]  }
0x247: {  	[tilespmem:s21+$0x10890] =	vst v17;
	v17 =	vadd.f32 v20, v11;
	v20 =	vld [tilespmem:s21+$0x10900]  }
0x248: {  	[tilespmem:s21+$0x108A0] =	vst v16;
	v16 =	vadd.f32 v22, v12;
	v23 =	vld [tilespmem:s21+$0x10910]  }
.Ltmp4:
0x249: {  	[tilespmem:s21+$0x108B0] =	vst v17;
	v21 =	vadd.f32 v21, v13;
	v17 =	vld [tilespmem:s21+$0x10920];
	(pc) =	sbr.rel @p0 .LBB2_11-.Ltmp4, $4  }
0x24a: {  	[tilespmem:s21+$0x108C0] =	vst v16;
	v22 =	vadd.f32 v18, v14;
	v16 =	vld [tilespmem:s21+$0x10930]  }
0x24b: {  	[tilespmem:s21+$0x108D0] =	vst v21;
	v21 =	vadd.f32 v19, v15;
	v18 =	vld [tilespmem:s21+$0x10940]  }
0x24c: {  	[tilespmem:s21+$0x108E0] =	vst v22;
	v22 =	vadd.f32 v20, v8;
	v19 =	vld [tilespmem:s21+$0x10950]  }
0x24d: {  	s11 =	sadd.s32 $0x800, s11;
	[tilespmem:s21+$0x108F0] =	vst v21;
	v21 =	vadd.f32 v23, v9;
	v20 =	vld [tilespmem:s21+$0x10960]  }
0x24e: {  	[tilespmem:s21+$0x10900] =	vst v22;
	v8 =	vadd.f32 v17, v10;
	v9 =	vld [tilespmem:s21+$0x10970]  }
0x24f: {  	[tilespmem:s21+$0x10910] =	vst v21;
	v62 =	vadd.f32 v16, v11  }
0x250: {  	s6 =	sadd.s32 $0x1, s6;
	[tilespmem:s21+$0x10920] =	vst v8;
	v8 =	vadd.f32 v18, v12  }
0x251: {  	p0 =	sne.s32 s6, $0x28;
	[tilespmem:s21+$0x10930] =	vst v62;
	v63 =	vadd.f32 v19, v13  }
.Ltmp5:
0x252: {  	[tilespmem:s21+$0x10940] =	vst v8;
	v8 =	vadd.f32 v20, v14;
	(pc) =	sbr.rel @p0 .LBB2_2-.Ltmp5, $4  }
0x253: {  	[tilespmem:s21+$0x10950] =	vst v63;
	v9 =	vadd.f32 v9, v15  }
0x254: {  	[tilespmem:s21+$0x10960] =	vst v8  }
0x255: {  	s11 =	simm.s32 $0x10700;
	[tilespmem:s21+$0x10970] =	vst v9  }
0x256: {  	[hbm4b:s5+s14] =	stream.indirect.scatter [tilespmem:s9], [sflag:$0xF], $0x80, s11, s14, $0xb8;
	[tilespmem:$0x14800] =	vst v63  }
0x257: {  	s6 =	simm.s32 $0x3  }
0x258: {  	_ =	swait.ge [sflag:s6], $0x4000  }
0x259: {  	[sflag:s6] =	ssyncset.done $0x0  }
0x25a: {  	s21 =	simm.s32 $0x6;
	[sflag:s6] =	ssyncadd.s32 $0xFFFFC000  }
0x25b: {  	_ =	swait.ge [sflag:s21], $0x4000  }
0x25c: {  	[sflag:s21] =	ssyncset.done $0x0  }
0x25d: {  	s24 =	simm.s32 $0x9;
	[sflag:s21] =	ssyncadd.s32 $0xFFFFC000  }
0x25e: {  	_ =	swait.ge [sflag:s24], $0x4000  }
0x25f: {  	[sflag:s24] =	ssyncset.done $0x0  }
0x260: {  	s29 =	simm.s32 $0xC;
	[sflag:s24] =	ssyncadd.s32 $0xFFFFC000  }
0x261: {  	_ =	swait.ge [sflag:s29], $0x4000  }
0x262: {  	[sflag:s29] =	ssyncset.done $0x0  }
0x263: {  	s11 =	simm.s32 $0xF;
	[sflag:s29] =	ssyncadd.s32 $0xFFFFC000  }
0x264: {  	_ =	swait.ge [sflag:s11], $0x4000  }
0x265: {  	s13 =	rddreg [dreg:$0xb]  }
0x266: {  	s31 =	rddreg [dreg:$0xa];
	s13 =	sadd.s32 $0x1, s13  }
0x267: {  	p0 =	sne.s32 s13, s31  }
.Ltmp6:
0x268: {  	_ = 	snop;
	(pc) =	sbr.rel @p0 .LBB2_1-.Ltmp6, $3  }
0x269: {  	_ =	sdelay $0x1  }
0x26a: {  	[sflag:s11] =	ssyncset.done $0x0  }
0x26b: {  	[sflag:s11] =	ssyncadd.s32 $0xFFFFC000  }
0x26c: {  	_ =	sfence.sel $0x180000  }
0x26d: {  	[bflag:$0x0] =	sbarrier.arrive $0xFFFF  }
0x26e: {  	_ =	strace $0x90000047  }
0x26f: {  	s0 =	stileid.u32;
	[bflag:$0x2] =	sbarrier.arrive $0xFFFF  }
0x270: {  	p0 =	sne.s32 s0, $0x0;
	s0 =	rddreg [dreg:$0x4]  }
0x271: {  	s0 =	sadd.s32 @!p0 $0x100000, s0  }
0x272: {  	[sflag:s0] =	ssyncadd.tile.s32 @!p0 $0x1;
	_ =	shalt  }
.Lfunc_end2:
_tile_overlayer_lowered:
.L_overlay_start_2:
0x273: {  	(tag) =	ssettag $0x2  }
0x274: {  	s0 =	rddreg [dreg:$0x0];
	s2 =	stileid.u32  }
0x275: {  	s1 =	rddreg [dreg:$0x1];
	p0 =	sne.s32 s2, $0x0  }
0x276: {  	s3 =	rddreg [dreg:$0x2];
	[bflag:$0x3] =	sbarrier.arrive $0xFFFF;
	s2 =	simm.s32 @!p0 $0x1C10  }
0x277: {  	[timem:s3], [sflag:s2] =	dma.local @!p0 [hbm:s0], s1  }
0x278: {  	s0 =	simm.s32 @!p0 $0x10  }
0x279: {  	_ =	swait.ge @!p0 [sflag:s0], s1  }
0x27a: {  	s1 =	ssub.s32 @!p0 $0x0, s1;
	[sflag:s0] =	ssyncset.done @!p0 $0x0  }
0x27b: {  	[sflag:s0] =	ssyncadd.s32 @!p0 s1  }
0x27c: {  	[bflag:$0x3] =	sbarrier.arrive $0xFFFF  }
0x27d: {  	_ =	shalt  }

</sc_bundles>
